<compile_context>
chip_gen: v7x
topology: tpu7x:2x2x1
jax: 0.10.2.dev20260603
libtpu: 0.0.44.dev20260713+nightly
codegen_flags: <defaults>
</compile_context>

<pallas_src>
import functools

import jax
import jax.numpy as jnp
from jax import lax
from jax.experimental import pallas as pl
from jax.experimental.pallas import tpu as pltpu
from jax.experimental.pallas import tpu_sc as plsc

N = 10000
D = 128
E = 320000
NPAD = 10240
NC = 2
NS = 16
NW = NC * NS
EPW = NPAD
CH = 128
NCH = EPW // CH
EPAD = NW * EPW
RPT = NPAD // NS
GW = 20

def _deg_body(dst_hbm, deg_hbm, dst_v, ones_v, z_v, deg_sh):
    c = lax.axis_index("c")
    s = lax.axis_index("s")
    wid = c * NS + s
    pltpu.sync_copy(dst_hbm.at[wid], dst_v)
    for k in range(CH // 16):
        ones_v[pl.ds(16 * k, 16)] = jnp.ones((16,), jnp.float32)
    for k in range(RPT // 16):
        z_v[pl.ds(16 * k, 16)] = jnp.zeros((16,), jnp.float32)
    pltpu.sync_copy(z_v, deg_sh.at[pl.ds(s * RPT, RPT)])
    plsc.subcore_barrier()

    def body(j, carry):
        pltpu.sync_copy(ones_v, deg_sh.at[dst_v.at[j]], add=True)
        return carry

    lax.fori_loop(0, NCH, body, 0)
    plsc.subcore_barrier()
    pltpu.sync_copy(deg_sh.at[pl.ds(s * RPT, RPT)],
                    deg_hbm.at[c, pl.ds(s * RPT, RPT)])


def _agg_body(g_hbm, ei_hbm, out_hbm, idx_v, buf, out_sh,
              sem_a, sem_b, sem_w0, sem_w1):
    c = lax.axis_index("c")
    s = lax.axis_index("s")
    wid = c * NS + s

    pltpu.async_copy(ei_hbm.at[wid, pl.ds(0, GW)], idx_v.at[0], sem_w0)

    def zrow(r, carry):
        for k in range(D // 16):
            buf[0, r, pl.ds(16 * k, 16)] = jnp.zeros((16,), jnp.float32)
        return carry

    lax.fori_loop(0, CH, zrow, 0)
    for t in range(RPT // CH):
        pltpu.sync_copy(buf.at[0], out_sh.at[pl.ds(s * RPT + t * CH, CH)])
    plsc.subcore_barrier()

    for g in range(NCH // GW):
        p = g & 1
        semw = sem_w0 if p == 0 else sem_w1
        pltpu.make_async_copy(ei_hbm.at[wid, pl.ds(g * GW, GW)], idx_v.at[p],
                              semw).wait()
        if g + 1 < NCH // GW:
            semw2 = sem_w1 if p == 0 else sem_w0
            pltpu.async_copy(ei_hbm.at[wid, pl.ds((g + 1) * GW, GW)],
                             idx_v.at[1 - p], semw2)
        win = idx_v.at[p]
        pltpu.async_copy(g_hbm.at[win.at[0, 0]], buf.at[0], sem_a)

        def body(t, c2, win=win):
            j0 = 2 * t
            pltpu.make_async_copy(g_hbm.at[win.at[j0, 0]], buf.at[0],
                                  sem_a).wait()
            pltpu.async_copy(g_hbm.at[win.at[j0 + 1, 0]], buf.at[1], sem_b)
            pltpu.sync_copy(buf.at[0], out_sh.at[win.at[j0, 1]], add=True)
            pltpu.make_async_copy(g_hbm.at[win.at[j0 + 1, 0]], buf.at[1],
                                  sem_b).wait()

            @pl.when(j0 + 2 < GW)
            def _():
                pltpu.async_copy(g_hbm.at[win.at[j0 + 2, 0]], buf.at[0],
                                 sem_a)

            pltpu.sync_copy(buf.at[1], out_sh.at[win.at[j0 + 1, 1]], add=True)
            return c2

        lax.fori_loop(0, GW // 2, body, 0)

    plsc.subcore_barrier()
    pltpu.sync_copy(out_sh.at[pl.ds(s * RPT, RPT)],
                    out_hbm.at[c, pl.ds(s * RPT, RPT)])


@functools.lru_cache(maxsize=None)
def _sc_kernels():
    mesh = plsc.VectorSubcoreMesh(core_axis_name="c", subcore_axis_name="s",
                                  num_cores=NC, num_subcores=NS)
    deg_k = pl.kernel(
        _deg_body,
        out_type=jax.ShapeDtypeStruct((NC, NPAD), jnp.float32),
        mesh=mesh,
        scratch_types=[
            pltpu.VMEM((NCH, CH), jnp.int32),
            pltpu.VMEM((CH,), jnp.float32),
            pltpu.VMEM((RPT,), jnp.float32),
            pltpu.VMEM_SHARED((NPAD,), jnp.float32),
        ],
    )
    agg_k = pl.kernel(
        _agg_body,
        out_type=jax.ShapeDtypeStruct((NC, NPAD, D), jnp.float32),
        mesh=mesh,
        scratch_types=[
            pltpu.VMEM((2, GW, 2, CH), jnp.int32),
            pltpu.VMEM((2, CH, D), jnp.float32),
            pltpu.VMEM_SHARED((NPAD, D), jnp.float32),
            pltpu.SemaphoreType.DMA,
            pltpu.SemaphoreType.DMA,
            pltpu.SemaphoreType.DMA,
            pltpu.SemaphoreType.DMA,
        ],
    )
    return deg_k, agg_k


_B = 1000


def _prep_body(x_ref, w_ref, d0_ref, d1_ref, g_ref, dinv_ref):
    deg = d0_ref[...] + d1_ref[...] + 1.0
    dinv = lax.rsqrt(deg)
    h = jnp.dot(x_ref[...], w_ref[...], preferred_element_type=jnp.float32)
    g_ref[...] = h * dinv
    dinv_ref[...] = dinv


def _prep_tc(x, W1, deg0, deg1):
    return pl.pallas_call(
        _prep_body,
        grid=(N // _B,),
        in_specs=[
            pl.BlockSpec((_B, D), lambda i: (i, 0)),
            pl.BlockSpec((D, D), lambda i: (0, 0)),
            pl.BlockSpec((_B, 1), lambda i: (i, 0)),
            pl.BlockSpec((_B, 1), lambda i: (i, 0)),
        ],
        out_specs=[
            pl.BlockSpec((_B, D), lambda i: (i, 0)),
            pl.BlockSpec((_B, 1), lambda i: (i, 0)),
        ],
        out_shape=[
            jax.ShapeDtypeStruct((N, D), jnp.float32),
            jax.ShapeDtypeStruct((N, 1), jnp.float32),
        ],
    )(x, W1, deg0, deg1)


def _mid_body(a0_ref, a1_ref, g1_ref, dinv_ref, b1_ref, w2_ref, g2_ref):
    agg = a0_ref[...] + a1_ref[...] + g1_ref[...]
    z = agg * dinv_ref[...] + b1_ref[...]
    z = jnp.maximum(z, 0.0)
    g2_ref[...] = jnp.dot(z, w2_ref[...],
                          preferred_element_type=jnp.float32) * dinv_ref[...]


def _mid_tc(a0, a1, g1, dinv, b1, W2):
    return pl.pallas_call(
        _mid_body,
        grid=(N // _B,),
        in_specs=[
            pl.BlockSpec((_B, D), lambda i: (i, 0)),
            pl.BlockSpec((_B, D), lambda i: (i, 0)),
            pl.BlockSpec((_B, D), lambda i: (i, 0)),
            pl.BlockSpec((_B, 1), lambda i: (i, 0)),
            pl.BlockSpec((1, D), lambda i: (0, 0)),
            pl.BlockSpec((D, D), lambda i: (0, 0)),
        ],
        out_specs=pl.BlockSpec((_B, D), lambda i: (i, 0)),
        out_shape=jax.ShapeDtypeStruct((N, D), jnp.float32),
    )(a0, a1, g1, dinv, b1, W2)


def _final_body(a0_ref, a1_ref, g2_ref, dinv_ref, b2_ref, o_ref):
    z = (a0_ref[...] + a1_ref[...] + g2_ref[...]) * dinv_ref[...] + b2_ref[...]
    m = jnp.max(z, axis=1, keepdims=True)
    lse = m + jnp.log(jnp.sum(jnp.exp(z - m), axis=1, keepdims=True))
    o_ref[...] = z - lse


def _final_tc(a0, a1, g2, dinv, b2):
    return pl.pallas_call(
        _final_body,
        grid=(N // _B,),
        in_specs=[
            pl.BlockSpec((_B, D), lambda i: (i, 0)),
            pl.BlockSpec((_B, D), lambda i: (i, 0)),
            pl.BlockSpec((_B, D), lambda i: (i, 0)),
            pl.BlockSpec((_B, 1), lambda i: (i, 0)),
            pl.BlockSpec((1, D), lambda i: (0, 0)),
        ],
        out_specs=pl.BlockSpec((_B, D), lambda i: (i, 0)),
        out_shape=jax.ShapeDtypeStruct((N, D), jnp.float32),
    )(a0, a1, g2, dinv, b2)


def kernel(x, edge_index, W1, b1, W2, b2):
    ei = edge_index.astype(jnp.int32)
    pad_src = jnp.arange(EPAD - E, dtype=jnp.int32) % N
    pad_dst = N + jnp.arange(EPAD - E, dtype=jnp.int32) % (NPAD - N)

    def layout(v, pad):
        return jnp.concatenate([v, pad]).reshape(NCH, NW, CH).transpose(1, 0, 2)

    src = layout(ei[0], pad_src)
    dst = layout(ei[1], pad_dst)
    ei_comb = jnp.stack([src, dst], axis=2)

    deg_kernel, agg_kernel = _sc_kernels()
    degp = deg_kernel(dst)
    deg0 = degp[0].reshape(NPAD, 1)
    deg1 = degp[1].reshape(NPAD, 1)
    g1, dinv = _prep_tc(x, W1, deg0, deg1)

    A1 = agg_kernel(g1, ei_comb)
    g2 = _mid_tc(A1[0], A1[1], g1, dinv, b1.reshape(1, D), W2)

    A2 = agg_kernel(g2, ei_comb)
    return _final_tc(A2[0], A2[1], g2, dinv, b2.reshape(1, D))

# --- scband reference (transcript-rebuilt; emitter-appended) ---
"""Pipeline reference for scband-cgnn-69612829934151 (READ-ONLY COPY).

The authoritative reference and input builder live on the scoring server;
editing this copy changes nothing except your own understanding.
"""

import jax, jax.numpy as jnp
import numpy as np

N = 10000
E = 320000
D_IN = 128
D_HID = 128
D_OUT = 128
W_MUL = 1.0


def setup_inputs(seed: int = 0) -> dict:
    key = jax.random.key(seed)
    k1, k2, k3, k4, k5, k6 = jax.random.split(key, 6)
    x = jax.random.normal(k1, (N, D_IN), dtype=jnp.float32)
    edge_index = jax.random.randint(k2, (2, E), 0, N, dtype=jnp.int64)
    # Glorot-style init scaled by w_mul (CGNNConv weight multiplier)
    s1 = W_MUL * (6.0 / (D_IN + D_HID)) ** 0.5
    W1 = jax.random.uniform(k3, (D_IN, D_HID), dtype=jnp.float32, minval=-s1, maxval=s1)
    b1 = jnp.zeros((D_HID,), dtype=jnp.float32)
    s2 = W_MUL * (6.0 / (D_HID + D_OUT)) ** 0.5
    W2 = jax.random.uniform(k4, (D_HID, D_OUT), dtype=jnp.float32, minval=-s2, maxval=s2)
    b2 = jnp.zeros((D_OUT,), dtype=jnp.float32)
    return {"x": x, "edge_index": edge_index, "W1": W1, "b1": b1, "W2": W2, "b2": b2}


def _cgnn_conv(x, edge_index, W, b, n):
    # GCN-style symmetric-normalized aggregation with self loops
    ar = jnp.arange(n, dtype=edge_index.dtype)
    ei = jnp.concatenate([edge_index, jnp.stack([ar, ar])], axis=1)
    src, dst = ei[0], ei[1]
    deg = jax.ops.segment_sum(jnp.ones_like(dst, dtype=jnp.float32), dst, num_segments=n)
    dinv = jnp.where(deg > 0, 1.0 / jnp.sqrt(deg), 0.0)
    norm = dinv[src] * dinv[dst]
    h = x @ W
    msgs = h[src] * norm[:, None]
    out = jax.ops.segment_sum(msgs, dst, num_segments=n)
    return out + b


def reference(x, edge_index, W1, b1, W2, b2):
    # inference mode: dropout(p=0.6) is identity when training=False
    h = _cgnn_conv(x, edge_index, W1, b1, N)
    h = jax.nn.relu(h)
    h = _cgnn_conv(h, edge_index, W2, b2, N)
    return jax.nn.log_softmax(h, axis=1)

if __name__ == "__main__":
    import jax
    _d = setup_inputs()
    print(jax.jit(kernel)(*tuple(_d.values())))

</pallas_src>

<mosaic_0001>
#map = affine_map<(d0, d1) -> (0, 0, 0)>
#map1 = affine_map<(d0, d1) -> (0, 0)>
module attributes {stable_mosaic.version = 14 : i64} {
  func.func @_deg_body(%arg0: i32, %arg1: i32, %arg2: memref<32x80x128xi32, #tpu.memory_space<hbm>>, %arg3: memref<2x10240xf32, #tpu.memory_space<hbm>>, %arg4: memref<80x128xi32, #tpu.memory_space<vmem>>, %arg5: memref<128xf32, #tpu.memory_space<vmem>>, %arg6: memref<640xf32, #tpu.memory_space<vmem>>, %arg7: memref<10240xf32, #tpu.memory_space<vmem_shared>>) attributes {dimension_semantics = [#tpu.dimension_semantics<core_parallel>, #tpu.dimension_semantics<subcore_parallel>], iteration_bounds = array<i64: 2, 16>, scalar_prefetch = 0 : i64, scratch_operands = 4 : i64, tpu.core_type = #tpu.core_type<sc_vector_subcore>, window_params = [{transform_indices = #map}, {transform_indices = #map1}]} {
    %mul3A = arith.constant 16 : i32
    %mul3A_0 = arith.muli %arg0, %mul3A : i32
    %add3A = arith.addi %mul3A_0, %arg1 : i32
    "tpu.region"() ({
      %run_scoped3A = tpu.sem_alloc : memref<!tpu.dma_semaphore, #tpu.memory_space<semaphore_mem>>
      %dma_start3A = arith.constant 0 : i32
      %dma_start3A_299 = arith.constant 0 : i32
      %dma_start3A_300 = tpu.memref_slice %arg2[%add3A, %dma_start3A, %dma_start3A_299] : memref<32x80x128xi32, #tpu.memory_space<hbm>> -> memref<1x80x128xi32, #tpu.memory_space<hbm>>
      %dma_start3A_301 = tpu.memref_squeeze %dma_start3A_300 : memref<1x80x128xi32, #tpu.memory_space<hbm>> -> memref<80x128xi32, #tpu.memory_space<hbm>>
      %dma_start3A_302 = arith.constant 0 : i32
      %dma_start3A_303 = arith.constant 0 : i32
      %dma_start3A_304 = tpu.memref_slice %arg2[%add3A, %dma_start3A_302, %dma_start3A_303] : memref<32x80x128xi32, #tpu.memory_space<hbm>> -> memref<1x80x128xi32, #tpu.memory_space<hbm>>
      %dma_start3A_305 = tpu.memref_squeeze %dma_start3A_304 : memref<1x80x128xi32, #tpu.memory_space<hbm>> -> memref<80x128xi32, #tpu.memory_space<hbm>>
      tpu.enqueue_dma source(%dma_start3A_305 : memref<80x128xi32, #tpu.memory_space<hbm>>) target(%arg4 : memref<80x128xi32, #tpu.memory_space<vmem>>) target_semaphore(%run_scoped3A : memref<!tpu.dma_semaphore, #tpu.memory_space<semaphore_mem>>)
      %dma_wait3A = arith.constant 0 : i32
      %dma_wait3A_306 = arith.constant 0 : i32
      %dma_wait3A_307 = tpu.memref_slice %arg2[%add3A, %dma_wait3A, %dma_wait3A_306] : memref<32x80x128xi32, #tpu.memory_space<hbm>> -> memref<1x80x128xi32, #tpu.memory_space<hbm>>
      %dma_wait3A_308 = tpu.memref_squeeze %dma_wait3A_307 : memref<1x80x128xi32, #tpu.memory_space<hbm>> -> memref<80x128xi32, #tpu.memory_space<hbm>>
      %dma_wait3A_309 = arith.constant 0 : i32
      %dma_wait3A_310 = arith.constant 0 : i32
      %dma_wait3A_311 = tpu.memref_slice %arg2[%add3A, %dma_wait3A_309, %dma_wait3A_310] : memref<32x80x128xi32, #tpu.memory_space<hbm>> -> memref<1x80x128xi32, #tpu.memory_space<hbm>>
      %dma_wait3A_312 = tpu.memref_squeeze %dma_wait3A_311 : memref<1x80x128xi32, #tpu.memory_space<hbm>> -> memref<80x128xi32, #tpu.memory_space<hbm>>
      tpu.wait_dma2 semaphore(%run_scoped3A : memref<!tpu.dma_semaphore, #tpu.memory_space<semaphore_mem>>) src(%dma_wait3A_312 : memref<80x128xi32, #tpu.memory_space<hbm>>) dst(%arg4 : memref<80x128xi32, #tpu.memory_space<vmem>>)
      tpu.yield
    }) : () -> ()
    %broadcast_in_dim3A = arith.constant 1.000000e+00 : f32
    %broadcast_in_dim3A_1 = vector.broadcast %broadcast_in_dim3A : f32 to vector<16xf32>
    %swap3A = arith.constant 0 : index
    %swap3A_2 = tpu.vector_load %arg5[%swap3A] {strides = array<i32>} : memref<128xf32, #tpu.memory_space<vmem>>, vector<16xf32>,
    %swap3A_3 = vector.shape_cast %swap3A_2 : vector<16xf32> to vector<16xf32>
    %swap3A_4 = vector.shape_cast %broadcast_in_dim3A_1 : vector<16xf32> to vector<16xf32>
    tpu.vector_store %arg5[%swap3A], %swap3A_4 {strides = array<i32>} : memref<128xf32, #tpu.memory_space<vmem>>, vector<16xf32>,
    %broadcast_in_dim3A_5 = arith.constant 1.000000e+00 : f32
    %broadcast_in_dim3A_6 = vector.broadcast %broadcast_in_dim3A_5 : f32 to vector<16xf32>
    %swap3A_7 = arith.constant 16 : index
    %swap3A_8 = tpu.vector_load %arg5[%swap3A_7] {strides = array<i32>} : memref<128xf32, #tpu.memory_space<vmem>>, vector<16xf32>,
    %swap3A_9 = vector.shape_cast %swap3A_8 : vector<16xf32> to vector<16xf32>
    %swap3A_10 = vector.shape_cast %broadcast_in_dim3A_6 : vector<16xf32> to vector<16xf32>
    tpu.vector_store %arg5[%swap3A_7], %swap3A_10 {strides = array<i32>} : memref<128xf32, #tpu.memory_space<vmem>>, vector<16xf32>,
    %broadcast_in_dim3A_11 = arith.constant 1.000000e+00 : f32
    %broadcast_in_dim3A_12 = vector.broadcast %broadcast_in_dim3A_11 : f32 to vector<16xf32>
    %swap3A_13 = arith.constant 32 : index
    %swap3A_14 = tpu.vector_load %arg5[%swap3A_13] {strides = array<i32>} : memref<128xf32, #tpu.memory_space<vmem>>, vector<16xf32>,
    %swap3A_15 = vector.shape_cast %swap3A_14 : vector<16xf32> to vector<16xf32>
    %swap3A_16 = vector.shape_cast %broadcast_in_dim3A_12 : vector<16xf32> to vector<16xf32>
    tpu.vector_store %arg5[%swap3A_13], %swap3A_16 {strides = array<i32>} : memref<128xf32, #tpu.memory_space<vmem>>, vector<16xf32>,
    %broadcast_in_dim3A_17 = arith.constant 1.000000e+00 : f32
    %broadcast_in_dim3A_18 = vector.broadcast %broadcast_in_dim3A_17 : f32 to vector<16xf32>
    %swap3A_19 = arith.constant 48 : index
    %swap3A_20 = tpu.vector_load %arg5[%swap3A_19] {strides = array<i32>} : memref<128xf32, #tpu.memory_space<vmem>>, vector<16xf32>,
    %swap3A_21 = vector.shape_cast %swap3A_20 : vector<16xf32> to vector<16xf32>
    %swap3A_22 = vector.shape_cast %broadcast_in_dim3A_18 : vector<16xf32> to vector<16xf32>
    tpu.vector_store %arg5[%swap3A_19], %swap3A_22 {strides = array<i32>} : memref<128xf32, #tpu.memory_space<vmem>>, vector<16xf32>,
    %broadcast_in_dim3A_23 = arith.constant 1.000000e+00 : f32
    %broadcast_in_dim3A_24 = vector.broadcast %broadcast_in_dim3A_23 : f32 to vector<16xf32>
    %swap3A_25 = arith.constant 64 : index
    %swap3A_26 = tpu.vector_load %arg5[%swap3A_25] {strides = array<i32>} : memref<128xf32, #tpu.memory_space<vmem>>, vector<16xf32>,
    %swap3A_27 = vector.shape_cast %swap3A_26 : vector<16xf32> to vector<16xf32>
    %swap3A_28 = vector.shape_cast %broadcast_in_dim3A_24 : vector<16xf32> to vector<16xf32>
    tpu.vector_store %arg5[%swap3A_25], %swap3A_28 {strides = array<i32>} : memref<128xf32, #tpu.memory_space<vmem>>, vector<16xf32>,
    %broadcast_in_dim3A_29 = arith.constant 1.000000e+00 : f32
    %broadcast_in_dim3A_30 = vector.broadcast %broadcast_in_dim3A_29 : f32 to vector<16xf32>
    %swap3A_31 = arith.constant 80 : index
    %swap3A_32 = tpu.vector_load %arg5[%swap3A_31] {strides = array<i32>} : memref<128xf32, #tpu.memory_space<vmem>>, vector<16xf32>,
    %swap3A_33 = vector.shape_cast %swap3A_32 : vector<16xf32> to vector<16xf32>
    %swap3A_34 = vector.shape_cast %broadcast_in_dim3A_30 : vector<16xf32> to vector<16xf32>
    tpu.vector_store %arg5[%swap3A_31], %swap3A_34 {strides = array<i32>} : memref<128xf32, #tpu.memory_space<vmem>>, vector<16xf32>,
    %broadcast_in_dim3A_35 = arith.constant 1.000000e+00 : f32
    %broadcast_in_dim3A_36 = vector.broadcast %broadcast_in_dim3A_35 : f32 to vector<16xf32>
    %swap3A_37 = arith.constant 96 : index
    %swap3A_38 = tpu.vector_load %arg5[%swap3A_37] {strides = array<i32>} : memref<128xf32, #tpu.memory_space<vmem>>, vector<16xf32>,
    %swap3A_39 = vector.shape_cast %swap3A_38 : vector<16xf32> to vector<16xf32>
    %swap3A_40 = vector.shape_cast %broadcast_in_dim3A_36 : vector<16xf32> to vector<16xf32>
    tpu.vector_store %arg5[%swap3A_37], %swap3A_40 {strides = array<i32>} : memref<128xf32, #tpu.memory_space<vmem>>, vector<16xf32>,
    %broadcast_in_dim3A_41 = arith.constant 1.000000e+00 : f32
    %broadcast_in_dim3A_42 = vector.broadcast %broadcast_in_dim3A_41 : f32 to vector<16xf32>
    %swap3A_43 = arith.constant 112 : index
    %swap3A_44 = tpu.vector_load %arg5[%swap3A_43] {strides = array<i32>} : memref<128xf32, #tpu.memory_space<vmem>>, vector<16xf32>,
    %swap3A_45 = vector.shape_cast %swap3A_44 : vector<16xf32> to vector<16xf32>
    %swap3A_46 = vector.shape_cast %broadcast_in_dim3A_42 : vector<16xf32> to vector<16xf32>
    tpu.vector_store %arg5[%swap3A_43], %swap3A_46 {strides = array<i32>} : memref<128xf32, #tpu.memory_space<vmem>>, vector<16xf32>,
    %broadcast_in_dim3A_47 = arith.constant 0.000000e+00 : f32
    %broadcast_in_dim3A_48 = vector.broadcast %broadcast_in_dim3A_47 : f32 to vector<16xf32>
    %swap3A_49 = arith.constant 0 : index
    %swap3A_50 = tpu.vector_load %arg6[%swap3A_49] {strides = array<i32>} : memref<640xf32, #tpu.memory_space<vmem>>, vector<16xf32>,
    %swap3A_51 = vector.shape_cast %swap3A_50 : vector<16xf32> to vector<16xf32>
    %swap3A_52 = vector.shape_cast %broadcast_in_dim3A_48 : vector<16xf32> to vector<16xf32>
    tpu.vector_store %arg6[%swap3A_49], %swap3A_52 {strides = array<i32>} : memref<640xf32, #tpu.memory_space<vmem>>, vector<16xf32>,
    %broadcast_in_dim3A_53 = arith.constant 0.000000e+00 : f32
    %broadcast_in_dim3A_54 = vector.broadcast %broadcast_in_dim3A_53 : f32 to vector<16xf32>
    %swap3A_55 = arith.constant 16 : index
    %swap3A_56 = tpu.vector_load %arg6[%swap3A_55] {strides = array<i32>} : memref<640xf32, #tpu.memory_space<vmem>>, vector<16xf32>,
    %swap3A_57 = vector.shape_cast %swap3A_56 : vector<16xf32> to vector<16xf32>
    %swap3A_58 = vector.shape_cast %broadcast_in_dim3A_54 : vector<16xf32> to vector<16xf32>
    tpu.vector_store %arg6[%swap3A_55], %swap3A_58 {strides = array<i32>} : memref<640xf32, #tpu.memory_space<vmem>>, vector<16xf32>,
    %broadcast_in_dim3A_59 = arith.constant 0.000000e+00 : f32
    %broadcast_in_dim3A_60 = vector.broadcast %broadcast_in_dim3A_59 : f32 to vector<16xf32>
    %swap3A_61 = arith.constant 32 : index
    %swap3A_62 = tpu.vector_load %arg6[%swap3A_61] {strides = array<i32>} : memref<640xf32, #tpu.memory_space<vmem>>, vector<16xf32>,
    %swap3A_63 = vector.shape_cast %swap3A_62 : vector<16xf32> to vector<16xf32>
    %swap3A_64 = vector.shape_cast %broadcast_in_dim3A_60 : vector<16xf32> to vector<16xf32>
    tpu.vector_store %arg6[%swap3A_61], %swap3A_64 {strides = array<i32>} : memref<640xf32, #tpu.memory_space<vmem>>, vector<16xf32>,
    %broadcast_in_dim3A_65 = arith.constant 0.000000e+00 : f32
    %broadcast_in_dim3A_66 = vector.broadcast %broadcast_in_dim3A_65 : f32 to vector<16xf32>
    %swap3A_67 = arith.constant 48 : index
    %swap3A_68 = tpu.vector_load %arg6[%swap3A_67] {strides = array<i32>} : memref<640xf32, #tpu.memory_space<vmem>>, vector<16xf32>,
    %swap3A_69 = vector.shape_cast %swap3A_68 : vector<16xf32> to vector<16xf32>
    %swap3A_70 = vector.shape_cast %broadcast_in_dim3A_66 : vector<16xf32> to vector<16xf32>
    tpu.vector_store %arg6[%swap3A_67], %swap3A_70 {strides = array<i32>} : memref<640xf32, #tpu.memory_space<vmem>>, vector<16xf32>,
    %broadcast_in_dim3A_71 = arith.constant 0.000000e+00 : f32
    %broadcast_in_dim3A_72 = vector.broadcast %broadcast_in_dim3A_71 : f32 to vector<16xf32>
    %swap3A_73 = arith.constant 64 : index
    %swap3A_74 = tpu.vector_load %arg6[%swap3A_73] {strides = array<i32>} : memref<640xf32, #tpu.memory_space<vmem>>, vector<16xf32>,
    %swap3A_75 = vector.shape_cast %swap3A_74 : vector<16xf32> to vector<16xf32>
    %swap3A_76 = vector.shape_cast %broadcast_in_dim3A_72 : vector<16xf32> to vector<16xf32>
    tpu.vector_store %arg6[%swap3A_73], %swap3A_76 {strides = array<i32>} : memref<640xf32, #tpu.memory_space<vmem>>, vector<16xf32>,
    %broadcast_in_dim3A_77 = arith.constant 0.000000e+00 : f32
    %broadcast_in_dim3A_78 = vector.broadcast %broadcast_in_dim3A_77 : f32 to vector<16xf32>
    %swap3A_79 = arith.constant 80 : index
    %swap3A_80 = tpu.vector_load %arg6[%swap3A_79] {strides = array<i32>} : memref<640xf32, #tpu.memory_space<vmem>>, vector<16xf32>,
    %swap3A_81 = vector.shape_cast %swap3A_80 : vector<16xf32> to vector<16xf32>
    %swap3A_82 = vector.shape_cast %broadcast_in_dim3A_78 : vector<16xf32> to vector<16xf32>
    tpu.vector_store %arg6[%swap3A_79], %swap3A_82 {strides = array<i32>} : memref<640xf32, #tpu.memory_space<vmem>>, vector<16xf32>,
    %broadcast_in_dim3A_83 = arith.constant 0.000000e+00 : f32
    %broadcast_in_dim3A_84 = vector.broadcast %broadcast_in_dim3A_83 : f32 to vector<16xf32>
    %swap3A_85 = arith.constant 96 : index
    %swap3A_86 = tpu.vector_load %arg6[%swap3A_85] {strides = array<i32>} : memref<640xf32, #tpu.memory_space<vmem>>, vector<16xf32>,
    %swap3A_87 = vector.shape_cast %swap3A_86 : vector<16xf32> to vector<16xf32>
    %swap3A_88 = vector.shape_cast %broadcast_in_dim3A_84 : vector<16xf32> to vector<16xf32>
    tpu.vector_store %arg6[%swap3A_85], %swap3A_88 {strides = array<i32>} : memref<640xf32, #tpu.memory_space<vmem>>, vector<16xf32>,
    %broadcast_in_dim3A_89 = arith.constant 0.000000e+00 : f32
    %broadcast_in_dim3A_90 = vector.broadcast %broadcast_in_dim3A_89 : f32 to vector<16xf32>
    %swap3A_91 = arith.constant 112 : index
    %swap3A_92 = tpu.vector_load %arg6[%swap3A_91] {strides = array<i32>} : memref<640xf32, #tpu.memory_space<vmem>>, vector<16xf32>,
    %swap3A_93 = vector.shape_cast %swap3A_92 : vector<16xf32> to vector<16xf32>
    %swap3A_94 = vector.shape_cast %broadcast_in_dim3A_90 : vector<16xf32> to vector<16xf32>
    tpu.vector_store %arg6[%swap3A_91], %swap3A_94 {strides = array<i32>} : memref<640xf32, #tpu.memory_space<vmem>>, vector<16xf32>,
    %broadcast_in_dim3A_95 = arith.constant 0.000000e+00 : f32
    %broadcast_in_dim3A_96 = vector.broadcast %broadcast_in_dim3A_95 : f32 to vector<16xf32>
    %swap3A_97 = arith.constant 128 : index
    %swap3A_98 = tpu.vector_load %arg6[%swap3A_97] {strides = array<i32>} : memref<640xf32, #tpu.memory_space<vmem>>, vector<16xf32>,
    %swap3A_99 = vector.shape_cast %swap3A_98 : vector<16xf32> to vector<16xf32>
    %swap3A_100 = vector.shape_cast %broadcast_in_dim3A_96 : vector<16xf32> to vector<16xf32>
    tpu.vector_store %arg6[%swap3A_97], %swap3A_100 {strides = array<i32>} : memref<640xf32, #tpu.memory_space<vmem>>, vector<16xf32>,
    %broadcast_in_dim3A_101 = arith.constant 0.000000e+00 : f32
    %broadcast_in_dim3A_102 = vector.broadcast %broadcast_in_dim3A_101 : f32 to vector<16xf32>
    %swap3A_103 = arith.constant 144 : index
    %swap3A_104 = tpu.vector_load %arg6[%swap3A_103] {strides = array<i32>} : memref<640xf32, #tpu.memory_space<vmem>>, vector<16xf32>,
    %swap3A_105 = vector.shape_cast %swap3A_104 : vector<16xf32> to vector<16xf32>
    %swap3A_106 = vector.shape_cast %broadcast_in_dim3A_102 : vector<16xf32> to vector<16xf32>
    tpu.vector_store %arg6[%swap3A_103], %swap3A_106 {strides = array<i32>} : memref<640xf32, #tpu.memory_space<vmem>>, vector<16xf32>,
    %broadcast_in_dim3A_107 = arith.constant 0.000000e+00 : f32
    %broadcast_in_dim3A_108 = vector.broadcast %broadcast_in_dim3A_107 : f32 to vector<16xf32>
    %swap3A_109 = arith.constant 160 : index
    %swap3A_110 = tpu.vector_load %arg6[%swap3A_109] {strides = array<i32>} : memref<640xf32, #tpu.memory_space<vmem>>, vector<16xf32>,
    %swap3A_111 = vector.shape_cast %swap3A_110 : vector<16xf32> to vector<16xf32>
    %swap3A_112 = vector.shape_cast %broadcast_in_dim3A_108 : vector<16xf32> to vector<16xf32>
    tpu.vector_store %arg6[%swap3A_109], %swap3A_112 {strides = array<i32>} : memref<640xf32, #tpu.memory_space<vmem>>, vector<16xf32>,
    %broadcast_in_dim3A_113 = arith.constant 0.000000e+00 : f32
    %broadcast_in_dim3A_114 = vector.broadcast %broadcast_in_dim3A_113 : f32 to vector<16xf32>
    %swap3A_115 = arith.constant 176 : index
    %swap3A_116 = tpu.vector_load %arg6[%swap3A_115] {strides = array<i32>} : memref<640xf32, #tpu.memory_space<vmem>>, vector<16xf32>,
    %swap3A_117 = vector.shape_cast %swap3A_116 : vector<16xf32> to vector<16xf32>
    %swap3A_118 = vector.shape_cast %broadcast_in_dim3A_114 : vector<16xf32> to vector<16xf32>
    tpu.vector_store %arg6[%swap3A_115], %swap3A_118 {strides = array<i32>} : memref<640xf32, #tpu.memory_space<vmem>>, vector<16xf32>,
    %broadcast_in_dim3A_119 = arith.constant 0.000000e+00 : f32
    %broadcast_in_dim3A_120 = vector.broadcast %broadcast_in_dim3A_119 : f32 to vector<16xf32>
    %swap3A_121 = arith.constant 192 : index
    %swap3A_122 = tpu.vector_load %arg6[%swap3A_121] {strides = array<i32>} : memref<640xf32, #tpu.memory_space<vmem>>, vector<16xf32>,
    %swap3A_123 = vector.shape_cast %swap3A_122 : vector<16xf32> to vector<16xf32>
    %swap3A_124 = vector.shape_cast %broadcast_in_dim3A_120 : vector<16xf32> to vector<16xf32>
    tpu.vector_store %arg6[%swap3A_121], %swap3A_124 {strides = array<i32>} : memref<640xf32, #tpu.memory_space<vmem>>, vector<16xf32>,
    %broadcast_in_dim3A_125 = arith.constant 0.000000e+00 : f32
    %broadcast_in_dim3A_126 = vector.broadcast %broadcast_in_dim3A_125 : f32 to vector<16xf32>
    %swap3A_127 = arith.constant 208 : index
    %swap3A_128 = tpu.vector_load %arg6[%swap3A_127] {strides = array<i32>} : memref<640xf32, #tpu.memory_space<vmem>>, vector<16xf32>,
    %swap3A_129 = vector.shape_cast %swap3A_128 : vector<16xf32> to vector<16xf32>
    %swap3A_130 = vector.shape_cast %broadcast_in_dim3A_126 : vector<16xf32> to vector<16xf32>
    tpu.vector_store %arg6[%swap3A_127], %swap3A_130 {strides = array<i32>} : memref<640xf32, #tpu.memory_space<vmem>>, vector<16xf32>,
    %broadcast_in_dim3A_131 = arith.constant 0.000000e+00 : f32
    %broadcast_in_dim3A_132 = vector.broadcast %broadcast_in_dim3A_131 : f32 to vector<16xf32>
    %swap3A_133 = arith.constant 224 : index
    %swap3A_134 = tpu.vector_load %arg6[%swap3A_133] {strides = array<i32>} : memref<640xf32, #tpu.memory_space<vmem>>, vector<16xf32>,
    %swap3A_135 = vector.shape_cast %swap3A_134 : vector<16xf32> to vector<16xf32>
    %swap3A_136 = vector.shape_cast %broadcast_in_dim3A_132 : vector<16xf32> to vector<16xf32>
    tpu.vector_store %arg6[%swap3A_133], %swap3A_136 {strides = array<i32>} : memref<640xf32, #tpu.memory_space<vmem>>, vector<16xf32>,
    %broadcast_in_dim3A_137 = arith.constant 0.000000e+00 : f32
    %broadcast_in_dim3A_138 = vector.broadcast %broadcast_in_dim3A_137 : f32 to vector<16xf32>
    %swap3A_139 = arith.constant 240 : index
    %swap3A_140 = tpu.vector_load %arg6[%swap3A_139] {strides = array<i32>} : memref<640xf32, #tpu.memory_space<vmem>>, vector<16xf32>,
    %swap3A_141 = vector.shape_cast %swap3A_140 : vector<16xf32> to vector<16xf32>
    %swap3A_142 = vector.shape_cast %broadcast_in_dim3A_138 : vector<16xf32> to vector<16xf32>
    tpu.vector_store %arg6[%swap3A_139], %swap3A_142 {strides = array<i32>} : memref<640xf32, #tpu.memory_space<vmem>>, vector<16xf32>,
    %broadcast_in_dim3A_143 = arith.constant 0.000000e+00 : f32
    %broadcast_in_dim3A_144 = vector.broadcast %broadcast_in_dim3A_143 : f32 to vector<16xf32>
    %swap3A_145 = arith.constant 256 : index
    %swap3A_146 = tpu.vector_load %arg6[%swap3A_145] {strides = array<i32>} : memref<640xf32, #tpu.memory_space<vmem>>, vector<16xf32>,
    %swap3A_147 = vector.shape_cast %swap3A_146 : vector<16xf32> to vector<16xf32>
    %swap3A_148 = vector.shape_cast %broadcast_in_dim3A_144 : vector<16xf32> to vector<16xf32>
    tpu.vector_store %arg6[%swap3A_145], %swap3A_148 {strides = array<i32>} : memref<640xf32, #tpu.memory_space<vmem>>, vector<16xf32>,
    %broadcast_in_dim3A_149 = arith.constant 0.000000e+00 : f32
    %broadcast_in_dim3A_150 = vector.broadcast %broadcast_in_dim3A_149 : f32 to vector<16xf32>
    %swap3A_151 = arith.constant 272 : index
    %swap3A_152 = tpu.vector_load %arg6[%swap3A_151] {strides = array<i32>} : memref<640xf32, #tpu.memory_space<vmem>>, vector<16xf32>,
    %swap3A_153 = vector.shape_cast %swap3A_152 : vector<16xf32> to vector<16xf32>
    %swap3A_154 = vector.shape_cast %broadcast_in_dim3A_150 : vector<16xf32> to vector<16xf32>
    tpu.vector_store %arg6[%swap3A_151], %swap3A_154 {strides = array<i32>} : memref<640xf32, #tpu.memory_space<vmem>>, vector<16xf32>,
    %broadcast_in_dim3A_155 = arith.constant 0.000000e+00 : f32
    %broadcast_in_dim3A_156 = vector.broadcast %broadcast_in_dim3A_155 : f32 to vector<16xf32>
    %swap3A_157 = arith.constant 288 : index
    %swap3A_158 = tpu.vector_load %arg6[%swap3A_157] {strides = array<i32>} : memref<640xf32, #tpu.memory_space<vmem>>, vector<16xf32>,
    %swap3A_159 = vector.shape_cast %swap3A_158 : vector<16xf32> to vector<16xf32>
    %swap3A_160 = vector.shape_cast %broadcast_in_dim3A_156 : vector<16xf32> to vector<16xf32>
    tpu.vector_store %arg6[%swap3A_157], %swap3A_160 {strides = array<i32>} : memref<640xf32, #tpu.memory_space<vmem>>, vector<16xf32>,
    %broadcast_in_dim3A_161 = arith.constant 0.000000e+00 : f32
    %broadcast_in_dim3A_162 = vector.broadcast %broadcast_in_dim3A_161 : f32 to vector<16xf32>
    %swap3A_163 = arith.constant 304 : index
    %swap3A_164 = tpu.vector_load %arg6[%swap3A_163] {strides = array<i32>} : memref<640xf32, #tpu.memory_space<vmem>>, vector<16xf32>,
    %swap3A_165 = vector.shape_cast %swap3A_164 : vector<16xf32> to vector<16xf32>
    %swap3A_166 = vector.shape_cast %broadcast_in_dim3A_162 : vector<16xf32> to vector<16xf32>
    tpu.vector_store %arg6[%swap3A_163], %swap3A_166 {strides = array<i32>} : memref<640xf32, #tpu.memory_space<vmem>>, vector<16xf32>,
    %broadcast_in_dim3A_167 = arith.constant 0.000000e+00 : f32
    %broadcast_in_dim3A_168 = vector.broadcast %broadcast_in_dim3A_167 : f32 to vector<16xf32>
    %swap3A_169 = arith.constant 320 : index
    %swap3A_170 = tpu.vector_load %arg6[%swap3A_169] {strides = array<i32>} : memref<640xf32, #tpu.memory_space<vmem>>, vector<16xf32>,
    %swap3A_171 = vector.shape_cast %swap3A_170 : vector<16xf32> to vector<16xf32>
    %swap3A_172 = vector.shape_cast %broadcast_in_dim3A_168 : vector<16xf32> to vector<16xf32>
    tpu.vector_store %arg6[%swap3A_169], %swap3A_172 {strides = array<i32>} : memref<640xf32, #tpu.memory_space<vmem>>, vector<16xf32>,
    %broadcast_in_dim3A_173 = arith.constant 0.000000e+00 : f32
    %broadcast_in_dim3A_174 = vector.broadcast %broadcast_in_dim3A_173 : f32 to vector<16xf32>
    %swap3A_175 = arith.constant 336 : index
    %swap3A_176 = tpu.vector_load %arg6[%swap3A_175] {strides = array<i32>} : memref<640xf32, #tpu.memory_space<vmem>>, vector<16xf32>,
    %swap3A_177 = vector.shape_cast %swap3A_176 : vector<16xf32> to vector<16xf32>
    %swap3A_178 = vector.shape_cast %broadcast_in_dim3A_174 : vector<16xf32> to vector<16xf32>
    tpu.vector_store %arg6[%swap3A_175], %swap3A_178 {strides = array<i32>} : memref<640xf32, #tpu.memory_space<vmem>>, vector<16xf32>,
    %broadcast_in_dim3A_179 = arith.constant 0.000000e+00 : f32
    %broadcast_in_dim3A_180 = vector.broadcast %broadcast_in_dim3A_179 : f32 to vector<16xf32>
    %swap3A_181 = arith.constant 352 : index
    %swap3A_182 = tpu.vector_load %arg6[%swap3A_181] {strides = array<i32>} : memref<640xf32, #tpu.memory_space<vmem>>, vector<16xf32>,
    %swap3A_183 = vector.shape_cast %swap3A_182 : vector<16xf32> to vector<16xf32>
    %swap3A_184 = vector.shape_cast %broadcast_in_dim3A_180 : vector<16xf32> to vector<16xf32>
    tpu.vector_store %arg6[%swap3A_181], %swap3A_184 {strides = array<i32>} : memref<640xf32, #tpu.memory_space<vmem>>, vector<16xf32>,
    %broadcast_in_dim3A_185 = arith.constant 0.000000e+00 : f32
    %broadcast_in_dim3A_186 = vector.broadcast %broadcast_in_dim3A_185 : f32 to vector<16xf32>
    %swap3A_187 = arith.constant 368 : index
    %swap3A_188 = tpu.vector_load %arg6[%swap3A_187] {strides = array<i32>} : memref<640xf32, #tpu.memory_space<vmem>>, vector<16xf32>,
    %swap3A_189 = vector.shape_cast %swap3A_188 : vector<16xf32> to vector<16xf32>
    %swap3A_190 = vector.shape_cast %broadcast_in_dim3A_186 : vector<16xf32> to vector<16xf32>
    tpu.vector_store %arg6[%swap3A_187], %swap3A_190 {strides = array<i32>} : memref<640xf32, #tpu.memory_space<vmem>>, vector<16xf32>,
    %broadcast_in_dim3A_191 = arith.constant 0.000000e+00 : f32
    %broadcast_in_dim3A_192 = vector.broadcast %broadcast_in_dim3A_191 : f32 to vector<16xf32>
    %swap3A_193 = arith.constant 384 : index
    %swap3A_194 = tpu.vector_load %arg6[%swap3A_193] {strides = array<i32>} : memref<640xf32, #tpu.memory_space<vmem>>, vector<16xf32>,
    %swap3A_195 = vector.shape_cast %swap3A_194 : vector<16xf32> to vector<16xf32>
    %swap3A_196 = vector.shape_cast %broadcast_in_dim3A_192 : vector<16xf32> to vector<16xf32>
    tpu.vector_store %arg6[%swap3A_193], %swap3A_196 {strides = array<i32>} : memref<640xf32, #tpu.memory_space<vmem>>, vector<16xf32>,
    %broadcast_in_dim3A_197 = arith.constant 0.000000e+00 : f32
    %broadcast_in_dim3A_198 = vector.broadcast %broadcast_in_dim3A_197 : f32 to vector<16xf32>
    %swap3A_199 = arith.constant 400 : index
    %swap3A_200 = tpu.vector_load %arg6[%swap3A_199] {strides = array<i32>} : memref<640xf32, #tpu.memory_space<vmem>>, vector<16xf32>,
    %swap3A_201 = vector.shape_cast %swap3A_200 : vector<16xf32> to vector<16xf32>
    %swap3A_202 = vector.shape_cast %broadcast_in_dim3A_198 : vector<16xf32> to vector<16xf32>
    tpu.vector_store %arg6[%swap3A_199], %swap3A_202 {strides = array<i32>} : memref<640xf32, #tpu.memory_space<vmem>>, vector<16xf32>,
    %broadcast_in_dim3A_203 = arith.constant 0.000000e+00 : f32
    %broadcast_in_dim3A_204 = vector.broadcast %broadcast_in_dim3A_203 : f32 to vector<16xf32>
    %swap3A_205 = arith.constant 416 : index
    %swap3A_206 = tpu.vector_load %arg6[%swap3A_205] {strides = array<i32>} : memref<640xf32, #tpu.memory_space<vmem>>, vector<16xf32>,
    %swap3A_207 = vector.shape_cast %swap3A_206 : vector<16xf32> to vector<16xf32>
    %swap3A_208 = vector.shape_cast %broadcast_in_dim3A_204 : vector<16xf32> to vector<16xf32>
    tpu.vector_store %arg6[%swap3A_205], %swap3A_208 {strides = array<i32>} : memref<640xf32, #tpu.memory_space<vmem>>, vector<16xf32>,
    %broadcast_in_dim3A_209 = arith.constant 0.000000e+00 : f32
    %broadcast_in_dim3A_210 = vector.broadcast %broadcast_in_dim3A_209 : f32 to vector<16xf32>
    %swap3A_211 = arith.constant 432 : index
    %swap3A_212 = tpu.vector_load %arg6[%swap3A_211] {strides = array<i32>} : memref<640xf32, #tpu.memory_space<vmem>>, vector<16xf32>,
    %swap3A_213 = vector.shape_cast %swap3A_212 : vector<16xf32> to vector<16xf32>
    %swap3A_214 = vector.shape_cast %broadcast_in_dim3A_210 : vector<16xf32> to vector<16xf32>
    tpu.vector_store %arg6[%swap3A_211], %swap3A_214 {strides = array<i32>} : memref<640xf32, #tpu.memory_space<vmem>>, vector<16xf32>,
    %broadcast_in_dim3A_215 = arith.constant 0.000000e+00 : f32
    %broadcast_in_dim3A_216 = vector.broadcast %broadcast_in_dim3A_215 : f32 to vector<16xf32>
    %swap3A_217 = arith.constant 448 : index
    %swap3A_218 = tpu.vector_load %arg6[%swap3A_217] {strides = array<i32>} : memref<640xf32, #tpu.memory_space<vmem>>, vector<16xf32>,
    %swap3A_219 = vector.shape_cast %swap3A_218 : vector<16xf32> to vector<16xf32>
    %swap3A_220 = vector.shape_cast %broadcast_in_dim3A_216 : vector<16xf32> to vector<16xf32>
    tpu.vector_store %arg6[%swap3A_217], %swap3A_220 {strides = array<i32>} : memref<640xf32, #tpu.memory_space<vmem>>, vector<16xf32>,
    %broadcast_in_dim3A_221 = arith.constant 0.000000e+00 : f32
    %broadcast_in_dim3A_222 = vector.broadcast %broadcast_in_dim3A_221 : f32 to vector<16xf32>
    %swap3A_223 = arith.constant 464 : index
    %swap3A_224 = tpu.vector_load %arg6[%swap3A_223] {strides = array<i32>} : memref<640xf32, #tpu.memory_space<vmem>>, vector<16xf32>,
    %swap3A_225 = vector.shape_cast %swap3A_224 : vector<16xf32> to vector<16xf32>
    %swap3A_226 = vector.shape_cast %broadcast_in_dim3A_222 : vector<16xf32> to vector<16xf32>
    tpu.vector_store %arg6[%swap3A_223], %swap3A_226 {strides = array<i32>} : memref<640xf32, #tpu.memory_space<vmem>>, vector<16xf32>,
    %broadcast_in_dim3A_227 = arith.constant 0.000000e+00 : f32
    %broadcast_in_dim3A_228 = vector.broadcast %broadcast_in_dim3A_227 : f32 to vector<16xf32>
    %swap3A_229 = arith.constant 480 : index
    %swap3A_230 = tpu.vector_load %arg6[%swap3A_229] {strides = array<i32>} : memref<640xf32, #tpu.memory_space<vmem>>, vector<16xf32>,
    %swap3A_231 = vector.shape_cast %swap3A_230 : vector<16xf32> to vector<16xf32>
    %swap3A_232 = vector.shape_cast %broadcast_in_dim3A_228 : vector<16xf32> to vector<16xf32>
    tpu.vector_store %arg6[%swap3A_229], %swap3A_232 {strides = array<i32>} : memref<640xf32, #tpu.memory_space<vmem>>, vector<16xf32>,
    %broadcast_in_dim3A_233 = arith.constant 0.000000e+00 : f32
    %broadcast_in_dim3A_234 = vector.broadcast %broadcast_in_dim3A_233 : f32 to vector<16xf32>
    %swap3A_235 = arith.constant 496 : index
    %swap3A_236 = tpu.vector_load %arg6[%swap3A_235] {strides = array<i32>} : memref<640xf32, #tpu.memory_space<vmem>>, vector<16xf32>,
    %swap3A_237 = vector.shape_cast %swap3A_236 : vector<16xf32> to vector<16xf32>
    %swap3A_238 = vector.shape_cast %broadcast_in_dim3A_234 : vector<16xf32> to vector<16xf32>
    tpu.vector_store %arg6[%swap3A_235], %swap3A_238 {strides = array<i32>} : memref<640xf32, #tpu.memory_space<vmem>>, vector<16xf32>,
    %broadcast_in_dim3A_239 = arith.constant 0.000000e+00 : f32
    %broadcast_in_dim3A_240 = vector.broadcast %broadcast_in_dim3A_239 : f32 to vector<16xf32>
    %swap3A_241 = arith.constant 512 : index
    %swap3A_242 = tpu.vector_load %arg6[%swap3A_241] {strides = array<i32>} : memref<640xf32, #tpu.memory_space<vmem>>, vector<16xf32>,
    %swap3A_243 = vector.shape_cast %swap3A_242 : vector<16xf32> to vector<16xf32>
    %swap3A_244 = vector.shape_cast %broadcast_in_dim3A_240 : vector<16xf32> to vector<16xf32>
    tpu.vector_store %arg6[%swap3A_241], %swap3A_244 {strides = array<i32>} : memref<640xf32, #tpu.memory_space<vmem>>, vector<16xf32>,
    %broadcast_in_dim3A_245 = arith.constant 0.000000e+00 : f32
    %broadcast_in_dim3A_246 = vector.broadcast %broadcast_in_dim3A_245 : f32 to vector<16xf32>
    %swap3A_247 = arith.constant 528 : index
    %swap3A_248 = tpu.vector_load %arg6[%swap3A_247] {strides = array<i32>} : memref<640xf32, #tpu.memory_space<vmem>>, vector<16xf32>,
    %swap3A_249 = vector.shape_cast %swap3A_248 : vector<16xf32> to vector<16xf32>
    %swap3A_250 = vector.shape_cast %broadcast_in_dim3A_246 : vector<16xf32> to vector<16xf32>
    tpu.vector_store %arg6[%swap3A_247], %swap3A_250 {strides = array<i32>} : memref<640xf32, #tpu.memory_space<vmem>>, vector<16xf32>,
    %broadcast_in_dim3A_251 = arith.constant 0.000000e+00 : f32
    %broadcast_in_dim3A_252 = vector.broadcast %broadcast_in_dim3A_251 : f32 to vector<16xf32>
    %swap3A_253 = arith.constant 544 : index
    %swap3A_254 = tpu.vector_load %arg6[%swap3A_253] {strides = array<i32>} : memref<640xf32, #tpu.memory_space<vmem>>, vector<16xf32>,
    %swap3A_255 = vector.shape_cast %swap3A_254 : vector<16xf32> to vector<16xf32>
    %swap3A_256 = vector.shape_cast %broadcast_in_dim3A_252 : vector<16xf32> to vector<16xf32>
    tpu.vector_store %arg6[%swap3A_253], %swap3A_256 {strides = array<i32>} : memref<640xf32, #tpu.memory_space<vmem>>, vector<16xf32>,
    %broadcast_in_dim3A_257 = arith.constant 0.000000e+00 : f32
    %broadcast_in_dim3A_258 = vector.broadcast %broadcast_in_dim3A_257 : f32 to vector<16xf32>
    %swap3A_259 = arith.constant 560 : index
    %swap3A_260 = tpu.vector_load %arg6[%swap3A_259] {strides = array<i32>} : memref<640xf32, #tpu.memory_space<vmem>>, vector<16xf32>,
    %swap3A_261 = vector.shape_cast %swap3A_260 : vector<16xf32> to vector<16xf32>
    %swap3A_262 = vector.shape_cast %broadcast_in_dim3A_258 : vector<16xf32> to vector<16xf32>
    tpu.vector_store %arg6[%swap3A_259], %swap3A_262 {strides = array<i32>} : memref<640xf32, #tpu.memory_space<vmem>>, vector<16xf32>,
    %broadcast_in_dim3A_263 = arith.constant 0.000000e+00 : f32
    %broadcast_in_dim3A_264 = vector.broadcast %broadcast_in_dim3A_263 : f32 to vector<16xf32>
    %swap3A_265 = arith.constant 576 : index
    %swap3A_266 = tpu.vector_load %arg6[%swap3A_265] {strides = array<i32>} : memref<640xf32, #tpu.memory_space<vmem>>, vector<16xf32>,
    %swap3A_267 = vector.shape_cast %swap3A_266 : vector<16xf32> to vector<16xf32>
    %swap3A_268 = vector.shape_cast %broadcast_in_dim3A_264 : vector<16xf32> to vector<16xf32>
    tpu.vector_store %arg6[%swap3A_265], %swap3A_268 {strides = array<i32>} : memref<640xf32, #tpu.memory_space<vmem>>, vector<16xf32>,
    %broadcast_in_dim3A_269 = arith.constant 0.000000e+00 : f32
    %broadcast_in_dim3A_270 = vector.broadcast %broadcast_in_dim3A_269 : f32 to vector<16xf32>
    %swap3A_271 = arith.constant 592 : index
    %swap3A_272 = tpu.vector_load %arg6[%swap3A_271] {strides = array<i32>} : memref<640xf32, #tpu.memory_space<vmem>>, vector<16xf32>,
    %swap3A_273 = vector.shape_cast %swap3A_272 : vector<16xf32> to vector<16xf32>
    %swap3A_274 = vector.shape_cast %broadcast_in_dim3A_270 : vector<16xf32> to vector<16xf32>
    tpu.vector_store %arg6[%swap3A_271], %swap3A_274 {strides = array<i32>} : memref<640xf32, #tpu.memory_space<vmem>>, vector<16xf32>,
    %broadcast_in_dim3A_275 = arith.constant 0.000000e+00 : f32
    %broadcast_in_dim3A_276 = vector.broadcast %broadcast_in_dim3A_275 : f32 to vector<16xf32>
    %swap3A_277 = arith.constant 608 : index
    %swap3A_278 = tpu.vector_load %arg6[%swap3A_277] {strides = array<i32>} : memref<640xf32, #tpu.memory_space<vmem>>, vector<16xf32>,
    %swap3A_279 = vector.shape_cast %swap3A_278 : vector<16xf32> to vector<16xf32>
    %swap3A_280 = vector.shape_cast %broadcast_in_dim3A_276 : vector<16xf32> to vector<16xf32>
    tpu.vector_store %arg6[%swap3A_277], %swap3A_280 {strides = array<i32>} : memref<640xf32, #tpu.memory_space<vmem>>, vector<16xf32>,
    %broadcast_in_dim3A_281 = arith.constant 0.000000e+00 : f32
    %broadcast_in_dim3A_282 = vector.broadcast %broadcast_in_dim3A_281 : f32 to vector<16xf32>
    %swap3A_283 = arith.constant 624 : index
    %swap3A_284 = tpu.vector_load %arg6[%swap3A_283] {strides = array<i32>} : memref<640xf32, #tpu.memory_space<vmem>>, vector<16xf32>,
    %swap3A_285 = vector.shape_cast %swap3A_284 : vector<16xf32> to vector<16xf32>
    %swap3A_286 = vector.shape_cast %broadcast_in_dim3A_282 : vector<16xf32> to vector<16xf32>
    tpu.vector_store %arg6[%swap3A_283], %swap3A_286 {strides = array<i32>} : memref<640xf32, #tpu.memory_space<vmem>>, vector<16xf32>,
    %mul3A_287 = arith.constant 640 : i32
    %mul3A_288 = arith.muli %arg1, %mul3A_287 : i32
    "tpu.region"() ({
      %run_scoped3A = tpu.sem_alloc : memref<!tpu.dma_semaphore, #tpu.memory_space<semaphore_mem>>
      %dma_start3A = tpu.memref_slice %arg7[%mul3A_288] : memref<10240xf32, #tpu.memory_space<vmem_shared>> -> memref<640xf32, #tpu.memory_space<vmem_shared>>
      %dma_start3A_299 = tpu.memref_slice %arg7[%mul3A_288] : memref<10240xf32, #tpu.memory_space<vmem_shared>> -> memref<640xf32, #tpu.memory_space<vmem_shared>>
      tpu.enqueue_dma source(%arg6 : memref<640xf32, #tpu.memory_space<vmem>>) target(%dma_start3A_299 : memref<640xf32, #tpu.memory_space<vmem_shared>>) target_semaphore(%run_scoped3A : memref<!tpu.dma_semaphore, #tpu.memory_space<semaphore_mem>>)
      %dma_wait3A = tpu.memref_slice %arg7[%mul3A_288] : memref<10240xf32, #tpu.memory_space<vmem_shared>> -> memref<640xf32, #tpu.memory_space<vmem_shared>>
      %dma_wait3A_300 = tpu.memref_slice %arg7[%mul3A_288] : memref<10240xf32, #tpu.memory_space<vmem_shared>> -> memref<640xf32, #tpu.memory_space<vmem_shared>>
      tpu.wait_dma2 semaphore(%run_scoped3A : memref<!tpu.dma_semaphore, #tpu.memory_space<semaphore_mem>>) src(%arg6 : memref<640xf32, #tpu.memory_space<vmem>>) dst(%dma_wait3A_300 : memref<640xf32, #tpu.memory_space<vmem_shared>>)
      tpu.yield
    }) : () -> ()
    %barrier3A = arith.constant 0 : index
    tpu.barrier barrier_id(%barrier3A)
    %scan3A = arith.constant 0 : i32
    %scan3A_289 = arith.constant 0 : i32
    %scan3A_290 = arith.constant 80 : i32
    %scan3A_291 = arith.addi %scan3A_289, %scan3A_290 : i32
    %scan3A_292 = arith.constant 1 : i32
    scf.for %scan3A_299 = %scan3A_289 to %scan3A_291 step %scan3A_292  : i32 {
      "tpu.region"() ({
        %run_scoped3A = tpu.sem_alloc : memref<!tpu.dma_semaphore, #tpu.memory_space<semaphore_mem>>
        %dma_start3A = arith.constant 0 : i32
        %dma_start3A_300 = tpu.memref_slice %arg4[%scan3A_299, %dma_start3A] : memref<80x128xi32, #tpu.memory_space<vmem>> -> memref<1x128xi32, #tpu.memory_space<vmem>>
        %dma_start3A_301 = tpu.memref_squeeze %dma_start3A_300 : memref<1x128xi32, #tpu.memory_space<vmem>> -> memref<128xi32, #tpu.memory_space<vmem>>
        %dma_start3A_302 = arith.constant 0 : i32
        %dma_start3A_303 = tpu.memref_slice %arg7[%dma_start3A_302] : memref<10240xf32, #tpu.memory_space<vmem_shared>> -> memref<10240xf32, #tpu.memory_space<vmem_shared>>
        tpu.enqueue_indirect_dma source(%arg5 : memref<128xf32, #tpu.memory_space<vmem>>) target(%dma_start3A_303 : memref<10240xf32, #tpu.memory_space<vmem_shared>>) offsets(%dma_start3A_301 : memref<128xi32, #tpu.memory_space<vmem>>) semaphore(%run_scoped3A : memref<!tpu.dma_semaphore, #tpu.memory_space<semaphore_mem>>) {add = true}
        %dma_wait3A = arith.constant 0 : i32
        %dma_wait3A_304 = tpu.memref_slice %arg4[%scan3A_299, %dma_wait3A] : memref<80x128xi32, #tpu.memory_space<vmem>> -> memref<1x128xi32, #tpu.memory_space<vmem>>
        %dma_wait3A_305 = tpu.memref_squeeze %dma_wait3A_304 : memref<1x128xi32, #tpu.memory_space<vmem>> -> memref<128xi32, #tpu.memory_space<vmem>>
        %dma_wait3A_306 = arith.constant 0 : i32
        %dma_wait3A_307 = tpu.memref_slice %arg7[%dma_wait3A_306] : memref<10240xf32, #tpu.memory_space<vmem_shared>> -> memref<10240xf32, #tpu.memory_space<vmem_shared>>
        tpu.wait_indirect_dma semaphore(%run_scoped3A : memref<!tpu.dma_semaphore, #tpu.memory_space<semaphore_mem>>) src(%arg5 : memref<128xf32, #tpu.memory_space<vmem>>) dst(%dma_wait3A_307 : memref<10240xf32, #tpu.memory_space<vmem_shared>>)
        tpu.yield
      }) : () -> ()
    }
    %scan3A_293 = arith.constant 80 : i32
    %barrier3A_294 = arith.constant 0 : index
    tpu.barrier barrier_id(%barrier3A_294)
    %mul3A_295 = arith.constant 640 : i32
    %mul3A_296 = arith.muli %arg1, %mul3A_295 : i32
    %mul3A_297 = arith.constant 640 : i32
    %mul3A_298 = arith.muli %arg1, %mul3A_297 : i32
    "tpu.region"() ({
      %run_scoped3A = tpu.sem_alloc : memref<!tpu.dma_semaphore, #tpu.memory_space<semaphore_mem>>
      %dma_start3A = tpu.memref_slice %arg3[%arg0, %mul3A_298] : memref<2x10240xf32, #tpu.memory_space<hbm>> -> memref<1x640xf32, #tpu.memory_space<hbm>>
      %dma_start3A_299 = tpu.memref_squeeze %dma_start3A : memref<1x640xf32, #tpu.memory_space<hbm>> -> memref<640xf32, #tpu.memory_space<hbm>>
      %dma_start3A_300 = tpu.memref_slice %arg7[%mul3A_296] : memref<10240xf32, #tpu.memory_space<vmem_shared>> -> memref<640xf32, #tpu.memory_space<vmem_shared>>
      tpu.enqueue_dma source(%dma_start3A_300 : memref<640xf32, #tpu.memory_space<vmem_shared>>) target(%dma_start3A_299 : memref<640xf32, #tpu.memory_space<hbm>>) target_semaphore(%run_scoped3A : memref<!tpu.dma_semaphore, #tpu.memory_space<semaphore_mem>>)
      %dma_wait3A = tpu.memref_slice %arg3[%arg0, %mul3A_298] : memref<2x10240xf32, #tpu.memory_space<hbm>> -> memref<1x640xf32, #tpu.memory_space<hbm>>
      %dma_wait3A_301 = tpu.memref_squeeze %dma_wait3A : memref<1x640xf32, #tpu.memory_space<hbm>> -> memref<640xf32, #tpu.memory_space<hbm>>
      %dma_wait3A_302 = tpu.memref_slice %arg7[%mul3A_296] : memref<10240xf32, #tpu.memory_space<vmem_shared>> -> memref<640xf32, #tpu.memory_space<vmem_shared>>
      tpu.wait_dma2 semaphore(%run_scoped3A : memref<!tpu.dma_semaphore, #tpu.memory_space<semaphore_mem>>) src(%dma_wait3A_302 : memref<640xf32, #tpu.memory_space<vmem_shared>>) dst(%dma_wait3A_301 : memref<640xf32, #tpu.memory_space<hbm>>)
      tpu.yield
    }) : () -> ()
    return
  }
}

#map = affine_map<(d0, d1) -> (0, 0)>
#map1 = affine_map<(d0, d1) -> (0, 0, 0, 0)>
#map2 = affine_map<(d0, d1) -> (0, 0, 0)>
module attributes {stable_mosaic.version = 14 : i64} {
  func.func @_agg_body(%arg0: i32, %arg1: i32, %arg2: memref<10000x128xf32, #tpu.memory_space<hbm>>, %arg3: memref<32x80x2x128xi32, #tpu.memory_space<hbm>>, %arg4: memref<2x10240x128xf32, #tpu.memory_space<hbm>>, %arg5: memref<2x20x2x128xi32, #tpu.memory_space<vmem>>, %arg6: memref<2x128x128xf32, #tpu.memory_space<vmem>>, %arg7: memref<10240x128xf32, #tpu.memory_space<vmem_shared>>, %arg8: memref<!tpu.dma_semaphore, #tpu.memory_space<semaphore_mem>>, %arg9: memref<!tpu.dma_semaphore, #tpu.memory_space<semaphore_mem>>, %arg10: memref<!tpu.dma_semaphore, #tpu.memory_space<semaphore_mem>>, %arg11: memref<!tpu.dma_semaphore, #tpu.memory_space<semaphore_mem>>) attributes {dimension_semantics = [#tpu.dimension_semantics<core_parallel>, #tpu.dimension_semantics<subcore_parallel>], iteration_bounds = array<i64: 2, 16>, scalar_prefetch = 0 : i64, scratch_operands = 7 : i64, tpu.core_type = #tpu.core_type<sc_vector_subcore>, window_params = [{transform_indices = #map}, {transform_indices = #map1}, {transform_indices = #map2}]} {
    %mul3A = arith.constant 16 : i32
    %mul3A_0 = arith.muli %arg0, %mul3A : i32
    %add3A = arith.addi %mul3A_0, %arg1 : i32
    %dma_start3A = arith.constant 0 : i32
    %dma_start3A_1 = arith.constant 0 : i32
    %dma_start3A_2 = arith.constant 0 : i32
    %dma_start3A_3 = arith.constant 0 : i32
    %dma_start3A_4 = tpu.memref_slice %arg5[%dma_start3A, %dma_start3A_1, %dma_start3A_2, %dma_start3A_3] : memref<2x20x2x128xi32, #tpu.memory_space<vmem>> -> memref<1x20x2x128xi32, #tpu.memory_space<vmem>>
    %dma_start3A_5 = tpu.memref_squeeze %dma_start3A_4 : memref<1x20x2x128xi32, #tpu.memory_space<vmem>> -> memref<20x2x128xi32, #tpu.memory_space<vmem>>
    %dma_start3A_6 = arith.constant 0 : i32
    %dma_start3A_7 = arith.constant 0 : i32
    %dma_start3A_8 = arith.constant 0 : i32
    %dma_start3A_9 = tpu.memref_slice %arg3[%add3A, %dma_start3A_6, %dma_start3A_7, %dma_start3A_8] : memref<32x80x2x128xi32, #tpu.memory_space<hbm>> -> memref<1x20x2x128xi32, #tpu.memory_space<hbm>>
    %dma_start3A_10 = tpu.memref_squeeze %dma_start3A_9 : memref<1x20x2x128xi32, #tpu.memory_space<hbm>> -> memref<20x2x128xi32, #tpu.memory_space<hbm>>
    %dma_start3A_11 = arith.constant 0 : i32
    %dma_start3A_12 = arith.constant 0 : i32
    %dma_start3A_13 = arith.constant 0 : i32
    %dma_start3A_14 = tpu.memref_slice %arg5[%dma_start3A, %dma_start3A_11, %dma_start3A_12, %dma_start3A_13] : memref<2x20x2x128xi32, #tpu.memory_space<vmem>> -> memref<1x20x2x128xi32, #tpu.memory_space<vmem>>
    %dma_start3A_15 = tpu.memref_squeeze %dma_start3A_14 : memref<1x20x2x128xi32, #tpu.memory_space<vmem>> -> memref<20x2x128xi32, #tpu.memory_space<vmem>>
    %dma_start3A_16 = arith.constant 0 : i32
    %dma_start3A_17 = arith.constant 0 : i32
    %dma_start3A_18 = arith.constant 0 : i32
    %dma_start3A_19 = tpu.memref_slice %arg3[%add3A, %dma_start3A_16, %dma_start3A_17, %dma_start3A_18] : memref<32x80x2x128xi32, #tpu.memory_space<hbm>> -> memref<1x20x2x128xi32, #tpu.memory_space<hbm>>
    %dma_start3A_20 = tpu.memref_squeeze %dma_start3A_19 : memref<1x20x2x128xi32, #tpu.memory_space<hbm>> -> memref<20x2x128xi32, #tpu.memory_space<hbm>>
    tpu.enqueue_dma source(%dma_start3A_20 : memref<20x2x128xi32, #tpu.memory_space<hbm>>) target(%dma_start3A_15 : memref<20x2x128xi32, #tpu.memory_space<vmem>>) target_semaphore(%arg10 : memref<!tpu.dma_semaphore, #tpu.memory_space<semaphore_mem>>)
    %scan3A = arith.constant 0 : i32
    %scan3A_21 = arith.constant 0 : i32
    %scan3A_22 = arith.constant 128 : i32
    %scan3A_23 = arith.addi %scan3A_21, %scan3A_22 : i32
    %scan3A_24 = arith.constant 1 : i32
    scf.for %scan3A_305 = %scan3A_21 to %scan3A_23 step %scan3A_24  : i32 {
      %broadcast_in_dim3A = arith.constant 0.000000e+00 : f32
      %broadcast_in_dim3A_306 = vector.broadcast %broadcast_in_dim3A : f32 to vector<16xf32>
      %swap3A = arith.constant 0 : i32
      %swap3A_307 = arith.index_cast %swap3A : i32 to index
      %swap3A_308 = arith.index_cast %scan3A_305 : i32 to index
      %swap3A_309 = arith.constant 0 : index
      %swap3A_310 = tpu.vector_load %arg6[%swap3A_307, %swap3A_308, %swap3A_309] {strides = array<i32>} : memref<2x128x128xf32, #tpu.memory_space<vmem>>, vector<1x1x16xf32>,
      %swap3A_311 = vector.shape_cast %swap3A_310 : vector<1x1x16xf32> to vector<16xf32>
      %swap3A_312 = vector.shape_cast %broadcast_in_dim3A_306 : vector<16xf32> to vector<1x1x16xf32>
      tpu.vector_store %arg6[%swap3A_307, %swap3A_308, %swap3A_309], %swap3A_312 {strides = array<i32>} : memref<2x128x128xf32, #tpu.memory_space<vmem>>, vector<1x1x16xf32>,
      %broadcast_in_dim3A_313 = arith.constant 0.000000e+00 : f32
      %broadcast_in_dim3A_314 = vector.broadcast %broadcast_in_dim3A_313 : f32 to vector<16xf32>
      %swap3A_315 = arith.constant 0 : i32
      %swap3A_316 = arith.index_cast %swap3A_315 : i32 to index
      %swap3A_317 = arith.index_cast %scan3A_305 : i32 to index
      %swap3A_318 = arith.constant 16 : index
      %swap3A_319 = tpu.vector_load %arg6[%swap3A_316, %swap3A_317, %swap3A_318] {strides = array<i32>} : memref<2x128x128xf32, #tpu.memory_space<vmem>>, vector<1x1x16xf32>,
      %swap3A_320 = vector.shape_cast %swap3A_319 : vector<1x1x16xf32> to vector<16xf32>
      %swap3A_321 = vector.shape_cast %broadcast_in_dim3A_314 : vector<16xf32> to vector<1x1x16xf32>
      tpu.vector_store %arg6[%swap3A_316, %swap3A_317, %swap3A_318], %swap3A_321 {strides = array<i32>} : memref<2x128x128xf32, #tpu.memory_space<vmem>>, vector<1x1x16xf32>,
      %broadcast_in_dim3A_322 = arith.constant 0.000000e+00 : f32
      %broadcast_in_dim3A_323 = vector.broadcast %broadcast_in_dim3A_322 : f32 to vector<16xf32>
      %swap3A_324 = arith.constant 0 : i32
      %swap3A_325 = arith.index_cast %swap3A_324 : i32 to index
      %swap3A_326 = arith.index_cast %scan3A_305 : i32 to index
      %swap3A_327 = arith.constant 32 : index
      %swap3A_328 = tpu.vector_load %arg6[%swap3A_325, %swap3A_326, %swap3A_327] {strides = array<i32>} : memref<2x128x128xf32, #tpu.memory_space<vmem>>, vector<1x1x16xf32>,
      %swap3A_329 = vector.shape_cast %swap3A_328 : vector<1x1x16xf32> to vector<16xf32>
      %swap3A_330 = vector.shape_cast %broadcast_in_dim3A_323 : vector<16xf32> to vector<1x1x16xf32>
      tpu.vector_store %arg6[%swap3A_325, %swap3A_326, %swap3A_327], %swap3A_330 {strides = array<i32>} : memref<2x128x128xf32, #tpu.memory_space<vmem>>, vector<1x1x16xf32>,
      %broadcast_in_dim3A_331 = arith.constant 0.000000e+00 : f32
      %broadcast_in_dim3A_332 = vector.broadcast %broadcast_in_dim3A_331 : f32 to vector<16xf32>
      %swap3A_333 = arith.constant 0 : i32
      %swap3A_334 = arith.index_cast %swap3A_333 : i32 to index
      %swap3A_335 = arith.index_cast %scan3A_305 : i32 to index
      %swap3A_336 = arith.constant 48 : index
      %swap3A_337 = tpu.vector_load %arg6[%swap3A_334, %swap3A_335, %swap3A_336] {strides = array<i32>} : memref<2x128x128xf32, #tpu.memory_space<vmem>>, vector<1x1x16xf32>,
      %swap3A_338 = vector.shape_cast %swap3A_337 : vector<1x1x16xf32> to vector<16xf32>
      %swap3A_339 = vector.shape_cast %broadcast_in_dim3A_332 : vector<16xf32> to vector<1x1x16xf32>
      tpu.vector_store %arg6[%swap3A_334, %swap3A_335, %swap3A_336], %swap3A_339 {strides = array<i32>} : memref<2x128x128xf32, #tpu.memory_space<vmem>>, vector<1x1x16xf32>,
      %broadcast_in_dim3A_340 = arith.constant 0.000000e+00 : f32
      %broadcast_in_dim3A_341 = vector.broadcast %broadcast_in_dim3A_340 : f32 to vector<16xf32>
      %swap3A_342 = arith.constant 0 : i32
      %swap3A_343 = arith.index_cast %swap3A_342 : i32 to index
      %swap3A_344 = arith.index_cast %scan3A_305 : i32 to index
      %swap3A_345 = arith.constant 64 : index
      %swap3A_346 = tpu.vector_load %arg6[%swap3A_343, %swap3A_344, %swap3A_345] {strides = array<i32>} : memref<2x128x128xf32, #tpu.memory_space<vmem>>, vector<1x1x16xf32>,
      %swap3A_347 = vector.shape_cast %swap3A_346 : vector<1x1x16xf32> to vector<16xf32>
      %swap3A_348 = vector.shape_cast %broadcast_in_dim3A_341 : vector<16xf32> to vector<1x1x16xf32>
      tpu.vector_store %arg6[%swap3A_343, %swap3A_344, %swap3A_345], %swap3A_348 {strides = array<i32>} : memref<2x128x128xf32, #tpu.memory_space<vmem>>, vector<1x1x16xf32>,
      %broadcast_in_dim3A_349 = arith.constant 0.000000e+00 : f32
      %broadcast_in_dim3A_350 = vector.broadcast %broadcast_in_dim3A_349 : f32 to vector<16xf32>
      %swap3A_351 = arith.constant 0 : i32
      %swap3A_352 = arith.index_cast %swap3A_351 : i32 to index
      %swap3A_353 = arith.index_cast %scan3A_305 : i32 to index
      %swap3A_354 = arith.constant 80 : index
      %swap3A_355 = tpu.vector_load %arg6[%swap3A_352, %swap3A_353, %swap3A_354] {strides = array<i32>} : memref<2x128x128xf32, #tpu.memory_space<vmem>>, vector<1x1x16xf32>,
      %swap3A_356 = vector.shape_cast %swap3A_355 : vector<1x1x16xf32> to vector<16xf32>
      %swap3A_357 = vector.shape_cast %broadcast_in_dim3A_350 : vector<16xf32> to vector<1x1x16xf32>
      tpu.vector_store %arg6[%swap3A_352, %swap3A_353, %swap3A_354], %swap3A_357 {strides = array<i32>} : memref<2x128x128xf32, #tpu.memory_space<vmem>>, vector<1x1x16xf32>,
      %broadcast_in_dim3A_358 = arith.constant 0.000000e+00 : f32
      %broadcast_in_dim3A_359 = vector.broadcast %broadcast_in_dim3A_358 : f32 to vector<16xf32>
      %swap3A_360 = arith.constant 0 : i32
      %swap3A_361 = arith.index_cast %swap3A_360 : i32 to index
      %swap3A_362 = arith.index_cast %scan3A_305 : i32 to index
      %swap3A_363 = arith.constant 96 : index
      %swap3A_364 = tpu.vector_load %arg6[%swap3A_361, %swap3A_362, %swap3A_363] {strides = array<i32>} : memref<2x128x128xf32, #tpu.memory_space<vmem>>, vector<1x1x16xf32>,
      %swap3A_365 = vector.shape_cast %swap3A_364 : vector<1x1x16xf32> to vector<16xf32>
      %swap3A_366 = vector.shape_cast %broadcast_in_dim3A_359 : vector<16xf32> to vector<1x1x16xf32>
      tpu.vector_store %arg6[%swap3A_361, %swap3A_362, %swap3A_363], %swap3A_366 {strides = array<i32>} : memref<2x128x128xf32, #tpu.memory_space<vmem>>, vector<1x1x16xf32>,
      %broadcast_in_dim3A_367 = arith.constant 0.000000e+00 : f32
      %broadcast_in_dim3A_368 = vector.broadcast %broadcast_in_dim3A_367 : f32 to vector<16xf32>
      %swap3A_369 = arith.constant 0 : i32
      %swap3A_370 = arith.index_cast %swap3A_369 : i32 to index
      %swap3A_371 = arith.index_cast %scan3A_305 : i32 to index
      %swap3A_372 = arith.constant 112 : index
      %swap3A_373 = tpu.vector_load %arg6[%swap3A_370, %swap3A_371, %swap3A_372] {strides = array<i32>} : memref<2x128x128xf32, #tpu.memory_space<vmem>>, vector<1x1x16xf32>,
      %swap3A_374 = vector.shape_cast %swap3A_373 : vector<1x1x16xf32> to vector<16xf32>
      %swap3A_375 = vector.shape_cast %broadcast_in_dim3A_368 : vector<16xf32> to vector<1x1x16xf32>
      tpu.vector_store %arg6[%swap3A_370, %swap3A_371, %swap3A_372], %swap3A_375 {strides = array<i32>} : memref<2x128x128xf32, #tpu.memory_space<vmem>>, vector<1x1x16xf32>,
    }
    %scan3A_25 = arith.constant 128 : i32
    %mul3A_26 = arith.constant 640 : i32
    %mul3A_27 = arith.muli %arg1, %mul3A_26 : i32
    %add3A_28 = arith.constant 0 : i32
    %add3A_29 = arith.addi %mul3A_27, %add3A_28 : i32
    %run_scoped3A = arith.constant 0 : i32
    "tpu.region"() ({
      %run_scoped3A_305 = tpu.sem_alloc : memref<!tpu.dma_semaphore, #tpu.memory_space<semaphore_mem>>
      %dma_start3A_306 = arith.constant 0 : i32
      %dma_start3A_307 = arith.constant 0 : i32
      %dma_start3A_308 = tpu.memref_slice %arg6[%run_scoped3A, %dma_start3A_306, %dma_start3A_307] : memref<2x128x128xf32, #tpu.memory_space<vmem>> -> memref<1x128x128xf32, #tpu.memory_space<vmem>>
      %dma_start3A_309 = tpu.memref_squeeze %dma_start3A_308 : memref<1x128x128xf32, #tpu.memory_space<vmem>> -> memref<128x128xf32, #tpu.memory_space<vmem>>
      %dma_start3A_310 = arith.constant 0 : i32
      %dma_start3A_311 = tpu.memref_slice %arg7[%add3A_29, %dma_start3A_310] : memref<10240x128xf32, #tpu.memory_space<vmem_shared>> -> memref<128x128xf32, #tpu.memory_space<vmem_shared>>
      %dma_start3A_312 = arith.constant 0 : i32
      %dma_start3A_313 = tpu.memref_slice %arg7[%add3A_29, %dma_start3A_312] : memref<10240x128xf32, #tpu.memory_space<vmem_shared>> -> memref<128x128xf32, #tpu.memory_space<vmem_shared>>
      %dma_start3A_314 = arith.constant 0 : i32
      %dma_start3A_315 = arith.constant 0 : i32
      %dma_start3A_316 = tpu.memref_slice %arg6[%run_scoped3A, %dma_start3A_314, %dma_start3A_315] : memref<2x128x128xf32, #tpu.memory_space<vmem>> -> memref<1x128x128xf32, #tpu.memory_space<vmem>>
      %dma_start3A_317 = tpu.memref_squeeze %dma_start3A_316 : memref<1x128x128xf32, #tpu.memory_space<vmem>> -> memref<128x128xf32, #tpu.memory_space<vmem>>
      tpu.enqueue_dma source(%dma_start3A_317 : memref<128x128xf32, #tpu.memory_space<vmem>>) target(%dma_start3A_313 : memref<128x128xf32, #tpu.memory_space<vmem_shared>>) target_semaphore(%run_scoped3A_305 : memref<!tpu.dma_semaphore, #tpu.memory_space<semaphore_mem>>)
      %dma_wait3A_318 = arith.constant 0 : i32
      %dma_wait3A_319 = arith.constant 0 : i32
      %dma_wait3A_320 = tpu.memref_slice %arg6[%run_scoped3A, %dma_wait3A_318, %dma_wait3A_319] : memref<2x128x128xf32, #tpu.memory_space<vmem>> -> memref<1x128x128xf32, #tpu.memory_space<vmem>>
      %dma_wait3A_321 = tpu.memref_squeeze %dma_wait3A_320 : memref<1x128x128xf32, #tpu.memory_space<vmem>> -> memref<128x128xf32, #tpu.memory_space<vmem>>
      %dma_wait3A_322 = arith.constant 0 : i32
      %dma_wait3A_323 = tpu.memref_slice %arg7[%add3A_29, %dma_wait3A_322] : memref<10240x128xf32, #tpu.memory_space<vmem_shared>> -> memref<128x128xf32, #tpu.memory_space<vmem_shared>>
      %dma_wait3A_324 = arith.constant 0 : i32
      %dma_wait3A_325 = tpu.memref_slice %arg7[%add3A_29, %dma_wait3A_324] : memref<10240x128xf32, #tpu.memory_space<vmem_shared>> -> memref<128x128xf32, #tpu.memory_space<vmem_shared>>
      %dma_wait3A_326 = arith.constant 0 : i32
      %dma_wait3A_327 = arith.constant 0 : i32
      %dma_wait3A_328 = tpu.memref_slice %arg6[%run_scoped3A, %dma_wait3A_326, %dma_wait3A_327] : memref<2x128x128xf32, #tpu.memory_space<vmem>> -> memref<1x128x128xf32, #tpu.memory_space<vmem>>
      %dma_wait3A_329 = tpu.memref_squeeze %dma_wait3A_328 : memref<1x128x128xf32, #tpu.memory_space<vmem>> -> memref<128x128xf32, #tpu.memory_space<vmem>>
      tpu.wait_dma2 semaphore(%run_scoped3A_305 : memref<!tpu.dma_semaphore, #tpu.memory_space<semaphore_mem>>) src(%dma_wait3A_329 : memref<128x128xf32, #tpu.memory_space<vmem>>) dst(%dma_wait3A_325 : memref<128x128xf32, #tpu.memory_space<vmem_shared>>)
      tpu.yield
    }) : () -> ()
    %mul3A_30 = arith.constant 640 : i32
    %mul3A_31 = arith.muli %arg1, %mul3A_30 : i32
    %add3A_32 = arith.constant 128 : i32
    %add3A_33 = arith.addi %mul3A_31, %add3A_32 : i32
    %run_scoped3A_34 = arith.constant 0 : i32
    "tpu.region"() ({
      %run_scoped3A_305 = tpu.sem_alloc : memref<!tpu.dma_semaphore, #tpu.memory_space<semaphore_mem>>
      %dma_start3A_306 = arith.constant 0 : i32
      %dma_start3A_307 = arith.constant 0 : i32
      %dma_start3A_308 = tpu.memref_slice %arg6[%run_scoped3A_34, %dma_start3A_306, %dma_start3A_307] : memref<2x128x128xf32, #tpu.memory_space<vmem>> -> memref<1x128x128xf32, #tpu.memory_space<vmem>>
      %dma_start3A_309 = tpu.memref_squeeze %dma_start3A_308 : memref<1x128x128xf32, #tpu.memory_space<vmem>> -> memref<128x128xf32, #tpu.memory_space<vmem>>
      %dma_start3A_310 = arith.constant 0 : i32
      %dma_start3A_311 = tpu.memref_slice %arg7[%add3A_33, %dma_start3A_310] : memref<10240x128xf32, #tpu.memory_space<vmem_shared>> -> memref<128x128xf32, #tpu.memory_space<vmem_shared>>
      %dma_start3A_312 = arith.constant 0 : i32
      %dma_start3A_313 = tpu.memref_slice %arg7[%add3A_33, %dma_start3A_312] : memref<10240x128xf32, #tpu.memory_space<vmem_shared>> -> memref<128x128xf32, #tpu.memory_space<vmem_shared>>
      %dma_start3A_314 = arith.constant 0 : i32
      %dma_start3A_315 = arith.constant 0 : i32
      %dma_start3A_316 = tpu.memref_slice %arg6[%run_scoped3A_34, %dma_start3A_314, %dma_start3A_315] : memref<2x128x128xf32, #tpu.memory_space<vmem>> -> memref<1x128x128xf32, #tpu.memory_space<vmem>>
      %dma_start3A_317 = tpu.memref_squeeze %dma_start3A_316 : memref<1x128x128xf32, #tpu.memory_space<vmem>> -> memref<128x128xf32, #tpu.memory_space<vmem>>
      tpu.enqueue_dma source(%dma_start3A_317 : memref<128x128xf32, #tpu.memory_space<vmem>>) target(%dma_start3A_313 : memref<128x128xf32, #tpu.memory_space<vmem_shared>>) target_semaphore(%run_scoped3A_305 : memref<!tpu.dma_semaphore, #tpu.memory_space<semaphore_mem>>)
      %dma_wait3A_318 = arith.constant 0 : i32
      %dma_wait3A_319 = arith.constant 0 : i32
      %dma_wait3A_320 = tpu.memref_slice %arg6[%run_scoped3A_34, %dma_wait3A_318, %dma_wait3A_319] : memref<2x128x128xf32, #tpu.memory_space<vmem>> -> memref<1x128x128xf32, #tpu.memory_space<vmem>>
      %dma_wait3A_321 = tpu.memref_squeeze %dma_wait3A_320 : memref<1x128x128xf32, #tpu.memory_space<vmem>> -> memref<128x128xf32, #tpu.memory_space<vmem>>
      %dma_wait3A_322 = arith.constant 0 : i32
      %dma_wait3A_323 = tpu.memref_slice %arg7[%add3A_33, %dma_wait3A_322] : memref<10240x128xf32, #tpu.memory_space<vmem_shared>> -> memref<128x128xf32, #tpu.memory_space<vmem_shared>>
      %dma_wait3A_324 = arith.constant 0 : i32
      %dma_wait3A_325 = tpu.memref_slice %arg7[%add3A_33, %dma_wait3A_324] : memref<10240x128xf32, #tpu.memory_space<vmem_shared>> -> memref<128x128xf32, #tpu.memory_space<vmem_shared>>
      %dma_wait3A_326 = arith.constant 0 : i32
      %dma_wait3A_327 = arith.constant 0 : i32
      %dma_wait3A_328 = tpu.memref_slice %arg6[%run_scoped3A_34, %dma_wait3A_326, %dma_wait3A_327] : memref<2x128x128xf32, #tpu.memory_space<vmem>> -> memref<1x128x128xf32, #tpu.memory_space<vmem>>
      %dma_wait3A_329 = tpu.memref_squeeze %dma_wait3A_328 : memref<1x128x128xf32, #tpu.memory_space<vmem>> -> memref<128x128xf32, #tpu.memory_space<vmem>>
      tpu.wait_dma2 semaphore(%run_scoped3A_305 : memref<!tpu.dma_semaphore, #tpu.memory_space<semaphore_mem>>) src(%dma_wait3A_329 : memref<128x128xf32, #tpu.memory_space<vmem>>) dst(%dma_wait3A_325 : memref<128x128xf32, #tpu.memory_space<vmem_shared>>)
      tpu.yield
    }) : () -> ()
    %mul3A_35 = arith.constant 640 : i32
    %mul3A_36 = arith.muli %arg1, %mul3A_35 : i32
    %add3A_37 = arith.constant 256 : i32
    %add3A_38 = arith.addi %mul3A_36, %add3A_37 : i32
    %run_scoped3A_39 = arith.constant 0 : i32
    "tpu.region"() ({
      %run_scoped3A_305 = tpu.sem_alloc : memref<!tpu.dma_semaphore, #tpu.memory_space<semaphore_mem>>
      %dma_start3A_306 = arith.constant 0 : i32
      %dma_start3A_307 = arith.constant 0 : i32
      %dma_start3A_308 = tpu.memref_slice %arg6[%run_scoped3A_39, %dma_start3A_306, %dma_start3A_307] : memref<2x128x128xf32, #tpu.memory_space<vmem>> -> memref<1x128x128xf32, #tpu.memory_space<vmem>>
      %dma_start3A_309 = tpu.memref_squeeze %dma_start3A_308 : memref<1x128x128xf32, #tpu.memory_space<vmem>> -> memref<128x128xf32, #tpu.memory_space<vmem>>
      %dma_start3A_310 = arith.constant 0 : i32
      %dma_start3A_311 = tpu.memref_slice %arg7[%add3A_38, %dma_start3A_310] : memref<10240x128xf32, #tpu.memory_space<vmem_shared>> -> memref<128x128xf32, #tpu.memory_space<vmem_shared>>
      %dma_start3A_312 = arith.constant 0 : i32
      %dma_start3A_313 = tpu.memref_slice %arg7[%add3A_38, %dma_start3A_312] : memref<10240x128xf32, #tpu.memory_space<vmem_shared>> -> memref<128x128xf32, #tpu.memory_space<vmem_shared>>
      %dma_start3A_314 = arith.constant 0 : i32
      %dma_start3A_315 = arith.constant 0 : i32
      %dma_start3A_316 = tpu.memref_slice %arg6[%run_scoped3A_39, %dma_start3A_314, %dma_start3A_315] : memref<2x128x128xf32, #tpu.memory_space<vmem>> -> memref<1x128x128xf32, #tpu.memory_space<vmem>>
      %dma_start3A_317 = tpu.memref_squeeze %dma_start3A_316 : memref<1x128x128xf32, #tpu.memory_space<vmem>> -> memref<128x128xf32, #tpu.memory_space<vmem>>
      tpu.enqueue_dma source(%dma_start3A_317 : memref<128x128xf32, #tpu.memory_space<vmem>>) target(%dma_start3A_313 : memref<128x128xf32, #tpu.memory_space<vmem_shared>>) target_semaphore(%run_scoped3A_305 : memref<!tpu.dma_semaphore, #tpu.memory_space<semaphore_mem>>)
      %dma_wait3A_318 = arith.constant 0 : i32
      %dma_wait3A_319 = arith.constant 0 : i32
      %dma_wait3A_320 = tpu.memref_slice %arg6[%run_scoped3A_39, %dma_wait3A_318, %dma_wait3A_319] : memref<2x128x128xf32, #tpu.memory_space<vmem>> -> memref<1x128x128xf32, #tpu.memory_space<vmem>>
      %dma_wait3A_321 = tpu.memref_squeeze %dma_wait3A_320 : memref<1x128x128xf32, #tpu.memory_space<vmem>> -> memref<128x128xf32, #tpu.memory_space<vmem>>
      %dma_wait3A_322 = arith.constant 0 : i32
      %dma_wait3A_323 = tpu.memref_slice %arg7[%add3A_38, %dma_wait3A_322] : memref<10240x128xf32, #tpu.memory_space<vmem_shared>> -> memref<128x128xf32, #tpu.memory_space<vmem_shared>>
      %dma_wait3A_324 = arith.constant 0 : i32
      %dma_wait3A_325 = tpu.memref_slice %arg7[%add3A_38, %dma_wait3A_324] : memref<10240x128xf32, #tpu.memory_space<vmem_shared>> -> memref<128x128xf32, #tpu.memory_space<vmem_shared>>
      %dma_wait3A_326 = arith.constant 0 : i32
      %dma_wait3A_327 = arith.constant 0 : i32
      %dma_wait3A_328 = tpu.memref_slice %arg6[%run_scoped3A_39, %dma_wait3A_326, %dma_wait3A_327] : memref<2x128x128xf32, #tpu.memory_space<vmem>> -> memref<1x128x128xf32, #tpu.memory_space<vmem>>
      %dma_wait3A_329 = tpu.memref_squeeze %dma_wait3A_328 : memref<1x128x128xf32, #tpu.memory_space<vmem>> -> memref<128x128xf32, #tpu.memory_space<vmem>>
      tpu.wait_dma2 semaphore(%run_scoped3A_305 : memref<!tpu.dma_semaphore, #tpu.memory_space<semaphore_mem>>) src(%dma_wait3A_329 : memref<128x128xf32, #tpu.memory_space<vmem>>) dst(%dma_wait3A_325 : memref<128x128xf32, #tpu.memory_space<vmem_shared>>)
      tpu.yield
    }) : () -> ()
    %mul3A_40 = arith.constant 640 : i32
    %mul3A_41 = arith.muli %arg1, %mul3A_40 : i32
    %add3A_42 = arith.constant 384 : i32
    %add3A_43 = arith.addi %mul3A_41, %add3A_42 : i32
    %run_scoped3A_44 = arith.constant 0 : i32
    "tpu.region"() ({
      %run_scoped3A_305 = tpu.sem_alloc : memref<!tpu.dma_semaphore, #tpu.memory_space<semaphore_mem>>
      %dma_start3A_306 = arith.constant 0 : i32
      %dma_start3A_307 = arith.constant 0 : i32
      %dma_start3A_308 = tpu.memref_slice %arg6[%run_scoped3A_44, %dma_start3A_306, %dma_start3A_307] : memref<2x128x128xf32, #tpu.memory_space<vmem>> -> memref<1x128x128xf32, #tpu.memory_space<vmem>>
      %dma_start3A_309 = tpu.memref_squeeze %dma_start3A_308 : memref<1x128x128xf32, #tpu.memory_space<vmem>> -> memref<128x128xf32, #tpu.memory_space<vmem>>
      %dma_start3A_310 = arith.constant 0 : i32
      %dma_start3A_311 = tpu.memref_slice %arg7[%add3A_43, %dma_start3A_310] : memref<10240x128xf32, #tpu.memory_space<vmem_shared>> -> memref<128x128xf32, #tpu.memory_space<vmem_shared>>
      %dma_start3A_312 = arith.constant 0 : i32
      %dma_start3A_313 = tpu.memref_slice %arg7[%add3A_43, %dma_start3A_312] : memref<10240x128xf32, #tpu.memory_space<vmem_shared>> -> memref<128x128xf32, #tpu.memory_space<vmem_shared>>
      %dma_start3A_314 = arith.constant 0 : i32
      %dma_start3A_315 = arith.constant 0 : i32
      %dma_start3A_316 = tpu.memref_slice %arg6[%run_scoped3A_44, %dma_start3A_314, %dma_start3A_315] : memref<2x128x128xf32, #tpu.memory_space<vmem>> -> memref<1x128x128xf32, #tpu.memory_space<vmem>>
      %dma_start3A_317 = tpu.memref_squeeze %dma_start3A_316 : memref<1x128x128xf32, #tpu.memory_space<vmem>> -> memref<128x128xf32, #tpu.memory_space<vmem>>
      tpu.enqueue_dma source(%dma_start3A_317 : memref<128x128xf32, #tpu.memory_space<vmem>>) target(%dma_start3A_313 : memref<128x128xf32, #tpu.memory_space<vmem_shared>>) target_semaphore(%run_scoped3A_305 : memref<!tpu.dma_semaphore, #tpu.memory_space<semaphore_mem>>)
      %dma_wait3A_318 = arith.constant 0 : i32
      %dma_wait3A_319 = arith.constant 0 : i32
      %dma_wait3A_320 = tpu.memref_slice %arg6[%run_scoped3A_44, %dma_wait3A_318, %dma_wait3A_319] : memref<2x128x128xf32, #tpu.memory_space<vmem>> -> memref<1x128x128xf32, #tpu.memory_space<vmem>>
      %dma_wait3A_321 = tpu.memref_squeeze %dma_wait3A_320 : memref<1x128x128xf32, #tpu.memory_space<vmem>> -> memref<128x128xf32, #tpu.memory_space<vmem>>
      %dma_wait3A_322 = arith.constant 0 : i32
      %dma_wait3A_323 = tpu.memref_slice %arg7[%add3A_43, %dma_wait3A_322] : memref<10240x128xf32, #tpu.memory_space<vmem_shared>> -> memref<128x128xf32, #tpu.memory_space<vmem_shared>>
      %dma_wait3A_324 = arith.constant 0 : i32
      %dma_wait3A_325 = tpu.memref_slice %arg7[%add3A_43, %dma_wait3A_324] : memref<10240x128xf32, #tpu.memory_space<vmem_shared>> -> memref<128x128xf32, #tpu.memory_space<vmem_shared>>
      %dma_wait3A_326 = arith.constant 0 : i32
      %dma_wait3A_327 = arith.constant 0 : i32
      %dma_wait3A_328 = tpu.memref_slice %arg6[%run_scoped3A_44, %dma_wait3A_326, %dma_wait3A_327] : memref<2x128x128xf32, #tpu.memory_space<vmem>> -> memref<1x128x128xf32, #tpu.memory_space<vmem>>
      %dma_wait3A_329 = tpu.memref_squeeze %dma_wait3A_328 : memref<1x128x128xf32, #tpu.memory_space<vmem>> -> memref<128x128xf32, #tpu.memory_space<vmem>>
      tpu.wait_dma2 semaphore(%run_scoped3A_305 : memref<!tpu.dma_semaphore, #tpu.memory_space<semaphore_mem>>) src(%dma_wait3A_329 : memref<128x128xf32, #tpu.memory_space<vmem>>) dst(%dma_wait3A_325 : memref<128x128xf32, #tpu.memory_space<vmem_shared>>)
      tpu.yield
    }) : () -> ()
    %mul3A_45 = arith.constant 640 : i32
    %mul3A_46 = arith.muli %arg1, %mul3A_45 : i32
    %add3A_47 = arith.constant 512 : i32
    %add3A_48 = arith.addi %mul3A_46, %add3A_47 : i32
    %run_scoped3A_49 = arith.constant 0 : i32
    "tpu.region"() ({
      %run_scoped3A_305 = tpu.sem_alloc : memref<!tpu.dma_semaphore, #tpu.memory_space<semaphore_mem>>
      %dma_start3A_306 = arith.constant 0 : i32
      %dma_start3A_307 = arith.constant 0 : i32
      %dma_start3A_308 = tpu.memref_slice %arg6[%run_scoped3A_49, %dma_start3A_306, %dma_start3A_307] : memref<2x128x128xf32, #tpu.memory_space<vmem>> -> memref<1x128x128xf32, #tpu.memory_space<vmem>>
      %dma_start3A_309 = tpu.memref_squeeze %dma_start3A_308 : memref<1x128x128xf32, #tpu.memory_space<vmem>> -> memref<128x128xf32, #tpu.memory_space<vmem>>
      %dma_start3A_310 = arith.constant 0 : i32
      %dma_start3A_311 = tpu.memref_slice %arg7[%add3A_48, %dma_start3A_310] : memref<10240x128xf32, #tpu.memory_space<vmem_shared>> -> memref<128x128xf32, #tpu.memory_space<vmem_shared>>
      %dma_start3A_312 = arith.constant 0 : i32
      %dma_start3A_313 = tpu.memref_slice %arg7[%add3A_48, %dma_start3A_312] : memref<10240x128xf32, #tpu.memory_space<vmem_shared>> -> memref<128x128xf32, #tpu.memory_space<vmem_shared>>
      %dma_start3A_314 = arith.constant 0 : i32
      %dma_start3A_315 = arith.constant 0 : i32
      %dma_start3A_316 = tpu.memref_slice %arg6[%run_scoped3A_49, %dma_start3A_314, %dma_start3A_315] : memref<2x128x128xf32, #tpu.memory_space<vmem>> -> memref<1x128x128xf32, #tpu.memory_space<vmem>>
      %dma_start3A_317 = tpu.memref_squeeze %dma_start3A_316 : memref<1x128x128xf32, #tpu.memory_space<vmem>> -> memref<128x128xf32, #tpu.memory_space<vmem>>
      tpu.enqueue_dma source(%dma_start3A_317 : memref<128x128xf32, #tpu.memory_space<vmem>>) target(%dma_start3A_313 : memref<128x128xf32, #tpu.memory_space<vmem_shared>>) target_semaphore(%run_scoped3A_305 : memref<!tpu.dma_semaphore, #tpu.memory_space<semaphore_mem>>)
      %dma_wait3A_318 = arith.constant 0 : i32
      %dma_wait3A_319 = arith.constant 0 : i32
      %dma_wait3A_320 = tpu.memref_slice %arg6[%run_scoped3A_49, %dma_wait3A_318, %dma_wait3A_319] : memref<2x128x128xf32, #tpu.memory_space<vmem>> -> memref<1x128x128xf32, #tpu.memory_space<vmem>>
      %dma_wait3A_321 = tpu.memref_squeeze %dma_wait3A_320 : memref<1x128x128xf32, #tpu.memory_space<vmem>> -> memref<128x128xf32, #tpu.memory_space<vmem>>
      %dma_wait3A_322 = arith.constant 0 : i32
      %dma_wait3A_323 = tpu.memref_slice %arg7[%add3A_48, %dma_wait3A_322] : memref<10240x128xf32, #tpu.memory_space<vmem_shared>> -> memref<128x128xf32, #tpu.memory_space<vmem_shared>>
      %dma_wait3A_324 = arith.constant 0 : i32
      %dma_wait3A_325 = tpu.memref_slice %arg7[%add3A_48, %dma_wait3A_324] : memref<10240x128xf32, #tpu.memory_space<vmem_shared>> -> memref<128x128xf32, #tpu.memory_space<vmem_shared>>
      %dma_wait3A_326 = arith.constant 0 : i32
      %dma_wait3A_327 = arith.constant 0 : i32
      %dma_wait3A_328 = tpu.memref_slice %arg6[%run_scoped3A_49, %dma_wait3A_326, %dma_wait3A_327] : memref<2x128x128xf32, #tpu.memory_space<vmem>> -> memref<1x128x128xf32, #tpu.memory_space<vmem>>
      %dma_wait3A_329 = tpu.memref_squeeze %dma_wait3A_328 : memref<1x128x128xf32, #tpu.memory_space<vmem>> -> memref<128x128xf32, #tpu.memory_space<vmem>>
      tpu.wait_dma2 semaphore(%run_scoped3A_305 : memref<!tpu.dma_semaphore, #tpu.memory_space<semaphore_mem>>) src(%dma_wait3A_329 : memref<128x128xf32, #tpu.memory_space<vmem>>) dst(%dma_wait3A_325 : memref<128x128xf32, #tpu.memory_space<vmem_shared>>)
      tpu.yield
    }) : () -> ()
    %barrier3A = arith.constant 0 : index
    tpu.barrier barrier_id(%barrier3A)
    %dma_wait3A = arith.constant 0 : i32
    %dma_wait3A_50 = arith.constant 0 : i32
    %dma_wait3A_51 = arith.constant 0 : i32
    %dma_wait3A_52 = arith.constant 0 : i32
    %dma_wait3A_53 = tpu.memref_slice %arg5[%dma_wait3A, %dma_wait3A_50, %dma_wait3A_51, %dma_wait3A_52] : memref<2x20x2x128xi32, #tpu.memory_space<vmem>> -> memref<1x20x2x128xi32, #tpu.memory_space<vmem>>
    %dma_wait3A_54 = tpu.memref_squeeze %dma_wait3A_53 : memref<1x20x2x128xi32, #tpu.memory_space<vmem>> -> memref<20x2x128xi32, #tpu.memory_space<vmem>>
    %dma_wait3A_55 = arith.constant 0 : i32
    %dma_wait3A_56 = arith.constant 0 : i32
    %dma_wait3A_57 = arith.constant 0 : i32
    %dma_wait3A_58 = tpu.memref_slice %arg3[%add3A, %dma_wait3A_55, %dma_wait3A_56, %dma_wait3A_57] : memref<32x80x2x128xi32, #tpu.memory_space<hbm>> -> memref<1x20x2x128xi32, #tpu.memory_space<hbm>>
    %dma_wait3A_59 = tpu.memref_squeeze %dma_wait3A_58 : memref<1x20x2x128xi32, #tpu.memory_space<hbm>> -> memref<20x2x128xi32, #tpu.memory_space<hbm>>
    %dma_wait3A_60 = arith.constant 0 : i32
    %dma_wait3A_61 = arith.constant 0 : i32
    %dma_wait3A_62 = arith.constant 0 : i32
    %dma_wait3A_63 = tpu.memref_slice %arg5[%dma_wait3A, %dma_wait3A_60, %dma_wait3A_61, %dma_wait3A_62] : memref<2x20x2x128xi32, #tpu.memory_space<vmem>> -> memref<1x20x2x128xi32, #tpu.memory_space<vmem>>
    %dma_wait3A_64 = tpu.memref_squeeze %dma_wait3A_63 : memref<1x20x2x128xi32, #tpu.memory_space<vmem>> -> memref<20x2x128xi32, #tpu.memory_space<vmem>>
    %dma_wait3A_65 = arith.constant 0 : i32
    %dma_wait3A_66 = arith.constant 0 : i32
    %dma_wait3A_67 = arith.constant 0 : i32
    %dma_wait3A_68 = tpu.memref_slice %arg3[%add3A, %dma_wait3A_65, %dma_wait3A_66, %dma_wait3A_67] : memref<32x80x2x128xi32, #tpu.memory_space<hbm>> -> memref<1x20x2x128xi32, #tpu.memory_space<hbm>>
    %dma_wait3A_69 = tpu.memref_squeeze %dma_wait3A_68 : memref<1x20x2x128xi32, #tpu.memory_space<hbm>> -> memref<20x2x128xi32, #tpu.memory_space<hbm>>
    tpu.wait_dma2 semaphore(%arg10 : memref<!tpu.dma_semaphore, #tpu.memory_space<semaphore_mem>>) src(%dma_wait3A_69 : memref<20x2x128xi32, #tpu.memory_space<hbm>>) dst(%dma_wait3A_64 : memref<20x2x128xi32, #tpu.memory_space<vmem>>)
    %dma_start3A_70 = arith.constant 1 : i32
    %dma_start3A_71 = arith.constant 0 : i32
    %dma_start3A_72 = arith.constant 0 : i32
    %dma_start3A_73 = arith.constant 0 : i32
    %dma_start3A_74 = tpu.memref_slice %arg5[%dma_start3A_70, %dma_start3A_71, %dma_start3A_72, %dma_start3A_73] : memref<2x20x2x128xi32, #tpu.memory_space<vmem>> -> memref<1x20x2x128xi32, #tpu.memory_space<vmem>>
    %dma_start3A_75 = tpu.memref_squeeze %dma_start3A_74 : memref<1x20x2x128xi32, #tpu.memory_space<vmem>> -> memref<20x2x128xi32, #tpu.memory_space<vmem>>
    %dma_start3A_76 = arith.constant 20 : i32
    %dma_start3A_77 = arith.constant 0 : i32
    %dma_start3A_78 = arith.constant 0 : i32
    %dma_start3A_79 = tpu.memref_slice %arg3[%add3A, %dma_start3A_76, %dma_start3A_77, %dma_start3A_78] : memref<32x80x2x128xi32, #tpu.memory_space<hbm>> -> memref<1x20x2x128xi32, #tpu.memory_space<hbm>>
    %dma_start3A_80 = tpu.memref_squeeze %dma_start3A_79 : memref<1x20x2x128xi32, #tpu.memory_space<hbm>> -> memref<20x2x128xi32, #tpu.memory_space<hbm>>
    %dma_start3A_81 = arith.constant 0 : i32
    %dma_start3A_82 = arith.constant 0 : i32
    %dma_start3A_83 = arith.constant 0 : i32
    %dma_start3A_84 = tpu.memref_slice %arg5[%dma_start3A_70, %dma_start3A_81, %dma_start3A_82, %dma_start3A_83] : memref<2x20x2x128xi32, #tpu.memory_space<vmem>> -> memref<1x20x2x128xi32, #tpu.memory_space<vmem>>
    %dma_start3A_85 = tpu.memref_squeeze %dma_start3A_84 : memref<1x20x2x128xi32, #tpu.memory_space<vmem>> -> memref<20x2x128xi32, #tpu.memory_space<vmem>>
    %dma_start3A_86 = arith.constant 20 : i32
    %dma_start3A_87 = arith.constant 0 : i32
    %dma_start3A_88 = arith.constant 0 : i32
    %dma_start3A_89 = tpu.memref_slice %arg3[%add3A, %dma_start3A_86, %dma_start3A_87, %dma_start3A_88] : memref<32x80x2x128xi32, #tpu.memory_space<hbm>> -> memref<1x20x2x128xi32, #tpu.memory_space<hbm>>
    %dma_start3A_90 = tpu.memref_squeeze %dma_start3A_89 : memref<1x20x2x128xi32, #tpu.memory_space<hbm>> -> memref<20x2x128xi32, #tpu.memory_space<hbm>>
    tpu.enqueue_dma source(%dma_start3A_90 : memref<20x2x128xi32, #tpu.memory_space<hbm>>) target(%dma_start3A_85 : memref<20x2x128xi32, #tpu.memory_space<vmem>>) target_semaphore(%arg11 : memref<!tpu.dma_semaphore, #tpu.memory_space<semaphore_mem>>)
    %dma_start3A_91 = arith.constant 0 : i32
    %dma_start3A_92 = arith.constant 0 : i32
    %dma_start3A_93 = arith.constant 0 : i32
    %dma_start3A_94 = arith.constant 0 : i32
    %dma_start3A_95 = arith.constant 0 : i32
    %dma_start3A_96 = arith.constant 0 : i32
    %dma_start3A_97 = tpu.memref_slice %arg6[%dma_start3A_94, %dma_start3A_95, %dma_start3A_96] : memref<2x128x128xf32, #tpu.memory_space<vmem>> -> memref<1x128x128xf32, #tpu.memory_space<vmem>>
    %dma_start3A_98 = tpu.memref_squeeze %dma_start3A_97 : memref<1x128x128xf32, #tpu.memory_space<vmem>> -> memref<128x128xf32, #tpu.memory_space<vmem>>
    %dma_start3A_99 = arith.constant 0 : i32
    %dma_start3A_100 = arith.constant 0 : i32
    %dma_start3A_101 = arith.constant 0 : i32
    %dma_start3A_102 = tpu.memref_slice %arg5[%dma_start3A_91, %dma_start3A_99, %dma_start3A_100, %dma_start3A_101] : memref<2x20x2x128xi32, #tpu.memory_space<vmem>> -> memref<1x20x2x128xi32, #tpu.memory_space<vmem>>
    %dma_start3A_103 = tpu.memref_squeeze %dma_start3A_102 : memref<1x20x2x128xi32, #tpu.memory_space<vmem>> -> memref<20x2x128xi32, #tpu.memory_space<vmem>>
    %dma_start3A_104 = arith.constant 0 : i32
    %dma_start3A_105 = tpu.memref_slice %dma_start3A_103[%dma_start3A_92, %dma_start3A_93, %dma_start3A_104] : memref<20x2x128xi32, #tpu.memory_space<vmem>> -> memref<1x1x128xi32, #tpu.memory_space<vmem>>
    %dma_start3A_106 = tpu.memref_squeeze %dma_start3A_105 : memref<1x1x128xi32, #tpu.memory_space<vmem>> -> memref<128xi32, #tpu.memory_space<vmem>>
    %dma_start3A_107 = arith.constant 0 : i32
    %dma_start3A_108 = arith.constant 0 : i32
    %dma_start3A_109 = tpu.memref_slice %arg2[%dma_start3A_107, %dma_start3A_108] : memref<10000x128xf32, #tpu.memory_space<hbm>> -> memref<10000x128xf32, #tpu.memory_space<hbm>>
    tpu.enqueue_indirect_dma source(%dma_start3A_109 : memref<10000x128xf32, #tpu.memory_space<hbm>>) target(%dma_start3A_98 : memref<128x128xf32, #tpu.memory_space<vmem>>) offsets(%dma_start3A_106 : memref<128xi32, #tpu.memory_space<vmem>>) semaphore(%arg8 : memref<!tpu.dma_semaphore, #tpu.memory_space<semaphore_mem>>)
    %scan3A_110 = arith.constant 0 : i32
    %scan3A_111 = arith.constant 0 : i32
    %scan3A_112 = arith.constant 0 : i32
    %scan3A_113 = arith.constant 10 : i32
    %scan3A_114 = arith.addi %scan3A_112, %scan3A_113 : i32
    %scan3A_115 = arith.constant 1 : i32
    scf.for %scan3A_305 = %scan3A_112 to %scan3A_114 step %scan3A_115  : i32 {
      %mul3A_306 = arith.constant 2 : i32
      %mul3A_307 = arith.muli %mul3A_306, %scan3A_305 : i32
      %dma_wait3A_308 = arith.constant 0 : i32
      %dma_wait3A_309 = arith.constant 0 : i32
      %dma_wait3A_310 = arith.constant 0 : i32
      %dma_wait3A_311 = arith.constant 0 : i32
      %dma_wait3A_312 = tpu.memref_slice %arg6[%dma_wait3A_309, %dma_wait3A_310, %dma_wait3A_311] : memref<2x128x128xf32, #tpu.memory_space<vmem>> -> memref<1x128x128xf32, #tpu.memory_space<vmem>>
      %dma_wait3A_313 = tpu.memref_squeeze %dma_wait3A_312 : memref<1x128x128xf32, #tpu.memory_space<vmem>> -> memref<128x128xf32, #tpu.memory_space<vmem>>
      %dma_wait3A_314 = arith.constant 0 : i32
      %dma_wait3A_315 = arith.constant 0 : i32
      %dma_wait3A_316 = arith.constant 0 : i32
      %dma_wait3A_317 = tpu.memref_slice %arg5[%scan3A_111, %dma_wait3A_314, %dma_wait3A_315, %dma_wait3A_316] : memref<2x20x2x128xi32, #tpu.memory_space<vmem>> -> memref<1x20x2x128xi32, #tpu.memory_space<vmem>>
      %dma_wait3A_318 = tpu.memref_squeeze %dma_wait3A_317 : memref<1x20x2x128xi32, #tpu.memory_space<vmem>> -> memref<20x2x128xi32, #tpu.memory_space<vmem>>
      %dma_wait3A_319 = arith.constant 0 : i32
      %dma_wait3A_320 = tpu.memref_slice %dma_wait3A_318[%mul3A_307, %dma_wait3A_308, %dma_wait3A_319] : memref<20x2x128xi32, #tpu.memory_space<vmem>> -> memref<1x1x128xi32, #tpu.memory_space<vmem>>
      %dma_wait3A_321 = tpu.memref_squeeze %dma_wait3A_320 : memref<1x1x128xi32, #tpu.memory_space<vmem>> -> memref<128xi32, #tpu.memory_space<vmem>>
      %dma_wait3A_322 = arith.constant 0 : i32
      %dma_wait3A_323 = arith.constant 0 : i32
      %dma_wait3A_324 = tpu.memref_slice %arg2[%dma_wait3A_322, %dma_wait3A_323] : memref<10000x128xf32, #tpu.memory_space<hbm>> -> memref<10000x128xf32, #tpu.memory_space<hbm>>
      tpu.wait_indirect_dma semaphore(%arg8 : memref<!tpu.dma_semaphore, #tpu.memory_space<semaphore_mem>>) src(%dma_wait3A_324 : memref<10000x128xf32, #tpu.memory_space<hbm>>) dst(%dma_wait3A_313 : memref<128x128xf32, #tpu.memory_space<vmem>>)
      %add3A_325 = arith.constant 1 : i32
      %add3A_326 = arith.addi %mul3A_307, %add3A_325 : i32
      %dma_start3A_327 = arith.constant 0 : i32
      %dma_start3A_328 = arith.constant 1 : i32
      %dma_start3A_329 = arith.constant 0 : i32
      %dma_start3A_330 = arith.constant 0 : i32
      %dma_start3A_331 = tpu.memref_slice %arg6[%dma_start3A_328, %dma_start3A_329, %dma_start3A_330] : memref<2x128x128xf32, #tpu.memory_space<vmem>> -> memref<1x128x128xf32, #tpu.memory_space<vmem>>
      %dma_start3A_332 = tpu.memref_squeeze %dma_start3A_331 : memref<1x128x128xf32, #tpu.memory_space<vmem>> -> memref<128x128xf32, #tpu.memory_space<vmem>>
      %dma_start3A_333 = arith.constant 0 : i32
      %dma_start3A_334 = arith.constant 0 : i32
      %dma_start3A_335 = arith.constant 0 : i32
      %dma_start3A_336 = tpu.memref_slice %arg5[%scan3A_111, %dma_start3A_333, %dma_start3A_334, %dma_start3A_335] : memref<2x20x2x128xi32, #tpu.memory_space<vmem>> -> memref<1x20x2x128xi32, #tpu.memory_space<vmem>>
      %dma_start3A_337 = tpu.memref_squeeze %dma_start3A_336 : memref<1x20x2x128xi32, #tpu.memory_space<vmem>> -> memref<20x2x128xi32, #tpu.memory_space<vmem>>
      %dma_start3A_338 = arith.constant 0 : i32
      %dma_start3A_339 = tpu.memref_slice %dma_start3A_337[%add3A_326, %dma_start3A_327, %dma_start3A_338] : memref<20x2x128xi32, #tpu.memory_space<vmem>> -> memref<1x1x128xi32, #tpu.memory_space<vmem>>
      %dma_start3A_340 = tpu.memref_squeeze %dma_start3A_339 : memref<1x1x128xi32, #tpu.memory_space<vmem>> -> memref<128xi32, #tpu.memory_space<vmem>>
      %dma_start3A_341 = arith.constant 0 : i32
      %dma_start3A_342 = arith.constant 0 : i32
      %dma_start3A_343 = tpu.memref_slice %arg2[%dma_start3A_341, %dma_start3A_342] : memref<10000x128xf32, #tpu.memory_space<hbm>> -> memref<10000x128xf32, #tpu.memory_space<hbm>>
      tpu.enqueue_indirect_dma source(%dma_start3A_343 : memref<10000x128xf32, #tpu.memory_space<hbm>>) target(%dma_start3A_332 : memref<128x128xf32, #tpu.memory_space<vmem>>) offsets(%dma_start3A_340 : memref<128xi32, #tpu.memory_space<vmem>>) semaphore(%arg9 : memref<!tpu.dma_semaphore, #tpu.memory_space<semaphore_mem>>)
      %run_scoped3A_344 = arith.constant 0 : i32
      %run_scoped3A_345 = arith.constant 1 : i32
      "tpu.region"() ({
        %run_scoped3A_373 = tpu.sem_alloc : memref<!tpu.dma_semaphore, #tpu.memory_space<semaphore_mem>>
        %dma_start3A_374 = arith.constant 0 : i32
        %dma_start3A_375 = arith.constant 0 : i32
        %dma_start3A_376 = tpu.memref_slice %arg6[%run_scoped3A_344, %dma_start3A_374, %dma_start3A_375] : memref<2x128x128xf32, #tpu.memory_space<vmem>> -> memref<1x128x128xf32, #tpu.memory_space<vmem>>
        %dma_start3A_377 = tpu.memref_squeeze %dma_start3A_376 : memref<1x128x128xf32, #tpu.memory_space<vmem>> -> memref<128x128xf32, #tpu.memory_space<vmem>>
        %dma_start3A_378 = arith.constant 0 : i32
        %dma_start3A_379 = arith.constant 0 : i32
        %dma_start3A_380 = arith.constant 0 : i32
        %dma_start3A_381 = tpu.memref_slice %arg5[%scan3A_111, %dma_start3A_378, %dma_start3A_379, %dma_start3A_380] : memref<2x20x2x128xi32, #tpu.memory_space<vmem>> -> memref<1x20x2x128xi32, #tpu.memory_space<vmem>>
        %dma_start3A_382 = tpu.memref_squeeze %dma_start3A_381 : memref<1x20x2x128xi32, #tpu.memory_space<vmem>> -> memref<20x2x128xi32, #tpu.memory_space<vmem>>
        %dma_start3A_383 = arith.constant 0 : i32
        %dma_start3A_384 = tpu.memref_slice %dma_start3A_382[%mul3A_307, %run_scoped3A_345, %dma_start3A_383] : memref<20x2x128xi32, #tpu.memory_space<vmem>> -> memref<1x1x128xi32, #tpu.memory_space<vmem>>
        %dma_start3A_385 = tpu.memref_squeeze %dma_start3A_384 : memref<1x1x128xi32, #tpu.memory_space<vmem>> -> memref<128xi32, #tpu.memory_space<vmem>>
        %dma_start3A_386 = arith.constant 0 : i32
        %dma_start3A_387 = arith.constant 0 : i32
        %dma_start3A_388 = tpu.memref_slice %arg7[%dma_start3A_386, %dma_start3A_387] : memref<10240x128xf32, #tpu.memory_space<vmem_shared>> -> memref<10240x128xf32, #tpu.memory_space<vmem_shared>>
        tpu.enqueue_indirect_dma source(%dma_start3A_377 : memref<128x128xf32, #tpu.memory_space<vmem>>) target(%dma_start3A_388 : memref<10240x128xf32, #tpu.memory_space<vmem_shared>>) offsets(%dma_start3A_385 : memref<128xi32, #tpu.memory_space<vmem>>) semaphore(%run_scoped3A_373 : memref<!tpu.dma_semaphore, #tpu.memory_space<semaphore_mem>>) {add = true}
        %dma_wait3A_389 = arith.constant 0 : i32
        %dma_wait3A_390 = arith.constant 0 : i32
        %dma_wait3A_391 = tpu.memref_slice %arg6[%run_scoped3A_344, %dma_wait3A_389, %dma_wait3A_390] : memref<2x128x128xf32, #tpu.memory_space<vmem>> -> memref<1x128x128xf32, #tpu.memory_space<vmem>>
        %dma_wait3A_392 = tpu.memref_squeeze %dma_wait3A_391 : memref<1x128x128xf32, #tpu.memory_space<vmem>> -> memref<128x128xf32, #tpu.memory_space<vmem>>
        %dma_wait3A_393 = arith.constant 0 : i32
        %dma_wait3A_394 = arith.constant 0 : i32
        %dma_wait3A_395 = arith.constant 0 : i32
        %dma_wait3A_396 = tpu.memref_slice %arg5[%scan3A_111, %dma_wait3A_393, %dma_wait3A_394, %dma_wait3A_395] : memref<2x20x2x128xi32, #tpu.memory_space<vmem>> -> memref<1x20x2x128xi32, #tpu.memory_space<vmem>>
        %dma_wait3A_397 = tpu.memref_squeeze %dma_wait3A_396 : memref<1x20x2x128xi32, #tpu.memory_space<vmem>> -> memref<20x2x128xi32, #tpu.memory_space<vmem>>
        %dma_wait3A_398 = arith.constant 0 : i32
        %dma_wait3A_399 = tpu.memref_slice %dma_wait3A_397[%mul3A_307, %run_scoped3A_345, %dma_wait3A_398] : memref<20x2x128xi32, #tpu.memory_space<vmem>> -> memref<1x1x128xi32, #tpu.memory_space<vmem>>
        %dma_wait3A_400 = tpu.memref_squeeze %dma_wait3A_399 : memref<1x1x128xi32, #tpu.memory_space<vmem>> -> memref<128xi32, #tpu.memory_space<vmem>>
        %dma_wait3A_401 = arith.constant 0 : i32
        %dma_wait3A_402 = arith.constant 0 : i32
        %dma_wait3A_403 = tpu.memref_slice %arg7[%dma_wait3A_401, %dma_wait3A_402] : memref<10240x128xf32, #tpu.memory_space<vmem_shared>> -> memref<10240x128xf32, #tpu.memory_space<vmem_shared>>
        tpu.wait_indirect_dma semaphore(%run_scoped3A_373 : memref<!tpu.dma_semaphore, #tpu.memory_space<semaphore_mem>>) src(%dma_wait3A_392 : memref<128x128xf32, #tpu.memory_space<vmem>>) dst(%dma_wait3A_403 : memref<10240x128xf32, #tpu.memory_space<vmem_shared>>)
        tpu.yield
      }) : () -> ()
      %add3A_346 = arith.constant 1 : i32
      %add3A_347 = arith.addi %mul3A_307, %add3A_346 : i32
      %dma_wait3A_348 = arith.constant 0 : i32
      %dma_wait3A_349 = arith.constant 1 : i32
      %dma_wait3A_350 = arith.constant 0 : i32
      %dma_wait3A_351 = arith.constant 0 : i32
      %dma_wait3A_352 = tpu.memref_slice %arg6[%dma_wait3A_349, %dma_wait3A_350, %dma_wait3A_351] : memref<2x128x128xf32, #tpu.memory_space<vmem>> -> memref<1x128x128xf32, #tpu.memory_space<vmem>>
      %dma_wait3A_353 = tpu.memref_squeeze %dma_wait3A_352 : memref<1x128x128xf32, #tpu.memory_space<vmem>> -> memref<128x128xf32, #tpu.memory_space<vmem>>
      %dma_wait3A_354 = arith.constant 0 : i32
      %dma_wait3A_355 = arith.constant 0 : i32
      %dma_wait3A_356 = arith.constant 0 : i32
      %dma_wait3A_357 = tpu.memref_slice %arg5[%scan3A_111, %dma_wait3A_354, %dma_wait3A_355, %dma_wait3A_356] : memref<2x20x2x128xi32, #tpu.memory_space<vmem>> -> memref<1x20x2x128xi32, #tpu.memory_space<vmem>>
      %dma_wait3A_358 = tpu.memref_squeeze %dma_wait3A_357 : memref<1x20x2x128xi32, #tpu.memory_space<vmem>> -> memref<20x2x128xi32, #tpu.memory_space<vmem>>
      %dma_wait3A_359 = arith.constant 0 : i32
      %dma_wait3A_360 = tpu.memref_slice %dma_wait3A_358[%add3A_347, %dma_wait3A_348, %dma_wait3A_359] : memref<20x2x128xi32, #tpu.memory_space<vmem>> -> memref<1x1x128xi32, #tpu.memory_space<vmem>>
      %dma_wait3A_361 = tpu.memref_squeeze %dma_wait3A_360 : memref<1x1x128xi32, #tpu.memory_space<vmem>> -> memref<128xi32, #tpu.memory_space<vmem>>
      %dma_wait3A_362 = arith.constant 0 : i32
      %dma_wait3A_363 = arith.constant 0 : i32
      %dma_wait3A_364 = tpu.memref_slice %arg2[%dma_wait3A_362, %dma_wait3A_363] : memref<10000x128xf32, #tpu.memory_space<hbm>> -> memref<10000x128xf32, #tpu.memory_space<hbm>>
      tpu.wait_indirect_dma semaphore(%arg9 : memref<!tpu.dma_semaphore, #tpu.memory_space<semaphore_mem>>) src(%dma_wait3A_364 : memref<10000x128xf32, #tpu.memory_space<hbm>>) dst(%dma_wait3A_353 : memref<128x128xf32, #tpu.memory_space<vmem>>)
      %add3A_365 = arith.constant 2 : i32
      %add3A_366 = arith.addi %mul3A_307, %add3A_365 : i32
      %lt3A = arith.constant 20 : i32
      %lt3A_367 = arith.cmpi slt, %add3A_366, %lt3A : i32
      %convert_element_type3A = arith.extui %lt3A_367 : i1 to i32
      %cond3A = arith.constant 0 : i32
      %cond3A_368 = arith.cmpi ne, %convert_element_type3A, %cond3A : i32
      scf.if %cond3A_368 {
        %add3A_373 = arith.constant 2 : i32
        %add3A_374 = arith.addi %mul3A_307, %add3A_373 : i32
        %dma_start3A_375 = arith.constant 0 : i32
        %dma_start3A_376 = arith.constant 0 : i32
        %dma_start3A_377 = arith.constant 0 : i32
        %dma_start3A_378 = arith.constant 0 : i32
        %dma_start3A_379 = tpu.memref_slice %arg6[%dma_start3A_376, %dma_start3A_377, %dma_start3A_378] : memref<2x128x128xf32, #tpu.memory_space<vmem>> -> memref<1x128x128xf32, #tpu.memory_space<vmem>>
        %dma_start3A_380 = tpu.memref_squeeze %dma_start3A_379 : memref<1x128x128xf32, #tpu.memory_space<vmem>> -> memref<128x128xf32, #tpu.memory_space<vmem>>
        %dma_start3A_381 = arith.constant 0 : i32
        %dma_start3A_382 = arith.constant 0 : i32
        %dma_start3A_383 = arith.constant 0 : i32
        %dma_start3A_384 = tpu.memref_slice %arg5[%scan3A_111, %dma_start3A_381, %dma_start3A_382, %dma_start3A_383] : memref<2x20x2x128xi32, #tpu.memory_space<vmem>> -> memref<1x20x2x128xi32, #tpu.memory_space<vmem>>
        %dma_start3A_385 = tpu.memref_squeeze %dma_start3A_384 : memref<1x20x2x128xi32, #tpu.memory_space<vmem>> -> memref<20x2x128xi32, #tpu.memory_space<vmem>>
        %dma_start3A_386 = arith.constant 0 : i32
        %dma_start3A_387 = tpu.memref_slice %dma_start3A_385[%add3A_374, %dma_start3A_375, %dma_start3A_386] : memref<20x2x128xi32, #tpu.memory_space<vmem>> -> memref<1x1x128xi32, #tpu.memory_space<vmem>>
        %dma_start3A_388 = tpu.memref_squeeze %dma_start3A_387 : memref<1x1x128xi32, #tpu.memory_space<vmem>> -> memref<128xi32, #tpu.memory_space<vmem>>
        %dma_start3A_389 = arith.constant 0 : i32
        %dma_start3A_390 = arith.constant 0 : i32
        %dma_start3A_391 = tpu.memref_slice %arg2[%dma_start3A_389, %dma_start3A_390] : memref<10000x128xf32, #tpu.memory_space<hbm>> -> memref<10000x128xf32, #tpu.memory_space<hbm>>
        tpu.enqueue_indirect_dma source(%dma_start3A_391 : memref<10000x128xf32, #tpu.memory_space<hbm>>) target(%dma_start3A_380 : memref<128x128xf32, #tpu.memory_space<vmem>>) offsets(%dma_start3A_388 : memref<128xi32, #tpu.memory_space<vmem>>) semaphore(%arg8 : memref<!tpu.dma_semaphore, #tpu.memory_space<semaphore_mem>>)
      } else {
      }
      %add3A_369 = arith.constant 1 : i32
      %add3A_370 = arith.addi %mul3A_307, %add3A_369 : i32
      %run_scoped3A_371 = arith.constant 1 : i32
      %run_scoped3A_372 = arith.constant 1 : i32
      "tpu.region"() ({
        %run_scoped3A_373 = tpu.sem_alloc : memref<!tpu.dma_semaphore, #tpu.memory_space<semaphore_mem>>
        %dma_start3A_374 = arith.constant 0 : i32
        %dma_start3A_375 = arith.constant 0 : i32
        %dma_start3A_376 = tpu.memref_slice %arg6[%run_scoped3A_371, %dma_start3A_374, %dma_start3A_375] : memref<2x128x128xf32, #tpu.memory_space<vmem>> -> memref<1x128x128xf32, #tpu.memory_space<vmem>>
        %dma_start3A_377 = tpu.memref_squeeze %dma_start3A_376 : memref<1x128x128xf32, #tpu.memory_space<vmem>> -> memref<128x128xf32, #tpu.memory_space<vmem>>
        %dma_start3A_378 = arith.constant 0 : i32
        %dma_start3A_379 = arith.constant 0 : i32
        %dma_start3A_380 = arith.constant 0 : i32
        %dma_start3A_381 = tpu.memref_slice %arg5[%scan3A_111, %dma_start3A_378, %dma_start3A_379, %dma_start3A_380] : memref<2x20x2x128xi32, #tpu.memory_space<vmem>> -> memref<1x20x2x128xi32, #tpu.memory_space<vmem>>
        %dma_start3A_382 = tpu.memref_squeeze %dma_start3A_381 : memref<1x20x2x128xi32, #tpu.memory_space<vmem>> -> memref<20x2x128xi32, #tpu.memory_space<vmem>>
        %dma_start3A_383 = arith.constant 0 : i32
        %dma_start3A_384 = tpu.memref_slice %dma_start3A_382[%add3A_370, %run_scoped3A_372, %dma_start3A_383] : memref<20x2x128xi32, #tpu.memory_space<vmem>> -> memref<1x1x128xi32, #tpu.memory_space<vmem>>
        %dma_start3A_385 = tpu.memref_squeeze %dma_start3A_384 : memref<1x1x128xi32, #tpu.memory_space<vmem>> -> memref<128xi32, #tpu.memory_space<vmem>>
        %dma_start3A_386 = arith.constant 0 : i32
        %dma_start3A_387 = arith.constant 0 : i32
        %dma_start3A_388 = tpu.memref_slice %arg7[%dma_start3A_386, %dma_start3A_387] : memref<10240x128xf32, #tpu.memory_space<vmem_shared>> -> memref<10240x128xf32, #tpu.memory_space<vmem_shared>>
        tpu.enqueue_indirect_dma source(%dma_start3A_377 : memref<128x128xf32, #tpu.memory_space<vmem>>) target(%dma_start3A_388 : memref<10240x128xf32, #tpu.memory_space<vmem_shared>>) offsets(%dma_start3A_385 : memref<128xi32, #tpu.memory_space<vmem>>) semaphore(%run_scoped3A_373 : memref<!tpu.dma_semaphore, #tpu.memory_space<semaphore_mem>>) {add = true}
        %dma_wait3A_389 = arith.constant 0 : i32
        %dma_wait3A_390 = arith.constant 0 : i32
        %dma_wait3A_391 = tpu.memref_slice %arg6[%run_scoped3A_371, %dma_wait3A_389, %dma_wait3A_390] : memref<2x128x128xf32, #tpu.memory_space<vmem>> -> memref<1x128x128xf32, #tpu.memory_space<vmem>>
        %dma_wait3A_392 = tpu.memref_squeeze %dma_wait3A_391 : memref<1x128x128xf32, #tpu.memory_space<vmem>> -> memref<128x128xf32, #tpu.memory_space<vmem>>
        %dma_wait3A_393 = arith.constant 0 : i32
        %dma_wait3A_394 = arith.constant 0 : i32
        %dma_wait3A_395 = arith.constant 0 : i32
        %dma_wait3A_396 = tpu.memref_slice %arg5[%scan3A_111, %dma_wait3A_393, %dma_wait3A_394, %dma_wait3A_395] : memref<2x20x2x128xi32, #tpu.memory_space<vmem>> -> memref<1x20x2x128xi32, #tpu.memory_space<vmem>>
        %dma_wait3A_397 = tpu.memref_squeeze %dma_wait3A_396 : memref<1x20x2x128xi32, #tpu.memory_space<vmem>> -> memref<20x2x128xi32, #tpu.memory_space<vmem>>
        %dma_wait3A_398 = arith.constant 0 : i32
        %dma_wait3A_399 = tpu.memref_slice %dma_wait3A_397[%add3A_370, %run_scoped3A_372, %dma_wait3A_398] : memref<20x2x128xi32, #tpu.memory_space<vmem>> -> memref<1x1x128xi32, #tpu.memory_space<vmem>>
        %dma_wait3A_400 = tpu.memref_squeeze %dma_wait3A_399 : memref<1x1x128xi32, #tpu.memory_space<vmem>> -> memref<128xi32, #tpu.memory_space<vmem>>
        %dma_wait3A_401 = arith.constant 0 : i32
        %dma_wait3A_402 = arith.constant 0 : i32
        %dma_wait3A_403 = tpu.memref_slice %arg7[%dma_wait3A_401, %dma_wait3A_402] : memref<10240x128xf32, #tpu.memory_space<vmem_shared>> -> memref<10240x128xf32, #tpu.memory_space<vmem_shared>>
        tpu.wait_indirect_dma semaphore(%run_scoped3A_373 : memref<!tpu.dma_semaphore, #tpu.memory_space<semaphore_mem>>) src(%dma_wait3A_392 : memref<128x128xf32, #tpu.memory_space<vmem>>) dst(%dma_wait3A_403 : memref<10240x128xf32, #tpu.memory_space<vmem_shared>>)
        tpu.yield
      }) : () -> ()
    }
    %scan3A_116 = arith.constant 10 : i32
    %dma_wait3A_117 = arith.constant 1 : i32
    %dma_wait3A_118 = arith.constant 0 : i32
    %dma_wait3A_119 = arith.constant 0 : i32
    %dma_wait3A_120 = arith.constant 0 : i32
    %dma_wait3A_121 = tpu.memref_slice %arg5[%dma_wait3A_117, %dma_wait3A_118, %dma_wait3A_119, %dma_wait3A_120] : memref<2x20x2x128xi32, #tpu.memory_space<vmem>> -> memref<1x20x2x128xi32, #tpu.memory_space<vmem>>
    %dma_wait3A_122 = tpu.memref_squeeze %dma_wait3A_121 : memref<1x20x2x128xi32, #tpu.memory_space<vmem>> -> memref<20x2x128xi32, #tpu.memory_space<vmem>>
    %dma_wait3A_123 = arith.constant 20 : i32
    %dma_wait3A_124 = arith.constant 0 : i32
    %dma_wait3A_125 = arith.constant 0 : i32
    %dma_wait3A_126 = tpu.memref_slice %arg3[%add3A, %dma_wait3A_123, %dma_wait3A_124, %dma_wait3A_125] : memref<32x80x2x128xi32, #tpu.memory_space<hbm>> -> memref<1x20x2x128xi32, #tpu.memory_space<hbm>>
    %dma_wait3A_127 = tpu.memref_squeeze %dma_wait3A_126 : memref<1x20x2x128xi32, #tpu.memory_space<hbm>> -> memref<20x2x128xi32, #tpu.memory_space<hbm>>
    %dma_wait3A_128 = arith.constant 0 : i32
    %dma_wait3A_129 = arith.constant 0 : i32
    %dma_wait3A_130 = arith.constant 0 : i32
    %dma_wait3A_131 = tpu.memref_slice %arg5[%dma_wait3A_117, %dma_wait3A_128, %dma_wait3A_129, %dma_wait3A_130] : memref<2x20x2x128xi32, #tpu.memory_space<vmem>> -> memref<1x20x2x128xi32, #tpu.memory_space<vmem>>
    %dma_wait3A_132 = tpu.memref_squeeze %dma_wait3A_131 : memref<1x20x2x128xi32, #tpu.memory_space<vmem>> -> memref<20x2x128xi32, #tpu.memory_space<vmem>>
    %dma_wait3A_133 = arith.constant 20 : i32
    %dma_wait3A_134 = arith.constant 0 : i32
    %dma_wait3A_135 = arith.constant 0 : i32
    %dma_wait3A_136 = tpu.memref_slice %arg3[%add3A, %dma_wait3A_133, %dma_wait3A_134, %dma_wait3A_135] : memref<32x80x2x128xi32, #tpu.memory_space<hbm>> -> memref<1x20x2x128xi32, #tpu.memory_space<hbm>>
    %dma_wait3A_137 = tpu.memref_squeeze %dma_wait3A_136 : memref<1x20x2x128xi32, #tpu.memory_space<hbm>> -> memref<20x2x128xi32, #tpu.memory_space<hbm>>
    tpu.wait_dma2 semaphore(%arg11 : memref<!tpu.dma_semaphore, #tpu.memory_space<semaphore_mem>>) src(%dma_wait3A_137 : memref<20x2x128xi32, #tpu.memory_space<hbm>>) dst(%dma_wait3A_132 : memref<20x2x128xi32, #tpu.memory_space<vmem>>)
    %dma_start3A_138 = arith.constant 0 : i32
    %dma_start3A_139 = arith.constant 0 : i32
    %dma_start3A_140 = arith.constant 0 : i32
    %dma_start3A_141 = arith.constant 0 : i32
    %dma_start3A_142 = tpu.memref_slice %arg5[%dma_start3A_138, %dma_start3A_139, %dma_start3A_140, %dma_start3A_141] : memref<2x20x2x128xi32, #tpu.memory_space<vmem>> -> memref<1x20x2x128xi32, #tpu.memory_space<vmem>>
    %dma_start3A_143 = tpu.memref_squeeze %dma_start3A_142 : memref<1x20x2x128xi32, #tpu.memory_space<vmem>> -> memref<20x2x128xi32, #tpu.memory_space<vmem>>
    %dma_start3A_144 = arith.constant 40 : i32
    %dma_start3A_145 = arith.constant 0 : i32
    %dma_start3A_146 = arith.constant 0 : i32
    %dma_start3A_147 = tpu.memref_slice %arg3[%add3A, %dma_start3A_144, %dma_start3A_145, %dma_start3A_146] : memref<32x80x2x128xi32, #tpu.memory_space<hbm>> -> memref<1x20x2x128xi32, #tpu.memory_space<hbm>>
    %dma_start3A_148 = tpu.memref_squeeze %dma_start3A_147 : memref<1x20x2x128xi32, #tpu.memory_space<hbm>> -> memref<20x2x128xi32, #tpu.memory_space<hbm>>
    %dma_start3A_149 = arith.constant 0 : i32
    %dma_start3A_150 = arith.constant 0 : i32
    %dma_start3A_151 = arith.constant 0 : i32
    %dma_start3A_152 = tpu.memref_slice %arg5[%dma_start3A_138, %dma_start3A_149, %dma_start3A_150, %dma_start3A_151] : memref<2x20x2x128xi32, #tpu.memory_space<vmem>> -> memref<1x20x2x128xi32, #tpu.memory_space<vmem>>
    %dma_start3A_153 = tpu.memref_squeeze %dma_start3A_152 : memref<1x20x2x128xi32, #tpu.memory_space<vmem>> -> memref<20x2x128xi32, #tpu.memory_space<vmem>>
    %dma_start3A_154 = arith.constant 40 : i32
    %dma_start3A_155 = arith.constant 0 : i32
    %dma_start3A_156 = arith.constant 0 : i32
    %dma_start3A_157 = tpu.memref_slice %arg3[%add3A, %dma_start3A_154, %dma_start3A_155, %dma_start3A_156] : memref<32x80x2x128xi32, #tpu.memory_space<hbm>> -> memref<1x20x2x128xi32, #tpu.memory_space<hbm>>
    %dma_start3A_158 = tpu.memref_squeeze %dma_start3A_157 : memref<1x20x2x128xi32, #tpu.memory_space<hbm>> -> memref<20x2x128xi32, #tpu.memory_space<hbm>>
    tpu.enqueue_dma source(%dma_start3A_158 : memref<20x2x128xi32, #tpu.memory_space<hbm>>) target(%dma_start3A_153 : memref<20x2x128xi32, #tpu.memory_space<vmem>>) target_semaphore(%arg10 : memref<!tpu.dma_semaphore, #tpu.memory_space<semaphore_mem>>)
    %dma_start3A_159 = arith.constant 1 : i32
    %dma_start3A_160 = arith.constant 0 : i32
    %dma_start3A_161 = arith.constant 0 : i32
    %dma_start3A_162 = arith.constant 0 : i32
    %dma_start3A_163 = arith.constant 0 : i32
    %dma_start3A_164 = arith.constant 0 : i32
    %dma_start3A_165 = tpu.memref_slice %arg6[%dma_start3A_162, %dma_start3A_163, %dma_start3A_164] : memref<2x128x128xf32, #tpu.memory_space<vmem>> -> memref<1x128x128xf32, #tpu.memory_space<vmem>>
    %dma_start3A_166 = tpu.memref_squeeze %dma_start3A_165 : memref<1x128x128xf32, #tpu.memory_space<vmem>> -> memref<128x128xf32, #tpu.memory_space<vmem>>
    %dma_start3A_167 = arith.constant 0 : i32
    %dma_start3A_168 = arith.constant 0 : i32
    %dma_start3A_169 = arith.constant 0 : i32
    %dma_start3A_170 = tpu.memref_slice %arg5[%dma_start3A_159, %dma_start3A_167, %dma_start3A_168, %dma_start3A_169] : memref<2x20x2x128xi32, #tpu.memory_space<vmem>> -> memref<1x20x2x128xi32, #tpu.memory_space<vmem>>
    %dma_start3A_171 = tpu.memref_squeeze %dma_start3A_170 : memref<1x20x2x128xi32, #tpu.memory_space<vmem>> -> memref<20x2x128xi32, #tpu.memory_space<vmem>>
    %dma_start3A_172 = arith.constant 0 : i32
    %dma_start3A_173 = tpu.memref_slice %dma_start3A_171[%dma_start3A_160, %dma_start3A_161, %dma_start3A_172] : memref<20x2x128xi32, #tpu.memory_space<vmem>> -> memref<1x1x128xi32, #tpu.memory_space<vmem>>
    %dma_start3A_174 = tpu.memref_squeeze %dma_start3A_173 : memref<1x1x128xi32, #tpu.memory_space<vmem>> -> memref<128xi32, #tpu.memory_space<vmem>>
    %dma_start3A_175 = arith.constant 0 : i32
    %dma_start3A_176 = arith.constant 0 : i32
    %dma_start3A_177 = tpu.memref_slice %arg2[%dma_start3A_175, %dma_start3A_176] : memref<10000x128xf32, #tpu.memory_space<hbm>> -> memref<10000x128xf32, #tpu.memory_space<hbm>>
    tpu.enqueue_indirect_dma source(%dma_start3A_177 : memref<10000x128xf32, #tpu.memory_space<hbm>>) target(%dma_start3A_166 : memref<128x128xf32, #tpu.memory_space<vmem>>) offsets(%dma_start3A_174 : memref<128xi32, #tpu.memory_space<vmem>>) semaphore(%arg8 : memref<!tpu.dma_semaphore, #tpu.memory_space<semaphore_mem>>)
    %scan3A_178 = arith.constant 0 : i32
    %scan3A_179 = arith.constant 1 : i32
    %scan3A_180 = arith.constant 0 : i32
    %scan3A_181 = arith.constant 10 : i32
    %scan3A_182 = arith.addi %scan3A_180, %scan3A_181 : i32
    %scan3A_183 = arith.constant 1 : i32
    scf.for %scan3A_305 = %scan3A_180 to %scan3A_182 step %scan3A_183  : i32 {
      %mul3A_306 = arith.constant 2 : i32
      %mul3A_307 = arith.muli %mul3A_306, %scan3A_305 : i32
      %dma_wait3A_308 = arith.constant 0 : i32
      %dma_wait3A_309 = arith.constant 0 : i32
      %dma_wait3A_310 = arith.constant 0 : i32
      %dma_wait3A_311 = arith.constant 0 : i32
      %dma_wait3A_312 = tpu.memref_slice %arg6[%dma_wait3A_309, %dma_wait3A_310, %dma_wait3A_311] : memref<2x128x128xf32, #tpu.memory_space<vmem>> -> memref<1x128x128xf32, #tpu.memory_space<vmem>>
      %dma_wait3A_313 = tpu.memref_squeeze %dma_wait3A_312 : memref<1x128x128xf32, #tpu.memory_space<vmem>> -> memref<128x128xf32, #tpu.memory_space<vmem>>
      %dma_wait3A_314 = arith.constant 0 : i32
      %dma_wait3A_315 = arith.constant 0 : i32
      %dma_wait3A_316 = arith.constant 0 : i32
      %dma_wait3A_317 = tpu.memref_slice %arg5[%scan3A_179, %dma_wait3A_314, %dma_wait3A_315, %dma_wait3A_316] : memref<2x20x2x128xi32, #tpu.memory_space<vmem>> -> memref<1x20x2x128xi32, #tpu.memory_space<vmem>>
      %dma_wait3A_318 = tpu.memref_squeeze %dma_wait3A_317 : memref<1x20x2x128xi32, #tpu.memory_space<vmem>> -> memref<20x2x128xi32, #tpu.memory_space<vmem>>
      %dma_wait3A_319 = arith.constant 0 : i32
      %dma_wait3A_320 = tpu.memref_slice %dma_wait3A_318[%mul3A_307, %dma_wait3A_308, %dma_wait3A_319] : memref<20x2x128xi32, #tpu.memory_space<vmem>> -> memref<1x1x128xi32, #tpu.memory_space<vmem>>
      %dma_wait3A_321 = tpu.memref_squeeze %dma_wait3A_320 : memref<1x1x128xi32, #tpu.memory_space<vmem>> -> memref<128xi32, #tpu.memory_space<vmem>>
      %dma_wait3A_322 = arith.constant 0 : i32
      %dma_wait3A_323 = arith.constant 0 : i32
      %dma_wait3A_324 = tpu.memref_slice %arg2[%dma_wait3A_322, %dma_wait3A_323] : memref<10000x128xf32, #tpu.memory_space<hbm>> -> memref<10000x128xf32, #tpu.memory_space<hbm>>
      tpu.wait_indirect_dma semaphore(%arg8 : memref<!tpu.dma_semaphore, #tpu.memory_space<semaphore_mem>>) src(%dma_wait3A_324 : memref<10000x128xf32, #tpu.memory_space<hbm>>) dst(%dma_wait3A_313 : memref<128x128xf32, #tpu.memory_space<vmem>>)
      %add3A_325 = arith.constant 1 : i32
      %add3A_326 = arith.addi %mul3A_307, %add3A_325 : i32
      %dma_start3A_327 = arith.constant 0 : i32
      %dma_start3A_328 = arith.constant 1 : i32
      %dma_start3A_329 = arith.constant 0 : i32
      %dma_start3A_330 = arith.constant 0 : i32
      %dma_start3A_331 = tpu.memref_slice %arg6[%dma_start3A_328, %dma_start3A_329, %dma_start3A_330] : memref<2x128x128xf32, #tpu.memory_space<vmem>> -> memref<1x128x128xf32, #tpu.memory_space<vmem>>
      %dma_start3A_332 = tpu.memref_squeeze %dma_start3A_331 : memref<1x128x128xf32, #tpu.memory_space<vmem>> -> memref<128x128xf32, #tpu.memory_space<vmem>>
      %dma_start3A_333 = arith.constant 0 : i32
      %dma_start3A_334 = arith.constant 0 : i32
      %dma_start3A_335 = arith.constant 0 : i32
      %dma_start3A_336 = tpu.memref_slice %arg5[%scan3A_179, %dma_start3A_333, %dma_start3A_334, %dma_start3A_335] : memref<2x20x2x128xi32, #tpu.memory_space<vmem>> -> memref<1x20x2x128xi32, #tpu.memory_space<vmem>>
      %dma_start3A_337 = tpu.memref_squeeze %dma_start3A_336 : memref<1x20x2x128xi32, #tpu.memory_space<vmem>> -> memref<20x2x128xi32, #tpu.memory_space<vmem>>
      %dma_start3A_338 = arith.constant 0 : i32
      %dma_start3A_339 = tpu.memref_slice %dma_start3A_337[%add3A_326, %dma_start3A_327, %dma_start3A_338] : memref<20x2x128xi32, #tpu.memory_space<vmem>> -> memref<1x1x128xi32, #tpu.memory_space<vmem>>
      %dma_start3A_340 = tpu.memref_squeeze %dma_start3A_339 : memref<1x1x128xi32, #tpu.memory_space<vmem>> -> memref<128xi32, #tpu.memory_space<vmem>>
      %dma_start3A_341 = arith.constant 0 : i32
      %dma_start3A_342 = arith.constant 0 : i32
      %dma_start3A_343 = tpu.memref_slice %arg2[%dma_start3A_341, %dma_start3A_342] : memref<10000x128xf32, #tpu.memory_space<hbm>> -> memref<10000x128xf32, #tpu.memory_space<hbm>>
      tpu.enqueue_indirect_dma source(%dma_start3A_343 : memref<10000x128xf32, #tpu.memory_space<hbm>>) target(%dma_start3A_332 : memref<128x128xf32, #tpu.memory_space<vmem>>) offsets(%dma_start3A_340 : memref<128xi32, #tpu.memory_space<vmem>>) semaphore(%arg9 : memref<!tpu.dma_semaphore, #tpu.memory_space<semaphore_mem>>)
      %run_scoped3A_344 = arith.constant 0 : i32
      %run_scoped3A_345 = arith.constant 1 : i32
      "tpu.region"() ({
        %run_scoped3A_373 = tpu.sem_alloc : memref<!tpu.dma_semaphore, #tpu.memory_space<semaphore_mem>>
        %dma_start3A_374 = arith.constant 0 : i32
        %dma_start3A_375 = arith.constant 0 : i32
        %dma_start3A_376 = tpu.memref_slice %arg6[%run_scoped3A_344, %dma_start3A_374, %dma_start3A_375] : memref<2x128x128xf32, #tpu.memory_space<vmem>> -> memref<1x128x128xf32, #tpu.memory_space<vmem>>
        %dma_start3A_377 = tpu.memref_squeeze %dma_start3A_376 : memref<1x128x128xf32, #tpu.memory_space<vmem>> -> memref<128x128xf32, #tpu.memory_space<vmem>>
        %dma_start3A_378 = arith.constant 0 : i32
        %dma_start3A_379 = arith.constant 0 : i32
        %dma_start3A_380 = arith.constant 0 : i32
        %dma_start3A_381 = tpu.memref_slice %arg5[%scan3A_179, %dma_start3A_378, %dma_start3A_379, %dma_start3A_380] : memref<2x20x2x128xi32, #tpu.memory_space<vmem>> -> memref<1x20x2x128xi32, #tpu.memory_space<vmem>>
        %dma_start3A_382 = tpu.memref_squeeze %dma_start3A_381 : memref<1x20x2x128xi32, #tpu.memory_space<vmem>> -> memref<20x2x128xi32, #tpu.memory_space<vmem>>
        %dma_start3A_383 = arith.constant 0 : i32
        %dma_start3A_384 = tpu.memref_slice %dma_start3A_382[%mul3A_307, %run_scoped3A_345, %dma_start3A_383] : memref<20x2x128xi32, #tpu.memory_space<vmem>> -> memref<1x1x128xi32, #tpu.memory_space<vmem>>
        %dma_start3A_385 = tpu.memref_squeeze %dma_start3A_384 : memref<1x1x128xi32, #tpu.memory_space<vmem>> -> memref<128xi32, #tpu.memory_space<vmem>>
        %dma_start3A_386 = arith.constant 0 : i32
        %dma_start3A_387 = arith.constant 0 : i32
        %dma_start3A_388 = tpu.memref_slice %arg7[%dma_start3A_386, %dma_start3A_387] : memref<10240x128xf32, #tpu.memory_space<vmem_shared>> -> memref<10240x128xf32, #tpu.memory_space<vmem_shared>>
        tpu.enqueue_indirect_dma source(%dma_start3A_377 : memref<128x128xf32, #tpu.memory_space<vmem>>) target(%dma_start3A_388 : memref<10240x128xf32, #tpu.memory_space<vmem_shared>>) offsets(%dma_start3A_385 : memref<128xi32, #tpu.memory_space<vmem>>) semaphore(%run_scoped3A_373 : memref<!tpu.dma_semaphore, #tpu.memory_space<semaphore_mem>>) {add = true}
        %dma_wait3A_389 = arith.constant 0 : i32
        %dma_wait3A_390 = arith.constant 0 : i32
        %dma_wait3A_391 = tpu.memref_slice %arg6[%run_scoped3A_344, %dma_wait3A_389, %dma_wait3A_390] : memref<2x128x128xf32, #tpu.memory_space<vmem>> -> memref<1x128x128xf32, #tpu.memory_space<vmem>>
        %dma_wait3A_392 = tpu.memref_squeeze %dma_wait3A_391 : memref<1x128x128xf32, #tpu.memory_space<vmem>> -> memref<128x128xf32, #tpu.memory_space<vmem>>
        %dma_wait3A_393 = arith.constant 0 : i32
        %dma_wait3A_394 = arith.constant 0 : i32
        %dma_wait3A_395 = arith.constant 0 : i32
        %dma_wait3A_396 = tpu.memref_slice %arg5[%scan3A_179, %dma_wait3A_393, %dma_wait3A_394, %dma_wait3A_395] : memref<2x20x2x128xi32, #tpu.memory_space<vmem>> -> memref<1x20x2x128xi32, #tpu.memory_space<vmem>>
        %dma_wait3A_397 = tpu.memref_squeeze %dma_wait3A_396 : memref<1x20x2x128xi32, #tpu.memory_space<vmem>> -> memref<20x2x128xi32, #tpu.memory_space<vmem>>
        %dma_wait3A_398 = arith.constant 0 : i32
        %dma_wait3A_399 = tpu.memref_slice %dma_wait3A_397[%mul3A_307, %run_scoped3A_345, %dma_wait3A_398] : memref<20x2x128xi32, #tpu.memory_space<vmem>> -> memref<1x1x128xi32, #tpu.memory_space<vmem>>
        %dma_wait3A_400 = tpu.memref_squeeze %dma_wait3A_399 : memref<1x1x128xi32, #tpu.memory_space<vmem>> -> memref<128xi32, #tpu.memory_space<vmem>>
        %dma_wait3A_401 = arith.constant 0 : i32
        %dma_wait3A_402 = arith.constant 0 : i32
        %dma_wait3A_403 = tpu.memref_slice %arg7[%dma_wait3A_401, %dma_wait3A_402] : memref<10240x128xf32, #tpu.memory_space<vmem_shared>> -> memref<10240x128xf32, #tpu.memory_space<vmem_shared>>
        tpu.wait_indirect_dma semaphore(%run_scoped3A_373 : memref<!tpu.dma_semaphore, #tpu.memory_space<semaphore_mem>>) src(%dma_wait3A_392 : memref<128x128xf32, #tpu.memory_space<vmem>>) dst(%dma_wait3A_403 : memref<10240x128xf32, #tpu.memory_space<vmem_shared>>)
        tpu.yield
      }) : () -> ()
      %add3A_346 = arith.constant 1 : i32
      %add3A_347 = arith.addi %mul3A_307, %add3A_346 : i32
      %dma_wait3A_348 = arith.constant 0 : i32
      %dma_wait3A_349 = arith.constant 1 : i32
      %dma_wait3A_350 = arith.constant 0 : i32
      %dma_wait3A_351 = arith.constant 0 : i32
      %dma_wait3A_352 = tpu.memref_slice %arg6[%dma_wait3A_349, %dma_wait3A_350, %dma_wait3A_351] : memref<2x128x128xf32, #tpu.memory_space<vmem>> -> memref<1x128x128xf32, #tpu.memory_space<vmem>>
      %dma_wait3A_353 = tpu.memref_squeeze %dma_wait3A_352 : memref<1x128x128xf32, #tpu.memory_space<vmem>> -> memref<128x128xf32, #tpu.memory_space<vmem>>
      %dma_wait3A_354 = arith.constant 0 : i32
      %dma_wait3A_355 = arith.constant 0 : i32
      %dma_wait3A_356 = arith.constant 0 : i32
      %dma_wait3A_357 = tpu.memref_slice %arg5[%scan3A_179, %dma_wait3A_354, %dma_wait3A_355, %dma_wait3A_356] : memref<2x20x2x128xi32, #tpu.memory_space<vmem>> -> memref<1x20x2x128xi32, #tpu.memory_space<vmem>>
      %dma_wait3A_358 = tpu.memref_squeeze %dma_wait3A_357 : memref<1x20x2x128xi32, #tpu.memory_space<vmem>> -> memref<20x2x128xi32, #tpu.memory_space<vmem>>
      %dma_wait3A_359 = arith.constant 0 : i32
      %dma_wait3A_360 = tpu.memref_slice %dma_wait3A_358[%add3A_347, %dma_wait3A_348, %dma_wait3A_359] : memref<20x2x128xi32, #tpu.memory_space<vmem>> -> memref<1x1x128xi32, #tpu.memory_space<vmem>>
      %dma_wait3A_361 = tpu.memref_squeeze %dma_wait3A_360 : memref<1x1x128xi32, #tpu.memory_space<vmem>> -> memref<128xi32, #tpu.memory_space<vmem>>
      %dma_wait3A_362 = arith.constant 0 : i32
      %dma_wait3A_363 = arith.constant 0 : i32
      %dma_wait3A_364 = tpu.memref_slice %arg2[%dma_wait3A_362, %dma_wait3A_363] : memref<10000x128xf32, #tpu.memory_space<hbm>> -> memref<10000x128xf32, #tpu.memory_space<hbm>>
      tpu.wait_indirect_dma semaphore(%arg9 : memref<!tpu.dma_semaphore, #tpu.memory_space<semaphore_mem>>) src(%dma_wait3A_364 : memref<10000x128xf32, #tpu.memory_space<hbm>>) dst(%dma_wait3A_353 : memref<128x128xf32, #tpu.memory_space<vmem>>)
      %add3A_365 = arith.constant 2 : i32
      %add3A_366 = arith.addi %mul3A_307, %add3A_365 : i32
      %lt3A = arith.constant 20 : i32
      %lt3A_367 = arith.cmpi slt, %add3A_366, %lt3A : i32
      %convert_element_type3A = arith.extui %lt3A_367 : i1 to i32
      %cond3A = arith.constant 0 : i32
      %cond3A_368 = arith.cmpi ne, %convert_element_type3A, %cond3A : i32
      scf.if %cond3A_368 {
        %add3A_373 = arith.constant 2 : i32
        %add3A_374 = arith.addi %mul3A_307, %add3A_373 : i32
        %dma_start3A_375 = arith.constant 0 : i32
        %dma_start3A_376 = arith.constant 0 : i32
        %dma_start3A_377 = arith.constant 0 : i32
        %dma_start3A_378 = arith.constant 0 : i32
        %dma_start3A_379 = tpu.memref_slice %arg6[%dma_start3A_376, %dma_start3A_377, %dma_start3A_378] : memref<2x128x128xf32, #tpu.memory_space<vmem>> -> memref<1x128x128xf32, #tpu.memory_space<vmem>>
        %dma_start3A_380 = tpu.memref_squeeze %dma_start3A_379 : memref<1x128x128xf32, #tpu.memory_space<vmem>> -> memref<128x128xf32, #tpu.memory_space<vmem>>
        %dma_start3A_381 = arith.constant 0 : i32
        %dma_start3A_382 = arith.constant 0 : i32
        %dma_start3A_383 = arith.constant 0 : i32
        %dma_start3A_384 = tpu.memref_slice %arg5[%scan3A_179, %dma_start3A_381, %dma_start3A_382, %dma_start3A_383] : memref<2x20x2x128xi32, #tpu.memory_space<vmem>> -> memref<1x20x2x128xi32, #tpu.memory_space<vmem>>
        %dma_start3A_385 = tpu.memref_squeeze %dma_start3A_384 : memref<1x20x2x128xi32, #tpu.memory_space<vmem>> -> memref<20x2x128xi32, #tpu.memory_space<vmem>>
        %dma_start3A_386 = arith.constant 0 : i32
        %dma_start3A_387 = tpu.memref_slice %dma_start3A_385[%add3A_374, %dma_start3A_375, %dma_start3A_386] : memref<20x2x128xi32, #tpu.memory_space<vmem>> -> memref<1x1x128xi32, #tpu.memory_space<vmem>>
        %dma_start3A_388 = tpu.memref_squeeze %dma_start3A_387 : memref<1x1x128xi32, #tpu.memory_space<vmem>> -> memref<128xi32, #tpu.memory_space<vmem>>
        %dma_start3A_389 = arith.constant 0 : i32
        %dma_start3A_390 = arith.constant 0 : i32
        %dma_start3A_391 = tpu.memref_slice %arg2[%dma_start3A_389, %dma_start3A_390] : memref<10000x128xf32, #tpu.memory_space<hbm>> -> memref<10000x128xf32, #tpu.memory_space<hbm>>
        tpu.enqueue_indirect_dma source(%dma_start3A_391 : memref<10000x128xf32, #tpu.memory_space<hbm>>) target(%dma_start3A_380 : memref<128x128xf32, #tpu.memory_space<vmem>>) offsets(%dma_start3A_388 : memref<128xi32, #tpu.memory_space<vmem>>) semaphore(%arg8 : memref<!tpu.dma_semaphore, #tpu.memory_space<semaphore_mem>>)
      } else {
      }
      %add3A_369 = arith.constant 1 : i32
      %add3A_370 = arith.addi %mul3A_307, %add3A_369 : i32
      %run_scoped3A_371 = arith.constant 1 : i32
      %run_scoped3A_372 = arith.constant 1 : i32
      "tpu.region"() ({
        %run_scoped3A_373 = tpu.sem_alloc : memref<!tpu.dma_semaphore, #tpu.memory_space<semaphore_mem>>
        %dma_start3A_374 = arith.constant 0 : i32
        %dma_start3A_375 = arith.constant 0 : i32
        %dma_start3A_376 = tpu.memref_slice %arg6[%run_scoped3A_371, %dma_start3A_374, %dma_start3A_375] : memref<2x128x128xf32, #tpu.memory_space<vmem>> -> memref<1x128x128xf32, #tpu.memory_space<vmem>>
        %dma_start3A_377 = tpu.memref_squeeze %dma_start3A_376 : memref<1x128x128xf32, #tpu.memory_space<vmem>> -> memref<128x128xf32, #tpu.memory_space<vmem>>
        %dma_start3A_378 = arith.constant 0 : i32
        %dma_start3A_379 = arith.constant 0 : i32
        %dma_start3A_380 = arith.constant 0 : i32
        %dma_start3A_381 = tpu.memref_slice %arg5[%scan3A_179, %dma_start3A_378, %dma_start3A_379, %dma_start3A_380] : memref<2x20x2x128xi32, #tpu.memory_space<vmem>> -> memref<1x20x2x128xi32, #tpu.memory_space<vmem>>
        %dma_start3A_382 = tpu.memref_squeeze %dma_start3A_381 : memref<1x20x2x128xi32, #tpu.memory_space<vmem>> -> memref<20x2x128xi32, #tpu.memory_space<vmem>>
        %dma_start3A_383 = arith.constant 0 : i32
        %dma_start3A_384 = tpu.memref_slice %dma_start3A_382[%add3A_370, %run_scoped3A_372, %dma_start3A_383] : memref<20x2x128xi32, #tpu.memory_space<vmem>> -> memref<1x1x128xi32, #tpu.memory_space<vmem>>
        %dma_start3A_385 = tpu.memref_squeeze %dma_start3A_384 : memref<1x1x128xi32, #tpu.memory_space<vmem>> -> memref<128xi32, #tpu.memory_space<vmem>>
        %dma_start3A_386 = arith.constant 0 : i32
        %dma_start3A_387 = arith.constant 0 : i32
        %dma_start3A_388 = tpu.memref_slice %arg7[%dma_start3A_386, %dma_start3A_387] : memref<10240x128xf32, #tpu.memory_space<vmem_shared>> -> memref<10240x128xf32, #tpu.memory_space<vmem_shared>>
        tpu.enqueue_indirect_dma source(%dma_start3A_377 : memref<128x128xf32, #tpu.memory_space<vmem>>) target(%dma_start3A_388 : memref<10240x128xf32, #tpu.memory_space<vmem_shared>>) offsets(%dma_start3A_385 : memref<128xi32, #tpu.memory_space<vmem>>) semaphore(%run_scoped3A_373 : memref<!tpu.dma_semaphore, #tpu.memory_space<semaphore_mem>>) {add = true}
        %dma_wait3A_389 = arith.constant 0 : i32
        %dma_wait3A_390 = arith.constant 0 : i32
        %dma_wait3A_391 = tpu.memref_slice %arg6[%run_scoped3A_371, %dma_wait3A_389, %dma_wait3A_390] : memref<2x128x128xf32, #tpu.memory_space<vmem>> -> memref<1x128x128xf32, #tpu.memory_space<vmem>>
        %dma_wait3A_392 = tpu.memref_squeeze %dma_wait3A_391 : memref<1x128x128xf32, #tpu.memory_space<vmem>> -> memref<128x128xf32, #tpu.memory_space<vmem>>
        %dma_wait3A_393 = arith.constant 0 : i32
        %dma_wait3A_394 = arith.constant 0 : i32
        %dma_wait3A_395 = arith.constant 0 : i32
        %dma_wait3A_396 = tpu.memref_slice %arg5[%scan3A_179, %dma_wait3A_393, %dma_wait3A_394, %dma_wait3A_395] : memref<2x20x2x128xi32, #tpu.memory_space<vmem>> -> memref<1x20x2x128xi32, #tpu.memory_space<vmem>>
        %dma_wait3A_397 = tpu.memref_squeeze %dma_wait3A_396 : memref<1x20x2x128xi32, #tpu.memory_space<vmem>> -> memref<20x2x128xi32, #tpu.memory_space<vmem>>
        %dma_wait3A_398 = arith.constant 0 : i32
        %dma_wait3A_399 = tpu.memref_slice %dma_wait3A_397[%add3A_370, %run_scoped3A_372, %dma_wait3A_398] : memref<20x2x128xi32, #tpu.memory_space<vmem>> -> memref<1x1x128xi32, #tpu.memory_space<vmem>>
        %dma_wait3A_400 = tpu.memref_squeeze %dma_wait3A_399 : memref<1x1x128xi32, #tpu.memory_space<vmem>> -> memref<128xi32, #tpu.memory_space<vmem>>
        %dma_wait3A_401 = arith.constant 0 : i32
        %dma_wait3A_402 = arith.constant 0 : i32
        %dma_wait3A_403 = tpu.memref_slice %arg7[%dma_wait3A_401, %dma_wait3A_402] : memref<10240x128xf32, #tpu.memory_space<vmem_shared>> -> memref<10240x128xf32, #tpu.memory_space<vmem_shared>>
        tpu.wait_indirect_dma semaphore(%run_scoped3A_373 : memref<!tpu.dma_semaphore, #tpu.memory_space<semaphore_mem>>) src(%dma_wait3A_392 : memref<128x128xf32, #tpu.memory_space<vmem>>) dst(%dma_wait3A_403 : memref<10240x128xf32, #tpu.memory_space<vmem_shared>>)
        tpu.yield
      }) : () -> ()
    }
    %scan3A_184 = arith.constant 10 : i32
    %dma_wait3A_185 = arith.constant 0 : i32
    %dma_wait3A_186 = arith.constant 0 : i32
    %dma_wait3A_187 = arith.constant 0 : i32
    %dma_wait3A_188 = arith.constant 0 : i32
    %dma_wait3A_189 = tpu.memref_slice %arg5[%dma_wait3A_185, %dma_wait3A_186, %dma_wait3A_187, %dma_wait3A_188] : memref<2x20x2x128xi32, #tpu.memory_space<vmem>> -> memref<1x20x2x128xi32, #tpu.memory_space<vmem>>
    %dma_wait3A_190 = tpu.memref_squeeze %dma_wait3A_189 : memref<1x20x2x128xi32, #tpu.memory_space<vmem>> -> memref<20x2x128xi32, #tpu.memory_space<vmem>>
    %dma_wait3A_191 = arith.constant 40 : i32
    %dma_wait3A_192 = arith.constant 0 : i32
    %dma_wait3A_193 = arith.constant 0 : i32
    %dma_wait3A_194 = tpu.memref_slice %arg3[%add3A, %dma_wait3A_191, %dma_wait3A_192, %dma_wait3A_193] : memref<32x80x2x128xi32, #tpu.memory_space<hbm>> -> memref<1x20x2x128xi32, #tpu.memory_space<hbm>>
    %dma_wait3A_195 = tpu.memref_squeeze %dma_wait3A_194 : memref<1x20x2x128xi32, #tpu.memory_space<hbm>> -> memref<20x2x128xi32, #tpu.memory_space<hbm>>
    %dma_wait3A_196 = arith.constant 0 : i32
    %dma_wait3A_197 = arith.constant 0 : i32
    %dma_wait3A_198 = arith.constant 0 : i32
    %dma_wait3A_199 = tpu.memref_slice %arg5[%dma_wait3A_185, %dma_wait3A_196, %dma_wait3A_197, %dma_wait3A_198] : memref<2x20x2x128xi32, #tpu.memory_space<vmem>> -> memref<1x20x2x128xi32, #tpu.memory_space<vmem>>
    %dma_wait3A_200 = tpu.memref_squeeze %dma_wait3A_199 : memref<1x20x2x128xi32, #tpu.memory_space<vmem>> -> memref<20x2x128xi32, #tpu.memory_space<vmem>>
    %dma_wait3A_201 = arith.constant 40 : i32
    %dma_wait3A_202 = arith.constant 0 : i32
    %dma_wait3A_203 = arith.constant 0 : i32
    %dma_wait3A_204 = tpu.memref_slice %arg3[%add3A, %dma_wait3A_201, %dma_wait3A_202, %dma_wait3A_203] : memref<32x80x2x128xi32, #tpu.memory_space<hbm>> -> memref<1x20x2x128xi32, #tpu.memory_space<hbm>>
    %dma_wait3A_205 = tpu.memref_squeeze %dma_wait3A_204 : memref<1x20x2x128xi32, #tpu.memory_space<hbm>> -> memref<20x2x128xi32, #tpu.memory_space<hbm>>
    tpu.wait_dma2 semaphore(%arg10 : memref<!tpu.dma_semaphore, #tpu.memory_space<semaphore_mem>>) src(%dma_wait3A_205 : memref<20x2x128xi32, #tpu.memory_space<hbm>>) dst(%dma_wait3A_200 : memref<20x2x128xi32, #tpu.memory_space<vmem>>)
    %dma_start3A_206 = arith.constant 1 : i32
    %dma_start3A_207 = arith.constant 0 : i32
    %dma_start3A_208 = arith.constant 0 : i32
    %dma_start3A_209 = arith.constant 0 : i32
    %dma_start3A_210 = tpu.memref_slice %arg5[%dma_start3A_206, %dma_start3A_207, %dma_start3A_208, %dma_start3A_209] : memref<2x20x2x128xi32, #tpu.memory_space<vmem>> -> memref<1x20x2x128xi32, #tpu.memory_space<vmem>>
    %dma_start3A_211 = tpu.memref_squeeze %dma_start3A_210 : memref<1x20x2x128xi32, #tpu.memory_space<vmem>> -> memref<20x2x128xi32, #tpu.memory_space<vmem>>
    %dma_start3A_212 = arith.constant 60 : i32
    %dma_start3A_213 = arith.constant 0 : i32
    %dma_start3A_214 = arith.constant 0 : i32
    %dma_start3A_215 = tpu.memref_slice %arg3[%add3A, %dma_start3A_212, %dma_start3A_213, %dma_start3A_214] : memref<32x80x2x128xi32, #tpu.memory_space<hbm>> -> memref<1x20x2x128xi32, #tpu.memory_space<hbm>>
    %dma_start3A_216 = tpu.memref_squeeze %dma_start3A_215 : memref<1x20x2x128xi32, #tpu.memory_space<hbm>> -> memref<20x2x128xi32, #tpu.memory_space<hbm>>
    %dma_start3A_217 = arith.constant 0 : i32
    %dma_start3A_218 = arith.constant 0 : i32
    %dma_start3A_219 = arith.constant 0 : i32
    %dma_start3A_220 = tpu.memref_slice %arg5[%dma_start3A_206, %dma_start3A_217, %dma_start3A_218, %dma_start3A_219] : memref<2x20x2x128xi32, #tpu.memory_space<vmem>> -> memref<1x20x2x128xi32, #tpu.memory_space<vmem>>
    %dma_start3A_221 = tpu.memref_squeeze %dma_start3A_220 : memref<1x20x2x128xi32, #tpu.memory_space<vmem>> -> memref<20x2x128xi32, #tpu.memory_space<vmem>>
    %dma_start3A_222 = arith.constant 60 : i32
    %dma_start3A_223 = arith.constant 0 : i32
    %dma_start3A_224 = arith.constant 0 : i32
    %dma_start3A_225 = tpu.memref_slice %arg3[%add3A, %dma_start3A_222, %dma_start3A_223, %dma_start3A_224] : memref<32x80x2x128xi32, #tpu.memory_space<hbm>> -> memref<1x20x2x128xi32, #tpu.memory_space<hbm>>
    %dma_start3A_226 = tpu.memref_squeeze %dma_start3A_225 : memref<1x20x2x128xi32, #tpu.memory_space<hbm>> -> memref<20x2x128xi32, #tpu.memory_space<hbm>>
    tpu.enqueue_dma source(%dma_start3A_226 : memref<20x2x128xi32, #tpu.memory_space<hbm>>) target(%dma_start3A_221 : memref<20x2x128xi32, #tpu.memory_space<vmem>>) target_semaphore(%arg11 : memref<!tpu.dma_semaphore, #tpu.memory_space<semaphore_mem>>)
    %dma_start3A_227 = arith.constant 0 : i32
    %dma_start3A_228 = arith.constant 0 : i32
    %dma_start3A_229 = arith.constant 0 : i32
    %dma_start3A_230 = arith.constant 0 : i32
    %dma_start3A_231 = arith.constant 0 : i32
    %dma_start3A_232 = arith.constant 0 : i32
    %dma_start3A_233 = tpu.memref_slice %arg6[%dma_start3A_230, %dma_start3A_231, %dma_start3A_232] : memref<2x128x128xf32, #tpu.memory_space<vmem>> -> memref<1x128x128xf32, #tpu.memory_space<vmem>>
    %dma_start3A_234 = tpu.memref_squeeze %dma_start3A_233 : memref<1x128x128xf32, #tpu.memory_space<vmem>> -> memref<128x128xf32, #tpu.memory_space<vmem>>
    %dma_start3A_235 = arith.constant 0 : i32
    %dma_start3A_236 = arith.constant 0 : i32
    %dma_start3A_237 = arith.constant 0 : i32
    %dma_start3A_238 = tpu.memref_slice %arg5[%dma_start3A_227, %dma_start3A_235, %dma_start3A_236, %dma_start3A_237] : memref<2x20x2x128xi32, #tpu.memory_space<vmem>> -> memref<1x20x2x128xi32, #tpu.memory_space<vmem>>
    %dma_start3A_239 = tpu.memref_squeeze %dma_start3A_238 : memref<1x20x2x128xi32, #tpu.memory_space<vmem>> -> memref<20x2x128xi32, #tpu.memory_space<vmem>>
    %dma_start3A_240 = arith.constant 0 : i32
    %dma_start3A_241 = tpu.memref_slice %dma_start3A_239[%dma_start3A_228, %dma_start3A_229, %dma_start3A_240] : memref<20x2x128xi32, #tpu.memory_space<vmem>> -> memref<1x1x128xi32, #tpu.memory_space<vmem>>
    %dma_start3A_242 = tpu.memref_squeeze %dma_start3A_241 : memref<1x1x128xi32, #tpu.memory_space<vmem>> -> memref<128xi32, #tpu.memory_space<vmem>>
    %dma_start3A_243 = arith.constant 0 : i32
    %dma_start3A_244 = arith.constant 0 : i32
    %dma_start3A_245 = tpu.memref_slice %arg2[%dma_start3A_243, %dma_start3A_244] : memref<10000x128xf32, #tpu.memory_space<hbm>> -> memref<10000x128xf32, #tpu.memory_space<hbm>>
    tpu.enqueue_indirect_dma source(%dma_start3A_245 : memref<10000x128xf32, #tpu.memory_space<hbm>>) target(%dma_start3A_234 : memref<128x128xf32, #tpu.memory_space<vmem>>) offsets(%dma_start3A_242 : memref<128xi32, #tpu.memory_space<vmem>>) semaphore(%arg8 : memref<!tpu.dma_semaphore, #tpu.memory_space<semaphore_mem>>)
    %scan3A_246 = arith.constant 0 : i32
    %scan3A_247 = arith.constant 0 : i32
    %scan3A_248 = arith.constant 0 : i32
    %scan3A_249 = arith.constant 10 : i32
    %scan3A_250 = arith.addi %scan3A_248, %scan3A_249 : i32
    %scan3A_251 = arith.constant 1 : i32
    scf.for %scan3A_305 = %scan3A_248 to %scan3A_250 step %scan3A_251  : i32 {
      %mul3A_306 = arith.constant 2 : i32
      %mul3A_307 = arith.muli %mul3A_306, %scan3A_305 : i32
      %dma_wait3A_308 = arith.constant 0 : i32
      %dma_wait3A_309 = arith.constant 0 : i32
      %dma_wait3A_310 = arith.constant 0 : i32
      %dma_wait3A_311 = arith.constant 0 : i32
      %dma_wait3A_312 = tpu.memref_slice %arg6[%dma_wait3A_309, %dma_wait3A_310, %dma_wait3A_311] : memref<2x128x128xf32, #tpu.memory_space<vmem>> -> memref<1x128x128xf32, #tpu.memory_space<vmem>>
      %dma_wait3A_313 = tpu.memref_squeeze %dma_wait3A_312 : memref<1x128x128xf32, #tpu.memory_space<vmem>> -> memref<128x128xf32, #tpu.memory_space<vmem>>
      %dma_wait3A_314 = arith.constant 0 : i32
      %dma_wait3A_315 = arith.constant 0 : i32
      %dma_wait3A_316 = arith.constant 0 : i32
      %dma_wait3A_317 = tpu.memref_slice %arg5[%scan3A_247, %dma_wait3A_314, %dma_wait3A_315, %dma_wait3A_316] : memref<2x20x2x128xi32, #tpu.memory_space<vmem>> -> memref<1x20x2x128xi32, #tpu.memory_space<vmem>>
      %dma_wait3A_318 = tpu.memref_squeeze %dma_wait3A_317 : memref<1x20x2x128xi32, #tpu.memory_space<vmem>> -> memref<20x2x128xi32, #tpu.memory_space<vmem>>
      %dma_wait3A_319 = arith.constant 0 : i32
      %dma_wait3A_320 = tpu.memref_slice %dma_wait3A_318[%mul3A_307, %dma_wait3A_308, %dma_wait3A_319] : memref<20x2x128xi32, #tpu.memory_space<vmem>> -> memref<1x1x128xi32, #tpu.memory_space<vmem>>
      %dma_wait3A_321 = tpu.memref_squeeze %dma_wait3A_320 : memref<1x1x128xi32, #tpu.memory_space<vmem>> -> memref<128xi32, #tpu.memory_space<vmem>>
      %dma_wait3A_322 = arith.constant 0 : i32
      %dma_wait3A_323 = arith.constant 0 : i32
      %dma_wait3A_324 = tpu.memref_slice %arg2[%dma_wait3A_322, %dma_wait3A_323] : memref<10000x128xf32, #tpu.memory_space<hbm>> -> memref<10000x128xf32, #tpu.memory_space<hbm>>
      tpu.wait_indirect_dma semaphore(%arg8 : memref<!tpu.dma_semaphore, #tpu.memory_space<semaphore_mem>>) src(%dma_wait3A_324 : memref<10000x128xf32, #tpu.memory_space<hbm>>) dst(%dma_wait3A_313 : memref<128x128xf32, #tpu.memory_space<vmem>>)
      %add3A_325 = arith.constant 1 : i32
      %add3A_326 = arith.addi %mul3A_307, %add3A_325 : i32
      %dma_start3A_327 = arith.constant 0 : i32
      %dma_start3A_328 = arith.constant 1 : i32
      %dma_start3A_329 = arith.constant 0 : i32
      %dma_start3A_330 = arith.constant 0 : i32
      %dma_start3A_331 = tpu.memref_slice %arg6[%dma_start3A_328, %dma_start3A_329, %dma_start3A_330] : memref<2x128x128xf32, #tpu.memory_space<vmem>> -> memref<1x128x128xf32, #tpu.memory_space<vmem>>
      %dma_start3A_332 = tpu.memref_squeeze %dma_start3A_331 : memref<1x128x128xf32, #tpu.memory_space<vmem>> -> memref<128x128xf32, #tpu.memory_space<vmem>>
      %dma_start3A_333 = arith.constant 0 : i32
      %dma_start3A_334 = arith.constant 0 : i32
      %dma_start3A_335 = arith.constant 0 : i32
      %dma_start3A_336 = tpu.memref_slice %arg5[%scan3A_247, %dma_start3A_333, %dma_start3A_334, %dma_start3A_335] : memref<2x20x2x128xi32, #tpu.memory_space<vmem>> -> memref<1x20x2x128xi32, #tpu.memory_space<vmem>>
      %dma_start3A_337 = tpu.memref_squeeze %dma_start3A_336 : memref<1x20x2x128xi32, #tpu.memory_space<vmem>> -> memref<20x2x128xi32, #tpu.memory_space<vmem>>
      %dma_start3A_338 = arith.constant 0 : i32
      %dma_start3A_339 = tpu.memref_slice %dma_start3A_337[%add3A_326, %dma_start3A_327, %dma_start3A_338] : memref<20x2x128xi32, #tpu.memory_space<vmem>> -> memref<1x1x128xi32, #tpu.memory_space<vmem>>
      %dma_start3A_340 = tpu.memref_squeeze %dma_start3A_339 : memref<1x1x128xi32, #tpu.memory_space<vmem>> -> memref<128xi32, #tpu.memory_space<vmem>>
      %dma_start3A_341 = arith.constant 0 : i32
      %dma_start3A_342 = arith.constant 0 : i32
      %dma_start3A_343 = tpu.memref_slice %arg2[%dma_start3A_341, %dma_start3A_342] : memref<10000x128xf32, #tpu.memory_space<hbm>> -> memref<10000x128xf32, #tpu.memory_space<hbm>>
      tpu.enqueue_indirect_dma source(%dma_start3A_343 : memref<10000x128xf32, #tpu.memory_space<hbm>>) target(%dma_start3A_332 : memref<128x128xf32, #tpu.memory_space<vmem>>) offsets(%dma_start3A_340 : memref<128xi32, #tpu.memory_space<vmem>>) semaphore(%arg9 : memref<!tpu.dma_semaphore, #tpu.memory_space<semaphore_mem>>)
      %run_scoped3A_344 = arith.constant 0 : i32
      %run_scoped3A_345 = arith.constant 1 : i32
      "tpu.region"() ({
        %run_scoped3A_373 = tpu.sem_alloc : memref<!tpu.dma_semaphore, #tpu.memory_space<semaphore_mem>>
        %dma_start3A_374 = arith.constant 0 : i32
        %dma_start3A_375 = arith.constant 0 : i32
        %dma_start3A_376 = tpu.memref_slice %arg6[%run_scoped3A_344, %dma_start3A_374, %dma_start3A_375] : memref<2x128x128xf32, #tpu.memory_space<vmem>> -> memref<1x128x128xf32, #tpu.memory_space<vmem>>
        %dma_start3A_377 = tpu.memref_squeeze %dma_start3A_376 : memref<1x128x128xf32, #tpu.memory_space<vmem>> -> memref<128x128xf32, #tpu.memory_space<vmem>>
        %dma_start3A_378 = arith.constant 0 : i32
        %dma_start3A_379 = arith.constant 0 : i32
        %dma_start3A_380 = arith.constant 0 : i32
        %dma_start3A_381 = tpu.memref_slice %arg5[%scan3A_247, %dma_start3A_378, %dma_start3A_379, %dma_start3A_380] : memref<2x20x2x128xi32, #tpu.memory_space<vmem>> -> memref<1x20x2x128xi32, #tpu.memory_space<vmem>>
        %dma_start3A_382 = tpu.memref_squeeze %dma_start3A_381 : memref<1x20x2x128xi32, #tpu.memory_space<vmem>> -> memref<20x2x128xi32, #tpu.memory_space<vmem>>
        %dma_start3A_383 = arith.constant 0 : i32
        %dma_start3A_384 = tpu.memref_slice %dma_start3A_382[%mul3A_307, %run_scoped3A_345, %dma_start3A_383] : memref<20x2x128xi32, #tpu.memory_space<vmem>> -> memref<1x1x128xi32, #tpu.memory_space<vmem>>
        %dma_start3A_385 = tpu.memref_squeeze %dma_start3A_384 : memref<1x1x128xi32, #tpu.memory_space<vmem>> -> memref<128xi32, #tpu.memory_space<vmem>>
        %dma_start3A_386 = arith.constant 0 : i32
        %dma_start3A_387 = arith.constant 0 : i32
        %dma_start3A_388 = tpu.memref_slice %arg7[%dma_start3A_386, %dma_start3A_387] : memref<10240x128xf32, #tpu.memory_space<vmem_shared>> -> memref<10240x128xf32, #tpu.memory_space<vmem_shared>>
        tpu.enqueue_indirect_dma source(%dma_start3A_377 : memref<128x128xf32, #tpu.memory_space<vmem>>) target(%dma_start3A_388 : memref<10240x128xf32, #tpu.memory_space<vmem_shared>>) offsets(%dma_start3A_385 : memref<128xi32, #tpu.memory_space<vmem>>) semaphore(%run_scoped3A_373 : memref<!tpu.dma_semaphore, #tpu.memory_space<semaphore_mem>>) {add = true}
        %dma_wait3A_389 = arith.constant 0 : i32
        %dma_wait3A_390 = arith.constant 0 : i32
        %dma_wait3A_391 = tpu.memref_slice %arg6[%run_scoped3A_344, %dma_wait3A_389, %dma_wait3A_390] : memref<2x128x128xf32, #tpu.memory_space<vmem>> -> memref<1x128x128xf32, #tpu.memory_space<vmem>>
        %dma_wait3A_392 = tpu.memref_squeeze %dma_wait3A_391 : memref<1x128x128xf32, #tpu.memory_space<vmem>> -> memref<128x128xf32, #tpu.memory_space<vmem>>
        %dma_wait3A_393 = arith.constant 0 : i32
        %dma_wait3A_394 = arith.constant 0 : i32
        %dma_wait3A_395 = arith.constant 0 : i32
        %dma_wait3A_396 = tpu.memref_slice %arg5[%scan3A_247, %dma_wait3A_393, %dma_wait3A_394, %dma_wait3A_395] : memref<2x20x2x128xi32, #tpu.memory_space<vmem>> -> memref<1x20x2x128xi32, #tpu.memory_space<vmem>>
        %dma_wait3A_397 = tpu.memref_squeeze %dma_wait3A_396 : memref<1x20x2x128xi32, #tpu.memory_space<vmem>> -> memref<20x2x128xi32, #tpu.memory_space<vmem>>
        %dma_wait3A_398 = arith.constant 0 : i32
        %dma_wait3A_399 = tpu.memref_slice %dma_wait3A_397[%mul3A_307, %run_scoped3A_345, %dma_wait3A_398] : memref<20x2x128xi32, #tpu.memory_space<vmem>> -> memref<1x1x128xi32, #tpu.memory_space<vmem>>
        %dma_wait3A_400 = tpu.memref_squeeze %dma_wait3A_399 : memref<1x1x128xi32, #tpu.memory_space<vmem>> -> memref<128xi32, #tpu.memory_space<vmem>>
        %dma_wait3A_401 = arith.constant 0 : i32
        %dma_wait3A_402 = arith.constant 0 : i32
        %dma_wait3A_403 = tpu.memref_slice %arg7[%dma_wait3A_401, %dma_wait3A_402] : memref<10240x128xf32, #tpu.memory_space<vmem_shared>> -> memref<10240x128xf32, #tpu.memory_space<vmem_shared>>
        tpu.wait_indirect_dma semaphore(%run_scoped3A_373 : memref<!tpu.dma_semaphore, #tpu.memory_space<semaphore_mem>>) src(%dma_wait3A_392 : memref<128x128xf32, #tpu.memory_space<vmem>>) dst(%dma_wait3A_403 : memref<10240x128xf32, #tpu.memory_space<vmem_shared>>)
        tpu.yield
      }) : () -> ()
      %add3A_346 = arith.constant 1 : i32
      %add3A_347 = arith.addi %mul3A_307, %add3A_346 : i32
      %dma_wait3A_348 = arith.constant 0 : i32
      %dma_wait3A_349 = arith.constant 1 : i32
      %dma_wait3A_350 = arith.constant 0 : i32
      %dma_wait3A_351 = arith.constant 0 : i32
      %dma_wait3A_352 = tpu.memref_slice %arg6[%dma_wait3A_349, %dma_wait3A_350, %dma_wait3A_351] : memref<2x128x128xf32, #tpu.memory_space<vmem>> -> memref<1x128x128xf32, #tpu.memory_space<vmem>>
      %dma_wait3A_353 = tpu.memref_squeeze %dma_wait3A_352 : memref<1x128x128xf32, #tpu.memory_space<vmem>> -> memref<128x128xf32, #tpu.memory_space<vmem>>
      %dma_wait3A_354 = arith.constant 0 : i32
      %dma_wait3A_355 = arith.constant 0 : i32
      %dma_wait3A_356 = arith.constant 0 : i32
      %dma_wait3A_357 = tpu.memref_slice %arg5[%scan3A_247, %dma_wait3A_354, %dma_wait3A_355, %dma_wait3A_356] : memref<2x20x2x128xi32, #tpu.memory_space<vmem>> -> memref<1x20x2x128xi32, #tpu.memory_space<vmem>>
      %dma_wait3A_358 = tpu.memref_squeeze %dma_wait3A_357 : memref<1x20x2x128xi32, #tpu.memory_space<vmem>> -> memref<20x2x128xi32, #tpu.memory_space<vmem>>
      %dma_wait3A_359 = arith.constant 0 : i32
      %dma_wait3A_360 = tpu.memref_slice %dma_wait3A_358[%add3A_347, %dma_wait3A_348, %dma_wait3A_359] : memref<20x2x128xi32, #tpu.memory_space<vmem>> -> memref<1x1x128xi32, #tpu.memory_space<vmem>>
      %dma_wait3A_361 = tpu.memref_squeeze %dma_wait3A_360 : memref<1x1x128xi32, #tpu.memory_space<vmem>> -> memref<128xi32, #tpu.memory_space<vmem>>
      %dma_wait3A_362 = arith.constant 0 : i32
      %dma_wait3A_363 = arith.constant 0 : i32
      %dma_wait3A_364 = tpu.memref_slice %arg2[%dma_wait3A_362, %dma_wait3A_363] : memref<10000x128xf32, #tpu.memory_space<hbm>> -> memref<10000x128xf32, #tpu.memory_space<hbm>>
      tpu.wait_indirect_dma semaphore(%arg9 : memref<!tpu.dma_semaphore, #tpu.memory_space<semaphore_mem>>) src(%dma_wait3A_364 : memref<10000x128xf32, #tpu.memory_space<hbm>>) dst(%dma_wait3A_353 : memref<128x128xf32, #tpu.memory_space<vmem>>)
      %add3A_365 = arith.constant 2 : i32
      %add3A_366 = arith.addi %mul3A_307, %add3A_365 : i32
      %lt3A = arith.constant 20 : i32
      %lt3A_367 = arith.cmpi slt, %add3A_366, %lt3A : i32
      %convert_element_type3A = arith.extui %lt3A_367 : i1 to i32
      %cond3A = arith.constant 0 : i32
      %cond3A_368 = arith.cmpi ne, %convert_element_type3A, %cond3A : i32
      scf.if %cond3A_368 {
        %add3A_373 = arith.constant 2 : i32
        %add3A_374 = arith.addi %mul3A_307, %add3A_373 : i32
        %dma_start3A_375 = arith.constant 0 : i32
        %dma_start3A_376 = arith.constant 0 : i32
        %dma_start3A_377 = arith.constant 0 : i32
        %dma_start3A_378 = arith.constant 0 : i32
        %dma_start3A_379 = tpu.memref_slice %arg6[%dma_start3A_376, %dma_start3A_377, %dma_start3A_378] : memref<2x128x128xf32, #tpu.memory_space<vmem>> -> memref<1x128x128xf32, #tpu.memory_space<vmem>>
        %dma_start3A_380 = tpu.memref_squeeze %dma_start3A_379 : memref<1x128x128xf32, #tpu.memory_space<vmem>> -> memref<128x128xf32, #tpu.memory_space<vmem>>
        %dma_start3A_381 = arith.constant 0 : i32
        %dma_start3A_382 = arith.constant 0 : i32
        %dma_start3A_383 = arith.constant 0 : i32
        %dma_start3A_384 = tpu.memref_slice %arg5[%scan3A_247, %dma_start3A_381, %dma_start3A_382, %dma_start3A_383] : memref<2x20x2x128xi32, #tpu.memory_space<vmem>> -> memref<1x20x2x128xi32, #tpu.memory_space<vmem>>
        %dma_start3A_385 = tpu.memref_squeeze %dma_start3A_384 : memref<1x20x2x128xi32, #tpu.memory_space<vmem>> -> memref<20x2x128xi32, #tpu.memory_space<vmem>>
        %dma_start3A_386 = arith.constant 0 : i32
        %dma_start3A_387 = tpu.memref_slice %dma_start3A_385[%add3A_374, %dma_start3A_375, %dma_start3A_386] : memref<20x2x128xi32, #tpu.memory_space<vmem>> -> memref<1x1x128xi32, #tpu.memory_space<vmem>>
        %dma_start3A_388 = tpu.memref_squeeze %dma_start3A_387 : memref<1x1x128xi32, #tpu.memory_space<vmem>> -> memref<128xi32, #tpu.memory_space<vmem>>
        %dma_start3A_389 = arith.constant 0 : i32
        %dma_start3A_390 = arith.constant 0 : i32
        %dma_start3A_391 = tpu.memref_slice %arg2[%dma_start3A_389, %dma_start3A_390] : memref<10000x128xf32, #tpu.memory_space<hbm>> -> memref<10000x128xf32, #tpu.memory_space<hbm>>
        tpu.enqueue_indirect_dma source(%dma_start3A_391 : memref<10000x128xf32, #tpu.memory_space<hbm>>) target(%dma_start3A_380 : memref<128x128xf32, #tpu.memory_space<vmem>>) offsets(%dma_start3A_388 : memref<128xi32, #tpu.memory_space<vmem>>) semaphore(%arg8 : memref<!tpu.dma_semaphore, #tpu.memory_space<semaphore_mem>>)
      } else {
      }
      %add3A_369 = arith.constant 1 : i32
      %add3A_370 = arith.addi %mul3A_307, %add3A_369 : i32
      %run_scoped3A_371 = arith.constant 1 : i32
      %run_scoped3A_372 = arith.constant 1 : i32
      "tpu.region"() ({
        %run_scoped3A_373 = tpu.sem_alloc : memref<!tpu.dma_semaphore, #tpu.memory_space<semaphore_mem>>
        %dma_start3A_374 = arith.constant 0 : i32
        %dma_start3A_375 = arith.constant 0 : i32
        %dma_start3A_376 = tpu.memref_slice %arg6[%run_scoped3A_371, %dma_start3A_374, %dma_start3A_375] : memref<2x128x128xf32, #tpu.memory_space<vmem>> -> memref<1x128x128xf32, #tpu.memory_space<vmem>>
        %dma_start3A_377 = tpu.memref_squeeze %dma_start3A_376 : memref<1x128x128xf32, #tpu.memory_space<vmem>> -> memref<128x128xf32, #tpu.memory_space<vmem>>
        %dma_start3A_378 = arith.constant 0 : i32
        %dma_start3A_379 = arith.constant 0 : i32
        %dma_start3A_380 = arith.constant 0 : i32
        %dma_start3A_381 = tpu.memref_slice %arg5[%scan3A_247, %dma_start3A_378, %dma_start3A_379, %dma_start3A_380] : memref<2x20x2x128xi32, #tpu.memory_space<vmem>> -> memref<1x20x2x128xi32, #tpu.memory_space<vmem>>
        %dma_start3A_382 = tpu.memref_squeeze %dma_start3A_381 : memref<1x20x2x128xi32, #tpu.memory_space<vmem>> -> memref<20x2x128xi32, #tpu.memory_space<vmem>>
        %dma_start3A_383 = arith.constant 0 : i32
        %dma_start3A_384 = tpu.memref_slice %dma_start3A_382[%add3A_370, %run_scoped3A_372, %dma_start3A_383] : memref<20x2x128xi32, #tpu.memory_space<vmem>> -> memref<1x1x128xi32, #tpu.memory_space<vmem>>
        %dma_start3A_385 = tpu.memref_squeeze %dma_start3A_384 : memref<1x1x128xi32, #tpu.memory_space<vmem>> -> memref<128xi32, #tpu.memory_space<vmem>>
        %dma_start3A_386 = arith.constant 0 : i32
        %dma_start3A_387 = arith.constant 0 : i32
        %dma_start3A_388 = tpu.memref_slice %arg7[%dma_start3A_386, %dma_start3A_387] : memref<10240x128xf32, #tpu.memory_space<vmem_shared>> -> memref<10240x128xf32, #tpu.memory_space<vmem_shared>>
        tpu.enqueue_indirect_dma source(%dma_start3A_377 : memref<128x128xf32, #tpu.memory_space<vmem>>) target(%dma_start3A_388 : memref<10240x128xf32, #tpu.memory_space<vmem_shared>>) offsets(%dma_start3A_385 : memref<128xi32, #tpu.memory_space<vmem>>) semaphore(%run_scoped3A_373 : memref<!tpu.dma_semaphore, #tpu.memory_space<semaphore_mem>>) {add = true}
        %dma_wait3A_389 = arith.constant 0 : i32
        %dma_wait3A_390 = arith.constant 0 : i32
        %dma_wait3A_391 = tpu.memref_slice %arg6[%run_scoped3A_371, %dma_wait3A_389, %dma_wait3A_390] : memref<2x128x128xf32, #tpu.memory_space<vmem>> -> memref<1x128x128xf32, #tpu.memory_space<vmem>>
        %dma_wait3A_392 = tpu.memref_squeeze %dma_wait3A_391 : memref<1x128x128xf32, #tpu.memory_space<vmem>> -> memref<128x128xf32, #tpu.memory_space<vmem>>
        %dma_wait3A_393 = arith.constant 0 : i32
        %dma_wait3A_394 = arith.constant 0 : i32
        %dma_wait3A_395 = arith.constant 0 : i32
        %dma_wait3A_396 = tpu.memref_slice %arg5[%scan3A_247, %dma_wait3A_393, %dma_wait3A_394, %dma_wait3A_395] : memref<2x20x2x128xi32, #tpu.memory_space<vmem>> -> memref<1x20x2x128xi32, #tpu.memory_space<vmem>>
        %dma_wait3A_397 = tpu.memref_squeeze %dma_wait3A_396 : memref<1x20x2x128xi32, #tpu.memory_space<vmem>> -> memref<20x2x128xi32, #tpu.memory_space<vmem>>
        %dma_wait3A_398 = arith.constant 0 : i32
        %dma_wait3A_399 = tpu.memref_slice %dma_wait3A_397[%add3A_370, %run_scoped3A_372, %dma_wait3A_398] : memref<20x2x128xi32, #tpu.memory_space<vmem>> -> memref<1x1x128xi32, #tpu.memory_space<vmem>>
        %dma_wait3A_400 = tpu.memref_squeeze %dma_wait3A_399 : memref<1x1x128xi32, #tpu.memory_space<vmem>> -> memref<128xi32, #tpu.memory_space<vmem>>
        %dma_wait3A_401 = arith.constant 0 : i32
        %dma_wait3A_402 = arith.constant 0 : i32
        %dma_wait3A_403 = tpu.memref_slice %arg7[%dma_wait3A_401, %dma_wait3A_402] : memref<10240x128xf32, #tpu.memory_space<vmem_shared>> -> memref<10240x128xf32, #tpu.memory_space<vmem_shared>>
        tpu.wait_indirect_dma semaphore(%run_scoped3A_373 : memref<!tpu.dma_semaphore, #tpu.memory_space<semaphore_mem>>) src(%dma_wait3A_392 : memref<128x128xf32, #tpu.memory_space<vmem>>) dst(%dma_wait3A_403 : memref<10240x128xf32, #tpu.memory_space<vmem_shared>>)
        tpu.yield
      }) : () -> ()
    }
    %scan3A_252 = arith.constant 10 : i32
    %dma_wait3A_253 = arith.constant 1 : i32
    %dma_wait3A_254 = arith.constant 0 : i32
    %dma_wait3A_255 = arith.constant 0 : i32
    %dma_wait3A_256 = arith.constant 0 : i32
    %dma_wait3A_257 = tpu.memref_slice %arg5[%dma_wait3A_253, %dma_wait3A_254, %dma_wait3A_255, %dma_wait3A_256] : memref<2x20x2x128xi32, #tpu.memory_space<vmem>> -> memref<1x20x2x128xi32, #tpu.memory_space<vmem>>
    %dma_wait3A_258 = tpu.memref_squeeze %dma_wait3A_257 : memref<1x20x2x128xi32, #tpu.memory_space<vmem>> -> memref<20x2x128xi32, #tpu.memory_space<vmem>>
    %dma_wait3A_259 = arith.constant 60 : i32
    %dma_wait3A_260 = arith.constant 0 : i32
    %dma_wait3A_261 = arith.constant 0 : i32
    %dma_wait3A_262 = tpu.memref_slice %arg3[%add3A, %dma_wait3A_259, %dma_wait3A_260, %dma_wait3A_261] : memref<32x80x2x128xi32, #tpu.memory_space<hbm>> -> memref<1x20x2x128xi32, #tpu.memory_space<hbm>>
    %dma_wait3A_263 = tpu.memref_squeeze %dma_wait3A_262 : memref<1x20x2x128xi32, #tpu.memory_space<hbm>> -> memref<20x2x128xi32, #tpu.memory_space<hbm>>
    %dma_wait3A_264 = arith.constant 0 : i32
    %dma_wait3A_265 = arith.constant 0 : i32
    %dma_wait3A_266 = arith.constant 0 : i32
    %dma_wait3A_267 = tpu.memref_slice %arg5[%dma_wait3A_253, %dma_wait3A_264, %dma_wait3A_265, %dma_wait3A_266] : memref<2x20x2x128xi32, #tpu.memory_space<vmem>> -> memref<1x20x2x128xi32, #tpu.memory_space<vmem>>
    %dma_wait3A_268 = tpu.memref_squeeze %dma_wait3A_267 : memref<1x20x2x128xi32, #tpu.memory_space<vmem>> -> memref<20x2x128xi32, #tpu.memory_space<vmem>>
    %dma_wait3A_269 = arith.constant 60 : i32
    %dma_wait3A_270 = arith.constant 0 : i32
    %dma_wait3A_271 = arith.constant 0 : i32
    %dma_wait3A_272 = tpu.memref_slice %arg3[%add3A, %dma_wait3A_269, %dma_wait3A_270, %dma_wait3A_271] : memref<32x80x2x128xi32, #tpu.memory_space<hbm>> -> memref<1x20x2x128xi32, #tpu.memory_space<hbm>>
    %dma_wait3A_273 = tpu.memref_squeeze %dma_wait3A_272 : memref<1x20x2x128xi32, #tpu.memory_space<hbm>> -> memref<20x2x128xi32, #tpu.memory_space<hbm>>
    tpu.wait_dma2 semaphore(%arg11 : memref<!tpu.dma_semaphore, #tpu.memory_space<semaphore_mem>>) src(%dma_wait3A_273 : memref<20x2x128xi32, #tpu.memory_space<hbm>>) dst(%dma_wait3A_268 : memref<20x2x128xi32, #tpu.memory_space<vmem>>)
    %dma_start3A_274 = arith.constant 1 : i32
    %dma_start3A_275 = arith.constant 0 : i32
    %dma_start3A_276 = arith.constant 0 : i32
    %dma_start3A_277 = arith.constant 0 : i32
    %dma_start3A_278 = arith.constant 0 : i32
    %dma_start3A_279 = arith.constant 0 : i32
    %dma_start3A_280 = tpu.memref_slice %arg6[%dma_start3A_277, %dma_start3A_278, %dma_start3A_279] : memref<2x128x128xf32, #tpu.memory_space<vmem>> -> memref<1x128x128xf32, #tpu.memory_space<vmem>>
    %dma_start3A_281 = tpu.memref_squeeze %dma_start3A_280 : memref<1x128x128xf32, #tpu.memory_space<vmem>> -> memref<128x128xf32, #tpu.memory_space<vmem>>
    %dma_start3A_282 = arith.constant 0 : i32
    %dma_start3A_283 = arith.constant 0 : i32
    %dma_start3A_284 = arith.constant 0 : i32
    %dma_start3A_285 = tpu.memref_slice %arg5[%dma_start3A_274, %dma_start3A_282, %dma_start3A_283, %dma_start3A_284] : memref<2x20x2x128xi32, #tpu.memory_space<vmem>> -> memref<1x20x2x128xi32, #tpu.memory_space<vmem>>
    %dma_start3A_286 = tpu.memref_squeeze %dma_start3A_285 : memref<1x20x2x128xi32, #tpu.memory_space<vmem>> -> memref<20x2x128xi32, #tpu.memory_space<vmem>>
    %dma_start3A_287 = arith.constant 0 : i32
    %dma_start3A_288 = tpu.memref_slice %dma_start3A_286[%dma_start3A_275, %dma_start3A_276, %dma_start3A_287] : memref<20x2x128xi32, #tpu.memory_space<vmem>> -> memref<1x1x128xi32, #tpu.memory_space<vmem>>
    %dma_start3A_289 = tpu.memref_squeeze %dma_start3A_288 : memref<1x1x128xi32, #tpu.memory_space<vmem>> -> memref<128xi32, #tpu.memory_space<vmem>>
    %dma_start3A_290 = arith.constant 0 : i32
    %dma_start3A_291 = arith.constant 0 : i32
    %dma_start3A_292 = tpu.memref_slice %arg2[%dma_start3A_290, %dma_start3A_291] : memref<10000x128xf32, #tpu.memory_space<hbm>> -> memref<10000x128xf32, #tpu.memory_space<hbm>>
    tpu.enqueue_indirect_dma source(%dma_start3A_292 : memref<10000x128xf32, #tpu.memory_space<hbm>>) target(%dma_start3A_281 : memref<128x128xf32, #tpu.memory_space<vmem>>) offsets(%dma_start3A_289 : memref<128xi32, #tpu.memory_space<vmem>>) semaphore(%arg8 : memref<!tpu.dma_semaphore, #tpu.memory_space<semaphore_mem>>)
    %scan3A_293 = arith.constant 0 : i32
    %scan3A_294 = arith.constant 1 : i32
    %scan3A_295 = arith.constant 0 : i32
    %scan3A_296 = arith.constant 10 : i32
    %scan3A_297 = arith.addi %scan3A_295, %scan3A_296 : i32
    %scan3A_298 = arith.constant 1 : i32
    scf.for %scan3A_305 = %scan3A_295 to %scan3A_297 step %scan3A_298  : i32 {
      %mul3A_306 = arith.constant 2 : i32
      %mul3A_307 = arith.muli %mul3A_306, %scan3A_305 : i32
      %dma_wait3A_308 = arith.constant 0 : i32
      %dma_wait3A_309 = arith.constant 0 : i32
      %dma_wait3A_310 = arith.constant 0 : i32
      %dma_wait3A_311 = arith.constant 0 : i32
      %dma_wait3A_312 = tpu.memref_slice %arg6[%dma_wait3A_309, %dma_wait3A_310, %dma_wait3A_311] : memref<2x128x128xf32, #tpu.memory_space<vmem>> -> memref<1x128x128xf32, #tpu.memory_space<vmem>>
      %dma_wait3A_313 = tpu.memref_squeeze %dma_wait3A_312 : memref<1x128x128xf32, #tpu.memory_space<vmem>> -> memref<128x128xf32, #tpu.memory_space<vmem>>
      %dma_wait3A_314 = arith.constant 0 : i32
      %dma_wait3A_315 = arith.constant 0 : i32
      %dma_wait3A_316 = arith.constant 0 : i32
      %dma_wait3A_317 = tpu.memref_slice %arg5[%scan3A_294, %dma_wait3A_314, %dma_wait3A_315, %dma_wait3A_316] : memref<2x20x2x128xi32, #tpu.memory_space<vmem>> -> memref<1x20x2x128xi32, #tpu.memory_space<vmem>>
      %dma_wait3A_318 = tpu.memref_squeeze %dma_wait3A_317 : memref<1x20x2x128xi32, #tpu.memory_space<vmem>> -> memref<20x2x128xi32, #tpu.memory_space<vmem>>
      %dma_wait3A_319 = arith.constant 0 : i32
      %dma_wait3A_320 = tpu.memref_slice %dma_wait3A_318[%mul3A_307, %dma_wait3A_308, %dma_wait3A_319] : memref<20x2x128xi32, #tpu.memory_space<vmem>> -> memref<1x1x128xi32, #tpu.memory_space<vmem>>
      %dma_wait3A_321 = tpu.memref_squeeze %dma_wait3A_320 : memref<1x1x128xi32, #tpu.memory_space<vmem>> -> memref<128xi32, #tpu.memory_space<vmem>>
      %dma_wait3A_322 = arith.constant 0 : i32
      %dma_wait3A_323 = arith.constant 0 : i32
      %dma_wait3A_324 = tpu.memref_slice %arg2[%dma_wait3A_322, %dma_wait3A_323] : memref<10000x128xf32, #tpu.memory_space<hbm>> -> memref<10000x128xf32, #tpu.memory_space<hbm>>
      tpu.wait_indirect_dma semaphore(%arg8 : memref<!tpu.dma_semaphore, #tpu.memory_space<semaphore_mem>>) src(%dma_wait3A_324 : memref<10000x128xf32, #tpu.memory_space<hbm>>) dst(%dma_wait3A_313 : memref<128x128xf32, #tpu.memory_space<vmem>>)
      %add3A_325 = arith.constant 1 : i32
      %add3A_326 = arith.addi %mul3A_307, %add3A_325 : i32
      %dma_start3A_327 = arith.constant 0 : i32
      %dma_start3A_328 = arith.constant 1 : i32
      %dma_start3A_329 = arith.constant 0 : i32
      %dma_start3A_330 = arith.constant 0 : i32
      %dma_start3A_331 = tpu.memref_slice %arg6[%dma_start3A_328, %dma_start3A_329, %dma_start3A_330] : memref<2x128x128xf32, #tpu.memory_space<vmem>> -> memref<1x128x128xf32, #tpu.memory_space<vmem>>
      %dma_start3A_332 = tpu.memref_squeeze %dma_start3A_331 : memref<1x128x128xf32, #tpu.memory_space<vmem>> -> memref<128x128xf32, #tpu.memory_space<vmem>>
      %dma_start3A_333 = arith.constant 0 : i32
      %dma_start3A_334 = arith.constant 0 : i32
      %dma_start3A_335 = arith.constant 0 : i32
      %dma_start3A_336 = tpu.memref_slice %arg5[%scan3A_294, %dma_start3A_333, %dma_start3A_334, %dma_start3A_335] : memref<2x20x2x128xi32, #tpu.memory_space<vmem>> -> memref<1x20x2x128xi32, #tpu.memory_space<vmem>>
      %dma_start3A_337 = tpu.memref_squeeze %dma_start3A_336 : memref<1x20x2x128xi32, #tpu.memory_space<vmem>> -> memref<20x2x128xi32, #tpu.memory_space<vmem>>
      %dma_start3A_338 = arith.constant 0 : i32
      %dma_start3A_339 = tpu.memref_slice %dma_start3A_337[%add3A_326, %dma_start3A_327, %dma_start3A_338] : memref<20x2x128xi32, #tpu.memory_space<vmem>> -> memref<1x1x128xi32, #tpu.memory_space<vmem>>
      %dma_start3A_340 = tpu.memref_squeeze %dma_start3A_339 : memref<1x1x128xi32, #tpu.memory_space<vmem>> -> memref<128xi32, #tpu.memory_space<vmem>>
      %dma_start3A_341 = arith.constant 0 : i32
      %dma_start3A_342 = arith.constant 0 : i32
      %dma_start3A_343 = tpu.memref_slice %arg2[%dma_start3A_341, %dma_start3A_342] : memref<10000x128xf32, #tpu.memory_space<hbm>> -> memref<10000x128xf32, #tpu.memory_space<hbm>>
      tpu.enqueue_indirect_dma source(%dma_start3A_343 : memref<10000x128xf32, #tpu.memory_space<hbm>>) target(%dma_start3A_332 : memref<128x128xf32, #tpu.memory_space<vmem>>) offsets(%dma_start3A_340 : memref<128xi32, #tpu.memory_space<vmem>>) semaphore(%arg9 : memref<!tpu.dma_semaphore, #tpu.memory_space<semaphore_mem>>)
      %run_scoped3A_344 = arith.constant 0 : i32
      %run_scoped3A_345 = arith.constant 1 : i32
      "tpu.region"() ({
        %run_scoped3A_373 = tpu.sem_alloc : memref<!tpu.dma_semaphore, #tpu.memory_space<semaphore_mem>>
        %dma_start3A_374 = arith.constant 0 : i32
        %dma_start3A_375 = arith.constant 0 : i32
        %dma_start3A_376 = tpu.memref_slice %arg6[%run_scoped3A_344, %dma_start3A_374, %dma_start3A_375] : memref<2x128x128xf32, #tpu.memory_space<vmem>> -> memref<1x128x128xf32, #tpu.memory_space<vmem>>
        %dma_start3A_377 = tpu.memref_squeeze %dma_start3A_376 : memref<1x128x128xf32, #tpu.memory_space<vmem>> -> memref<128x128xf32, #tpu.memory_space<vmem>>
        %dma_start3A_378 = arith.constant 0 : i32
        %dma_start3A_379 = arith.constant 0 : i32
        %dma_start3A_380 = arith.constant 0 : i32
        %dma_start3A_381 = tpu.memref_slice %arg5[%scan3A_294, %dma_start3A_378, %dma_start3A_379, %dma_start3A_380] : memref<2x20x2x128xi32, #tpu.memory_space<vmem>> -> memref<1x20x2x128xi32, #tpu.memory_space<vmem>>
        %dma_start3A_382 = tpu.memref_squeeze %dma_start3A_381 : memref<1x20x2x128xi32, #tpu.memory_space<vmem>> -> memref<20x2x128xi32, #tpu.memory_space<vmem>>
        %dma_start3A_383 = arith.constant 0 : i32
        %dma_start3A_384 = tpu.memref_slice %dma_start3A_382[%mul3A_307, %run_scoped3A_345, %dma_start3A_383] : memref<20x2x128xi32, #tpu.memory_space<vmem>> -> memref<1x1x128xi32, #tpu.memory_space<vmem>>
        %dma_start3A_385 = tpu.memref_squeeze %dma_start3A_384 : memref<1x1x128xi32, #tpu.memory_space<vmem>> -> memref<128xi32, #tpu.memory_space<vmem>>
        %dma_start3A_386 = arith.constant 0 : i32
        %dma_start3A_387 = arith.constant 0 : i32
        %dma_start3A_388 = tpu.memref_slice %arg7[%dma_start3A_386, %dma_start3A_387] : memref<10240x128xf32, #tpu.memory_space<vmem_shared>> -> memref<10240x128xf32, #tpu.memory_space<vmem_shared>>
        tpu.enqueue_indirect_dma source(%dma_start3A_377 : memref<128x128xf32, #tpu.memory_space<vmem>>) target(%dma_start3A_388 : memref<10240x128xf32, #tpu.memory_space<vmem_shared>>) offsets(%dma_start3A_385 : memref<128xi32, #tpu.memory_space<vmem>>) semaphore(%run_scoped3A_373 : memref<!tpu.dma_semaphore, #tpu.memory_space<semaphore_mem>>) {add = true}
        %dma_wait3A_389 = arith.constant 0 : i32
        %dma_wait3A_390 = arith.constant 0 : i32
        %dma_wait3A_391 = tpu.memref_slice %arg6[%run_scoped3A_344, %dma_wait3A_389, %dma_wait3A_390] : memref<2x128x128xf32, #tpu.memory_space<vmem>> -> memref<1x128x128xf32, #tpu.memory_space<vmem>>
        %dma_wait3A_392 = tpu.memref_squeeze %dma_wait3A_391 : memref<1x128x128xf32, #tpu.memory_space<vmem>> -> memref<128x128xf32, #tpu.memory_space<vmem>>
        %dma_wait3A_393 = arith.constant 0 : i32
        %dma_wait3A_394 = arith.constant 0 : i32
        %dma_wait3A_395 = arith.constant 0 : i32
        %dma_wait3A_396 = tpu.memref_slice %arg5[%scan3A_294, %dma_wait3A_393, %dma_wait3A_394, %dma_wait3A_395] : memref<2x20x2x128xi32, #tpu.memory_space<vmem>> -> memref<1x20x2x128xi32, #tpu.memory_space<vmem>>
        %dma_wait3A_397 = tpu.memref_squeeze %dma_wait3A_396 : memref<1x20x2x128xi32, #tpu.memory_space<vmem>> -> memref<20x2x128xi32, #tpu.memory_space<vmem>>
        %dma_wait3A_398 = arith.constant 0 : i32
        %dma_wait3A_399 = tpu.memref_slice %dma_wait3A_397[%mul3A_307, %run_scoped3A_345, %dma_wait3A_398] : memref<20x2x128xi32, #tpu.memory_space<vmem>> -> memref<1x1x128xi32, #tpu.memory_space<vmem>>
        %dma_wait3A_400 = tpu.memref_squeeze %dma_wait3A_399 : memref<1x1x128xi32, #tpu.memory_space<vmem>> -> memref<128xi32, #tpu.memory_space<vmem>>
        %dma_wait3A_401 = arith.constant 0 : i32
        %dma_wait3A_402 = arith.constant 0 : i32
        %dma_wait3A_403 = tpu.memref_slice %arg7[%dma_wait3A_401, %dma_wait3A_402] : memref<10240x128xf32, #tpu.memory_space<vmem_shared>> -> memref<10240x128xf32, #tpu.memory_space<vmem_shared>>
        tpu.wait_indirect_dma semaphore(%run_scoped3A_373 : memref<!tpu.dma_semaphore, #tpu.memory_space<semaphore_mem>>) src(%dma_wait3A_392 : memref<128x128xf32, #tpu.memory_space<vmem>>) dst(%dma_wait3A_403 : memref<10240x128xf32, #tpu.memory_space<vmem_shared>>)
        tpu.yield
      }) : () -> ()
      %add3A_346 = arith.constant 1 : i32
      %add3A_347 = arith.addi %mul3A_307, %add3A_346 : i32
      %dma_wait3A_348 = arith.constant 0 : i32
      %dma_wait3A_349 = arith.constant 1 : i32
      %dma_wait3A_350 = arith.constant 0 : i32
      %dma_wait3A_351 = arith.constant 0 : i32
      %dma_wait3A_352 = tpu.memref_slice %arg6[%dma_wait3A_349, %dma_wait3A_350, %dma_wait3A_351] : memref<2x128x128xf32, #tpu.memory_space<vmem>> -> memref<1x128x128xf32, #tpu.memory_space<vmem>>
      %dma_wait3A_353 = tpu.memref_squeeze %dma_wait3A_352 : memref<1x128x128xf32, #tpu.memory_space<vmem>> -> memref<128x128xf32, #tpu.memory_space<vmem>>
      %dma_wait3A_354 = arith.constant 0 : i32
      %dma_wait3A_355 = arith.constant 0 : i32
      %dma_wait3A_356 = arith.constant 0 : i32
      %dma_wait3A_357 = tpu.memref_slice %arg5[%scan3A_294, %dma_wait3A_354, %dma_wait3A_355, %dma_wait3A_356] : memref<2x20x2x128xi32, #tpu.memory_space<vmem>> -> memref<1x20x2x128xi32, #tpu.memory_space<vmem>>
      %dma_wait3A_358 = tpu.memref_squeeze %dma_wait3A_357 : memref<1x20x2x128xi32, #tpu.memory_space<vmem>> -> memref<20x2x128xi32, #tpu.memory_space<vmem>>
      %dma_wait3A_359 = arith.constant 0 : i32
      %dma_wait3A_360 = tpu.memref_slice %dma_wait3A_358[%add3A_347, %dma_wait3A_348, %dma_wait3A_359] : memref<20x2x128xi32, #tpu.memory_space<vmem>> -> memref<1x1x128xi32, #tpu.memory_space<vmem>>
      %dma_wait3A_361 = tpu.memref_squeeze %dma_wait3A_360 : memref<1x1x128xi32, #tpu.memory_space<vmem>> -> memref<128xi32, #tpu.memory_space<vmem>>
      %dma_wait3A_362 = arith.constant 0 : i32
      %dma_wait3A_363 = arith.constant 0 : i32
      %dma_wait3A_364 = tpu.memref_slice %arg2[%dma_wait3A_362, %dma_wait3A_363] : memref<10000x128xf32, #tpu.memory_space<hbm>> -> memref<10000x128xf32, #tpu.memory_space<hbm>>
      tpu.wait_indirect_dma semaphore(%arg9 : memref<!tpu.dma_semaphore, #tpu.memory_space<semaphore_mem>>) src(%dma_wait3A_364 : memref<10000x128xf32, #tpu.memory_space<hbm>>) dst(%dma_wait3A_353 : memref<128x128xf32, #tpu.memory_space<vmem>>)
      %add3A_365 = arith.constant 2 : i32
      %add3A_366 = arith.addi %mul3A_307, %add3A_365 : i32
      %lt3A = arith.constant 20 : i32
      %lt3A_367 = arith.cmpi slt, %add3A_366, %lt3A : i32
      %convert_element_type3A = arith.extui %lt3A_367 : i1 to i32
      %cond3A = arith.constant 0 : i32
      %cond3A_368 = arith.cmpi ne, %convert_element_type3A, %cond3A : i32
      scf.if %cond3A_368 {
        %add3A_373 = arith.constant 2 : i32
        %add3A_374 = arith.addi %mul3A_307, %add3A_373 : i32
        %dma_start3A_375 = arith.constant 0 : i32
        %dma_start3A_376 = arith.constant 0 : i32
        %dma_start3A_377 = arith.constant 0 : i32
        %dma_start3A_378 = arith.constant 0 : i32
        %dma_start3A_379 = tpu.memref_slice %arg6[%dma_start3A_376, %dma_start3A_377, %dma_start3A_378] : memref<2x128x128xf32, #tpu.memory_space<vmem>> -> memref<1x128x128xf32, #tpu.memory_space<vmem>>
        %dma_start3A_380 = tpu.memref_squeeze %dma_start3A_379 : memref<1x128x128xf32, #tpu.memory_space<vmem>> -> memref<128x128xf32, #tpu.memory_space<vmem>>
        %dma_start3A_381 = arith.constant 0 : i32
        %dma_start3A_382 = arith.constant 0 : i32
        %dma_start3A_383 = arith.constant 0 : i32
        %dma_start3A_384 = tpu.memref_slice %arg5[%scan3A_294, %dma_start3A_381, %dma_start3A_382, %dma_start3A_383] : memref<2x20x2x128xi32, #tpu.memory_space<vmem>> -> memref<1x20x2x128xi32, #tpu.memory_space<vmem>>
        %dma_start3A_385 = tpu.memref_squeeze %dma_start3A_384 : memref<1x20x2x128xi32, #tpu.memory_space<vmem>> -> memref<20x2x128xi32, #tpu.memory_space<vmem>>
        %dma_start3A_386 = arith.constant 0 : i32
        %dma_start3A_387 = tpu.memref_slice %dma_start3A_385[%add3A_374, %dma_start3A_375, %dma_start3A_386] : memref<20x2x128xi32, #tpu.memory_space<vmem>> -> memref<1x1x128xi32, #tpu.memory_space<vmem>>
        %dma_start3A_388 = tpu.memref_squeeze %dma_start3A_387 : memref<1x1x128xi32, #tpu.memory_space<vmem>> -> memref<128xi32, #tpu.memory_space<vmem>>
        %dma_start3A_389 = arith.constant 0 : i32
        %dma_start3A_390 = arith.constant 0 : i32
        %dma_start3A_391 = tpu.memref_slice %arg2[%dma_start3A_389, %dma_start3A_390] : memref<10000x128xf32, #tpu.memory_space<hbm>> -> memref<10000x128xf32, #tpu.memory_space<hbm>>
        tpu.enqueue_indirect_dma source(%dma_start3A_391 : memref<10000x128xf32, #tpu.memory_space<hbm>>) target(%dma_start3A_380 : memref<128x128xf32, #tpu.memory_space<vmem>>) offsets(%dma_start3A_388 : memref<128xi32, #tpu.memory_space<vmem>>) semaphore(%arg8 : memref<!tpu.dma_semaphore, #tpu.memory_space<semaphore_mem>>)
      } else {
      }
      %add3A_369 = arith.constant 1 : i32
      %add3A_370 = arith.addi %mul3A_307, %add3A_369 : i32
      %run_scoped3A_371 = arith.constant 1 : i32
      %run_scoped3A_372 = arith.constant 1 : i32
      "tpu.region"() ({
        %run_scoped3A_373 = tpu.sem_alloc : memref<!tpu.dma_semaphore, #tpu.memory_space<semaphore_mem>>
        %dma_start3A_374 = arith.constant 0 : i32
        %dma_start3A_375 = arith.constant 0 : i32
        %dma_start3A_376 = tpu.memref_slice %arg6[%run_scoped3A_371, %dma_start3A_374, %dma_start3A_375] : memref<2x128x128xf32, #tpu.memory_space<vmem>> -> memref<1x128x128xf32, #tpu.memory_space<vmem>>
        %dma_start3A_377 = tpu.memref_squeeze %dma_start3A_376 : memref<1x128x128xf32, #tpu.memory_space<vmem>> -> memref<128x128xf32, #tpu.memory_space<vmem>>
        %dma_start3A_378 = arith.constant 0 : i32
        %dma_start3A_379 = arith.constant 0 : i32
        %dma_start3A_380 = arith.constant 0 : i32
        %dma_start3A_381 = tpu.memref_slice %arg5[%scan3A_294, %dma_start3A_378, %dma_start3A_379, %dma_start3A_380] : memref<2x20x2x128xi32, #tpu.memory_space<vmem>> -> memref<1x20x2x128xi32, #tpu.memory_space<vmem>>
        %dma_start3A_382 = tpu.memref_squeeze %dma_start3A_381 : memref<1x20x2x128xi32, #tpu.memory_space<vmem>> -> memref<20x2x128xi32, #tpu.memory_space<vmem>>
        %dma_start3A_383 = arith.constant 0 : i32
        %dma_start3A_384 = tpu.memref_slice %dma_start3A_382[%add3A_370, %run_scoped3A_372, %dma_start3A_383] : memref<20x2x128xi32, #tpu.memory_space<vmem>> -> memref<1x1x128xi32, #tpu.memory_space<vmem>>
        %dma_start3A_385 = tpu.memref_squeeze %dma_start3A_384 : memref<1x1x128xi32, #tpu.memory_space<vmem>> -> memref<128xi32, #tpu.memory_space<vmem>>
        %dma_start3A_386 = arith.constant 0 : i32
        %dma_start3A_387 = arith.constant 0 : i32
        %dma_start3A_388 = tpu.memref_slice %arg7[%dma_start3A_386, %dma_start3A_387] : memref<10240x128xf32, #tpu.memory_space<vmem_shared>> -> memref<10240x128xf32, #tpu.memory_space<vmem_shared>>
        tpu.enqueue_indirect_dma source(%dma_start3A_377 : memref<128x128xf32, #tpu.memory_space<vmem>>) target(%dma_start3A_388 : memref<10240x128xf32, #tpu.memory_space<vmem_shared>>) offsets(%dma_start3A_385 : memref<128xi32, #tpu.memory_space<vmem>>) semaphore(%run_scoped3A_373 : memref<!tpu.dma_semaphore, #tpu.memory_space<semaphore_mem>>) {add = true}
        %dma_wait3A_389 = arith.constant 0 : i32
        %dma_wait3A_390 = arith.constant 0 : i32
        %dma_wait3A_391 = tpu.memref_slice %arg6[%run_scoped3A_371, %dma_wait3A_389, %dma_wait3A_390] : memref<2x128x128xf32, #tpu.memory_space<vmem>> -> memref<1x128x128xf32, #tpu.memory_space<vmem>>
        %dma_wait3A_392 = tpu.memref_squeeze %dma_wait3A_391 : memref<1x128x128xf32, #tpu.memory_space<vmem>> -> memref<128x128xf32, #tpu.memory_space<vmem>>
        %dma_wait3A_393 = arith.constant 0 : i32
        %dma_wait3A_394 = arith.constant 0 : i32
        %dma_wait3A_395 = arith.constant 0 : i32
        %dma_wait3A_396 = tpu.memref_slice %arg5[%scan3A_294, %dma_wait3A_393, %dma_wait3A_394, %dma_wait3A_395] : memref<2x20x2x128xi32, #tpu.memory_space<vmem>> -> memref<1x20x2x128xi32, #tpu.memory_space<vmem>>
        %dma_wait3A_397 = tpu.memref_squeeze %dma_wait3A_396 : memref<1x20x2x128xi32, #tpu.memory_space<vmem>> -> memref<20x2x128xi32, #tpu.memory_space<vmem>>
        %dma_wait3A_398 = arith.constant 0 : i32
        %dma_wait3A_399 = tpu.memref_slice %dma_wait3A_397[%add3A_370, %run_scoped3A_372, %dma_wait3A_398] : memref<20x2x128xi32, #tpu.memory_space<vmem>> -> memref<1x1x128xi32, #tpu.memory_space<vmem>>
        %dma_wait3A_400 = tpu.memref_squeeze %dma_wait3A_399 : memref<1x1x128xi32, #tpu.memory_space<vmem>> -> memref<128xi32, #tpu.memory_space<vmem>>
        %dma_wait3A_401 = arith.constant 0 : i32
        %dma_wait3A_402 = arith.constant 0 : i32
        %dma_wait3A_403 = tpu.memref_slice %arg7[%dma_wait3A_401, %dma_wait3A_402] : memref<10240x128xf32, #tpu.memory_space<vmem_shared>> -> memref<10240x128xf32, #tpu.memory_space<vmem_shared>>
        tpu.wait_indirect_dma semaphore(%run_scoped3A_373 : memref<!tpu.dma_semaphore, #tpu.memory_space<semaphore_mem>>) src(%dma_wait3A_392 : memref<128x128xf32, #tpu.memory_space<vmem>>) dst(%dma_wait3A_403 : memref<10240x128xf32, #tpu.memory_space<vmem_shared>>)
        tpu.yield
      }) : () -> ()
    }
    %scan3A_299 = arith.constant 10 : i32
    %barrier3A_300 = arith.constant 0 : index
    tpu.barrier barrier_id(%barrier3A_300)
    %mul3A_301 = arith.constant 640 : i32
    %mul3A_302 = arith.muli %arg1, %mul3A_301 : i32
    %mul3A_303 = arith.constant 640 : i32
    %mul3A_304 = arith.muli %arg1, %mul3A_303 : i32
    "tpu.region"() ({
      %run_scoped3A_305 = tpu.sem_alloc : memref<!tpu.dma_semaphore, #tpu.memory_space<semaphore_mem>>
      %dma_start3A_306 = arith.constant 0 : i32
      %dma_start3A_307 = tpu.memref_slice %arg4[%arg0, %mul3A_304, %dma_start3A_306] : memref<2x10240x128xf32, #tpu.memory_space<hbm>> -> memref<1x640x128xf32, #tpu.memory_space<hbm>>
      %dma_start3A_308 = tpu.memref_squeeze %dma_start3A_307 : memref<1x640x128xf32, #tpu.memory_space<hbm>> -> memref<640x128xf32, #tpu.memory_space<hbm>>
      %dma_start3A_309 = arith.constant 0 : i32
      %dma_start3A_310 = tpu.memref_slice %arg7[%mul3A_302, %dma_start3A_309] : memref<10240x128xf32, #tpu.memory_space<vmem_shared>> -> memref<640x128xf32, #tpu.memory_space<vmem_shared>>
      tpu.enqueue_dma source(%dma_start3A_310 : memref<640x128xf32, #tpu.memory_space<vmem_shared>>) target(%dma_start3A_308 : memref<640x128xf32, #tpu.memory_space<hbm>>) target_semaphore(%run_scoped3A_305 : memref<!tpu.dma_semaphore, #tpu.memory_space<semaphore_mem>>)
      %dma_wait3A_311 = arith.constant 0 : i32
      %dma_wait3A_312 = tpu.memref_slice %arg4[%arg0, %mul3A_304, %dma_wait3A_311] : memref<2x10240x128xf32, #tpu.memory_space<hbm>> -> memref<1x640x128xf32, #tpu.memory_space<hbm>>
      %dma_wait3A_313 = tpu.memref_squeeze %dma_wait3A_312 : memref<1x640x128xf32, #tpu.memory_space<hbm>> -> memref<640x128xf32, #tpu.memory_space<hbm>>
      %dma_wait3A_314 = arith.constant 0 : i32
      %dma_wait3A_315 = tpu.memref_slice %arg7[%mul3A_302, %dma_wait3A_314] : memref<10240x128xf32, #tpu.memory_space<vmem_shared>> -> memref<640x128xf32, #tpu.memory_space<vmem_shared>>
      tpu.wait_dma2 semaphore(%run_scoped3A_305 : memref<!tpu.dma_semaphore, #tpu.memory_space<semaphore_mem>>) src(%dma_wait3A_315 : memref<640x128xf32, #tpu.memory_space<vmem_shared>>) dst(%dma_wait3A_313 : memref<640x128xf32, #tpu.memory_space<hbm>>)
      tpu.yield
    }) : () -> ()
    return
  }
}

#map = affine_map<(d0, d1) -> (0, 0)>
#map1 = affine_map<(d0, d1) -> (0, 0, 0, 0)>
#map2 = affine_map<(d0, d1) -> (0, 0, 0)>
module attributes {stable_mosaic.version = 14 : i64} {
  func.func @_agg_body(%arg0: i32, %arg1: i32, %arg2: memref<10000x128xf32, #tpu.memory_space<hbm>>, %arg3: memref<32x80x2x128xi32, #tpu.memory_space<hbm>>, %arg4: memref<2x10240x128xf32, #tpu.memory_space<hbm>>, %arg5: memref<2x20x2x128xi32, #tpu.memory_space<vmem>>, %arg6: memref<2x128x128xf32, #tpu.memory_space<vmem>>, %arg7: memref<10240x128xf32, #tpu.memory_space<vmem_shared>>, %arg8: memref<!tpu.dma_semaphore, #tpu.memory_space<semaphore_mem>>, %arg9: memref<!tpu.dma_semaphore, #tpu.memory_space<semaphore_mem>>, %arg10: memref<!tpu.dma_semaphore, #tpu.memory_space<semaphore_mem>>, %arg11: memref<!tpu.dma_semaphore, #tpu.memory_space<semaphore_mem>>) attributes {dimension_semantics = [#tpu.dimension_semantics<core_parallel>, #tpu.dimension_semantics<subcore_parallel>], iteration_bounds = array<i64: 2, 16>, scalar_prefetch = 0 : i64, scratch_operands = 7 : i64, tpu.core_type = #tpu.core_type<sc_vector_subcore>, window_params = [{transform_indices = #map}, {transform_indices = #map1}, {transform_indices = #map2}]} {
    %mul3A = arith.constant 16 : i32
    %mul3A_0 = arith.muli %arg0, %mul3A : i32
    %add3A = arith.addi %mul3A_0, %arg1 : i32
    %dma_start3A = arith.constant 0 : i32
    %dma_start3A_1 = arith.constant 0 : i32
    %dma_start3A_2 = arith.constant 0 : i32
    %dma_start3A_3 = arith.constant 0 : i32
    %dma_start3A_4 = tpu.memref_slice %arg5[%dma_start3A, %dma_start3A_1, %dma_start3A_2, %dma_start3A_3] : memref<2x20x2x128xi32, #tpu.memory_space<vmem>> -> memref<1x20x2x128xi32, #tpu.memory_space<vmem>>
    %dma_start3A_5 = tpu.memref_squeeze %dma_start3A_4 : memref<1x20x2x128xi32, #tpu.memory_space<vmem>> -> memref<20x2x128xi32, #tpu.memory_space<vmem>>
    %dma_start3A_6 = arith.constant 0 : i32
    %dma_start3A_7 = arith.constant 0 : i32
    %dma_start3A_8 = arith.constant 0 : i32
    %dma_start3A_9 = tpu.memref_slice %arg3[%add3A, %dma_start3A_6, %dma_start3A_7, %dma_start3A_8] : memref<32x80x2x128xi32, #tpu.memory_space<hbm>> -> memref<1x20x2x128xi32, #tpu.memory_space<hbm>>
    %dma_start3A_10 = tpu.memref_squeeze %dma_start3A_9 : memref<1x20x2x128xi32, #tpu.memory_space<hbm>> -> memref<20x2x128xi32, #tpu.memory_space<hbm>>
    %dma_start3A_11 = arith.constant 0 : i32
    %dma_start3A_12 = arith.constant 0 : i32
    %dma_start3A_13 = arith.constant 0 : i32
    %dma_start3A_14 = tpu.memref_slice %arg5[%dma_start3A, %dma_start3A_11, %dma_start3A_12, %dma_start3A_13] : memref<2x20x2x128xi32, #tpu.memory_space<vmem>> -> memref<1x20x2x128xi32, #tpu.memory_space<vmem>>
    %dma_start3A_15 = tpu.memref_squeeze %dma_start3A_14 : memref<1x20x2x128xi32, #tpu.memory_space<vmem>> -> memref<20x2x128xi32, #tpu.memory_space<vmem>>
    %dma_start3A_16 = arith.constant 0 : i32
    %dma_start3A_17 = arith.constant 0 : i32
    %dma_start3A_18 = arith.constant 0 : i32
    %dma_start3A_19 = tpu.memref_slice %arg3[%add3A, %dma_start3A_16, %dma_start3A_17, %dma_start3A_18] : memref<32x80x2x128xi32, #tpu.memory_space<hbm>> -> memref<1x20x2x128xi32, #tpu.memory_space<hbm>>
    %dma_start3A_20 = tpu.memref_squeeze %dma_start3A_19 : memref<1x20x2x128xi32, #tpu.memory_space<hbm>> -> memref<20x2x128xi32, #tpu.memory_space<hbm>>
    tpu.enqueue_dma source(%dma_start3A_20 : memref<20x2x128xi32, #tpu.memory_space<hbm>>) target(%dma_start3A_15 : memref<20x2x128xi32, #tpu.memory_space<vmem>>) target_semaphore(%arg10 : memref<!tpu.dma_semaphore, #tpu.memory_space<semaphore_mem>>)
    %scan3A = arith.constant 0 : i32
    %scan3A_21 = arith.constant 0 : i32
    %scan3A_22 = arith.constant 128 : i32
    %scan3A_23 = arith.addi %scan3A_21, %scan3A_22 : i32
    %scan3A_24 = arith.constant 1 : i32
    scf.for %scan3A_305 = %scan3A_21 to %scan3A_23 step %scan3A_24  : i32 {
      %broadcast_in_dim3A = arith.constant 0.000000e+00 : f32
      %broadcast_in_dim3A_306 = vector.broadcast %broadcast_in_dim3A : f32 to vector<16xf32>
      %swap3A = arith.constant 0 : i32
      %swap3A_307 = arith.index_cast %swap3A : i32 to index
      %swap3A_308 = arith.index_cast %scan3A_305 : i32 to index
      %swap3A_309 = arith.constant 0 : index
      %swap3A_310 = tpu.vector_load %arg6[%swap3A_307, %swap3A_308, %swap3A_309] {strides = array<i32>} : memref<2x128x128xf32, #tpu.memory_space<vmem>>, vector<1x1x16xf32>,
      %swap3A_311 = vector.shape_cast %swap3A_310 : vector<1x1x16xf32> to vector<16xf32>
      %swap3A_312 = vector.shape_cast %broadcast_in_dim3A_306 : vector<16xf32> to vector<1x1x16xf32>
      tpu.vector_store %arg6[%swap3A_307, %swap3A_308, %swap3A_309], %swap3A_312 {strides = array<i32>} : memref<2x128x128xf32, #tpu.memory_space<vmem>>, vector<1x1x16xf32>,
      %broadcast_in_dim3A_313 = arith.constant 0.000000e+00 : f32
      %broadcast_in_dim3A_314 = vector.broadcast %broadcast_in_dim3A_313 : f32 to vector<16xf32>
      %swap3A_315 = arith.constant 0 : i32
      %swap3A_316 = arith.index_cast %swap3A_315 : i32 to index
      %swap3A_317 = arith.index_cast %scan3A_305 : i32 to index
      %swap3A_318 = arith.constant 16 : index
      %swap3A_319 = tpu.vector_load %arg6[%swap3A_316, %swap3A_317, %swap3A_318] {strides = array<i32>} : memref<2x128x128xf32, #tpu.memory_space<vmem>>, vector<1x1x16xf32>,
      %swap3A_320 = vector.shape_cast %swap3A_319 : vector<1x1x16xf32> to vector<16xf32>
      %swap3A_321 = vector.shape_cast %broadcast_in_dim3A_314 : vector<16xf32> to vector<1x1x16xf32>
      tpu.vector_store %arg6[%swap3A_316, %swap3A_317, %swap3A_318], %swap3A_321 {strides = array<i32>} : memref<2x128x128xf32, #tpu.memory_space<vmem>>, vector<1x1x16xf32>,
      %broadcast_in_dim3A_322 = arith.constant 0.000000e+00 : f32
      %broadcast_in_dim3A_323 = vector.broadcast %broadcast_in_dim3A_322 : f32 to vector<16xf32>
      %swap3A_324 = arith.constant 0 : i32
      %swap3A_325 = arith.index_cast %swap3A_324 : i32 to index
      %swap3A_326 = arith.index_cast %scan3A_305 : i32 to index
      %swap3A_327 = arith.constant 32 : index
      %swap3A_328 = tpu.vector_load %arg6[%swap3A_325, %swap3A_326, %swap3A_327] {strides = array<i32>} : memref<2x128x128xf32, #tpu.memory_space<vmem>>, vector<1x1x16xf32>,
      %swap3A_329 = vector.shape_cast %swap3A_328 : vector<1x1x16xf32> to vector<16xf32>
      %swap3A_330 = vector.shape_cast %broadcast_in_dim3A_323 : vector<16xf32> to vector<1x1x16xf32>
      tpu.vector_store %arg6[%swap3A_325, %swap3A_326, %swap3A_327], %swap3A_330 {strides = array<i32>} : memref<2x128x128xf32, #tpu.memory_space<vmem>>, vector<1x1x16xf32>,
      %broadcast_in_dim3A_331 = arith.constant 0.000000e+00 : f32
      %broadcast_in_dim3A_332 = vector.broadcast %broadcast_in_dim3A_331 : f32 to vector<16xf32>
      %swap3A_333 = arith.constant 0 : i32
      %swap3A_334 = arith.index_cast %swap3A_333 : i32 to index
      %swap3A_335 = arith.index_cast %scan3A_305 : i32 to index
      %swap3A_336 = arith.constant 48 : index
      %swap3A_337 = tpu.vector_load %arg6[%swap3A_334, %swap3A_335, %swap3A_336] {strides = array<i32>} : memref<2x128x128xf32, #tpu.memory_space<vmem>>, vector<1x1x16xf32>,
      %swap3A_338 = vector.shape_cast %swap3A_337 : vector<1x1x16xf32> to vector<16xf32>
      %swap3A_339 = vector.shape_cast %broadcast_in_dim3A_332 : vector<16xf32> to vector<1x1x16xf32>
      tpu.vector_store %arg6[%swap3A_334, %swap3A_335, %swap3A_336], %swap3A_339 {strides = array<i32>} : memref<2x128x128xf32, #tpu.memory_space<vmem>>, vector<1x1x16xf32>,
      %broadcast_in_dim3A_340 = arith.constant 0.000000e+00 : f32
      %broadcast_in_dim3A_341 = vector.broadcast %broadcast_in_dim3A_340 : f32 to vector<16xf32>
      %swap3A_342 = arith.constant 0 : i32
      %swap3A_343 = arith.index_cast %swap3A_342 : i32 to index
      %swap3A_344 = arith.index_cast %scan3A_305 : i32 to index
      %swap3A_345 = arith.constant 64 : index
      %swap3A_346 = tpu.vector_load %arg6[%swap3A_343, %swap3A_344, %swap3A_345] {strides = array<i32>} : memref<2x128x128xf32, #tpu.memory_space<vmem>>, vector<1x1x16xf32>,
      %swap3A_347 = vector.shape_cast %swap3A_346 : vector<1x1x16xf32> to vector<16xf32>
      %swap3A_348 = vector.shape_cast %broadcast_in_dim3A_341 : vector<16xf32> to vector<1x1x16xf32>
      tpu.vector_store %arg6[%swap3A_343, %swap3A_344, %swap3A_345], %swap3A_348 {strides = array<i32>} : memref<2x128x128xf32, #tpu.memory_space<vmem>>, vector<1x1x16xf32>,
      %broadcast_in_dim3A_349 = arith.constant 0.000000e+00 : f32
      %broadcast_in_dim3A_350 = vector.broadcast %broadcast_in_dim3A_349 : f32 to vector<16xf32>
      %swap3A_351 = arith.constant 0 : i32
      %swap3A_352 = arith.index_cast %swap3A_351 : i32 to index
      %swap3A_353 = arith.index_cast %scan3A_305 : i32 to index
      %swap3A_354 = arith.constant 80 : index
      %swap3A_355 = tpu.vector_load %arg6[%swap3A_352, %swap3A_353, %swap3A_354] {strides = array<i32>} : memref<2x128x128xf32, #tpu.memory_space<vmem>>, vector<1x1x16xf32>,
      %swap3A_356 = vector.shape_cast %swap3A_355 : vector<1x1x16xf32> to vector<16xf32>
      %swap3A_357 = vector.shape_cast %broadcast_in_dim3A_350 : vector<16xf32> to vector<1x1x16xf32>
      tpu.vector_store %arg6[%swap3A_352, %swap3A_353, %swap3A_354], %swap3A_357 {strides = array<i32>} : memref<2x128x128xf32, #tpu.memory_space<vmem>>, vector<1x1x16xf32>,
      %broadcast_in_dim3A_358 = arith.constant 0.000000e+00 : f32
      %broadcast_in_dim3A_359 = vector.broadcast %broadcast_in_dim3A_358 : f32 to vector<16xf32>
      %swap3A_360 = arith.constant 0 : i32
      %swap3A_361 = arith.index_cast %swap3A_360 : i32 to index
      %swap3A_362 = arith.index_cast %scan3A_305 : i32 to index
      %swap3A_363 = arith.constant 96 : index
      %swap3A_364 = tpu.vector_load %arg6[%swap3A_361, %swap3A_362, %swap3A_363] {strides = array<i32>} : memref<2x128x128xf32, #tpu.memory_space<vmem>>, vector<1x1x16xf32>,
      %swap3A_365 = vector.shape_cast %swap3A_364 : vector<1x1x16xf32> to vector<16xf32>
      %swap3A_366 = vector.shape_cast %broadcast_in_dim3A_359 : vector<16xf32> to vector<1x1x16xf32>
      tpu.vector_store %arg6[%swap3A_361, %swap3A_362, %swap3A_363], %swap3A_366 {strides = array<i32>} : memref<2x128x128xf32, #tpu.memory_space<vmem>>, vector<1x1x16xf32>,
      %broadcast_in_dim3A_367 = arith.constant 0.000000e+00 : f32
      %broadcast_in_dim3A_368 = vector.broadcast %broadcast_in_dim3A_367 : f32 to vector<16xf32>
      %swap3A_369 = arith.constant 0 : i32
      %swap3A_370 = arith.index_cast %swap3A_369 : i32 to index
      %swap3A_371 = arith.index_cast %scan3A_305 : i32 to index
      %swap3A_372 = arith.constant 112 : index
      %swap3A_373 = tpu.vector_load %arg6[%swap3A_370, %swap3A_371, %swap3A_372] {strides = array<i32>} : memref<2x128x128xf32, #tpu.memory_space<vmem>>, vector<1x1x16xf32>,
      %swap3A_374 = vector.shape_cast %swap3A_373 : vector<1x1x16xf32> to vector<16xf32>
      %swap3A_375 = vector.shape_cast %broadcast_in_dim3A_368 : vector<16xf32> to vector<1x1x16xf32>
      tpu.vector_store %arg6[%swap3A_370, %swap3A_371, %swap3A_372], %swap3A_375 {strides = array<i32>} : memref<2x128x128xf32, #tpu.memory_space<vmem>>, vector<1x1x16xf32>,
    }
    %scan3A_25 = arith.constant 128 : i32
    %mul3A_26 = arith.constant 640 : i32
    %mul3A_27 = arith.muli %arg1, %mul3A_26 : i32
    %add3A_28 = arith.constant 0 : i32
    %add3A_29 = arith.addi %mul3A_27, %add3A_28 : i32
    %run_scoped3A = arith.constant 0 : i32
    "tpu.region"() ({
      %run_scoped3A_305 = tpu.sem_alloc : memref<!tpu.dma_semaphore, #tpu.memory_space<semaphore_mem>>
      %dma_start3A_306 = arith.constant 0 : i32
      %dma_start3A_307 = arith.constant 0 : i32
      %dma_start3A_308 = tpu.memref_slice %arg6[%run_scoped3A, %dma_start3A_306, %dma_start3A_307] : memref<2x128x128xf32, #tpu.memory_space<vmem>> -> memref<1x128x128xf32, #tpu.memory_space<vmem>>
      %dma_start3A_309 = tpu.memref_squeeze %dma_start3A_308 : memref<1x128x128xf32, #tpu.memory_space<vmem>> -> memref<128x128xf32, #tpu.memory_space<vmem>>
      %dma_start3A_310 = arith.constant 0 : i32
      %dma_start3A_311 = tpu.memref_slice %arg7[%add3A_29, %dma_start3A_310] : memref<10240x128xf32, #tpu.memory_space<vmem_shared>> -> memref<128x128xf32, #tpu.memory_space<vmem_shared>>
      %dma_start3A_312 = arith.constant 0 : i32
      %dma_start3A_313 = tpu.memref_slice %arg7[%add3A_29, %dma_start3A_312] : memref<10240x128xf32, #tpu.memory_space<vmem_shared>> -> memref<128x128xf32, #tpu.memory_space<vmem_shared>>
      %dma_start3A_314 = arith.constant 0 : i32
      %dma_start3A_315 = arith.constant 0 : i32
      %dma_start3A_316 = tpu.memref_slice %arg6[%run_scoped3A, %dma_start3A_314, %dma_start3A_315] : memref<2x128x128xf32, #tpu.memory_space<vmem>> -> memref<1x128x128xf32, #tpu.memory_space<vmem>>
      %dma_start3A_317 = tpu.memref_squeeze %dma_start3A_316 : memref<1x128x128xf32, #tpu.memory_space<vmem>> -> memref<128x128xf32, #tpu.memory_space<vmem>>
      tpu.enqueue_dma source(%dma_start3A_317 : memref<128x128xf32, #tpu.memory_space<vmem>>) target(%dma_start3A_313 : memref<128x128xf32, #tpu.memory_space<vmem_shared>>) target_semaphore(%run_scoped3A_305 : memref<!tpu.dma_semaphore, #tpu.memory_space<semaphore_mem>>)
      %dma_wait3A_318 = arith.constant 0 : i32
      %dma_wait3A_319 = arith.constant 0 : i32
      %dma_wait3A_320 = tpu.memref_slice %arg6[%run_scoped3A, %dma_wait3A_318, %dma_wait3A_319] : memref<2x128x128xf32, #tpu.memory_space<vmem>> -> memref<1x128x128xf32, #tpu.memory_space<vmem>>
      %dma_wait3A_321 = tpu.memref_squeeze %dma_wait3A_320 : memref<1x128x128xf32, #tpu.memory_space<vmem>> -> memref<128x128xf32, #tpu.memory_space<vmem>>
      %dma_wait3A_322 = arith.constant 0 : i32
      %dma_wait3A_323 = tpu.memref_slice %arg7[%add3A_29, %dma_wait3A_322] : memref<10240x128xf32, #tpu.memory_space<vmem_shared>> -> memref<128x128xf32, #tpu.memory_space<vmem_shared>>
      %dma_wait3A_324 = arith.constant 0 : i32
      %dma_wait3A_325 = tpu.memref_slice %arg7[%add3A_29, %dma_wait3A_324] : memref<10240x128xf32, #tpu.memory_space<vmem_shared>> -> memref<128x128xf32, #tpu.memory_space<vmem_shared>>
      %dma_wait3A_326 = arith.constant 0 : i32
      %dma_wait3A_327 = arith.constant 0 : i32
      %dma_wait3A_328 = tpu.memref_slice %arg6[%run_scoped3A, %dma_wait3A_326, %dma_wait3A_327] : memref<2x128x128xf32, #tpu.memory_space<vmem>> -> memref<1x128x128xf32, #tpu.memory_space<vmem>>
      %dma_wait3A_329 = tpu.memref_squeeze %dma_wait3A_328 : memref<1x128x128xf32, #tpu.memory_space<vmem>> -> memref<128x128xf32, #tpu.memory_space<vmem>>
      tpu.wait_dma2 semaphore(%run_scoped3A_305 : memref<!tpu.dma_semaphore, #tpu.memory_space<semaphore_mem>>) src(%dma_wait3A_329 : memref<128x128xf32, #tpu.memory_space<vmem>>) dst(%dma_wait3A_325 : memref<128x128xf32, #tpu.memory_space<vmem_shared>>)
      tpu.yield
    }) : () -> ()
    %mul3A_30 = arith.constant 640 : i32
    %mul3A_31 = arith.muli %arg1, %mul3A_30 : i32
    %add3A_32 = arith.constant 128 : i32
    %add3A_33 = arith.addi %mul3A_31, %add3A_32 : i32
    %run_scoped3A_34 = arith.constant 0 : i32
    "tpu.region"() ({
      %run_scoped3A_305 = tpu.sem_alloc : memref<!tpu.dma_semaphore, #tpu.memory_space<semaphore_mem>>
      %dma_start3A_306 = arith.constant 0 : i32
      %dma_start3A_307 = arith.constant 0 : i32
      %dma_start3A_308 = tpu.memref_slice %arg6[%run_scoped3A_34, %dma_start3A_306, %dma_start3A_307] : memref<2x128x128xf32, #tpu.memory_space<vmem>> -> memref<1x128x128xf32, #tpu.memory_space<vmem>>
      %dma_start3A_309 = tpu.memref_squeeze %dma_start3A_308 : memref<1x128x128xf32, #tpu.memory_space<vmem>> -> memref<128x128xf32, #tpu.memory_space<vmem>>
      %dma_start3A_310 = arith.constant 0 : i32
      %dma_start3A_311 = tpu.memref_slice %arg7[%add3A_33, %dma_start3A_310] : memref<10240x128xf32, #tpu.memory_space<vmem_shared>> -> memref<128x128xf32, #tpu.memory_space<vmem_shared>>
      %dma_start3A_312 = arith.constant 0 : i32
      %dma_start3A_313 = tpu.memref_slice %arg7[%add3A_33, %dma_start3A_312] : memref<10240x128xf32, #tpu.memory_space<vmem_shared>> -> memref<128x128xf32, #tpu.memory_space<vmem_shared>>
      %dma_start3A_314 = arith.constant 0 : i32
      %dma_start3A_315 = arith.constant 0 : i32
      %dma_start3A_316 = tpu.memref_slice %arg6[%run_scoped3A_34, %dma_start3A_314, %dma_start3A_315] : memref<2x128x128xf32, #tpu.memory_space<vmem>> -> memref<1x128x128xf32, #tpu.memory_space<vmem>>
      %dma_start3A_317 = tpu.memref_squeeze %dma_start3A_316 : memref<1x128x128xf32, #tpu.memory_space<vmem>> -> memref<128x128xf32, #tpu.memory_space<vmem>>
      tpu.enqueue_dma source(%dma_start3A_317 : memref<128x128xf32, #tpu.memory_space<vmem>>) target(%dma_start3A_313 : memref<128x128xf32, #tpu.memory_space<vmem_shared>>) target_semaphore(%run_scoped3A_305 : memref<!tpu.dma_semaphore, #tpu.memory_space<semaphore_mem>>)
      %dma_wait3A_318 = arith.constant 0 : i32
      %dma_wait3A_319 = arith.constant 0 : i32
      %dma_wait3A_320 = tpu.memref_slice %arg6[%run_scoped3A_34, %dma_wait3A_318, %dma_wait3A_319] : memref<2x128x128xf32, #tpu.memory_space<vmem>> -> memref<1x128x128xf32, #tpu.memory_space<vmem>>
      %dma_wait3A_321 = tpu.memref_squeeze %dma_wait3A_320 : memref<1x128x128xf32, #tpu.memory_space<vmem>> -> memref<128x128xf32, #tpu.memory_space<vmem>>
      %dma_wait3A_322 = arith.constant 0 : i32
      %dma_wait3A_323 = tpu.memref_slice %arg7[%add3A_33, %dma_wait3A_322] : memref<10240x128xf32, #tpu.memory_space<vmem_shared>> -> memref<128x128xf32, #tpu.memory_space<vmem_shared>>
      %dma_wait3A_324 = arith.constant 0 : i32
      %dma_wait3A_325 = tpu.memref_slice %arg7[%add3A_33, %dma_wait3A_324] : memref<10240x128xf32, #tpu.memory_space<vmem_shared>> -> memref<128x128xf32, #tpu.memory_space<vmem_shared>>
      %dma_wait3A_326 = arith.constant 0 : i32
      %dma_wait3A_327 = arith.constant 0 : i32
      %dma_wait3A_328 = tpu.memref_slice %arg6[%run_scoped3A_34, %dma_wait3A_326, %dma_wait3A_327] : memref<2x128x128xf32, #tpu.memory_space<vmem>> -> memref<1x128x128xf32, #tpu.memory_space<vmem>>
      %dma_wait3A_329 = tpu.memref_squeeze %dma_wait3A_328 : memref<1x128x128xf32, #tpu.memory_space<vmem>> -> memref<128x128xf32, #tpu.memory_space<vmem>>
      tpu.wait_dma2 semaphore(%run_scoped3A_305 : memref<!tpu.dma_semaphore, #tpu.memory_space<semaphore_mem>>) src(%dma_wait3A_329 : memref<128x128xf32, #tpu.memory_space<vmem>>) dst(%dma_wait3A_325 : memref<128x128xf32, #tpu.memory_space<vmem_shared>>)
      tpu.yield
    }) : () -> ()
    %mul3A_35 = arith.constant 640 : i32
    %mul3A_36 = arith.muli %arg1, %mul3A_35 : i32
    %add3A_37 = arith.constant 256 : i32
    %add3A_38 = arith.addi %mul3A_36, %add3A_37 : i32
    %run_scoped3A_39 = arith.constant 0 : i32
    "tpu.region"() ({
      %run_scoped3A_305 = tpu.sem_alloc : memref<!tpu.dma_semaphore, #tpu.memory_space<semaphore_mem>>
      %dma_start3A_306 = arith.constant 0 : i32
      %dma_start3A_307 = arith.constant 0 : i32
      %dma_start3A_308 = tpu.memref_slice %arg6[%run_scoped3A_39, %dma_start3A_306, %dma_start3A_307] : memref<2x128x128xf32, #tpu.memory_space<vmem>> -> memref<1x128x128xf32, #tpu.memory_space<vmem>>
      %dma_start3A_309 = tpu.memref_squeeze %dma_start3A_308 : memref<1x128x128xf32, #tpu.memory_space<vmem>> -> memref<128x128xf32, #tpu.memory_space<vmem>>
      %dma_start3A_310 = arith.constant 0 : i32
      %dma_start3A_311 = tpu.memref_slice %arg7[%add3A_38, %dma_start3A_310] : memref<10240x128xf32, #tpu.memory_space<vmem_shared>> -> memref<128x128xf32, #tpu.memory_space<vmem_shared>>
      %dma_start3A_312 = arith.constant 0 : i32
      %dma_start3A_313 = tpu.memref_slice %arg7[%add3A_38, %dma_start3A_312] : memref<10240x128xf32, #tpu.memory_space<vmem_shared>> -> memref<128x128xf32, #tpu.memory_space<vmem_shared>>
      %dma_start3A_314 = arith.constant 0 : i32
      %dma_start3A_315 = arith.constant 0 : i32
      %dma_start3A_316 = tpu.memref_slice %arg6[%run_scoped3A_39, %dma_start3A_314, %dma_start3A_315] : memref<2x128x128xf32, #tpu.memory_space<vmem>> -> memref<1x128x128xf32, #tpu.memory_space<vmem>>
      %dma_start3A_317 = tpu.memref_squeeze %dma_start3A_316 : memref<1x128x128xf32, #tpu.memory_space<vmem>> -> memref<128x128xf32, #tpu.memory_space<vmem>>
      tpu.enqueue_dma source(%dma_start3A_317 : memref<128x128xf32, #tpu.memory_space<vmem>>) target(%dma_start3A_313 : memref<128x128xf32, #tpu.memory_space<vmem_shared>>) target_semaphore(%run_scoped3A_305 : memref<!tpu.dma_semaphore, #tpu.memory_space<semaphore_mem>>)
      %dma_wait3A_318 = arith.constant 0 : i32
      %dma_wait3A_319 = arith.constant 0 : i32
      %dma_wait3A_320 = tpu.memref_slice %arg6[%run_scoped3A_39, %dma_wait3A_318, %dma_wait3A_319] : memref<2x128x128xf32, #tpu.memory_space<vmem>> -> memref<1x128x128xf32, #tpu.memory_space<vmem>>
      %dma_wait3A_321 = tpu.memref_squeeze %dma_wait3A_320 : memref<1x128x128xf32, #tpu.memory_space<vmem>> -> memref<128x128xf32, #tpu.memory_space<vmem>>
      %dma_wait3A_322 = arith.constant 0 : i32
      %dma_wait3A_323 = tpu.memref_slice %arg7[%add3A_38, %dma_wait3A_322] : memref<10240x128xf32, #tpu.memory_space<vmem_shared>> -> memref<128x128xf32, #tpu.memory_space<vmem_shared>>
      %dma_wait3A_324 = arith.constant 0 : i32
      %dma_wait3A_325 = tpu.memref_slice %arg7[%add3A_38, %dma_wait3A_324] : memref<10240x128xf32, #tpu.memory_space<vmem_shared>> -> memref<128x128xf32, #tpu.memory_space<vmem_shared>>
      %dma_wait3A_326 = arith.constant 0 : i32
      %dma_wait3A_327 = arith.constant 0 : i32
      %dma_wait3A_328 = tpu.memref_slice %arg6[%run_scoped3A_39, %dma_wait3A_326, %dma_wait3A_327] : memref<2x128x128xf32, #tpu.memory_space<vmem>> -> memref<1x128x128xf32, #tpu.memory_space<vmem>>
      %dma_wait3A_329 = tpu.memref_squeeze %dma_wait3A_328 : memref<1x128x128xf32, #tpu.memory_space<vmem>> -> memref<128x128xf32, #tpu.memory_space<vmem>>
      tpu.wait_dma2 semaphore(%run_scoped3A_305 : memref<!tpu.dma_semaphore, #tpu.memory_space<semaphore_mem>>) src(%dma_wait3A_329 : memref<128x128xf32, #tpu.memory_space<vmem>>) dst(%dma_wait3A_325 : memref<128x128xf32, #tpu.memory_space<vmem_shared>>)
      tpu.yield
    }) : () -> ()
    %mul3A_40 = arith.constant 640 : i32
    %mul3A_41 = arith.muli %arg1, %mul3A_40 : i32
    %add3A_42 = arith.constant 384 : i32
    %add3A_43 = arith.addi %mul3A_41, %add3A_42 : i32
    %run_scoped3A_44 = arith.constant 0 : i32
    "tpu.region"() ({
      %run_scoped3A_305 = tpu.sem_alloc : memref<!tpu.dma_semaphore, #tpu.memory_space<semaphore_mem>>
      %dma_start3A_306 = arith.constant 0 : i32
      %dma_start3A_307 = arith.constant 0 : i32
      %dma_start3A_308 = tpu.memref_slice %arg6[%run_scoped3A_44, %dma_start3A_306, %dma_start3A_307] : memref<2x128x128xf32, #tpu.memory_space<vmem>> -> memref<1x128x128xf32, #tpu.memory_space<vmem>>
      %dma_start3A_309 = tpu.memref_squeeze %dma_start3A_308 : memref<1x128x128xf32, #tpu.memory_space<vmem>> -> memref<128x128xf32, #tpu.memory_space<vmem>>
      %dma_start3A_310 = arith.constant 0 : i32
      %dma_start3A_311 = tpu.memref_slice %arg7[%add3A_43, %dma_start3A_310] : memref<10240x128xf32, #tpu.memory_space<vmem_shared>> -> memref<128x128xf32, #tpu.memory_space<vmem_shared>>
      %dma_start3A_312 = arith.constant 0 : i32
      %dma_start3A_313 = tpu.memref_slice %arg7[%add3A_43, %dma_start3A_312] : memref<10240x128xf32, #tpu.memory_space<vmem_shared>> -> memref<128x128xf32, #tpu.memory_space<vmem_shared>>
      %dma_start3A_314 = arith.constant 0 : i32
      %dma_start3A_315 = arith.constant 0 : i32
      %dma_start3A_316 = tpu.memref_slice %arg6[%run_scoped3A_44, %dma_start3A_314, %dma_start3A_315] : memref<2x128x128xf32, #tpu.memory_space<vmem>> -> memref<1x128x128xf32, #tpu.memory_space<vmem>>
      %dma_start3A_317 = tpu.memref_squeeze %dma_start3A_316 : memref<1x128x128xf32, #tpu.memory_space<vmem>> -> memref<128x128xf32, #tpu.memory_space<vmem>>
      tpu.enqueue_dma source(%dma_start3A_317 : memref<128x128xf32, #tpu.memory_space<vmem>>) target(%dma_start3A_313 : memref<128x128xf32, #tpu.memory_space<vmem_shared>>) target_semaphore(%run_scoped3A_305 : memref<!tpu.dma_semaphore, #tpu.memory_space<semaphore_mem>>)
      %dma_wait3A_318 = arith.constant 0 : i32
      %dma_wait3A_319 = arith.constant 0 : i32
      %dma_wait3A_320 = tpu.memref_slice %arg6[%run_scoped3A_44, %dma_wait3A_318, %dma_wait3A_319] : memref<2x128x128xf32, #tpu.memory_space<vmem>> -> memref<1x128x128xf32, #tpu.memory_space<vmem>>
      %dma_wait3A_321 = tpu.memref_squeeze %dma_wait3A_320 : memref<1x128x128xf32, #tpu.memory_space<vmem>> -> memref<128x128xf32, #tpu.memory_space<vmem>>
      %dma_wait3A_322 = arith.constant 0 : i32
      %dma_wait3A_323 = tpu.memref_slice %arg7[%add3A_43, %dma_wait3A_322] : memref<10240x128xf32, #tpu.memory_space<vmem_shared>> -> memref<128x128xf32, #tpu.memory_space<vmem_shared>>
      %dma_wait3A_324 = arith.constant 0 : i32
      %dma_wait3A_325 = tpu.memref_slice %arg7[%add3A_43, %dma_wait3A_324] : memref<10240x128xf32, #tpu.memory_space<vmem_shared>> -> memref<128x128xf32, #tpu.memory_space<vmem_shared>>
      %dma_wait3A_326 = arith.constant 0 : i32
      %dma_wait3A_327 = arith.constant 0 : i32
      %dma_wait3A_328 = tpu.memref_slice %arg6[%run_scoped3A_44, %dma_wait3A_326, %dma_wait3A_327] : memref<2x128x128xf32, #tpu.memory_space<vmem>> -> memref<1x128x128xf32, #tpu.memory_space<vmem>>
      %dma_wait3A_329 = tpu.memref_squeeze %dma_wait3A_328 : memref<1x128x128xf32, #tpu.memory_space<vmem>> -> memref<128x128xf32, #tpu.memory_space<vmem>>
      tpu.wait_dma2 semaphore(%run_scoped3A_305 : memref<!tpu.dma_semaphore, #tpu.memory_space<semaphore_mem>>) src(%dma_wait3A_329 : memref<128x128xf32, #tpu.memory_space<vmem>>) dst(%dma_wait3A_325 : memref<128x128xf32, #tpu.memory_space<vmem_shared>>)
      tpu.yield
    }) : () -> ()
    %mul3A_45 = arith.constant 640 : i32
    %mul3A_46 = arith.muli %arg1, %mul3A_45 : i32
    %add3A_47 = arith.constant 512 : i32
    %add3A_48 = arith.addi %mul3A_46, %add3A_47 : i32
    %run_scoped3A_49 = arith.constant 0 : i32
    "tpu.region"() ({
      %run_scoped3A_305 = tpu.sem_alloc : memref<!tpu.dma_semaphore, #tpu.memory_space<semaphore_mem>>
      %dma_start3A_306 = arith.constant 0 : i32
      %dma_start3A_307 = arith.constant 0 : i32
      %dma_start3A_308 = tpu.memref_slice %arg6[%run_scoped3A_49, %dma_start3A_306, %dma_start3A_307] : memref<2x128x128xf32, #tpu.memory_space<vmem>> -> memref<1x128x128xf32, #tpu.memory_space<vmem>>
      %dma_start3A_309 = tpu.memref_squeeze %dma_start3A_308 : memref<1x128x128xf32, #tpu.memory_space<vmem>> -> memref<128x128xf32, #tpu.memory_space<vmem>>
      %dma_start3A_310 = arith.constant 0 : i32
      %dma_start3A_311 = tpu.memref_slice %arg7[%add3A_48, %dma_start3A_310] : memref<10240x128xf32, #tpu.memory_space<vmem_shared>> -> memref<128x128xf32, #tpu.memory_space<vmem_shared>>
      %dma_start3A_312 = arith.constant 0 : i32
      %dma_start3A_313 = tpu.memref_slice %arg7[%add3A_48, %dma_start3A_312] : memref<10240x128xf32, #tpu.memory_space<vmem_shared>> -> memref<128x128xf32, #tpu.memory_space<vmem_shared>>
      %dma_start3A_314 = arith.constant 0 : i32
      %dma_start3A_315 = arith.constant 0 : i32
      %dma_start3A_316 = tpu.memref_slice %arg6[%run_scoped3A_49, %dma_start3A_314, %dma_start3A_315] : memref<2x128x128xf32, #tpu.memory_space<vmem>> -> memref<1x128x128xf32, #tpu.memory_space<vmem>>
      %dma_start3A_317 = tpu.memref_squeeze %dma_start3A_316 : memref<1x128x128xf32, #tpu.memory_space<vmem>> -> memref<128x128xf32, #tpu.memory_space<vmem>>
      tpu.enqueue_dma source(%dma_start3A_317 : memref<128x128xf32, #tpu.memory_space<vmem>>) target(%dma_start3A_313 : memref<128x128xf32, #tpu.memory_space<vmem_shared>>) target_semaphore(%run_scoped3A_305 : memref<!tpu.dma_semaphore, #tpu.memory_space<semaphore_mem>>)
      %dma_wait3A_318 = arith.constant 0 : i32
      %dma_wait3A_319 = arith.constant 0 : i32
      %dma_wait3A_320 = tpu.memref_slice %arg6[%run_scoped3A_49, %dma_wait3A_318, %dma_wait3A_319] : memref<2x128x128xf32, #tpu.memory_space<vmem>> -> memref<1x128x128xf32, #tpu.memory_space<vmem>>
      %dma_wait3A_321 = tpu.memref_squeeze %dma_wait3A_320 : memref<1x128x128xf32, #tpu.memory_space<vmem>> -> memref<128x128xf32, #tpu.memory_space<vmem>>
      %dma_wait3A_322 = arith.constant 0 : i32
      %dma_wait3A_323 = tpu.memref_slice %arg7[%add3A_48, %dma_wait3A_322] : memref<10240x128xf32, #tpu.memory_space<vmem_shared>> -> memref<128x128xf32, #tpu.memory_space<vmem_shared>>
      %dma_wait3A_324 = arith.constant 0 : i32
      %dma_wait3A_325 = tpu.memref_slice %arg7[%add3A_48, %dma_wait3A_324] : memref<10240x128xf32, #tpu.memory_space<vmem_shared>> -> memref<128x128xf32, #tpu.memory_space<vmem_shared>>
      %dma_wait3A_326 = arith.constant 0 : i32
      %dma_wait3A_327 = arith.constant 0 : i32
      %dma_wait3A_328 = tpu.memref_slice %arg6[%run_scoped3A_49, %dma_wait3A_326, %dma_wait3A_327] : memref<2x128x128xf32, #tpu.memory_space<vmem>> -> memref<1x128x128xf32, #tpu.memory_space<vmem>>
      %dma_wait3A_329 = tpu.memref_squeeze %dma_wait3A_328 : memref<1x128x128xf32, #tpu.memory_space<vmem>> -> memref<128x128xf32, #tpu.memory_space<vmem>>
      tpu.wait_dma2 semaphore(%run_scoped3A_305 : memref<!tpu.dma_semaphore, #tpu.memory_space<semaphore_mem>>) src(%dma_wait3A_329 : memref<128x128xf32, #tpu.memory_space<vmem>>) dst(%dma_wait3A_325 : memref<128x128xf32, #tpu.memory_space<vmem_shared>>)
      tpu.yield
    }) : () -> ()
    %barrier3A = arith.constant 0 : index
    tpu.barrier barrier_id(%barrier3A)
    %dma_wait3A = arith.constant 0 : i32
    %dma_wait3A_50 = arith.constant 0 : i32
    %dma_wait3A_51 = arith.constant 0 : i32
    %dma_wait3A_52 = arith.constant 0 : i32
    %dma_wait3A_53 = tpu.memref_slice %arg5[%dma_wait3A, %dma_wait3A_50, %dma_wait3A_51, %dma_wait3A_52] : memref<2x20x2x128xi32, #tpu.memory_space<vmem>> -> memref<1x20x2x128xi32, #tpu.memory_space<vmem>>
    %dma_wait3A_54 = tpu.memref_squeeze %dma_wait3A_53 : memref<1x20x2x128xi32, #tpu.memory_space<vmem>> -> memref<20x2x128xi32, #tpu.memory_space<vmem>>
    %dma_wait3A_55 = arith.constant 0 : i32
    %dma_wait3A_56 = arith.constant 0 : i32
    %dma_wait3A_57 = arith.constant 0 : i32
    %dma_wait3A_58 = tpu.memref_slice %arg3[%add3A, %dma_wait3A_55, %dma_wait3A_56, %dma_wait3A_57] : memref<32x80x2x128xi32, #tpu.memory_space<hbm>> -> memref<1x20x2x128xi32, #tpu.memory_space<hbm>>
    %dma_wait3A_59 = tpu.memref_squeeze %dma_wait3A_58 : memref<1x20x2x128xi32, #tpu.memory_space<hbm>> -> memref<20x2x128xi32, #tpu.memory_space<hbm>>
    %dma_wait3A_60 = arith.constant 0 : i32
    %dma_wait3A_61 = arith.constant 0 : i32
    %dma_wait3A_62 = arith.constant 0 : i32
    %dma_wait3A_63 = tpu.memref_slice %arg5[%dma_wait3A, %dma_wait3A_60, %dma_wait3A_61, %dma_wait3A_62] : memref<2x20x2x128xi32, #tpu.memory_space<vmem>> -> memref<1x20x2x128xi32, #tpu.memory_space<vmem>>
    %dma_wait3A_64 = tpu.memref_squeeze %dma_wait3A_63 : memref<1x20x2x128xi32, #tpu.memory_space<vmem>> -> memref<20x2x128xi32, #tpu.memory_space<vmem>>
    %dma_wait3A_65 = arith.constant 0 : i32
    %dma_wait3A_66 = arith.constant 0 : i32
    %dma_wait3A_67 = arith.constant 0 : i32
    %dma_wait3A_68 = tpu.memref_slice %arg3[%add3A, %dma_wait3A_65, %dma_wait3A_66, %dma_wait3A_67] : memref<32x80x2x128xi32, #tpu.memory_space<hbm>> -> memref<1x20x2x128xi32, #tpu.memory_space<hbm>>
    %dma_wait3A_69 = tpu.memref_squeeze %dma_wait3A_68 : memref<1x20x2x128xi32, #tpu.memory_space<hbm>> -> memref<20x2x128xi32, #tpu.memory_space<hbm>>
    tpu.wait_dma2 semaphore(%arg10 : memref<!tpu.dma_semaphore, #tpu.memory_space<semaphore_mem>>) src(%dma_wait3A_69 : memref<20x2x128xi32, #tpu.memory_space<hbm>>) dst(%dma_wait3A_64 : memref<20x2x128xi32, #tpu.memory_space<vmem>>)
    %dma_start3A_70 = arith.constant 1 : i32
    %dma_start3A_71 = arith.constant 0 : i32
    %dma_start3A_72 = arith.constant 0 : i32
    %dma_start3A_73 = arith.constant 0 : i32
    %dma_start3A_74 = tpu.memref_slice %arg5[%dma_start3A_70, %dma_start3A_71, %dma_start3A_72, %dma_start3A_73] : memref<2x20x2x128xi32, #tpu.memory_space<vmem>> -> memref<1x20x2x128xi32, #tpu.memory_space<vmem>>
    %dma_start3A_75 = tpu.memref_squeeze %dma_start3A_74 : memref<1x20x2x128xi32, #tpu.memory_space<vmem>> -> memref<20x2x128xi32, #tpu.memory_space<vmem>>
    %dma_start3A_76 = arith.constant 20 : i32
    %dma_start3A_77 = arith.constant 0 : i32
    %dma_start3A_78 = arith.constant 0 : i32
    %dma_start3A_79 = tpu.memref_slice %arg3[%add3A, %dma_start3A_76, %dma_start3A_77, %dma_start3A_78] : memref<32x80x2x128xi32, #tpu.memory_space<hbm>> -> memref<1x20x2x128xi32, #tpu.memory_space<hbm>>
    %dma_start3A_80 = tpu.memref_squeeze %dma_start3A_79 : memref<1x20x2x128xi32, #tpu.memory_space<hbm>> -> memref<20x2x128xi32, #tpu.memory_space<hbm>>
    %dma_start3A_81 = arith.constant 0 : i32
    %dma_start3A_82 = arith.constant 0 : i32
    %dma_start3A_83 = arith.constant 0 : i32
    %dma_start3A_84 = tpu.memref_slice %arg5[%dma_start3A_70, %dma_start3A_81, %dma_start3A_82, %dma_start3A_83] : memref<2x20x2x128xi32, #tpu.memory_space<vmem>> -> memref<1x20x2x128xi32, #tpu.memory_space<vmem>>
    %dma_start3A_85 = tpu.memref_squeeze %dma_start3A_84 : memref<1x20x2x128xi32, #tpu.memory_space<vmem>> -> memref<20x2x128xi32, #tpu.memory_space<vmem>>
    %dma_start3A_86 = arith.constant 20 : i32
    %dma_start3A_87 = arith.constant 0 : i32
    %dma_start3A_88 = arith.constant 0 : i32
    %dma_start3A_89 = tpu.memref_slice %arg3[%add3A, %dma_start3A_86, %dma_start3A_87, %dma_start3A_88] : memref<32x80x2x128xi32, #tpu.memory_space<hbm>> -> memref<1x20x2x128xi32, #tpu.memory_space<hbm>>
    %dma_start3A_90 = tpu.memref_squeeze %dma_start3A_89 : memref<1x20x2x128xi32, #tpu.memory_space<hbm>> -> memref<20x2x128xi32, #tpu.memory_space<hbm>>
    tpu.enqueue_dma source(%dma_start3A_90 : memref<20x2x128xi32, #tpu.memory_space<hbm>>) target(%dma_start3A_85 : memref<20x2x128xi32, #tpu.memory_space<vmem>>) target_semaphore(%arg11 : memref<!tpu.dma_semaphore, #tpu.memory_space<semaphore_mem>>)
    %dma_start3A_91 = arith.constant 0 : i32
    %dma_start3A_92 = arith.constant 0 : i32
    %dma_start3A_93 = arith.constant 0 : i32
    %dma_start3A_94 = arith.constant 0 : i32
    %dma_start3A_95 = arith.constant 0 : i32
    %dma_start3A_96 = arith.constant 0 : i32
    %dma_start3A_97 = tpu.memref_slice %arg6[%dma_start3A_94, %dma_start3A_95, %dma_start3A_96] : memref<2x128x128xf32, #tpu.memory_space<vmem>> -> memref<1x128x128xf32, #tpu.memory_space<vmem>>
    %dma_start3A_98 = tpu.memref_squeeze %dma_start3A_97 : memref<1x128x128xf32, #tpu.memory_space<vmem>> -> memref<128x128xf32, #tpu.memory_space<vmem>>
    %dma_start3A_99 = arith.constant 0 : i32
    %dma_start3A_100 = arith.constant 0 : i32
    %dma_start3A_101 = arith.constant 0 : i32
    %dma_start3A_102 = tpu.memref_slice %arg5[%dma_start3A_91, %dma_start3A_99, %dma_start3A_100, %dma_start3A_101] : memref<2x20x2x128xi32, #tpu.memory_space<vmem>> -> memref<1x20x2x128xi32, #tpu.memory_space<vmem>>
    %dma_start3A_103 = tpu.memref_squeeze %dma_start3A_102 : memref<1x20x2x128xi32, #tpu.memory_space<vmem>> -> memref<20x2x128xi32, #tpu.memory_space<vmem>>
    %dma_start3A_104 = arith.constant 0 : i32
    %dma_start3A_105 = tpu.memref_slice %dma_start3A_103[%dma_start3A_92, %dma_start3A_93, %dma_start3A_104] : memref<20x2x128xi32, #tpu.memory_space<vmem>> -> memref<1x1x128xi32, #tpu.memory_space<vmem>>
    %dma_start3A_106 = tpu.memref_squeeze %dma_start3A_105 : memref<1x1x128xi32, #tpu.memory_space<vmem>> -> memref<128xi32, #tpu.memory_space<vmem>>
    %dma_start3A_107 = arith.constant 0 : i32
    %dma_start3A_108 = arith.constant 0 : i32
    %dma_start3A_109 = tpu.memref_slice %arg2[%dma_start3A_107, %dma_start3A_108] : memref<10000x128xf32, #tpu.memory_space<hbm>> -> memref<10000x128xf32, #tpu.memory_space<hbm>>
    tpu.enqueue_indirect_dma source(%dma_start3A_109 : memref<10000x128xf32, #tpu.memory_space<hbm>>) target(%dma_start3A_98 : memref<128x128xf32, #tpu.memory_space<vmem>>) offsets(%dma_start3A_106 : memref<128xi32, #tpu.memory_space<vmem>>) semaphore(%arg8 : memref<!tpu.dma_semaphore, #tpu.memory_space<semaphore_mem>>)
    %scan3A_110 = arith.constant 0 : i32
    %scan3A_111 = arith.constant 0 : i32
    %scan3A_112 = arith.constant 0 : i32
    %scan3A_113 = arith.constant 10 : i32
    %scan3A_114 = arith.addi %scan3A_112, %scan3A_113 : i32
    %scan3A_115 = arith.constant 1 : i32
    scf.for %scan3A_305 = %scan3A_112 to %scan3A_114 step %scan3A_115  : i32 {
      %mul3A_306 = arith.constant 2 : i32
      %mul3A_307 = arith.muli %mul3A_306, %scan3A_305 : i32
      %dma_wait3A_308 = arith.constant 0 : i32
      %dma_wait3A_309 = arith.constant 0 : i32
      %dma_wait3A_310 = arith.constant 0 : i32
      %dma_wait3A_311 = arith.constant 0 : i32
      %dma_wait3A_312 = tpu.memref_slice %arg6[%dma_wait3A_309, %dma_wait3A_310, %dma_wait3A_311] : memref<2x128x128xf32, #tpu.memory_space<vmem>> -> memref<1x128x128xf32, #tpu.memory_space<vmem>>
      %dma_wait3A_313 = tpu.memref_squeeze %dma_wait3A_312 : memref<1x128x128xf32, #tpu.memory_space<vmem>> -> memref<128x128xf32, #tpu.memory_space<vmem>>
      %dma_wait3A_314 = arith.constant 0 : i32
      %dma_wait3A_315 = arith.constant 0 : i32
      %dma_wait3A_316 = arith.constant 0 : i32
      %dma_wait3A_317 = tpu.memref_slice %arg5[%scan3A_111, %dma_wait3A_314, %dma_wait3A_315, %dma_wait3A_316] : memref<2x20x2x128xi32, #tpu.memory_space<vmem>> -> memref<1x20x2x128xi32, #tpu.memory_space<vmem>>
      %dma_wait3A_318 = tpu.memref_squeeze %dma_wait3A_317 : memref<1x20x2x128xi32, #tpu.memory_space<vmem>> -> memref<20x2x128xi32, #tpu.memory_space<vmem>>
      %dma_wait3A_319 = arith.constant 0 : i32
      %dma_wait3A_320 = tpu.memref_slice %dma_wait3A_318[%mul3A_307, %dma_wait3A_308, %dma_wait3A_319] : memref<20x2x128xi32, #tpu.memory_space<vmem>> -> memref<1x1x128xi32, #tpu.memory_space<vmem>>
      %dma_wait3A_321 = tpu.memref_squeeze %dma_wait3A_320 : memref<1x1x128xi32, #tpu.memory_space<vmem>> -> memref<128xi32, #tpu.memory_space<vmem>>
      %dma_wait3A_322 = arith.constant 0 : i32
      %dma_wait3A_323 = arith.constant 0 : i32
      %dma_wait3A_324 = tpu.memref_slice %arg2[%dma_wait3A_322, %dma_wait3A_323] : memref<10000x128xf32, #tpu.memory_space<hbm>> -> memref<10000x128xf32, #tpu.memory_space<hbm>>
      tpu.wait_indirect_dma semaphore(%arg8 : memref<!tpu.dma_semaphore, #tpu.memory_space<semaphore_mem>>) src(%dma_wait3A_324 : memref<10000x128xf32, #tpu.memory_space<hbm>>) dst(%dma_wait3A_313 : memref<128x128xf32, #tpu.memory_space<vmem>>)
      %add3A_325 = arith.constant 1 : i32
      %add3A_326 = arith.addi %mul3A_307, %add3A_325 : i32
      %dma_start3A_327 = arith.constant 0 : i32
      %dma_start3A_328 = arith.constant 1 : i32
      %dma_start3A_329 = arith.constant 0 : i32
      %dma_start3A_330 = arith.constant 0 : i32
      %dma_start3A_331 = tpu.memref_slice %arg6[%dma_start3A_328, %dma_start3A_329, %dma_start3A_330] : memref<2x128x128xf32, #tpu.memory_space<vmem>> -> memref<1x128x128xf32, #tpu.memory_space<vmem>>
      %dma_start3A_332 = tpu.memref_squeeze %dma_start3A_331 : memref<1x128x128xf32, #tpu.memory_space<vmem>> -> memref<128x128xf32, #tpu.memory_space<vmem>>
      %dma_start3A_333 = arith.constant 0 : i32
      %dma_start3A_334 = arith.constant 0 : i32
      %dma_start3A_335 = arith.constant 0 : i32
      %dma_start3A_336 = tpu.memref_slice %arg5[%scan3A_111, %dma_start3A_333, %dma_start3A_334, %dma_start3A_335] : memref<2x20x2x128xi32, #tpu.memory_space<vmem>> -> memref<1x20x2x128xi32, #tpu.memory_space<vmem>>
      %dma_start3A_337 = tpu.memref_squeeze %dma_start3A_336 : memref<1x20x2x128xi32, #tpu.memory_space<vmem>> -> memref<20x2x128xi32, #tpu.memory_space<vmem>>
      %dma_start3A_338 = arith.constant 0 : i32
      %dma_start3A_339 = tpu.memref_slice %dma_start3A_337[%add3A_326, %dma_start3A_327, %dma_start3A_338] : memref<20x2x128xi32, #tpu.memory_space<vmem>> -> memref<1x1x128xi32, #tpu.memory_space<vmem>>
      %dma_start3A_340 = tpu.memref_squeeze %dma_start3A_339 : memref<1x1x128xi32, #tpu.memory_space<vmem>> -> memref<128xi32, #tpu.memory_space<vmem>>
      %dma_start3A_341 = arith.constant 0 : i32
      %dma_start3A_342 = arith.constant 0 : i32
      %dma_start3A_343 = tpu.memref_slice %arg2[%dma_start3A_341, %dma_start3A_342] : memref<10000x128xf32, #tpu.memory_space<hbm>> -> memref<10000x128xf32, #tpu.memory_space<hbm>>
      tpu.enqueue_indirect_dma source(%dma_start3A_343 : memref<10000x128xf32, #tpu.memory_space<hbm>>) target(%dma_start3A_332 : memref<128x128xf32, #tpu.memory_space<vmem>>) offsets(%dma_start3A_340 : memref<128xi32, #tpu.memory_space<vmem>>) semaphore(%arg9 : memref<!tpu.dma_semaphore, #tpu.memory_space<semaphore_mem>>)
      %run_scoped3A_344 = arith.constant 0 : i32
      %run_scoped3A_345 = arith.constant 1 : i32
      "tpu.region"() ({
        %run_scoped3A_373 = tpu.sem_alloc : memref<!tpu.dma_semaphore, #tpu.memory_space<semaphore_mem>>
        %dma_start3A_374 = arith.constant 0 : i32
        %dma_start3A_375 = arith.constant 0 : i32
        %dma_start3A_376 = tpu.memref_slice %arg6[%run_scoped3A_344, %dma_start3A_374, %dma_start3A_375] : memref<2x128x128xf32, #tpu.memory_space<vmem>> -> memref<1x128x128xf32, #tpu.memory_space<vmem>>
        %dma_start3A_377 = tpu.memref_squeeze %dma_start3A_376 : memref<1x128x128xf32, #tpu.memory_space<vmem>> -> memref<128x128xf32, #tpu.memory_space<vmem>>
        %dma_start3A_378 = arith.constant 0 : i32
        %dma_start3A_379 = arith.constant 0 : i32
        %dma_start3A_380 = arith.constant 0 : i32
        %dma_start3A_381 = tpu.memref_slice %arg5[%scan3A_111, %dma_start3A_378, %dma_start3A_379, %dma_start3A_380] : memref<2x20x2x128xi32, #tpu.memory_space<vmem>> -> memref<1x20x2x128xi32, #tpu.memory_space<vmem>>
        %dma_start3A_382 = tpu.memref_squeeze %dma_start3A_381 : memref<1x20x2x128xi32, #tpu.memory_space<vmem>> -> memref<20x2x128xi32, #tpu.memory_space<vmem>>
        %dma_start3A_383 = arith.constant 0 : i32
        %dma_start3A_384 = tpu.memref_slice %dma_start3A_382[%mul3A_307, %run_scoped3A_345, %dma_start3A_383] : memref<20x2x128xi32, #tpu.memory_space<vmem>> -> memref<1x1x128xi32, #tpu.memory_space<vmem>>
        %dma_start3A_385 = tpu.memref_squeeze %dma_start3A_384 : memref<1x1x128xi32, #tpu.memory_space<vmem>> -> memref<128xi32, #tpu.memory_space<vmem>>
        %dma_start3A_386 = arith.constant 0 : i32
        %dma_start3A_387 = arith.constant 0 : i32
        %dma_start3A_388 = tpu.memref_slice %arg7[%dma_start3A_386, %dma_start3A_387] : memref<10240x128xf32, #tpu.memory_space<vmem_shared>> -> memref<10240x128xf32, #tpu.memory_space<vmem_shared>>
        tpu.enqueue_indirect_dma source(%dma_start3A_377 : memref<128x128xf32, #tpu.memory_space<vmem>>) target(%dma_start3A_388 : memref<10240x128xf32, #tpu.memory_space<vmem_shared>>) offsets(%dma_start3A_385 : memref<128xi32, #tpu.memory_space<vmem>>) semaphore(%run_scoped3A_373 : memref<!tpu.dma_semaphore, #tpu.memory_space<semaphore_mem>>) {add = true}
        %dma_wait3A_389 = arith.constant 0 : i32
        %dma_wait3A_390 = arith.constant 0 : i32
        %dma_wait3A_391 = tpu.memref_slice %arg6[%run_scoped3A_344, %dma_wait3A_389, %dma_wait3A_390] : memref<2x128x128xf32, #tpu.memory_space<vmem>> -> memref<1x128x128xf32, #tpu.memory_space<vmem>>
        %dma_wait3A_392 = tpu.memref_squeeze %dma_wait3A_391 : memref<1x128x128xf32, #tpu.memory_space<vmem>> -> memref<128x128xf32, #tpu.memory_space<vmem>>
        %dma_wait3A_393 = arith.constant 0 : i32
        %dma_wait3A_394 = arith.constant 0 : i32
        %dma_wait3A_395 = arith.constant 0 : i32
        %dma_wait3A_396 = tpu.memref_slice %arg5[%scan3A_111, %dma_wait3A_393, %dma_wait3A_394, %dma_wait3A_395] : memref<2x20x2x128xi32, #tpu.memory_space<vmem>> -> memref<1x20x2x128xi32, #tpu.memory_space<vmem>>
        %dma_wait3A_397 = tpu.memref_squeeze %dma_wait3A_396 : memref<1x20x2x128xi32, #tpu.memory_space<vmem>> -> memref<20x2x128xi32, #tpu.memory_space<vmem>>
        %dma_wait3A_398 = arith.constant 0 : i32
        %dma_wait3A_399 = tpu.memref_slice %dma_wait3A_397[%mul3A_307, %run_scoped3A_345, %dma_wait3A_398] : memref<20x2x128xi32, #tpu.memory_space<vmem>> -> memref<1x1x128xi32, #tpu.memory_space<vmem>>
        %dma_wait3A_400 = tpu.memref_squeeze %dma_wait3A_399 : memref<1x1x128xi32, #tpu.memory_space<vmem>> -> memref<128xi32, #tpu.memory_space<vmem>>
        %dma_wait3A_401 = arith.constant 0 : i32
        %dma_wait3A_402 = arith.constant 0 : i32
        %dma_wait3A_403 = tpu.memref_slice %arg7[%dma_wait3A_401, %dma_wait3A_402] : memref<10240x128xf32, #tpu.memory_space<vmem_shared>> -> memref<10240x128xf32, #tpu.memory_space<vmem_shared>>
        tpu.wait_indirect_dma semaphore(%run_scoped3A_373 : memref<!tpu.dma_semaphore, #tpu.memory_space<semaphore_mem>>) src(%dma_wait3A_392 : memref<128x128xf32, #tpu.memory_space<vmem>>) dst(%dma_wait3A_403 : memref<10240x128xf32, #tpu.memory_space<vmem_shared>>)
        tpu.yield
      }) : () -> ()
      %add3A_346 = arith.constant 1 : i32
      %add3A_347 = arith.addi %mul3A_307, %add3A_346 : i32
      %dma_wait3A_348 = arith.constant 0 : i32
      %dma_wait3A_349 = arith.constant 1 : i32
      %dma_wait3A_350 = arith.constant 0 : i32
      %dma_wait3A_351 = arith.constant 0 : i32
      %dma_wait3A_352 = tpu.memref_slice %arg6[%dma_wait3A_349, %dma_wait3A_350, %dma_wait3A_351] : memref<2x128x128xf32, #tpu.memory_space<vmem>> -> memref<1x128x128xf32, #tpu.memory_space<vmem>>
      %dma_wait3A_353 = tpu.memref_squeeze %dma_wait3A_352 : memref<1x128x128xf32, #tpu.memory_space<vmem>> -> memref<128x128xf32, #tpu.memory_space<vmem>>
      %dma_wait3A_354 = arith.constant 0 : i32
      %dma_wait3A_355 = arith.constant 0 : i32
      %dma_wait3A_356 = arith.constant 0 : i32
      %dma_wait3A_357 = tpu.memref_slice %arg5[%scan3A_111, %dma_wait3A_354, %dma_wait3A_355, %dma_wait3A_356] : memref<2x20x2x128xi32, #tpu.memory_space<vmem>> -> memref<1x20x2x128xi32, #tpu.memory_space<vmem>>
      %dma_wait3A_358 = tpu.memref_squeeze %dma_wait3A_357 : memref<1x20x2x128xi32, #tpu.memory_space<vmem>> -> memref<20x2x128xi32, #tpu.memory_space<vmem>>
      %dma_wait3A_359 = arith.constant 0 : i32
      %dma_wait3A_360 = tpu.memref_slice %dma_wait3A_358[%add3A_347, %dma_wait3A_348, %dma_wait3A_359] : memref<20x2x128xi32, #tpu.memory_space<vmem>> -> memref<1x1x128xi32, #tpu.memory_space<vmem>>
      %dma_wait3A_361 = tpu.memref_squeeze %dma_wait3A_360 : memref<1x1x128xi32, #tpu.memory_space<vmem>> -> memref<128xi32, #tpu.memory_space<vmem>>
      %dma_wait3A_362 = arith.constant 0 : i32
      %dma_wait3A_363 = arith.constant 0 : i32
      %dma_wait3A_364 = tpu.memref_slice %arg2[%dma_wait3A_362, %dma_wait3A_363] : memref<10000x128xf32, #tpu.memory_space<hbm>> -> memref<10000x128xf32, #tpu.memory_space<hbm>>
      tpu.wait_indirect_dma semaphore(%arg9 : memref<!tpu.dma_semaphore, #tpu.memory_space<semaphore_mem>>) src(%dma_wait3A_364 : memref<10000x128xf32, #tpu.memory_space<hbm>>) dst(%dma_wait3A_353 : memref<128x128xf32, #tpu.memory_space<vmem>>)
      %add3A_365 = arith.constant 2 : i32
      %add3A_366 = arith.addi %mul3A_307, %add3A_365 : i32
      %lt3A = arith.constant 20 : i32
      %lt3A_367 = arith.cmpi slt, %add3A_366, %lt3A : i32
      %convert_element_type3A = arith.extui %lt3A_367 : i1 to i32
      %cond3A = arith.constant 0 : i32
      %cond3A_368 = arith.cmpi ne, %convert_element_type3A, %cond3A : i32
      scf.if %cond3A_368 {
        %add3A_373 = arith.constant 2 : i32
        %add3A_374 = arith.addi %mul3A_307, %add3A_373 : i32
        %dma_start3A_375 = arith.constant 0 : i32
        %dma_start3A_376 = arith.constant 0 : i32
        %dma_start3A_377 = arith.constant 0 : i32
        %dma_start3A_378 = arith.constant 0 : i32
        %dma_start3A_379 = tpu.memref_slice %arg6[%dma_start3A_376, %dma_start3A_377, %dma_start3A_378] : memref<2x128x128xf32, #tpu.memory_space<vmem>> -> memref<1x128x128xf32, #tpu.memory_space<vmem>>
        %dma_start3A_380 = tpu.memref_squeeze %dma_start3A_379 : memref<1x128x128xf32, #tpu.memory_space<vmem>> -> memref<128x128xf32, #tpu.memory_space<vmem>>
        %dma_start3A_381 = arith.constant 0 : i32
        %dma_start3A_382 = arith.constant 0 : i32
        %dma_start3A_383 = arith.constant 0 : i32
        %dma_start3A_384 = tpu.memref_slice %arg5[%scan3A_111, %dma_start3A_381, %dma_start3A_382, %dma_start3A_383] : memref<2x20x2x128xi32, #tpu.memory_space<vmem>> -> memref<1x20x2x128xi32, #tpu.memory_space<vmem>>
        %dma_start3A_385 = tpu.memref_squeeze %dma_start3A_384 : memref<1x20x2x128xi32, #tpu.memory_space<vmem>> -> memref<20x2x128xi32, #tpu.memory_space<vmem>>
        %dma_start3A_386 = arith.constant 0 : i32
        %dma_start3A_387 = tpu.memref_slice %dma_start3A_385[%add3A_374, %dma_start3A_375, %dma_start3A_386] : memref<20x2x128xi32, #tpu.memory_space<vmem>> -> memref<1x1x128xi32, #tpu.memory_space<vmem>>
        %dma_start3A_388 = tpu.memref_squeeze %dma_start3A_387 : memref<1x1x128xi32, #tpu.memory_space<vmem>> -> memref<128xi32, #tpu.memory_space<vmem>>
        %dma_start3A_389 = arith.constant 0 : i32
        %dma_start3A_390 = arith.constant 0 : i32
        %dma_start3A_391 = tpu.memref_slice %arg2[%dma_start3A_389, %dma_start3A_390] : memref<10000x128xf32, #tpu.memory_space<hbm>> -> memref<10000x128xf32, #tpu.memory_space<hbm>>
        tpu.enqueue_indirect_dma source(%dma_start3A_391 : memref<10000x128xf32, #tpu.memory_space<hbm>>) target(%dma_start3A_380 : memref<128x128xf32, #tpu.memory_space<vmem>>) offsets(%dma_start3A_388 : memref<128xi32, #tpu.memory_space<vmem>>) semaphore(%arg8 : memref<!tpu.dma_semaphore, #tpu.memory_space<semaphore_mem>>)
      } else {
      }
      %add3A_369 = arith.constant 1 : i32
      %add3A_370 = arith.addi %mul3A_307, %add3A_369 : i32
      %run_scoped3A_371 = arith.constant 1 : i32
      %run_scoped3A_372 = arith.constant 1 : i32
      "tpu.region"() ({
        %run_scoped3A_373 = tpu.sem_alloc : memref<!tpu.dma_semaphore, #tpu.memory_space<semaphore_mem>>
        %dma_start3A_374 = arith.constant 0 : i32
        %dma_start3A_375 = arith.constant 0 : i32
        %dma_start3A_376 = tpu.memref_slice %arg6[%run_scoped3A_371, %dma_start3A_374, %dma_start3A_375] : memref<2x128x128xf32, #tpu.memory_space<vmem>> -> memref<1x128x128xf32, #tpu.memory_space<vmem>>
        %dma_start3A_377 = tpu.memref_squeeze %dma_start3A_376 : memref<1x128x128xf32, #tpu.memory_space<vmem>> -> memref<128x128xf32, #tpu.memory_space<vmem>>
        %dma_start3A_378 = arith.constant 0 : i32
        %dma_start3A_379 = arith.constant 0 : i32
        %dma_start3A_380 = arith.constant 0 : i32
        %dma_start3A_381 = tpu.memref_slice %arg5[%scan3A_111, %dma_start3A_378, %dma_start3A_379, %dma_start3A_380] : memref<2x20x2x128xi32, #tpu.memory_space<vmem>> -> memref<1x20x2x128xi32, #tpu.memory_space<vmem>>
        %dma_start3A_382 = tpu.memref_squeeze %dma_start3A_381 : memref<1x20x2x128xi32, #tpu.memory_space<vmem>> -> memref<20x2x128xi32, #tpu.memory_space<vmem>>
        %dma_start3A_383 = arith.constant 0 : i32
        %dma_start3A_384 = tpu.memref_slice %dma_start3A_382[%add3A_370, %run_scoped3A_372, %dma_start3A_383] : memref<20x2x128xi32, #tpu.memory_space<vmem>> -> memref<1x1x128xi32, #tpu.memory_space<vmem>>
        %dma_start3A_385 = tpu.memref_squeeze %dma_start3A_384 : memref<1x1x128xi32, #tpu.memory_space<vmem>> -> memref<128xi32, #tpu.memory_space<vmem>>
        %dma_start3A_386 = arith.constant 0 : i32
        %dma_start3A_387 = arith.constant 0 : i32
        %dma_start3A_388 = tpu.memref_slice %arg7[%dma_start3A_386, %dma_start3A_387] : memref<10240x128xf32, #tpu.memory_space<vmem_shared>> -> memref<10240x128xf32, #tpu.memory_space<vmem_shared>>
        tpu.enqueue_indirect_dma source(%dma_start3A_377 : memref<128x128xf32, #tpu.memory_space<vmem>>) target(%dma_start3A_388 : memref<10240x128xf32, #tpu.memory_space<vmem_shared>>) offsets(%dma_start3A_385 : memref<128xi32, #tpu.memory_space<vmem>>) semaphore(%run_scoped3A_373 : memref<!tpu.dma_semaphore, #tpu.memory_space<semaphore_mem>>) {add = true}
        %dma_wait3A_389 = arith.constant 0 : i32
        %dma_wait3A_390 = arith.constant 0 : i32
        %dma_wait3A_391 = tpu.memref_slice %arg6[%run_scoped3A_371, %dma_wait3A_389, %dma_wait3A_390] : memref<2x128x128xf32, #tpu.memory_space<vmem>> -> memref<1x128x128xf32, #tpu.memory_space<vmem>>
        %dma_wait3A_392 = tpu.memref_squeeze %dma_wait3A_391 : memref<1x128x128xf32, #tpu.memory_space<vmem>> -> memref<128x128xf32, #tpu.memory_space<vmem>>
        %dma_wait3A_393 = arith.constant 0 : i32
        %dma_wait3A_394 = arith.constant 0 : i32
        %dma_wait3A_395 = arith.constant 0 : i32
        %dma_wait3A_396 = tpu.memref_slice %arg5[%scan3A_111, %dma_wait3A_393, %dma_wait3A_394, %dma_wait3A_395] : memref<2x20x2x128xi32, #tpu.memory_space<vmem>> -> memref<1x20x2x128xi32, #tpu.memory_space<vmem>>
        %dma_wait3A_397 = tpu.memref_squeeze %dma_wait3A_396 : memref<1x20x2x128xi32, #tpu.memory_space<vmem>> -> memref<20x2x128xi32, #tpu.memory_space<vmem>>
        %dma_wait3A_398 = arith.constant 0 : i32
        %dma_wait3A_399 = tpu.memref_slice %dma_wait3A_397[%add3A_370, %run_scoped3A_372, %dma_wait3A_398] : memref<20x2x128xi32, #tpu.memory_space<vmem>> -> memref<1x1x128xi32, #tpu.memory_space<vmem>>
        %dma_wait3A_400 = tpu.memref_squeeze %dma_wait3A_399 : memref<1x1x128xi32, #tpu.memory_space<vmem>> -> memref<128xi32, #tpu.memory_space<vmem>>
        %dma_wait3A_401 = arith.constant 0 : i32
        %dma_wait3A_402 = arith.constant 0 : i32
        %dma_wait3A_403 = tpu.memref_slice %arg7[%dma_wait3A_401, %dma_wait3A_402] : memref<10240x128xf32, #tpu.memory_space<vmem_shared>> -> memref<10240x128xf32, #tpu.memory_space<vmem_shared>>
        tpu.wait_indirect_dma semaphore(%run_scoped3A_373 : memref<!tpu.dma_semaphore, #tpu.memory_space<semaphore_mem>>) src(%dma_wait3A_392 : memref<128x128xf32, #tpu.memory_space<vmem>>) dst(%dma_wait3A_403 : memref<10240x128xf32, #tpu.memory_space<vmem_shared>>)
        tpu.yield
      }) : () -> ()
    }
    %scan3A_116 = arith.constant 10 : i32
    %dma_wait3A_117 = arith.constant 1 : i32
    %dma_wait3A_118 = arith.constant 0 : i32
    %dma_wait3A_119 = arith.constant 0 : i32
    %dma_wait3A_120 = arith.constant 0 : i32
    %dma_wait3A_121 = tpu.memref_slice %arg5[%dma_wait3A_117, %dma_wait3A_118, %dma_wait3A_119, %dma_wait3A_120] : memref<2x20x2x128xi32, #tpu.memory_space<vmem>> -> memref<1x20x2x128xi32, #tpu.memory_space<vmem>>
    %dma_wait3A_122 = tpu.memref_squeeze %dma_wait3A_121 : memref<1x20x2x128xi32, #tpu.memory_space<vmem>> -> memref<20x2x128xi32, #tpu.memory_space<vmem>>
    %dma_wait3A_123 = arith.constant 20 : i32
    %dma_wait3A_124 = arith.constant 0 : i32
    %dma_wait3A_125 = arith.constant 0 : i32
    %dma_wait3A_126 = tpu.memref_slice %arg3[%add3A, %dma_wait3A_123, %dma_wait3A_124, %dma_wait3A_125] : memref<32x80x2x128xi32, #tpu.memory_space<hbm>> -> memref<1x20x2x128xi32, #tpu.memory_space<hbm>>
    %dma_wait3A_127 = tpu.memref_squeeze %dma_wait3A_126 : memref<1x20x2x128xi32, #tpu.memory_space<hbm>> -> memref<20x2x128xi32, #tpu.memory_space<hbm>>
    %dma_wait3A_128 = arith.constant 0 : i32
    %dma_wait3A_129 = arith.constant 0 : i32
    %dma_wait3A_130 = arith.constant 0 : i32
    %dma_wait3A_131 = tpu.memref_slice %arg5[%dma_wait3A_117, %dma_wait3A_128, %dma_wait3A_129, %dma_wait3A_130] : memref<2x20x2x128xi32, #tpu.memory_space<vmem>> -> memref<1x20x2x128xi32, #tpu.memory_space<vmem>>
    %dma_wait3A_132 = tpu.memref_squeeze %dma_wait3A_131 : memref<1x20x2x128xi32, #tpu.memory_space<vmem>> -> memref<20x2x128xi32, #tpu.memory_space<vmem>>
    %dma_wait3A_133 = arith.constant 20 : i32
    %dma_wait3A_134 = arith.constant 0 : i32
    %dma_wait3A_135 = arith.constant 0 : i32
    %dma_wait3A_136 = tpu.memref_slice %arg3[%add3A, %dma_wait3A_133, %dma_wait3A_134, %dma_wait3A_135] : memref<32x80x2x128xi32, #tpu.memory_space<hbm>> -> memref<1x20x2x128xi32, #tpu.memory_space<hbm>>
    %dma_wait3A_137 = tpu.memref_squeeze %dma_wait3A_136 : memref<1x20x2x128xi32, #tpu.memory_space<hbm>> -> memref<20x2x128xi32, #tpu.memory_space<hbm>>
    tpu.wait_dma2 semaphore(%arg11 : memref<!tpu.dma_semaphore, #tpu.memory_space<semaphore_mem>>) src(%dma_wait3A_137 : memref<20x2x128xi32, #tpu.memory_space<hbm>>) dst(%dma_wait3A_132 : memref<20x2x128xi32, #tpu.memory_space<vmem>>)
    %dma_start3A_138 = arith.constant 0 : i32
    %dma_start3A_139 = arith.constant 0 : i32
    %dma_start3A_140 = arith.constant 0 : i32
    %dma_start3A_141 = arith.constant 0 : i32
    %dma_start3A_142 = tpu.memref_slice %arg5[%dma_start3A_138, %dma_start3A_139, %dma_start3A_140, %dma_start3A_141] : memref<2x20x2x128xi32, #tpu.memory_space<vmem>> -> memref<1x20x2x128xi32, #tpu.memory_space<vmem>>
    %dma_start3A_143 = tpu.memref_squeeze %dma_start3A_142 : memref<1x20x2x128xi32, #tpu.memory_space<vmem>> -> memref<20x2x128xi32, #tpu.memory_space<vmem>>
    %dma_start3A_144 = arith.constant 40 : i32
    %dma_start3A_145 = arith.constant 0 : i32
    %dma_start3A_146 = arith.constant 0 : i32
    %dma_start3A_147 = tpu.memref_slice %arg3[%add3A, %dma_start3A_144, %dma_start3A_145, %dma_start3A_146] : memref<32x80x2x128xi32, #tpu.memory_space<hbm>> -> memref<1x20x2x128xi32, #tpu.memory_space<hbm>>
    %dma_start3A_148 = tpu.memref_squeeze %dma_start3A_147 : memref<1x20x2x128xi32, #tpu.memory_space<hbm>> -> memref<20x2x128xi32, #tpu.memory_space<hbm>>
    %dma_start3A_149 = arith.constant 0 : i32
    %dma_start3A_150 = arith.constant 0 : i32
    %dma_start3A_151 = arith.constant 0 : i32
    %dma_start3A_152 = tpu.memref_slice %arg5[%dma_start3A_138, %dma_start3A_149, %dma_start3A_150, %dma_start3A_151] : memref<2x20x2x128xi32, #tpu.memory_space<vmem>> -> memref<1x20x2x128xi32, #tpu.memory_space<vmem>>
    %dma_start3A_153 = tpu.memref_squeeze %dma_start3A_152 : memref<1x20x2x128xi32, #tpu.memory_space<vmem>> -> memref<20x2x128xi32, #tpu.memory_space<vmem>>
    %dma_start3A_154 = arith.constant 40 : i32
    %dma_start3A_155 = arith.constant 0 : i32
    %dma_start3A_156 = arith.constant 0 : i32
    %dma_start3A_157 = tpu.memref_slice %arg3[%add3A, %dma_start3A_154, %dma_start3A_155, %dma_start3A_156] : memref<32x80x2x128xi32, #tpu.memory_space<hbm>> -> memref<1x20x2x128xi32, #tpu.memory_space<hbm>>
    %dma_start3A_158 = tpu.memref_squeeze %dma_start3A_157 : memref<1x20x2x128xi32, #tpu.memory_space<hbm>> -> memref<20x2x128xi32, #tpu.memory_space<hbm>>
    tpu.enqueue_dma source(%dma_start3A_158 : memref<20x2x128xi32, #tpu.memory_space<hbm>>) target(%dma_start3A_153 : memref<20x2x128xi32, #tpu.memory_space<vmem>>) target_semaphore(%arg10 : memref<!tpu.dma_semaphore, #tpu.memory_space<semaphore_mem>>)
    %dma_start3A_159 = arith.constant 1 : i32
    %dma_start3A_160 = arith.constant 0 : i32
    %dma_start3A_161 = arith.constant 0 : i32
    %dma_start3A_162 = arith.constant 0 : i32
    %dma_start3A_163 = arith.constant 0 : i32
    %dma_start3A_164 = arith.constant 0 : i32
    %dma_start3A_165 = tpu.memref_slice %arg6[%dma_start3A_162, %dma_start3A_163, %dma_start3A_164] : memref<2x128x128xf32, #tpu.memory_space<vmem>> -> memref<1x128x128xf32, #tpu.memory_space<vmem>>
    %dma_start3A_166 = tpu.memref_squeeze %dma_start3A_165 : memref<1x128x128xf32, #tpu.memory_space<vmem>> -> memref<128x128xf32, #tpu.memory_space<vmem>>
    %dma_start3A_167 = arith.constant 0 : i32
    %dma_start3A_168 = arith.constant 0 : i32
    %dma_start3A_169 = arith.constant 0 : i32
    %dma_start3A_170 = tpu.memref_slice %arg5[%dma_start3A_159, %dma_start3A_167, %dma_start3A_168, %dma_start3A_169] : memref<2x20x2x128xi32, #tpu.memory_space<vmem>> -> memref<1x20x2x128xi32, #tpu.memory_space<vmem>>
    %dma_start3A_171 = tpu.memref_squeeze %dma_start3A_170 : memref<1x20x2x128xi32, #tpu.memory_space<vmem>> -> memref<20x2x128xi32, #tpu.memory_space<vmem>>
    %dma_start3A_172 = arith.constant 0 : i32
    %dma_start3A_173 = tpu.memref_slice %dma_start3A_171[%dma_start3A_160, %dma_start3A_161, %dma_start3A_172] : memref<20x2x128xi32, #tpu.memory_space<vmem>> -> memref<1x1x128xi32, #tpu.memory_space<vmem>>
    %dma_start3A_174 = tpu.memref_squeeze %dma_start3A_173 : memref<1x1x128xi32, #tpu.memory_space<vmem>> -> memref<128xi32, #tpu.memory_space<vmem>>
    %dma_start3A_175 = arith.constant 0 : i32
    %dma_start3A_176 = arith.constant 0 : i32
    %dma_start3A_177 = tpu.memref_slice %arg2[%dma_start3A_175, %dma_start3A_176] : memref<10000x128xf32, #tpu.memory_space<hbm>> -> memref<10000x128xf32, #tpu.memory_space<hbm>>
    tpu.enqueue_indirect_dma source(%dma_start3A_177 : memref<10000x128xf32, #tpu.memory_space<hbm>>) target(%dma_start3A_166 : memref<128x128xf32, #tpu.memory_space<vmem>>) offsets(%dma_start3A_174 : memref<128xi32, #tpu.memory_space<vmem>>) semaphore(%arg8 : memref<!tpu.dma_semaphore, #tpu.memory_space<semaphore_mem>>)
    %scan3A_178 = arith.constant 0 : i32
    %scan3A_179 = arith.constant 1 : i32
    %scan3A_180 = arith.constant 0 : i32
    %scan3A_181 = arith.constant 10 : i32
    %scan3A_182 = arith.addi %scan3A_180, %scan3A_181 : i32
    %scan3A_183 = arith.constant 1 : i32
    scf.for %scan3A_305 = %scan3A_180 to %scan3A_182 step %scan3A_183  : i32 {
      %mul3A_306 = arith.constant 2 : i32
      %mul3A_307 = arith.muli %mul3A_306, %scan3A_305 : i32
      %dma_wait3A_308 = arith.constant 0 : i32
      %dma_wait3A_309 = arith.constant 0 : i32
      %dma_wait3A_310 = arith.constant 0 : i32
      %dma_wait3A_311 = arith.constant 0 : i32
      %dma_wait3A_312 = tpu.memref_slice %arg6[%dma_wait3A_309, %dma_wait3A_310, %dma_wait3A_311] : memref<2x128x128xf32, #tpu.memory_space<vmem>> -> memref<1x128x128xf32, #tpu.memory_space<vmem>>
      %dma_wait3A_313 = tpu.memref_squeeze %dma_wait3A_312 : memref<1x128x128xf32, #tpu.memory_space<vmem>> -> memref<128x128xf32, #tpu.memory_space<vmem>>
      %dma_wait3A_314 = arith.constant 0 : i32
      %dma_wait3A_315 = arith.constant 0 : i32
      %dma_wait3A_316 = arith.constant 0 : i32
      %dma_wait3A_317 = tpu.memref_slice %arg5[%scan3A_179, %dma_wait3A_314, %dma_wait3A_315, %dma_wait3A_316] : memref<2x20x2x128xi32, #tpu.memory_space<vmem>> -> memref<1x20x2x128xi32, #tpu.memory_space<vmem>>
      %dma_wait3A_318 = tpu.memref_squeeze %dma_wait3A_317 : memref<1x20x2x128xi32, #tpu.memory_space<vmem>> -> memref<20x2x128xi32, #tpu.memory_space<vmem>>
      %dma_wait3A_319 = arith.constant 0 : i32
      %dma_wait3A_320 = tpu.memref_slice %dma_wait3A_318[%mul3A_307, %dma_wait3A_308, %dma_wait3A_319] : memref<20x2x128xi32, #tpu.memory_space<vmem>> -> memref<1x1x128xi32, #tpu.memory_space<vmem>>
      %dma_wait3A_321 = tpu.memref_squeeze %dma_wait3A_320 : memref<1x1x128xi32, #tpu.memory_space<vmem>> -> memref<128xi32, #tpu.memory_space<vmem>>
      %dma_wait3A_322 = arith.constant 0 : i32
      %dma_wait3A_323 = arith.constant 0 : i32
      %dma_wait3A_324 = tpu.memref_slice %arg2[%dma_wait3A_322, %dma_wait3A_323] : memref<10000x128xf32, #tpu.memory_space<hbm>> -> memref<10000x128xf32, #tpu.memory_space<hbm>>
      tpu.wait_indirect_dma semaphore(%arg8 : memref<!tpu.dma_semaphore, #tpu.memory_space<semaphore_mem>>) src(%dma_wait3A_324 : memref<10000x128xf32, #tpu.memory_space<hbm>>) dst(%dma_wait3A_313 : memref<128x128xf32, #tpu.memory_space<vmem>>)
      %add3A_325 = arith.constant 1 : i32
      %add3A_326 = arith.addi %mul3A_307, %add3A_325 : i32
      %dma_start3A_327 = arith.constant 0 : i32
      %dma_start3A_328 = arith.constant 1 : i32
      %dma_start3A_329 = arith.constant 0 : i32
      %dma_start3A_330 = arith.constant 0 : i32
      %dma_start3A_331 = tpu.memref_slice %arg6[%dma_start3A_328, %dma_start3A_329, %dma_start3A_330] : memref<2x128x128xf32, #tpu.memory_space<vmem>> -> memref<1x128x128xf32, #tpu.memory_space<vmem>>
      %dma_start3A_332 = tpu.memref_squeeze %dma_start3A_331 : memref<1x128x128xf32, #tpu.memory_space<vmem>> -> memref<128x128xf32, #tpu.memory_space<vmem>>
      %dma_start3A_333 = arith.constant 0 : i32
      %dma_start3A_334 = arith.constant 0 : i32
      %dma_start3A_335 = arith.constant 0 : i32
      %dma_start3A_336 = tpu.memref_slice %arg5[%scan3A_179, %dma_start3A_333, %dma_start3A_334, %dma_start3A_335] : memref<2x20x2x128xi32, #tpu.memory_space<vmem>> -> memref<1x20x2x128xi32, #tpu.memory_space<vmem>>
      %dma_start3A_337 = tpu.memref_squeeze %dma_start3A_336 : memref<1x20x2x128xi32, #tpu.memory_space<vmem>> -> memref<20x2x128xi32, #tpu.memory_space<vmem>>
      %dma_start3A_338 = arith.constant 0 : i32
      %dma_start3A_339 = tpu.memref_slice %dma_start3A_337[%add3A_326, %dma_start3A_327, %dma_start3A_338] : memref<20x2x128xi32, #tpu.memory_space<vmem>> -> memref<1x1x128xi32, #tpu.memory_space<vmem>>
      %dma_start3A_340 = tpu.memref_squeeze %dma_start3A_339 : memref<1x1x128xi32, #tpu.memory_space<vmem>> -> memref<128xi32, #tpu.memory_space<vmem>>
      %dma_start3A_341 = arith.constant 0 : i32
      %dma_start3A_342 = arith.constant 0 : i32
      %dma_start3A_343 = tpu.memref_slice %arg2[%dma_start3A_341, %dma_start3A_342] : memref<10000x128xf32, #tpu.memory_space<hbm>> -> memref<10000x128xf32, #tpu.memory_space<hbm>>
      tpu.enqueue_indirect_dma source(%dma_start3A_343 : memref<10000x128xf32, #tpu.memory_space<hbm>>) target(%dma_start3A_332 : memref<128x128xf32, #tpu.memory_space<vmem>>) offsets(%dma_start3A_340 : memref<128xi32, #tpu.memory_space<vmem>>) semaphore(%arg9 : memref<!tpu.dma_semaphore, #tpu.memory_space<semaphore_mem>>)
      %run_scoped3A_344 = arith.constant 0 : i32
      %run_scoped3A_345 = arith.constant 1 : i32
      "tpu.region"() ({
        %run_scoped3A_373 = tpu.sem_alloc : memref<!tpu.dma_semaphore, #tpu.memory_space<semaphore_mem>>
        %dma_start3A_374 = arith.constant 0 : i32
        %dma_start3A_375 = arith.constant 0 : i32
        %dma_start3A_376 = tpu.memref_slice %arg6[%run_scoped3A_344, %dma_start3A_374, %dma_start3A_375] : memref<2x128x128xf32, #tpu.memory_space<vmem>> -> memref<1x128x128xf32, #tpu.memory_space<vmem>>
        %dma_start3A_377 = tpu.memref_squeeze %dma_start3A_376 : memref<1x128x128xf32, #tpu.memory_space<vmem>> -> memref<128x128xf32, #tpu.memory_space<vmem>>
        %dma_start3A_378 = arith.constant 0 : i32
        %dma_start3A_379 = arith.constant 0 : i32
        %dma_start3A_380 = arith.constant 0 : i32
        %dma_start3A_381 = tpu.memref_slice %arg5[%scan3A_179, %dma_start3A_378, %dma_start3A_379, %dma_start3A_380] : memref<2x20x2x128xi32, #tpu.memory_space<vmem>> -> memref<1x20x2x128xi32, #tpu.memory_space<vmem>>
        %dma_start3A_382 = tpu.memref_squeeze %dma_start3A_381 : memref<1x20x2x128xi32, #tpu.memory_space<vmem>> -> memref<20x2x128xi32, #tpu.memory_space<vmem>>
        %dma_start3A_383 = arith.constant 0 : i32
        %dma_start3A_384 = tpu.memref_slice %dma_start3A_382[%mul3A_307, %run_scoped3A_345, %dma_start3A_383] : memref<20x2x128xi32, #tpu.memory_space<vmem>> -> memref<1x1x128xi32, #tpu.memory_space<vmem>>
        %dma_start3A_385 = tpu.memref_squeeze %dma_start3A_384 : memref<1x1x128xi32, #tpu.memory_space<vmem>> -> memref<128xi32, #tpu.memory_space<vmem>>
        %dma_start3A_386 = arith.constant 0 : i32
        %dma_start3A_387 = arith.constant 0 : i32
        %dma_start3A_388 = tpu.memref_slice %arg7[%dma_start3A_386, %dma_start3A_387] : memref<10240x128xf32, #tpu.memory_space<vmem_shared>> -> memref<10240x128xf32, #tpu.memory_space<vmem_shared>>
        tpu.enqueue_indirect_dma source(%dma_start3A_377 : memref<128x128xf32, #tpu.memory_space<vmem>>) target(%dma_start3A_388 : memref<10240x128xf32, #tpu.memory_space<vmem_shared>>) offsets(%dma_start3A_385 : memref<128xi32, #tpu.memory_space<vmem>>) semaphore(%run_scoped3A_373 : memref<!tpu.dma_semaphore, #tpu.memory_space<semaphore_mem>>) {add = true}
        %dma_wait3A_389 = arith.constant 0 : i32
        %dma_wait3A_390 = arith.constant 0 : i32
        %dma_wait3A_391 = tpu.memref_slice %arg6[%run_scoped3A_344, %dma_wait3A_389, %dma_wait3A_390] : memref<2x128x128xf32, #tpu.memory_space<vmem>> -> memref<1x128x128xf32, #tpu.memory_space<vmem>>
        %dma_wait3A_392 = tpu.memref_squeeze %dma_wait3A_391 : memref<1x128x128xf32, #tpu.memory_space<vmem>> -> memref<128x128xf32, #tpu.memory_space<vmem>>
        %dma_wait3A_393 = arith.constant 0 : i32
        %dma_wait3A_394 = arith.constant 0 : i32
        %dma_wait3A_395 = arith.constant 0 : i32
        %dma_wait3A_396 = tpu.memref_slice %arg5[%scan3A_179, %dma_wait3A_393, %dma_wait3A_394, %dma_wait3A_395] : memref<2x20x2x128xi32, #tpu.memory_space<vmem>> -> memref<1x20x2x128xi32, #tpu.memory_space<vmem>>
        %dma_wait3A_397 = tpu.memref_squeeze %dma_wait3A_396 : memref<1x20x2x128xi32, #tpu.memory_space<vmem>> -> memref<20x2x128xi32, #tpu.memory_space<vmem>>
        %dma_wait3A_398 = arith.constant 0 : i32
        %dma_wait3A_399 = tpu.memref_slice %dma_wait3A_397[%mul3A_307, %run_scoped3A_345, %dma_wait3A_398] : memref<20x2x128xi32, #tpu.memory_space<vmem>> -> memref<1x1x128xi32, #tpu.memory_space<vmem>>
        %dma_wait3A_400 = tpu.memref_squeeze %dma_wait3A_399 : memref<1x1x128xi32, #tpu.memory_space<vmem>> -> memref<128xi32, #tpu.memory_space<vmem>>
        %dma_wait3A_401 = arith.constant 0 : i32
        %dma_wait3A_402 = arith.constant 0 : i32
        %dma_wait3A_403 = tpu.memref_slice %arg7[%dma_wait3A_401, %dma_wait3A_402] : memref<10240x128xf32, #tpu.memory_space<vmem_shared>> -> memref<10240x128xf32, #tpu.memory_space<vmem_shared>>
        tpu.wait_indirect_dma semaphore(%run_scoped3A_373 : memref<!tpu.dma_semaphore, #tpu.memory_space<semaphore_mem>>) src(%dma_wait3A_392 : memref<128x128xf32, #tpu.memory_space<vmem>>) dst(%dma_wait3A_403 : memref<10240x128xf32, #tpu.memory_space<vmem_shared>>)
        tpu.yield
      }) : () -> ()
      %add3A_346 = arith.constant 1 : i32
      %add3A_347 = arith.addi %mul3A_307, %add3A_346 : i32
      %dma_wait3A_348 = arith.constant 0 : i32
      %dma_wait3A_349 = arith.constant 1 : i32
      %dma_wait3A_350 = arith.constant 0 : i32
      %dma_wait3A_351 = arith.constant 0 : i32
      %dma_wait3A_352 = tpu.memref_slice %arg6[%dma_wait3A_349, %dma_wait3A_350, %dma_wait3A_351] : memref<2x128x128xf32, #tpu.memory_space<vmem>> -> memref<1x128x128xf32, #tpu.memory_space<vmem>>
      %dma_wait3A_353 = tpu.memref_squeeze %dma_wait3A_352 : memref<1x128x128xf32, #tpu.memory_space<vmem>> -> memref<128x128xf32, #tpu.memory_space<vmem>>
      %dma_wait3A_354 = arith.constant 0 : i32
      %dma_wait3A_355 = arith.constant 0 : i32
      %dma_wait3A_356 = arith.constant 0 : i32
      %dma_wait3A_357 = tpu.memref_slice %arg5[%scan3A_179, %dma_wait3A_354, %dma_wait3A_355, %dma_wait3A_356] : memref<2x20x2x128xi32, #tpu.memory_space<vmem>> -> memref<1x20x2x128xi32, #tpu.memory_space<vmem>>
      %dma_wait3A_358 = tpu.memref_squeeze %dma_wait3A_357 : memref<1x20x2x128xi32, #tpu.memory_space<vmem>> -> memref<20x2x128xi32, #tpu.memory_space<vmem>>
      %dma_wait3A_359 = arith.constant 0 : i32
      %dma_wait3A_360 = tpu.memref_slice %dma_wait3A_358[%add3A_347, %dma_wait3A_348, %dma_wait3A_359] : memref<20x2x128xi32, #tpu.memory_space<vmem>> -> memref<1x1x128xi32, #tpu.memory_space<vmem>>
      %dma_wait3A_361 = tpu.memref_squeeze %dma_wait3A_360 : memref<1x1x128xi32, #tpu.memory_space<vmem>> -> memref<128xi32, #tpu.memory_space<vmem>>
      %dma_wait3A_362 = arith.constant 0 : i32
      %dma_wait3A_363 = arith.constant 0 : i32
      %dma_wait3A_364 = tpu.memref_slice %arg2[%dma_wait3A_362, %dma_wait3A_363] : memref<10000x128xf32, #tpu.memory_space<hbm>> -> memref<10000x128xf32, #tpu.memory_space<hbm>>
      tpu.wait_indirect_dma semaphore(%arg9 : memref<!tpu.dma_semaphore, #tpu.memory_space<semaphore_mem>>) src(%dma_wait3A_364 : memref<10000x128xf32, #tpu.memory_space<hbm>>) dst(%dma_wait3A_353 : memref<128x128xf32, #tpu.memory_space<vmem>>)
      %add3A_365 = arith.constant 2 : i32
      %add3A_366 = arith.addi %mul3A_307, %add3A_365 : i32
      %lt3A = arith.constant 20 : i32
      %lt3A_367 = arith.cmpi slt, %add3A_366, %lt3A : i32
      %convert_element_type3A = arith.extui %lt3A_367 : i1 to i32
      %cond3A = arith.constant 0 : i32
      %cond3A_368 = arith.cmpi ne, %convert_element_type3A, %cond3A : i32
      scf.if %cond3A_368 {
        %add3A_373 = arith.constant 2 : i32
        %add3A_374 = arith.addi %mul3A_307, %add3A_373 : i32
        %dma_start3A_375 = arith.constant 0 : i32
        %dma_start3A_376 = arith.constant 0 : i32
        %dma_start3A_377 = arith.constant 0 : i32
        %dma_start3A_378 = arith.constant 0 : i32
        %dma_start3A_379 = tpu.memref_slice %arg6[%dma_start3A_376, %dma_start3A_377, %dma_start3A_378] : memref<2x128x128xf32, #tpu.memory_space<vmem>> -> memref<1x128x128xf32, #tpu.memory_space<vmem>>
        %dma_start3A_380 = tpu.memref_squeeze %dma_start3A_379 : memref<1x128x128xf32, #tpu.memory_space<vmem>> -> memref<128x128xf32, #tpu.memory_space<vmem>>
        %dma_start3A_381 = arith.constant 0 : i32
        %dma_start3A_382 = arith.constant 0 : i32
        %dma_start3A_383 = arith.constant 0 : i32
        %dma_start3A_384 = tpu.memref_slice %arg5[%scan3A_179, %dma_start3A_381, %dma_start3A_382, %dma_start3A_383] : memref<2x20x2x128xi32, #tpu.memory_space<vmem>> -> memref<1x20x2x128xi32, #tpu.memory_space<vmem>>
        %dma_start3A_385 = tpu.memref_squeeze %dma_start3A_384 : memref<1x20x2x128xi32, #tpu.memory_space<vmem>> -> memref<20x2x128xi32, #tpu.memory_space<vmem>>
        %dma_start3A_386 = arith.constant 0 : i32
        %dma_start3A_387 = tpu.memref_slice %dma_start3A_385[%add3A_374, %dma_start3A_375, %dma_start3A_386] : memref<20x2x128xi32, #tpu.memory_space<vmem>> -> memref<1x1x128xi32, #tpu.memory_space<vmem>>
        %dma_start3A_388 = tpu.memref_squeeze %dma_start3A_387 : memref<1x1x128xi32, #tpu.memory_space<vmem>> -> memref<128xi32, #tpu.memory_space<vmem>>
        %dma_start3A_389 = arith.constant 0 : i32
        %dma_start3A_390 = arith.constant 0 : i32
        %dma_start3A_391 = tpu.memref_slice %arg2[%dma_start3A_389, %dma_start3A_390] : memref<10000x128xf32, #tpu.memory_space<hbm>> -> memref<10000x128xf32, #tpu.memory_space<hbm>>
        tpu.enqueue_indirect_dma source(%dma_start3A_391 : memref<10000x128xf32, #tpu.memory_space<hbm>>) target(%dma_start3A_380 : memref<128x128xf32, #tpu.memory_space<vmem>>) offsets(%dma_start3A_388 : memref<128xi32, #tpu.memory_space<vmem>>) semaphore(%arg8 : memref<!tpu.dma_semaphore, #tpu.memory_space<semaphore_mem>>)
      } else {
      }
      %add3A_369 = arith.constant 1 : i32
      %add3A_370 = arith.addi %mul3A_307, %add3A_369 : i32
      %run_scoped3A_371 = arith.constant 1 : i32
      %run_scoped3A_372 = arith.constant 1 : i32
      "tpu.region"() ({
        %run_scoped3A_373 = tpu.sem_alloc : memref<!tpu.dma_semaphore, #tpu.memory_space<semaphore_mem>>
        %dma_start3A_374 = arith.constant 0 : i32
        %dma_start3A_375 = arith.constant 0 : i32
        %dma_start3A_376 = tpu.memref_slice %arg6[%run_scoped3A_371, %dma_start3A_374, %dma_start3A_375] : memref<2x128x128xf32, #tpu.memory_space<vmem>> -> memref<1x128x128xf32, #tpu.memory_space<vmem>>
        %dma_start3A_377 = tpu.memref_squeeze %dma_start3A_376 : memref<1x128x128xf32, #tpu.memory_space<vmem>> -> memref<128x128xf32, #tpu.memory_space<vmem>>
        %dma_start3A_378 = arith.constant 0 : i32
        %dma_start3A_379 = arith.constant 0 : i32
        %dma_start3A_380 = arith.constant 0 : i32
        %dma_start3A_381 = tpu.memref_slice %arg5[%scan3A_179, %dma_start3A_378, %dma_start3A_379, %dma_start3A_380] : memref<2x20x2x128xi32, #tpu.memory_space<vmem>> -> memref<1x20x2x128xi32, #tpu.memory_space<vmem>>
        %dma_start3A_382 = tpu.memref_squeeze %dma_start3A_381 : memref<1x20x2x128xi32, #tpu.memory_space<vmem>> -> memref<20x2x128xi32, #tpu.memory_space<vmem>>
        %dma_start3A_383 = arith.constant 0 : i32
        %dma_start3A_384 = tpu.memref_slice %dma_start3A_382[%add3A_370, %run_scoped3A_372, %dma_start3A_383] : memref<20x2x128xi32, #tpu.memory_space<vmem>> -> memref<1x1x128xi32, #tpu.memory_space<vmem>>
        %dma_start3A_385 = tpu.memref_squeeze %dma_start3A_384 : memref<1x1x128xi32, #tpu.memory_space<vmem>> -> memref<128xi32, #tpu.memory_space<vmem>>
        %dma_start3A_386 = arith.constant 0 : i32
        %dma_start3A_387 = arith.constant 0 : i32
        %dma_start3A_388 = tpu.memref_slice %arg7[%dma_start3A_386, %dma_start3A_387] : memref<10240x128xf32, #tpu.memory_space<vmem_shared>> -> memref<10240x128xf32, #tpu.memory_space<vmem_shared>>
        tpu.enqueue_indirect_dma source(%dma_start3A_377 : memref<128x128xf32, #tpu.memory_space<vmem>>) target(%dma_start3A_388 : memref<10240x128xf32, #tpu.memory_space<vmem_shared>>) offsets(%dma_start3A_385 : memref<128xi32, #tpu.memory_space<vmem>>) semaphore(%run_scoped3A_373 : memref<!tpu.dma_semaphore, #tpu.memory_space<semaphore_mem>>) {add = true}
        %dma_wait3A_389 = arith.constant 0 : i32
        %dma_wait3A_390 = arith.constant 0 : i32
        %dma_wait3A_391 = tpu.memref_slice %arg6[%run_scoped3A_371, %dma_wait3A_389, %dma_wait3A_390] : memref<2x128x128xf32, #tpu.memory_space<vmem>> -> memref<1x128x128xf32, #tpu.memory_space<vmem>>
        %dma_wait3A_392 = tpu.memref_squeeze %dma_wait3A_391 : memref<1x128x128xf32, #tpu.memory_space<vmem>> -> memref<128x128xf32, #tpu.memory_space<vmem>>
        %dma_wait3A_393 = arith.constant 0 : i32
        %dma_wait3A_394 = arith.constant 0 : i32
        %dma_wait3A_395 = arith.constant 0 : i32
        %dma_wait3A_396 = tpu.memref_slice %arg5[%scan3A_179, %dma_wait3A_393, %dma_wait3A_394, %dma_wait3A_395] : memref<2x20x2x128xi32, #tpu.memory_space<vmem>> -> memref<1x20x2x128xi32, #tpu.memory_space<vmem>>
        %dma_wait3A_397 = tpu.memref_squeeze %dma_wait3A_396 : memref<1x20x2x128xi32, #tpu.memory_space<vmem>> -> memref<20x2x128xi32, #tpu.memory_space<vmem>>
        %dma_wait3A_398 = arith.constant 0 : i32
        %dma_wait3A_399 = tpu.memref_slice %dma_wait3A_397[%add3A_370, %run_scoped3A_372, %dma_wait3A_398] : memref<20x2x128xi32, #tpu.memory_space<vmem>> -> memref<1x1x128xi32, #tpu.memory_space<vmem>>
        %dma_wait3A_400 = tpu.memref_squeeze %dma_wait3A_399 : memref<1x1x128xi32, #tpu.memory_space<vmem>> -> memref<128xi32, #tpu.memory_space<vmem>>
        %dma_wait3A_401 = arith.constant 0 : i32
        %dma_wait3A_402 = arith.constant 0 : i32
        %dma_wait3A_403 = tpu.memref_slice %arg7[%dma_wait3A_401, %dma_wait3A_402] : memref<10240x128xf32, #tpu.memory_space<vmem_shared>> -> memref<10240x128xf32, #tpu.memory_space<vmem_shared>>
        tpu.wait_indirect_dma semaphore(%run_scoped3A_373 : memref<!tpu.dma_semaphore, #tpu.memory_space<semaphore_mem>>) src(%dma_wait3A_392 : memref<128x128xf32, #tpu.memory_space<vmem>>) dst(%dma_wait3A_403 : memref<10240x128xf32, #tpu.memory_space<vmem_shared>>)
        tpu.yield
      }) : () -> ()
    }
    %scan3A_184 = arith.constant 10 : i32
    %dma_wait3A_185 = arith.constant 0 : i32
    %dma_wait3A_186 = arith.constant 0 : i32
    %dma_wait3A_187 = arith.constant 0 : i32
    %dma_wait3A_188 = arith.constant 0 : i32
    %dma_wait3A_189 = tpu.memref_slice %arg5[%dma_wait3A_185, %dma_wait3A_186, %dma_wait3A_187, %dma_wait3A_188] : memref<2x20x2x128xi32, #tpu.memory_space<vmem>> -> memref<1x20x2x128xi32, #tpu.memory_space<vmem>>
    %dma_wait3A_190 = tpu.memref_squeeze %dma_wait3A_189 : memref<1x20x2x128xi32, #tpu.memory_space<vmem>> -> memref<20x2x128xi32, #tpu.memory_space<vmem>>
    %dma_wait3A_191 = arith.constant 40 : i32
    %dma_wait3A_192 = arith.constant 0 : i32
    %dma_wait3A_193 = arith.constant 0 : i32
    %dma_wait3A_194 = tpu.memref_slice %arg3[%add3A, %dma_wait3A_191, %dma_wait3A_192, %dma_wait3A_193] : memref<32x80x2x128xi32, #tpu.memory_space<hbm>> -> memref<1x20x2x128xi32, #tpu.memory_space<hbm>>
    %dma_wait3A_195 = tpu.memref_squeeze %dma_wait3A_194 : memref<1x20x2x128xi32, #tpu.memory_space<hbm>> -> memref<20x2x128xi32, #tpu.memory_space<hbm>>
    %dma_wait3A_196 = arith.constant 0 : i32
    %dma_wait3A_197 = arith.constant 0 : i32
    %dma_wait3A_198 = arith.constant 0 : i32
    %dma_wait3A_199 = tpu.memref_slice %arg5[%dma_wait3A_185, %dma_wait3A_196, %dma_wait3A_197, %dma_wait3A_198] : memref<2x20x2x128xi32, #tpu.memory_space<vmem>> -> memref<1x20x2x128xi32, #tpu.memory_space<vmem>>
    %dma_wait3A_200 = tpu.memref_squeeze %dma_wait3A_199 : memref<1x20x2x128xi32, #tpu.memory_space<vmem>> -> memref<20x2x128xi32, #tpu.memory_space<vmem>>
    %dma_wait3A_201 = arith.constant 40 : i32
    %dma_wait3A_202 = arith.constant 0 : i32
    %dma_wait3A_203 = arith.constant 0 : i32
    %dma_wait3A_204 = tpu.memref_slice %arg3[%add3A, %dma_wait3A_201, %dma_wait3A_202, %dma_wait3A_203] : memref<32x80x2x128xi32, #tpu.memory_space<hbm>> -> memref<1x20x2x128xi32, #tpu.memory_space<hbm>>
    %dma_wait3A_205 = tpu.memref_squeeze %dma_wait3A_204 : memref<1x20x2x128xi32, #tpu.memory_space<hbm>> -> memref<20x2x128xi32, #tpu.memory_space<hbm>>
    tpu.wait_dma2 semaphore(%arg10 : memref<!tpu.dma_semaphore, #tpu.memory_space<semaphore_mem>>) src(%dma_wait3A_205 : memref<20x2x128xi32, #tpu.memory_space<hbm>>) dst(%dma_wait3A_200 : memref<20x2x128xi32, #tpu.memory_space<vmem>>)
    %dma_start3A_206 = arith.constant 1 : i32
    %dma_start3A_207 = arith.constant 0 : i32
    %dma_start3A_208 = arith.constant 0 : i32
    %dma_start3A_209 = arith.constant 0 : i32
    %dma_start3A_210 = tpu.memref_slice %arg5[%dma_start3A_206, %dma_start3A_207, %dma_start3A_208, %dma_start3A_209] : memref<2x20x2x128xi32, #tpu.memory_space<vmem>> -> memref<1x20x2x128xi32, #tpu.memory_space<vmem>>
    %dma_start3A_211 = tpu.memref_squeeze %dma_start3A_210 : memref<1x20x2x128xi32, #tpu.memory_space<vmem>> -> memref<20x2x128xi32, #tpu.memory_space<vmem>>
    %dma_start3A_212 = arith.constant 60 : i32
    %dma_start3A_213 = arith.constant 0 : i32
    %dma_start3A_214 = arith.constant 0 : i32
    %dma_start3A_215 = tpu.memref_slice %arg3[%add3A, %dma_start3A_212, %dma_start3A_213, %dma_start3A_214] : memref<32x80x2x128xi32, #tpu.memory_space<hbm>> -> memref<1x20x2x128xi32, #tpu.memory_space<hbm>>
    %dma_start3A_216 = tpu.memref_squeeze %dma_start3A_215 : memref<1x20x2x128xi32, #tpu.memory_space<hbm>> -> memref<20x2x128xi32, #tpu.memory_space<hbm>>
    %dma_start3A_217 = arith.constant 0 : i32
    %dma_start3A_218 = arith.constant 0 : i32
    %dma_start3A_219 = arith.constant 0 : i32
    %dma_start3A_220 = tpu.memref_slice %arg5[%dma_start3A_206, %dma_start3A_217, %dma_start3A_218, %dma_start3A_219] : memref<2x20x2x128xi32, #tpu.memory_space<vmem>> -> memref<1x20x2x128xi32, #tpu.memory_space<vmem>>
    %dma_start3A_221 = tpu.memref_squeeze %dma_start3A_220 : memref<1x20x2x128xi32, #tpu.memory_space<vmem>> -> memref<20x2x128xi32, #tpu.memory_space<vmem>>
    %dma_start3A_222 = arith.constant 60 : i32
    %dma_start3A_223 = arith.constant 0 : i32
    %dma_start3A_224 = arith.constant 0 : i32
    %dma_start3A_225 = tpu.memref_slice %arg3[%add3A, %dma_start3A_222, %dma_start3A_223, %dma_start3A_224] : memref<32x80x2x128xi32, #tpu.memory_space<hbm>> -> memref<1x20x2x128xi32, #tpu.memory_space<hbm>>
    %dma_start3A_226 = tpu.memref_squeeze %dma_start3A_225 : memref<1x20x2x128xi32, #tpu.memory_space<hbm>> -> memref<20x2x128xi32, #tpu.memory_space<hbm>>
    tpu.enqueue_dma source(%dma_start3A_226 : memref<20x2x128xi32, #tpu.memory_space<hbm>>) target(%dma_start3A_221 : memref<20x2x128xi32, #tpu.memory_space<vmem>>) target_semaphore(%arg11 : memref<!tpu.dma_semaphore, #tpu.memory_space<semaphore_mem>>)
    %dma_start3A_227 = arith.constant 0 : i32
    %dma_start3A_228 = arith.constant 0 : i32
    %dma_start3A_229 = arith.constant 0 : i32
    %dma_start3A_230 = arith.constant 0 : i32
    %dma_start3A_231 = arith.constant 0 : i32
    %dma_start3A_232 = arith.constant 0 : i32
    %dma_start3A_233 = tpu.memref_slice %arg6[%dma_start3A_230, %dma_start3A_231, %dma_start3A_232] : memref<2x128x128xf32, #tpu.memory_space<vmem>> -> memref<1x128x128xf32, #tpu.memory_space<vmem>>
    %dma_start3A_234 = tpu.memref_squeeze %dma_start3A_233 : memref<1x128x128xf32, #tpu.memory_space<vmem>> -> memref<128x128xf32, #tpu.memory_space<vmem>>
    %dma_start3A_235 = arith.constant 0 : i32
    %dma_start3A_236 = arith.constant 0 : i32
    %dma_start3A_237 = arith.constant 0 : i32
    %dma_start3A_238 = tpu.memref_slice %arg5[%dma_start3A_227, %dma_start3A_235, %dma_start3A_236, %dma_start3A_237] : memref<2x20x2x128xi32, #tpu.memory_space<vmem>> -> memref<1x20x2x128xi32, #tpu.memory_space<vmem>>
    %dma_start3A_239 = tpu.memref_squeeze %dma_start3A_238 : memref<1x20x2x128xi32, #tpu.memory_space<vmem>> -> memref<20x2x128xi32, #tpu.memory_space<vmem>>
    %dma_start3A_240 = arith.constant 0 : i32
    %dma_start3A_241 = tpu.memref_slice %dma_start3A_239[%dma_start3A_228, %dma_start3A_229, %dma_start3A_240] : memref<20x2x128xi32, #tpu.memory_space<vmem>> -> memref<1x1x128xi32, #tpu.memory_space<vmem>>
    %dma_start3A_242 = tpu.memref_squeeze %dma_start3A_241 : memref<1x1x128xi32, #tpu.memory_space<vmem>> -> memref<128xi32, #tpu.memory_space<vmem>>
    %dma_start3A_243 = arith.constant 0 : i32
    %dma_start3A_244 = arith.constant 0 : i32
    %dma_start3A_245 = tpu.memref_slice %arg2[%dma_start3A_243, %dma_start3A_244] : memref<10000x128xf32, #tpu.memory_space<hbm>> -> memref<10000x128xf32, #tpu.memory_space<hbm>>
    tpu.enqueue_indirect_dma source(%dma_start3A_245 : memref<10000x128xf32, #tpu.memory_space<hbm>>) target(%dma_start3A_234 : memref<128x128xf32, #tpu.memory_space<vmem>>) offsets(%dma_start3A_242 : memref<128xi32, #tpu.memory_space<vmem>>) semaphore(%arg8 : memref<!tpu.dma_semaphore, #tpu.memory_space<semaphore_mem>>)
    %scan3A_246 = arith.constant 0 : i32
    %scan3A_247 = arith.constant 0 : i32
    %scan3A_248 = arith.constant 0 : i32
    %scan3A_249 = arith.constant 10 : i32
    %scan3A_250 = arith.addi %scan3A_248, %scan3A_249 : i32
    %scan3A_251 = arith.constant 1 : i32
    scf.for %scan3A_305 = %scan3A_248 to %scan3A_250 step %scan3A_251  : i32 {
      %mul3A_306 = arith.constant 2 : i32
      %mul3A_307 = arith.muli %mul3A_306, %scan3A_305 : i32
      %dma_wait3A_308 = arith.constant 0 : i32
      %dma_wait3A_309 = arith.constant 0 : i32
      %dma_wait3A_310 = arith.constant 0 : i32
      %dma_wait3A_311 = arith.constant 0 : i32
      %dma_wait3A_312 = tpu.memref_slice %arg6[%dma_wait3A_309, %dma_wait3A_310, %dma_wait3A_311] : memref<2x128x128xf32, #tpu.memory_space<vmem>> -> memref<1x128x128xf32, #tpu.memory_space<vmem>>
      %dma_wait3A_313 = tpu.memref_squeeze %dma_wait3A_312 : memref<1x128x128xf32, #tpu.memory_space<vmem>> -> memref<128x128xf32, #tpu.memory_space<vmem>>
      %dma_wait3A_314 = arith.constant 0 : i32
      %dma_wait3A_315 = arith.constant 0 : i32
      %dma_wait3A_316 = arith.constant 0 : i32
      %dma_wait3A_317 = tpu.memref_slice %arg5[%scan3A_247, %dma_wait3A_314, %dma_wait3A_315, %dma_wait3A_316] : memref<2x20x2x128xi32, #tpu.memory_space<vmem>> -> memref<1x20x2x128xi32, #tpu.memory_space<vmem>>
      %dma_wait3A_318 = tpu.memref_squeeze %dma_wait3A_317 : memref<1x20x2x128xi32, #tpu.memory_space<vmem>> -> memref<20x2x128xi32, #tpu.memory_space<vmem>>
      %dma_wait3A_319 = arith.constant 0 : i32
      %dma_wait3A_320 = tpu.memref_slice %dma_wait3A_318[%mul3A_307, %dma_wait3A_308, %dma_wait3A_319] : memref<20x2x128xi32, #tpu.memory_space<vmem>> -> memref<1x1x128xi32, #tpu.memory_space<vmem>>
      %dma_wait3A_321 = tpu.memref_squeeze %dma_wait3A_320 : memref<1x1x128xi32, #tpu.memory_space<vmem>> -> memref<128xi32, #tpu.memory_space<vmem>>
      %dma_wait3A_322 = arith.constant 0 : i32
      %dma_wait3A_323 = arith.constant 0 : i32
      %dma_wait3A_324 = tpu.memref_slice %arg2[%dma_wait3A_322, %dma_wait3A_323] : memref<10000x128xf32, #tpu.memory_space<hbm>> -> memref<10000x128xf32, #tpu.memory_space<hbm>>
      tpu.wait_indirect_dma semaphore(%arg8 : memref<!tpu.dma_semaphore, #tpu.memory_space<semaphore_mem>>) src(%dma_wait3A_324 : memref<10000x128xf32, #tpu.memory_space<hbm>>) dst(%dma_wait3A_313 : memref<128x128xf32, #tpu.memory_space<vmem>>)
      %add3A_325 = arith.constant 1 : i32
      %add3A_326 = arith.addi %mul3A_307, %add3A_325 : i32
      %dma_start3A_327 = arith.constant 0 : i32
      %dma_start3A_328 = arith.constant 1 : i32
      %dma_start3A_329 = arith.constant 0 : i32
      %dma_start3A_330 = arith.constant 0 : i32
      %dma_start3A_331 = tpu.memref_slice %arg6[%dma_start3A_328, %dma_start3A_329, %dma_start3A_330] : memref<2x128x128xf32, #tpu.memory_space<vmem>> -> memref<1x128x128xf32, #tpu.memory_space<vmem>>
      %dma_start3A_332 = tpu.memref_squeeze %dma_start3A_331 : memref<1x128x128xf32, #tpu.memory_space<vmem>> -> memref<128x128xf32, #tpu.memory_space<vmem>>
      %dma_start3A_333 = arith.constant 0 : i32
      %dma_start3A_334 = arith.constant 0 : i32
      %dma_start3A_335 = arith.constant 0 : i32
      %dma_start3A_336 = tpu.memref_slice %arg5[%scan3A_247, %dma_start3A_333, %dma_start3A_334, %dma_start3A_335] : memref<2x20x2x128xi32, #tpu.memory_space<vmem>> -> memref<1x20x2x128xi32, #tpu.memory_space<vmem>>
      %dma_start3A_337 = tpu.memref_squeeze %dma_start3A_336 : memref<1x20x2x128xi32, #tpu.memory_space<vmem>> -> memref<20x2x128xi32, #tpu.memory_space<vmem>>
      %dma_start3A_338 = arith.constant 0 : i32
      %dma_start3A_339 = tpu.memref_slice %dma_start3A_337[%add3A_326, %dma_start3A_327, %dma_start3A_338] : memref<20x2x128xi32, #tpu.memory_space<vmem>> -> memref<1x1x128xi32, #tpu.memory_space<vmem>>
      %dma_start3A_340 = tpu.memref_squeeze %dma_start3A_339 : memref<1x1x128xi32, #tpu.memory_space<vmem>> -> memref<128xi32, #tpu.memory_space<vmem>>
      %dma_start3A_341 = arith.constant 0 : i32
      %dma_start3A_342 = arith.constant 0 : i32
      %dma_start3A_343 = tpu.memref_slice %arg2[%dma_start3A_341, %dma_start3A_342] : memref<10000x128xf32, #tpu.memory_space<hbm>> -> memref<10000x128xf32, #tpu.memory_space<hbm>>
      tpu.enqueue_indirect_dma source(%dma_start3A_343 : memref<10000x128xf32, #tpu.memory_space<hbm>>) target(%dma_start3A_332 : memref<128x128xf32, #tpu.memory_space<vmem>>) offsets(%dma_start3A_340 : memref<128xi32, #tpu.memory_space<vmem>>) semaphore(%arg9 : memref<!tpu.dma_semaphore, #tpu.memory_space<semaphore_mem>>)
      %run_scoped3A_344 = arith.constant 0 : i32
      %run_scoped3A_345 = arith.constant 1 : i32
      "tpu.region"() ({
        %run_scoped3A_373 = tpu.sem_alloc : memref<!tpu.dma_semaphore, #tpu.memory_space<semaphore_mem>>
        %dma_start3A_374 = arith.constant 0 : i32
        %dma_start3A_375 = arith.constant 0 : i32
        %dma_start3A_376 = tpu.memref_slice %arg6[%run_scoped3A_344, %dma_start3A_374, %dma_start3A_375] : memref<2x128x128xf32, #tpu.memory_space<vmem>> -> memref<1x128x128xf32, #tpu.memory_space<vmem>>
        %dma_start3A_377 = tpu.memref_squeeze %dma_start3A_376 : memref<1x128x128xf32, #tpu.memory_space<vmem>> -> memref<128x128xf32, #tpu.memory_space<vmem>>
        %dma_start3A_378 = arith.constant 0 : i32
        %dma_start3A_379 = arith.constant 0 : i32
        %dma_start3A_380 = arith.constant 0 : i32
        %dma_start3A_381 = tpu.memref_slice %arg5[%scan3A_247, %dma_start3A_378, %dma_start3A_379, %dma_start3A_380] : memref<2x20x2x128xi32, #tpu.memory_space<vmem>> -> memref<1x20x2x128xi32, #tpu.memory_space<vmem>>
        %dma_start3A_382 = tpu.memref_squeeze %dma_start3A_381 : memref<1x20x2x128xi32, #tpu.memory_space<vmem>> -> memref<20x2x128xi32, #tpu.memory_space<vmem>>
        %dma_start3A_383 = arith.constant 0 : i32
        %dma_start3A_384 = tpu.memref_slice %dma_start3A_382[%mul3A_307, %run_scoped3A_345, %dma_start3A_383] : memref<20x2x128xi32, #tpu.memory_space<vmem>> -> memref<1x1x128xi32, #tpu.memory_space<vmem>>
        %dma_start3A_385 = tpu.memref_squeeze %dma_start3A_384 : memref<1x1x128xi32, #tpu.memory_space<vmem>> -> memref<128xi32, #tpu.memory_space<vmem>>
        %dma_start3A_386 = arith.constant 0 : i32
        %dma_start3A_387 = arith.constant 0 : i32
        %dma_start3A_388 = tpu.memref_slice %arg7[%dma_start3A_386, %dma_start3A_387] : memref<10240x128xf32, #tpu.memory_space<vmem_shared>> -> memref<10240x128xf32, #tpu.memory_space<vmem_shared>>
        tpu.enqueue_indirect_dma source(%dma_start3A_377 : memref<128x128xf32, #tpu.memory_space<vmem>>) target(%dma_start3A_388 : memref<10240x128xf32, #tpu.memory_space<vmem_shared>>) offsets(%dma_start3A_385 : memref<128xi32, #tpu.memory_space<vmem>>) semaphore(%run_scoped3A_373 : memref<!tpu.dma_semaphore, #tpu.memory_space<semaphore_mem>>) {add = true}
        %dma_wait3A_389 = arith.constant 0 : i32
        %dma_wait3A_390 = arith.constant 0 : i32
        %dma_wait3A_391 = tpu.memref_slice %arg6[%run_scoped3A_344, %dma_wait3A_389, %dma_wait3A_390] : memref<2x128x128xf32, #tpu.memory_space<vmem>> -> memref<1x128x128xf32, #tpu.memory_space<vmem>>
        %dma_wait3A_392 = tpu.memref_squeeze %dma_wait3A_391 : memref<1x128x128xf32, #tpu.memory_space<vmem>> -> memref<128x128xf32, #tpu.memory_space<vmem>>
        %dma_wait3A_393 = arith.constant 0 : i32
        %dma_wait3A_394 = arith.constant 0 : i32
        %dma_wait3A_395 = arith.constant 0 : i32
        %dma_wait3A_396 = tpu.memref_slice %arg5[%scan3A_247, %dma_wait3A_393, %dma_wait3A_394, %dma_wait3A_395] : memref<2x20x2x128xi32, #tpu.memory_space<vmem>> -> memref<1x20x2x128xi32, #tpu.memory_space<vmem>>
        %dma_wait3A_397 = tpu.memref_squeeze %dma_wait3A_396 : memref<1x20x2x128xi32, #tpu.memory_space<vmem>> -> memref<20x2x128xi32, #tpu.memory_space<vmem>>
        %dma_wait3A_398 = arith.constant 0 : i32
        %dma_wait3A_399 = tpu.memref_slice %dma_wait3A_397[%mul3A_307, %run_scoped3A_345, %dma_wait3A_398] : memref<20x2x128xi32, #tpu.memory_space<vmem>> -> memref<1x1x128xi32, #tpu.memory_space<vmem>>
        %dma_wait3A_400 = tpu.memref_squeeze %dma_wait3A_399 : memref<1x1x128xi32, #tpu.memory_space<vmem>> -> memref<128xi32, #tpu.memory_space<vmem>>
        %dma_wait3A_401 = arith.constant 0 : i32
        %dma_wait3A_402 = arith.constant 0 : i32
        %dma_wait3A_403 = tpu.memref_slice %arg7[%dma_wait3A_401, %dma_wait3A_402] : memref<10240x128xf32, #tpu.memory_space<vmem_shared>> -> memref<10240x128xf32, #tpu.memory_space<vmem_shared>>
        tpu.wait_indirect_dma semaphore(%run_scoped3A_373 : memref<!tpu.dma_semaphore, #tpu.memory_space<semaphore_mem>>) src(%dma_wait3A_392 : memref<128x128xf32, #tpu.memory_space<vmem>>) dst(%dma_wait3A_403 : memref<10240x128xf32, #tpu.memory_space<vmem_shared>>)
        tpu.yield
      }) : () -> ()
      %add3A_346 = arith.constant 1 : i32
      %add3A_347 = arith.addi %mul3A_307, %add3A_346 : i32
      %dma_wait3A_348 = arith.constant 0 : i32
      %dma_wait3A_349 = arith.constant 1 : i32
      %dma_wait3A_350 = arith.constant 0 : i32
      %dma_wait3A_351 = arith.constant 0 : i32
      %dma_wait3A_352 = tpu.memref_slice %arg6[%dma_wait3A_349, %dma_wait3A_350, %dma_wait3A_351] : memref<2x128x128xf32, #tpu.memory_space<vmem>> -> memref<1x128x128xf32, #tpu.memory_space<vmem>>
      %dma_wait3A_353 = tpu.memref_squeeze %dma_wait3A_352 : memref<1x128x128xf32, #tpu.memory_space<vmem>> -> memref<128x128xf32, #tpu.memory_space<vmem>>
      %dma_wait3A_354 = arith.constant 0 : i32
      %dma_wait3A_355 = arith.constant 0 : i32
      %dma_wait3A_356 = arith.constant 0 : i32
      %dma_wait3A_357 = tpu.memref_slice %arg5[%scan3A_247, %dma_wait3A_354, %dma_wait3A_355, %dma_wait3A_356] : memref<2x20x2x128xi32, #tpu.memory_space<vmem>> -> memref<1x20x2x128xi32, #tpu.memory_space<vmem>>
      %dma_wait3A_358 = tpu.memref_squeeze %dma_wait3A_357 : memref<1x20x2x128xi32, #tpu.memory_space<vmem>> -> memref<20x2x128xi32, #tpu.memory_space<vmem>>
      %dma_wait3A_359 = arith.constant 0 : i32
      %dma_wait3A_360 = tpu.memref_slice %dma_wait3A_358[%add3A_347, %dma_wait3A_348, %dma_wait3A_359] : memref<20x2x128xi32, #tpu.memory_space<vmem>> -> memref<1x1x128xi32, #tpu.memory_space<vmem>>
      %dma_wait3A_361 = tpu.memref_squeeze %dma_wait3A_360 : memref<1x1x128xi32, #tpu.memory_space<vmem>> -> memref<128xi32, #tpu.memory_space<vmem>>
      %dma_wait3A_362 = arith.constant 0 : i32
      %dma_wait3A_363 = arith.constant 0 : i32
      %dma_wait3A_364 = tpu.memref_slice %arg2[%dma_wait3A_362, %dma_wait3A_363] : memref<10000x128xf32, #tpu.memory_space<hbm>> -> memref<10000x128xf32, #tpu.memory_space<hbm>>
      tpu.wait_indirect_dma semaphore(%arg9 : memref<!tpu.dma_semaphore, #tpu.memory_space<semaphore_mem>>) src(%dma_wait3A_364 : memref<10000x128xf32, #tpu.memory_space<hbm>>) dst(%dma_wait3A_353 : memref<128x128xf32, #tpu.memory_space<vmem>>)
      %add3A_365 = arith.constant 2 : i32
      %add3A_366 = arith.addi %mul3A_307, %add3A_365 : i32
      %lt3A = arith.constant 20 : i32
      %lt3A_367 = arith.cmpi slt, %add3A_366, %lt3A : i32
      %convert_element_type3A = arith.extui %lt3A_367 : i1 to i32
      %cond3A = arith.constant 0 : i32
      %cond3A_368 = arith.cmpi ne, %convert_element_type3A, %cond3A : i32
      scf.if %cond3A_368 {
        %add3A_373 = arith.constant 2 : i32
        %add3A_374 = arith.addi %mul3A_307, %add3A_373 : i32
        %dma_start3A_375 = arith.constant 0 : i32
        %dma_start3A_376 = arith.constant 0 : i32
        %dma_start3A_377 = arith.constant 0 : i32
        %dma_start3A_378 = arith.constant 0 : i32
        %dma_start3A_379 = tpu.memref_slice %arg6[%dma_start3A_376, %dma_start3A_377, %dma_start3A_378] : memref<2x128x128xf32, #tpu.memory_space<vmem>> -> memref<1x128x128xf32, #tpu.memory_space<vmem>>
        %dma_start3A_380 = tpu.memref_squeeze %dma_start3A_379 : memref<1x128x128xf32, #tpu.memory_space<vmem>> -> memref<128x128xf32, #tpu.memory_space<vmem>>
        %dma_start3A_381 = arith.constant 0 : i32
        %dma_start3A_382 = arith.constant 0 : i32
        %dma_start3A_383 = arith.constant 0 : i32
        %dma_start3A_384 = tpu.memref_slice %arg5[%scan3A_247, %dma_start3A_381, %dma_start3A_382, %dma_start3A_383] : memref<2x20x2x128xi32, #tpu.memory_space<vmem>> -> memref<1x20x2x128xi32, #tpu.memory_space<vmem>>
        %dma_start3A_385 = tpu.memref_squeeze %dma_start3A_384 : memref<1x20x2x128xi32, #tpu.memory_space<vmem>> -> memref<20x2x128xi32, #tpu.memory_space<vmem>>
        %dma_start3A_386 = arith.constant 0 : i32
        %dma_start3A_387 = tpu.memref_slice %dma_start3A_385[%add3A_374, %dma_start3A_375, %dma_start3A_386] : memref<20x2x128xi32, #tpu.memory_space<vmem>> -> memref<1x1x128xi32, #tpu.memory_space<vmem>>
        %dma_start3A_388 = tpu.memref_squeeze %dma_start3A_387 : memref<1x1x128xi32, #tpu.memory_space<vmem>> -> memref<128xi32, #tpu.memory_space<vmem>>
        %dma_start3A_389 = arith.constant 0 : i32
        %dma_start3A_390 = arith.constant 0 : i32
        %dma_start3A_391 = tpu.memref_slice %arg2[%dma_start3A_389, %dma_start3A_390] : memref<10000x128xf32, #tpu.memory_space<hbm>> -> memref<10000x128xf32, #tpu.memory_space<hbm>>
        tpu.enqueue_indirect_dma source(%dma_start3A_391 : memref<10000x128xf32, #tpu.memory_space<hbm>>) target(%dma_start3A_380 : memref<128x128xf32, #tpu.memory_space<vmem>>) offsets(%dma_start3A_388 : memref<128xi32, #tpu.memory_space<vmem>>) semaphore(%arg8 : memref<!tpu.dma_semaphore, #tpu.memory_space<semaphore_mem>>)
      } else {
      }
      %add3A_369 = arith.constant 1 : i32
      %add3A_370 = arith.addi %mul3A_307, %add3A_369 : i32
      %run_scoped3A_371 = arith.constant 1 : i32
      %run_scoped3A_372 = arith.constant 1 : i32
      "tpu.region"() ({
        %run_scoped3A_373 = tpu.sem_alloc : memref<!tpu.dma_semaphore, #tpu.memory_space<semaphore_mem>>
        %dma_start3A_374 = arith.constant 0 : i32
        %dma_start3A_375 = arith.constant 0 : i32
        %dma_start3A_376 = tpu.memref_slice %arg6[%run_scoped3A_371, %dma_start3A_374, %dma_start3A_375] : memref<2x128x128xf32, #tpu.memory_space<vmem>> -> memref<1x128x128xf32, #tpu.memory_space<vmem>>
        %dma_start3A_377 = tpu.memref_squeeze %dma_start3A_376 : memref<1x128x128xf32, #tpu.memory_space<vmem>> -> memref<128x128xf32, #tpu.memory_space<vmem>>
        %dma_start3A_378 = arith.constant 0 : i32
        %dma_start3A_379 = arith.constant 0 : i32
        %dma_start3A_380 = arith.constant 0 : i32
        %dma_start3A_381 = tpu.memref_slice %arg5[%scan3A_247, %dma_start3A_378, %dma_start3A_379, %dma_start3A_380] : memref<2x20x2x128xi32, #tpu.memory_space<vmem>> -> memref<1x20x2x128xi32, #tpu.memory_space<vmem>>
        %dma_start3A_382 = tpu.memref_squeeze %dma_start3A_381 : memref<1x20x2x128xi32, #tpu.memory_space<vmem>> -> memref<20x2x128xi32, #tpu.memory_space<vmem>>
        %dma_start3A_383 = arith.constant 0 : i32
        %dma_start3A_384 = tpu.memref_slice %dma_start3A_382[%add3A_370, %run_scoped3A_372, %dma_start3A_383] : memref<20x2x128xi32, #tpu.memory_space<vmem>> -> memref<1x1x128xi32, #tpu.memory_space<vmem>>
        %dma_start3A_385 = tpu.memref_squeeze %dma_start3A_384 : memref<1x1x128xi32, #tpu.memory_space<vmem>> -> memref<128xi32, #tpu.memory_space<vmem>>
        %dma_start3A_386 = arith.constant 0 : i32
        %dma_start3A_387 = arith.constant 0 : i32
        %dma_start3A_388 = tpu.memref_slice %arg7[%dma_start3A_386, %dma_start3A_387] : memref<10240x128xf32, #tpu.memory_space<vmem_shared>> -> memref<10240x128xf32, #tpu.memory_space<vmem_shared>>
        tpu.enqueue_indirect_dma source(%dma_start3A_377 : memref<128x128xf32, #tpu.memory_space<vmem>>) target(%dma_start3A_388 : memref<10240x128xf32, #tpu.memory_space<vmem_shared>>) offsets(%dma_start3A_385 : memref<128xi32, #tpu.memory_space<vmem>>) semaphore(%run_scoped3A_373 : memref<!tpu.dma_semaphore, #tpu.memory_space<semaphore_mem>>) {add = true}
        %dma_wait3A_389 = arith.constant 0 : i32
        %dma_wait3A_390 = arith.constant 0 : i32
        %dma_wait3A_391 = tpu.memref_slice %arg6[%run_scoped3A_371, %dma_wait3A_389, %dma_wait3A_390] : memref<2x128x128xf32, #tpu.memory_space<vmem>> -> memref<1x128x128xf32, #tpu.memory_space<vmem>>
        %dma_wait3A_392 = tpu.memref_squeeze %dma_wait3A_391 : memref<1x128x128xf32, #tpu.memory_space<vmem>> -> memref<128x128xf32, #tpu.memory_space<vmem>>
        %dma_wait3A_393 = arith.constant 0 : i32
        %dma_wait3A_394 = arith.constant 0 : i32
        %dma_wait3A_395 = arith.constant 0 : i32
        %dma_wait3A_396 = tpu.memref_slice %arg5[%scan3A_247, %dma_wait3A_393, %dma_wait3A_394, %dma_wait3A_395] : memref<2x20x2x128xi32, #tpu.memory_space<vmem>> -> memref<1x20x2x128xi32, #tpu.memory_space<vmem>>
        %dma_wait3A_397 = tpu.memref_squeeze %dma_wait3A_396 : memref<1x20x2x128xi32, #tpu.memory_space<vmem>> -> memref<20x2x128xi32, #tpu.memory_space<vmem>>
        %dma_wait3A_398 = arith.constant 0 : i32
        %dma_wait3A_399 = tpu.memref_slice %dma_wait3A_397[%add3A_370, %run_scoped3A_372, %dma_wait3A_398] : memref<20x2x128xi32, #tpu.memory_space<vmem>> -> memref<1x1x128xi32, #tpu.memory_space<vmem>>
        %dma_wait3A_400 = tpu.memref_squeeze %dma_wait3A_399 : memref<1x1x128xi32, #tpu.memory_space<vmem>> -> memref<128xi32, #tpu.memory_space<vmem>>
        %dma_wait3A_401 = arith.constant 0 : i32
        %dma_wait3A_402 = arith.constant 0 : i32
        %dma_wait3A_403 = tpu.memref_slice %arg7[%dma_wait3A_401, %dma_wait3A_402] : memref<10240x128xf32, #tpu.memory_space<vmem_shared>> -> memref<10240x128xf32, #tpu.memory_space<vmem_shared>>
        tpu.wait_indirect_dma semaphore(%run_scoped3A_373 : memref<!tpu.dma_semaphore, #tpu.memory_space<semaphore_mem>>) src(%dma_wait3A_392 : memref<128x128xf32, #tpu.memory_space<vmem>>) dst(%dma_wait3A_403 : memref<10240x128xf32, #tpu.memory_space<vmem_shared>>)
        tpu.yield
      }) : () -> ()
    }
    %scan3A_252 = arith.constant 10 : i32
    %dma_wait3A_253 = arith.constant 1 : i32
    %dma_wait3A_254 = arith.constant 0 : i32
    %dma_wait3A_255 = arith.constant 0 : i32
    %dma_wait3A_256 = arith.constant 0 : i32
    %dma_wait3A_257 = tpu.memref_slice %arg5[%dma_wait3A_253, %dma_wait3A_254, %dma_wait3A_255, %dma_wait3A_256] : memref<2x20x2x128xi32, #tpu.memory_space<vmem>> -> memref<1x20x2x128xi32, #tpu.memory_space<vmem>>
    %dma_wait3A_258 = tpu.memref_squeeze %dma_wait3A_257 : memref<1x20x2x128xi32, #tpu.memory_space<vmem>> -> memref<20x2x128xi32, #tpu.memory_space<vmem>>
    %dma_wait3A_259 = arith.constant 60 : i32
    %dma_wait3A_260 = arith.constant 0 : i32
    %dma_wait3A_261 = arith.constant 0 : i32
    %dma_wait3A_262 = tpu.memref_slice %arg3[%add3A, %dma_wait3A_259, %dma_wait3A_260, %dma_wait3A_261] : memref<32x80x2x128xi32, #tpu.memory_space<hbm>> -> memref<1x20x2x128xi32, #tpu.memory_space<hbm>>
    %dma_wait3A_263 = tpu.memref_squeeze %dma_wait3A_262 : memref<1x20x2x128xi32, #tpu.memory_space<hbm>> -> memref<20x2x128xi32, #tpu.memory_space<hbm>>
    %dma_wait3A_264 = arith.constant 0 : i32
    %dma_wait3A_265 = arith.constant 0 : i32
    %dma_wait3A_266 = arith.constant 0 : i32
    %dma_wait3A_267 = tpu.memref_slice %arg5[%dma_wait3A_253, %dma_wait3A_264, %dma_wait3A_265, %dma_wait3A_266] : memref<2x20x2x128xi32, #tpu.memory_space<vmem>> -> memref<1x20x2x128xi32, #tpu.memory_space<vmem>>
    %dma_wait3A_268 = tpu.memref_squeeze %dma_wait3A_267 : memref<1x20x2x128xi32, #tpu.memory_space<vmem>> -> memref<20x2x128xi32, #tpu.memory_space<vmem>>
    %dma_wait3A_269 = arith.constant 60 : i32
    %dma_wait3A_270 = arith.constant 0 : i32
    %dma_wait3A_271 = arith.constant 0 : i32
    %dma_wait3A_272 = tpu.memref_slice %arg3[%add3A, %dma_wait3A_269, %dma_wait3A_270, %dma_wait3A_271] : memref<32x80x2x128xi32, #tpu.memory_space<hbm>> -> memref<1x20x2x128xi32, #tpu.memory_space<hbm>>
    %dma_wait3A_273 = tpu.memref_squeeze %dma_wait3A_272 : memref<1x20x2x128xi32, #tpu.memory_space<hbm>> -> memref<20x2x128xi32, #tpu.memory_space<hbm>>
    tpu.wait_dma2 semaphore(%arg11 : memref<!tpu.dma_semaphore, #tpu.memory_space<semaphore_mem>>) src(%dma_wait3A_273 : memref<20x2x128xi32, #tpu.memory_space<hbm>>) dst(%dma_wait3A_268 : memref<20x2x128xi32, #tpu.memory_space<vmem>>)
    %dma_start3A_274 = arith.constant 1 : i32
    %dma_start3A_275 = arith.constant 0 : i32
    %dma_start3A_276 = arith.constant 0 : i32
    %dma_start3A_277 = arith.constant 0 : i32
    %dma_start3A_278 = arith.constant 0 : i32
    %dma_start3A_279 = arith.constant 0 : i32
    %dma_start3A_280 = tpu.memref_slice %arg6[%dma_start3A_277, %dma_start3A_278, %dma_start3A_279] : memref<2x128x128xf32, #tpu.memory_space<vmem>> -> memref<1x128x128xf32, #tpu.memory_space<vmem>>
    %dma_start3A_281 = tpu.memref_squeeze %dma_start3A_280 : memref<1x128x128xf32, #tpu.memory_space<vmem>> -> memref<128x128xf32, #tpu.memory_space<vmem>>
    %dma_start3A_282 = arith.constant 0 : i32
    %dma_start3A_283 = arith.constant 0 : i32
    %dma_start3A_284 = arith.constant 0 : i32
    %dma_start3A_285 = tpu.memref_slice %arg5[%dma_start3A_274, %dma_start3A_282, %dma_start3A_283, %dma_start3A_284] : memref<2x20x2x128xi32, #tpu.memory_space<vmem>> -> memref<1x20x2x128xi32, #tpu.memory_space<vmem>>
    %dma_start3A_286 = tpu.memref_squeeze %dma_start3A_285 : memref<1x20x2x128xi32, #tpu.memory_space<vmem>> -> memref<20x2x128xi32, #tpu.memory_space<vmem>>
    %dma_start3A_287 = arith.constant 0 : i32
    %dma_start3A_288 = tpu.memref_slice %dma_start3A_286[%dma_start3A_275, %dma_start3A_276, %dma_start3A_287] : memref<20x2x128xi32, #tpu.memory_space<vmem>> -> memref<1x1x128xi32, #tpu.memory_space<vmem>>
    %dma_start3A_289 = tpu.memref_squeeze %dma_start3A_288 : memref<1x1x128xi32, #tpu.memory_space<vmem>> -> memref<128xi32, #tpu.memory_space<vmem>>
    %dma_start3A_290 = arith.constant 0 : i32
    %dma_start3A_291 = arith.constant 0 : i32
    %dma_start3A_292 = tpu.memref_slice %arg2[%dma_start3A_290, %dma_start3A_291] : memref<10000x128xf32, #tpu.memory_space<hbm>> -> memref<10000x128xf32, #tpu.memory_space<hbm>>
    tpu.enqueue_indirect_dma source(%dma_start3A_292 : memref<10000x128xf32, #tpu.memory_space<hbm>>) target(%dma_start3A_281 : memref<128x128xf32, #tpu.memory_space<vmem>>) offsets(%dma_start3A_289 : memref<128xi32, #tpu.memory_space<vmem>>) semaphore(%arg8 : memref<!tpu.dma_semaphore, #tpu.memory_space<semaphore_mem>>)
    %scan3A_293 = arith.constant 0 : i32
    %scan3A_294 = arith.constant 1 : i32
    %scan3A_295 = arith.constant 0 : i32
    %scan3A_296 = arith.constant 10 : i32
    %scan3A_297 = arith.addi %scan3A_295, %scan3A_296 : i32
    %scan3A_298 = arith.constant 1 : i32
    scf.for %scan3A_305 = %scan3A_295 to %scan3A_297 step %scan3A_298  : i32 {
      %mul3A_306 = arith.constant 2 : i32
      %mul3A_307 = arith.muli %mul3A_306, %scan3A_305 : i32
      %dma_wait3A_308 = arith.constant 0 : i32
      %dma_wait3A_309 = arith.constant 0 : i32
      %dma_wait3A_310 = arith.constant 0 : i32
      %dma_wait3A_311 = arith.constant 0 : i32
      %dma_wait3A_312 = tpu.memref_slice %arg6[%dma_wait3A_309, %dma_wait3A_310, %dma_wait3A_311] : memref<2x128x128xf32, #tpu.memory_space<vmem>> -> memref<1x128x128xf32, #tpu.memory_space<vmem>>
      %dma_wait3A_313 = tpu.memref_squeeze %dma_wait3A_312 : memref<1x128x128xf32, #tpu.memory_space<vmem>> -> memref<128x128xf32, #tpu.memory_space<vmem>>
      %dma_wait3A_314 = arith.constant 0 : i32
      %dma_wait3A_315 = arith.constant 0 : i32
      %dma_wait3A_316 = arith.constant 0 : i32
      %dma_wait3A_317 = tpu.memref_slice %arg5[%scan3A_294, %dma_wait3A_314, %dma_wait3A_315, %dma_wait3A_316] : memref<2x20x2x128xi32, #tpu.memory_space<vmem>> -> memref<1x20x2x128xi32, #tpu.memory_space<vmem>>
      %dma_wait3A_318 = tpu.memref_squeeze %dma_wait3A_317 : memref<1x20x2x128xi32, #tpu.memory_space<vmem>> -> memref<20x2x128xi32, #tpu.memory_space<vmem>>
      %dma_wait3A_319 = arith.constant 0 : i32
      %dma_wait3A_320 = tpu.memref_slice %dma_wait3A_318[%mul3A_307, %dma_wait3A_308, %dma_wait3A_319] : memref<20x2x128xi32, #tpu.memory_space<vmem>> -> memref<1x1x128xi32, #tpu.memory_space<vmem>>
      %dma_wait3A_321 = tpu.memref_squeeze %dma_wait3A_320 : memref<1x1x128xi32, #tpu.memory_space<vmem>> -> memref<128xi32, #tpu.memory_space<vmem>>
      %dma_wait3A_322 = arith.constant 0 : i32
      %dma_wait3A_323 = arith.constant 0 : i32
      %dma_wait3A_324 = tpu.memref_slice %arg2[%dma_wait3A_322, %dma_wait3A_323] : memref<10000x128xf32, #tpu.memory_space<hbm>> -> memref<10000x128xf32, #tpu.memory_space<hbm>>
      tpu.wait_indirect_dma semaphore(%arg8 : memref<!tpu.dma_semaphore, #tpu.memory_space<semaphore_mem>>) src(%dma_wait3A_324 : memref<10000x128xf32, #tpu.memory_space<hbm>>) dst(%dma_wait3A_313 : memref<128x128xf32, #tpu.memory_space<vmem>>)
      %add3A_325 = arith.constant 1 : i32
      %add3A_326 = arith.addi %mul3A_307, %add3A_325 : i32
      %dma_start3A_327 = arith.constant 0 : i32
      %dma_start3A_328 = arith.constant 1 : i32
      %dma_start3A_329 = arith.constant 0 : i32
      %dma_start3A_330 = arith.constant 0 : i32
      %dma_start3A_331 = tpu.memref_slice %arg6[%dma_start3A_328, %dma_start3A_329, %dma_start3A_330] : memref<2x128x128xf32, #tpu.memory_space<vmem>> -> memref<1x128x128xf32, #tpu.memory_space<vmem>>
      %dma_start3A_332 = tpu.memref_squeeze %dma_start3A_331 : memref<1x128x128xf32, #tpu.memory_space<vmem>> -> memref<128x128xf32, #tpu.memory_space<vmem>>
      %dma_start3A_333 = arith.constant 0 : i32
      %dma_start3A_334 = arith.constant 0 : i32
      %dma_start3A_335 = arith.constant 0 : i32
      %dma_start3A_336 = tpu.memref_slice %arg5[%scan3A_294, %dma_start3A_333, %dma_start3A_334, %dma_start3A_335] : memref<2x20x2x128xi32, #tpu.memory_space<vmem>> -> memref<1x20x2x128xi32, #tpu.memory_space<vmem>>
      %dma_start3A_337 = tpu.memref_squeeze %dma_start3A_336 : memref<1x20x2x128xi32, #tpu.memory_space<vmem>> -> memref<20x2x128xi32, #tpu.memory_space<vmem>>
      %dma_start3A_338 = arith.constant 0 : i32
      %dma_start3A_339 = tpu.memref_slice %dma_start3A_337[%add3A_326, %dma_start3A_327, %dma_start3A_338] : memref<20x2x128xi32, #tpu.memory_space<vmem>> -> memref<1x1x128xi32, #tpu.memory_space<vmem>>
      %dma_start3A_340 = tpu.memref_squeeze %dma_start3A_339 : memref<1x1x128xi32, #tpu.memory_space<vmem>> -> memref<128xi32, #tpu.memory_space<vmem>>
      %dma_start3A_341 = arith.constant 0 : i32
      %dma_start3A_342 = arith.constant 0 : i32
      %dma_start3A_343 = tpu.memref_slice %arg2[%dma_start3A_341, %dma_start3A_342] : memref<10000x128xf32, #tpu.memory_space<hbm>> -> memref<10000x128xf32, #tpu.memory_space<hbm>>
      tpu.enqueue_indirect_dma source(%dma_start3A_343 : memref<10000x128xf32, #tpu.memory_space<hbm>>) target(%dma_start3A_332 : memref<128x128xf32, #tpu.memory_space<vmem>>) offsets(%dma_start3A_340 : memref<128xi32, #tpu.memory_space<vmem>>) semaphore(%arg9 : memref<!tpu.dma_semaphore, #tpu.memory_space<semaphore_mem>>)
      %run_scoped3A_344 = arith.constant 0 : i32
      %run_scoped3A_345 = arith.constant 1 : i32
      "tpu.region"() ({
        %run_scoped3A_373 = tpu.sem_alloc : memref<!tpu.dma_semaphore, #tpu.memory_space<semaphore_mem>>
        %dma_start3A_374 = arith.constant 0 : i32
        %dma_start3A_375 = arith.constant 0 : i32
        %dma_start3A_376 = tpu.memref_slice %arg6[%run_scoped3A_344, %dma_start3A_374, %dma_start3A_375] : memref<2x128x128xf32, #tpu.memory_space<vmem>> -> memref<1x128x128xf32, #tpu.memory_space<vmem>>
        %dma_start3A_377 = tpu.memref_squeeze %dma_start3A_376 : memref<1x128x128xf32, #tpu.memory_space<vmem>> -> memref<128x128xf32, #tpu.memory_space<vmem>>
        %dma_start3A_378 = arith.constant 0 : i32
        %dma_start3A_379 = arith.constant 0 : i32
        %dma_start3A_380 = arith.constant 0 : i32
        %dma_start3A_381 = tpu.memref_slice %arg5[%scan3A_294, %dma_start3A_378, %dma_start3A_379, %dma_start3A_380] : memref<2x20x2x128xi32, #tpu.memory_space<vmem>> -> memref<1x20x2x128xi32, #tpu.memory_space<vmem>>
        %dma_start3A_382 = tpu.memref_squeeze %dma_start3A_381 : memref<1x20x2x128xi32, #tpu.memory_space<vmem>> -> memref<20x2x128xi32, #tpu.memory_space<vmem>>
        %dma_start3A_383 = arith.constant 0 : i32
        %dma_start3A_384 = tpu.memref_slice %dma_start3A_382[%mul3A_307, %run_scoped3A_345, %dma_start3A_383] : memref<20x2x128xi32, #tpu.memory_space<vmem>> -> memref<1x1x128xi32, #tpu.memory_space<vmem>>
        %dma_start3A_385 = tpu.memref_squeeze %dma_start3A_384 : memref<1x1x128xi32, #tpu.memory_space<vmem>> -> memref<128xi32, #tpu.memory_space<vmem>>
        %dma_start3A_386 = arith.constant 0 : i32
        %dma_start3A_387 = arith.constant 0 : i32
        %dma_start3A_388 = tpu.memref_slice %arg7[%dma_start3A_386, %dma_start3A_387] : memref<10240x128xf32, #tpu.memory_space<vmem_shared>> -> memref<10240x128xf32, #tpu.memory_space<vmem_shared>>
        tpu.enqueue_indirect_dma source(%dma_start3A_377 : memref<128x128xf32, #tpu.memory_space<vmem>>) target(%dma_start3A_388 : memref<10240x128xf32, #tpu.memory_space<vmem_shared>>) offsets(%dma_start3A_385 : memref<128xi32, #tpu.memory_space<vmem>>) semaphore(%run_scoped3A_373 : memref<!tpu.dma_semaphore, #tpu.memory_space<semaphore_mem>>) {add = true}
        %dma_wait3A_389 = arith.constant 0 : i32
        %dma_wait3A_390 = arith.constant 0 : i32
        %dma_wait3A_391 = tpu.memref_slice %arg6[%run_scoped3A_344, %dma_wait3A_389, %dma_wait3A_390] : memref<2x128x128xf32, #tpu.memory_space<vmem>> -> memref<1x128x128xf32, #tpu.memory_space<vmem>>
        %dma_wait3A_392 = tpu.memref_squeeze %dma_wait3A_391 : memref<1x128x128xf32, #tpu.memory_space<vmem>> -> memref<128x128xf32, #tpu.memory_space<vmem>>
        %dma_wait3A_393 = arith.constant 0 : i32
        %dma_wait3A_394 = arith.constant 0 : i32
        %dma_wait3A_395 = arith.constant 0 : i32
        %dma_wait3A_396 = tpu.memref_slice %arg5[%scan3A_294, %dma_wait3A_393, %dma_wait3A_394, %dma_wait3A_395] : memref<2x20x2x128xi32, #tpu.memory_space<vmem>> -> memref<1x20x2x128xi32, #tpu.memory_space<vmem>>
        %dma_wait3A_397 = tpu.memref_squeeze %dma_wait3A_396 : memref<1x20x2x128xi32, #tpu.memory_space<vmem>> -> memref<20x2x128xi32, #tpu.memory_space<vmem>>
        %dma_wait3A_398 = arith.constant 0 : i32
        %dma_wait3A_399 = tpu.memref_slice %dma_wait3A_397[%mul3A_307, %run_scoped3A_345, %dma_wait3A_398] : memref<20x2x128xi32, #tpu.memory_space<vmem>> -> memref<1x1x128xi32, #tpu.memory_space<vmem>>
        %dma_wait3A_400 = tpu.memref_squeeze %dma_wait3A_399 : memref<1x1x128xi32, #tpu.memory_space<vmem>> -> memref<128xi32, #tpu.memory_space<vmem>>
        %dma_wait3A_401 = arith.constant 0 : i32
        %dma_wait3A_402 = arith.constant 0 : i32
        %dma_wait3A_403 = tpu.memref_slice %arg7[%dma_wait3A_401, %dma_wait3A_402] : memref<10240x128xf32, #tpu.memory_space<vmem_shared>> -> memref<10240x128xf32, #tpu.memory_space<vmem_shared>>
        tpu.wait_indirect_dma semaphore(%run_scoped3A_373 : memref<!tpu.dma_semaphore, #tpu.memory_space<semaphore_mem>>) src(%dma_wait3A_392 : memref<128x128xf32, #tpu.memory_space<vmem>>) dst(%dma_wait3A_403 : memref<10240x128xf32, #tpu.memory_space<vmem_shared>>)
        tpu.yield
      }) : () -> ()
      %add3A_346 = arith.constant 1 : i32
      %add3A_347 = arith.addi %mul3A_307, %add3A_346 : i32
      %dma_wait3A_348 = arith.constant 0 : i32
      %dma_wait3A_349 = arith.constant 1 : i32
      %dma_wait3A_350 = arith.constant 0 : i32
      %dma_wait3A_351 = arith.constant 0 : i32
      %dma_wait3A_352 = tpu.memref_slice %arg6[%dma_wait3A_349, %dma_wait3A_350, %dma_wait3A_351] : memref<2x128x128xf32, #tpu.memory_space<vmem>> -> memref<1x128x128xf32, #tpu.memory_space<vmem>>
      %dma_wait3A_353 = tpu.memref_squeeze %dma_wait3A_352 : memref<1x128x128xf32, #tpu.memory_space<vmem>> -> memref<128x128xf32, #tpu.memory_space<vmem>>
      %dma_wait3A_354 = arith.constant 0 : i32
      %dma_wait3A_355 = arith.constant 0 : i32
      %dma_wait3A_356 = arith.constant 0 : i32
      %dma_wait3A_357 = tpu.memref_slice %arg5[%scan3A_294, %dma_wait3A_354, %dma_wait3A_355, %dma_wait3A_356] : memref<2x20x2x128xi32, #tpu.memory_space<vmem>> -> memref<1x20x2x128xi32, #tpu.memory_space<vmem>>
      %dma_wait3A_358 = tpu.memref_squeeze %dma_wait3A_357 : memref<1x20x2x128xi32, #tpu.memory_space<vmem>> -> memref<20x2x128xi32, #tpu.memory_space<vmem>>
      %dma_wait3A_359 = arith.constant 0 : i32
      %dma_wait3A_360 = tpu.memref_slice %dma_wait3A_358[%add3A_347, %dma_wait3A_348, %dma_wait3A_359] : memref<20x2x128xi32, #tpu.memory_space<vmem>> -> memref<1x1x128xi32, #tpu.memory_space<vmem>>
      %dma_wait3A_361 = tpu.memref_squeeze %dma_wait3A_360 : memref<1x1x128xi32, #tpu.memory_space<vmem>> -> memref<128xi32, #tpu.memory_space<vmem>>
      %dma_wait3A_362 = arith.constant 0 : i32
      %dma_wait3A_363 = arith.constant 0 : i32
      %dma_wait3A_364 = tpu.memref_slice %arg2[%dma_wait3A_362, %dma_wait3A_363] : memref<10000x128xf32, #tpu.memory_space<hbm>> -> memref<10000x128xf32, #tpu.memory_space<hbm>>
      tpu.wait_indirect_dma semaphore(%arg9 : memref<!tpu.dma_semaphore, #tpu.memory_space<semaphore_mem>>) src(%dma_wait3A_364 : memref<10000x128xf32, #tpu.memory_space<hbm>>) dst(%dma_wait3A_353 : memref<128x128xf32, #tpu.memory_space<vmem>>)
      %add3A_365 = arith.constant 2 : i32
      %add3A_366 = arith.addi %mul3A_307, %add3A_365 : i32
      %lt3A = arith.constant 20 : i32
      %lt3A_367 = arith.cmpi slt, %add3A_366, %lt3A : i32
      %convert_element_type3A = arith.extui %lt3A_367 : i1 to i32
      %cond3A = arith.constant 0 : i32
      %cond3A_368 = arith.cmpi ne, %convert_element_type3A, %cond3A : i32
      scf.if %cond3A_368 {
        %add3A_373 = arith.constant 2 : i32
        %add3A_374 = arith.addi %mul3A_307, %add3A_373 : i32
        %dma_start3A_375 = arith.constant 0 : i32
        %dma_start3A_376 = arith.constant 0 : i32
        %dma_start3A_377 = arith.constant 0 : i32
        %dma_start3A_378 = arith.constant 0 : i32
        %dma_start3A_379 = tpu.memref_slice %arg6[%dma_start3A_376, %dma_start3A_377, %dma_start3A_378] : memref<2x128x128xf32, #tpu.memory_space<vmem>> -> memref<1x128x128xf32, #tpu.memory_space<vmem>>
        %dma_start3A_380 = tpu.memref_squeeze %dma_start3A_379 : memref<1x128x128xf32, #tpu.memory_space<vmem>> -> memref<128x128xf32, #tpu.memory_space<vmem>>
        %dma_start3A_381 = arith.constant 0 : i32
        %dma_start3A_382 = arith.constant 0 : i32
        %dma_start3A_383 = arith.constant 0 : i32
        %dma_start3A_384 = tpu.memref_slice %arg5[%scan3A_294, %dma_start3A_381, %dma_start3A_382, %dma_start3A_383] : memref<2x20x2x128xi32, #tpu.memory_space<vmem>> -> memref<1x20x2x128xi32, #tpu.memory_space<vmem>>
        %dma_start3A_385 = tpu.memref_squeeze %dma_start3A_384 : memref<1x20x2x128xi32, #tpu.memory_space<vmem>> -> memref<20x2x128xi32, #tpu.memory_space<vmem>>
        %dma_start3A_386 = arith.constant 0 : i32
        %dma_start3A_387 = tpu.memref_slice %dma_start3A_385[%add3A_374, %dma_start3A_375, %dma_start3A_386] : memref<20x2x128xi32, #tpu.memory_space<vmem>> -> memref<1x1x128xi32, #tpu.memory_space<vmem>>
        %dma_start3A_388 = tpu.memref_squeeze %dma_start3A_387 : memref<1x1x128xi32, #tpu.memory_space<vmem>> -> memref<128xi32, #tpu.memory_space<vmem>>
        %dma_start3A_389 = arith.constant 0 : i32
        %dma_start3A_390 = arith.constant 0 : i32
        %dma_start3A_391 = tpu.memref_slice %arg2[%dma_start3A_389, %dma_start3A_390] : memref<10000x128xf32, #tpu.memory_space<hbm>> -> memref<10000x128xf32, #tpu.memory_space<hbm>>
        tpu.enqueue_indirect_dma source(%dma_start3A_391 : memref<10000x128xf32, #tpu.memory_space<hbm>>) target(%dma_start3A_380 : memref<128x128xf32, #tpu.memory_space<vmem>>) offsets(%dma_start3A_388 : memref<128xi32, #tpu.memory_space<vmem>>) semaphore(%arg8 : memref<!tpu.dma_semaphore, #tpu.memory_space<semaphore_mem>>)
      } else {
      }
      %add3A_369 = arith.constant 1 : i32
      %add3A_370 = arith.addi %mul3A_307, %add3A_369 : i32
      %run_scoped3A_371 = arith.constant 1 : i32
      %run_scoped3A_372 = arith.constant 1 : i32
      "tpu.region"() ({
        %run_scoped3A_373 = tpu.sem_alloc : memref<!tpu.dma_semaphore, #tpu.memory_space<semaphore_mem>>
        %dma_start3A_374 = arith.constant 0 : i32
        %dma_start3A_375 = arith.constant 0 : i32
        %dma_start3A_376 = tpu.memref_slice %arg6[%run_scoped3A_371, %dma_start3A_374, %dma_start3A_375] : memref<2x128x128xf32, #tpu.memory_space<vmem>> -> memref<1x128x128xf32, #tpu.memory_space<vmem>>
        %dma_start3A_377 = tpu.memref_squeeze %dma_start3A_376 : memref<1x128x128xf32, #tpu.memory_space<vmem>> -> memref<128x128xf32, #tpu.memory_space<vmem>>
        %dma_start3A_378 = arith.constant 0 : i32
        %dma_start3A_379 = arith.constant 0 : i32
        %dma_start3A_380 = arith.constant 0 : i32
        %dma_start3A_381 = tpu.memref_slice %arg5[%scan3A_294, %dma_start3A_378, %dma_start3A_379, %dma_start3A_380] : memref<2x20x2x128xi32, #tpu.memory_space<vmem>> -> memref<1x20x2x128xi32, #tpu.memory_space<vmem>>
        %dma_start3A_382 = tpu.memref_squeeze %dma_start3A_381 : memref<1x20x2x128xi32, #tpu.memory_space<vmem>> -> memref<20x2x128xi32, #tpu.memory_space<vmem>>
        %dma_start3A_383 = arith.constant 0 : i32
        %dma_start3A_384 = tpu.memref_slice %dma_start3A_382[%add3A_370, %run_scoped3A_372, %dma_start3A_383] : memref<20x2x128xi32, #tpu.memory_space<vmem>> -> memref<1x1x128xi32, #tpu.memory_space<vmem>>
        %dma_start3A_385 = tpu.memref_squeeze %dma_start3A_384 : memref<1x1x128xi32, #tpu.memory_space<vmem>> -> memref<128xi32, #tpu.memory_space<vmem>>
        %dma_start3A_386 = arith.constant 0 : i32
        %dma_start3A_387 = arith.constant 0 : i32
        %dma_start3A_388 = tpu.memref_slice %arg7[%dma_start3A_386, %dma_start3A_387] : memref<10240x128xf32, #tpu.memory_space<vmem_shared>> -> memref<10240x128xf32, #tpu.memory_space<vmem_shared>>
        tpu.enqueue_indirect_dma source(%dma_start3A_377 : memref<128x128xf32, #tpu.memory_space<vmem>>) target(%dma_start3A_388 : memref<10240x128xf32, #tpu.memory_space<vmem_shared>>) offsets(%dma_start3A_385 : memref<128xi32, #tpu.memory_space<vmem>>) semaphore(%run_scoped3A_373 : memref<!tpu.dma_semaphore, #tpu.memory_space<semaphore_mem>>) {add = true}
        %dma_wait3A_389 = arith.constant 0 : i32
        %dma_wait3A_390 = arith.constant 0 : i32
        %dma_wait3A_391 = tpu.memref_slice %arg6[%run_scoped3A_371, %dma_wait3A_389, %dma_wait3A_390] : memref<2x128x128xf32, #tpu.memory_space<vmem>> -> memref<1x128x128xf32, #tpu.memory_space<vmem>>
        %dma_wait3A_392 = tpu.memref_squeeze %dma_wait3A_391 : memref<1x128x128xf32, #tpu.memory_space<vmem>> -> memref<128x128xf32, #tpu.memory_space<vmem>>
        %dma_wait3A_393 = arith.constant 0 : i32
        %dma_wait3A_394 = arith.constant 0 : i32
        %dma_wait3A_395 = arith.constant 0 : i32
        %dma_wait3A_396 = tpu.memref_slice %arg5[%scan3A_294, %dma_wait3A_393, %dma_wait3A_394, %dma_wait3A_395] : memref<2x20x2x128xi32, #tpu.memory_space<vmem>> -> memref<1x20x2x128xi32, #tpu.memory_space<vmem>>
        %dma_wait3A_397 = tpu.memref_squeeze %dma_wait3A_396 : memref<1x20x2x128xi32, #tpu.memory_space<vmem>> -> memref<20x2x128xi32, #tpu.memory_space<vmem>>
        %dma_wait3A_398 = arith.constant 0 : i32
        %dma_wait3A_399 = tpu.memref_slice %dma_wait3A_397[%add3A_370, %run_scoped3A_372, %dma_wait3A_398] : memref<20x2x128xi32, #tpu.memory_space<vmem>> -> memref<1x1x128xi32, #tpu.memory_space<vmem>>
        %dma_wait3A_400 = tpu.memref_squeeze %dma_wait3A_399 : memref<1x1x128xi32, #tpu.memory_space<vmem>> -> memref<128xi32, #tpu.memory_space<vmem>>
        %dma_wait3A_401 = arith.constant 0 : i32
        %dma_wait3A_402 = arith.constant 0 : i32
        %dma_wait3A_403 = tpu.memref_slice %arg7[%dma_wait3A_401, %dma_wait3A_402] : memref<10240x128xf32, #tpu.memory_space<vmem_shared>> -> memref<10240x128xf32, #tpu.memory_space<vmem_shared>>
        tpu.wait_indirect_dma semaphore(%run_scoped3A_373 : memref<!tpu.dma_semaphore, #tpu.memory_space<semaphore_mem>>) src(%dma_wait3A_392 : memref<128x128xf32, #tpu.memory_space<vmem>>) dst(%dma_wait3A_403 : memref<10240x128xf32, #tpu.memory_space<vmem_shared>>)
        tpu.yield
      }) : () -> ()
    }
    %scan3A_299 = arith.constant 10 : i32
    %barrier3A_300 = arith.constant 0 : index
    tpu.barrier barrier_id(%barrier3A_300)
    %mul3A_301 = arith.constant 640 : i32
    %mul3A_302 = arith.muli %arg1, %mul3A_301 : i32
    %mul3A_303 = arith.constant 640 : i32
    %mul3A_304 = arith.muli %arg1, %mul3A_303 : i32
    "tpu.region"() ({
      %run_scoped3A_305 = tpu.sem_alloc : memref<!tpu.dma_semaphore, #tpu.memory_space<semaphore_mem>>
      %dma_start3A_306 = arith.constant 0 : i32
      %dma_start3A_307 = tpu.memref_slice %arg4[%arg0, %mul3A_304, %dma_start3A_306] : memref<2x10240x128xf32, #tpu.memory_space<hbm>> -> memref<1x640x128xf32, #tpu.memory_space<hbm>>
      %dma_start3A_308 = tpu.memref_squeeze %dma_start3A_307 : memref<1x640x128xf32, #tpu.memory_space<hbm>> -> memref<640x128xf32, #tpu.memory_space<hbm>>
      %dma_start3A_309 = arith.constant 0 : i32
      %dma_start3A_310 = tpu.memref_slice %arg7[%mul3A_302, %dma_start3A_309] : memref<10240x128xf32, #tpu.memory_space<vmem_shared>> -> memref<640x128xf32, #tpu.memory_space<vmem_shared>>
      tpu.enqueue_dma source(%dma_start3A_310 : memref<640x128xf32, #tpu.memory_space<vmem_shared>>) target(%dma_start3A_308 : memref<640x128xf32, #tpu.memory_space<hbm>>) target_semaphore(%run_scoped3A_305 : memref<!tpu.dma_semaphore, #tpu.memory_space<semaphore_mem>>)
      %dma_wait3A_311 = arith.constant 0 : i32
      %dma_wait3A_312 = tpu.memref_slice %arg4[%arg0, %mul3A_304, %dma_wait3A_311] : memref<2x10240x128xf32, #tpu.memory_space<hbm>> -> memref<1x640x128xf32, #tpu.memory_space<hbm>>
      %dma_wait3A_313 = tpu.memref_squeeze %dma_wait3A_312 : memref<1x640x128xf32, #tpu.memory_space<hbm>> -> memref<640x128xf32, #tpu.memory_space<hbm>>
      %dma_wait3A_314 = arith.constant 0 : i32
      %dma_wait3A_315 = tpu.memref_slice %arg7[%mul3A_302, %dma_wait3A_314] : memref<10240x128xf32, #tpu.memory_space<vmem_shared>> -> memref<640x128xf32, #tpu.memory_space<vmem_shared>>
      tpu.wait_dma2 semaphore(%run_scoped3A_305 : memref<!tpu.dma_semaphore, #tpu.memory_space<semaphore_mem>>) src(%dma_wait3A_315 : memref<640x128xf32, #tpu.memory_space<vmem_shared>>) dst(%dma_wait3A_313 : memref<640x128xf32, #tpu.memory_space<hbm>>)
      tpu.yield
    }) : () -> ()
    return
  }
}

module attributes {stable_mosaic.version = 14 : i64} {
  func.func @_prep_body(%arg0: i32, %arg1: memref<1000x128xf32, #tpu.memory_space<vmem>>, %arg2: memref<128x128xf32, #tpu.memory_space<vmem>>, %arg3: memref<1000x1xf32, #tpu.memory_space<vmem>>, %arg4: memref<1000x1xf32, #tpu.memory_space<vmem>>, %arg5: memref<1000x128xf32, #tpu.memory_space<vmem>>, %arg6: memref<1000x1xf32, #tpu.memory_space<vmem>>) attributes {dimension_semantics = [#tpu.dimension_semantics<arbitrary>], iteration_bounds = array<i64: 10>, scalar_prefetch = 0 : i64, scratch_operands = 0 : i64, tpu.core_type = #tpu.core_type<tc>, window_params = [{transform_indices = @transform_0, window_bounds = array<i64: 1000, 128>}, {pipeline_mode = #tpu.pipeline_mode<synchronous>, transform_indices = @transform_1, window_bounds = array<i64: 128, 128>}, {transform_indices = @transform_2, window_bounds = array<i64: 1000, 1>}, {transform_indices = @transform_3, window_bounds = array<i64: 1000, 1>}, {transform_indices = @transform_4, window_bounds = array<i64: 1000, 128>}, {transform_indices = @transform_5, window_bounds = array<i64: 1000, 1>}]} {
    %get3A = arith.constant 0 : index
    %get3A_0 = arith.constant 0 : index
    %get3A_1 = vector.load %arg3[%get3A, %get3A_0] : memref<1000x1xf32, #tpu.memory_space<vmem>>, vector<1000x1xf32>
    %get3A_2 = arith.constant 0 : index
    %get3A_3 = arith.constant 0 : index
    %get3A_4 = vector.load %arg4[%get3A_2, %get3A_3] : memref<1000x1xf32, #tpu.memory_space<vmem>>, vector<1000x1xf32>
    %add3A = arith.addf %get3A_1, %get3A_4 : vector<1000x1xf32>
    %add3A_5 = arith.constant 1.000000e+00 : f32
    %add3A_6 = vector.broadcast %add3A_5 : f32 to vector<1000x1xf32>
    %add3A_7 = arith.addf %add3A, %add3A_6 : vector<1000x1xf32>
    %rsqrt3A = math.rsqrt %add3A_7 : vector<1000x1xf32>
    %get3A_8 = arith.constant 0 : index
    %get3A_9 = arith.constant 0 : index
    %get3A_10 = vector.load %arg1[%get3A_8, %get3A_9] : memref<1000x128xf32, #tpu.memory_space<vmem>>, vector<1000x128xf32>
    %get3A_11 = arith.constant 0 : index
    %get3A_12 = arith.constant 0 : index
    %get3A_13 = vector.load %arg2[%get3A_11, %get3A_12] : memref<128x128xf32, #tpu.memory_space<vmem>>, vector<128x128xf32>
    %dot_general3A = arith.constant dense<0.000000e+00> : vector<1000x128xf32>
    %dot_general3A_14 = tpu.matmul %get3A_10, %get3A_13, %dot_general3A {dimension_numbers = #tpu.dot_dimension_numbers<[1], [0], [0], [1], [0, 0, 1, 1], [], []>, transpose_lhs_hint = false} : vector<1000x128xf32>, vector<128x128xf32>, vector<1000x128xf32> -> vector<1000x128xf32>
    %mul3A = vector.broadcast %rsqrt3A : vector<1000x1xf32> to vector<1000x128xf32>
    %mul3A_15 = arith.mulf %dot_general3A_14, %mul3A : vector<1000x128xf32>
    %swap3A = arith.constant 0 : index
    %swap3A_16 = arith.constant 0 : index
    %swap3A_17 = vector.load %arg5[%swap3A, %swap3A_16] : memref<1000x128xf32, #tpu.memory_space<vmem>>, vector<1000x128xf32>
    tpu.vector_store %arg5[%swap3A, %swap3A_16], %mul3A_15 {strides = array<i32>} : memref<1000x128xf32, #tpu.memory_space<vmem>>, vector<1000x128xf32>,
    %swap3A_18 = arith.constant 0 : index
    %swap3A_19 = arith.constant 0 : index
    %swap3A_20 = vector.load %arg6[%swap3A_18, %swap3A_19] : memref<1000x1xf32, #tpu.memory_space<vmem>>, vector<1000x1xf32>
    tpu.vector_store %arg6[%swap3A_18, %swap3A_19], %rsqrt3A {strides = array<i32>} : memref<1000x1xf32, #tpu.memory_space<vmem>>, vector<1000x1xf32>,
    return
  }
  func.func @transform_0(%arg0: i32) -> (i32, i32) {
    %c0_i32 = arith.constant 0 : i32
    %c0_i32_0 = arith.constant 0 : i32
    return %arg0, %c0_i32 : i32, i32
  }
  func.func @transform_1(%arg0: i32) -> (i32, i32) {
    %c0_i32 = arith.constant 0 : i32
    %c0_i32_0 = arith.constant 0 : i32
    %c0_i32_1 = arith.constant 0 : i32
    return %c0_i32, %c0_i32_0 : i32, i32
  }
  func.func @transform_2(%arg0: i32) -> (i32, i32) {
    %c0_i32 = arith.constant 0 : i32
    %c0_i32_0 = arith.constant 0 : i32
    return %arg0, %c0_i32 : i32, i32
  }
  func.func @transform_3(%arg0: i32) -> (i32, i32) {
    %c0_i32 = arith.constant 0 : i32
    %c0_i32_0 = arith.constant 0 : i32
    return %arg0, %c0_i32 : i32, i32
  }
  func.func @transform_4(%arg0: i32) -> (i32, i32) {
    %c0_i32 = arith.constant 0 : i32
    %c0_i32_0 = arith.constant 0 : i32
    return %arg0, %c0_i32 : i32, i32
  }
  func.func @transform_5(%arg0: i32) -> (i32, i32) {
    %c0_i32 = arith.constant 0 : i32
    %c0_i32_0 = arith.constant 0 : i32
    return %arg0, %c0_i32 : i32, i32
  }
}

module attributes {stable_mosaic.version = 14 : i64} {
  func.func @_mid_body(%arg0: i32, %arg1: memref<1000x128xf32, #tpu.memory_space<vmem>>, %arg2: memref<1000x128xf32, #tpu.memory_space<vmem>>, %arg3: memref<1000x128xf32, #tpu.memory_space<vmem>>, %arg4: memref<1000x1xf32, #tpu.memory_space<vmem>>, %arg5: memref<1x128xf32, #tpu.memory_space<vmem>>, %arg6: memref<128x128xf32, #tpu.memory_space<vmem>>, %arg7: memref<1000x128xf32, #tpu.memory_space<vmem>>) attributes {dimension_semantics = [#tpu.dimension_semantics<arbitrary>], iteration_bounds = array<i64: 10>, scalar_prefetch = 0 : i64, scratch_operands = 0 : i64, tpu.core_type = #tpu.core_type<tc>, window_params = [{transform_indices = @transform_0, window_bounds = array<i64: 1000, 128>}, {transform_indices = @transform_1, window_bounds = array<i64: 1000, 128>}, {transform_indices = @transform_2, window_bounds = array<i64: 1000, 128>}, {transform_indices = @transform_3, window_bounds = array<i64: 1000, 1>}, {pipeline_mode = #tpu.pipeline_mode<synchronous>, transform_indices = @transform_4, window_bounds = array<i64: 1, 128>}, {pipeline_mode = #tpu.pipeline_mode<synchronous>, transform_indices = @transform_5, window_bounds = array<i64: 128, 128>}, {transform_indices = @transform_6, window_bounds = array<i64: 1000, 128>}]} {
    %get3A = arith.constant 0 : index
    %get3A_0 = arith.constant 0 : index
    %get3A_1 = vector.load %arg1[%get3A, %get3A_0] : memref<1000x128xf32, #tpu.memory_space<vmem>>, vector<1000x128xf32>
    %get3A_2 = arith.constant 0 : index
    %get3A_3 = arith.constant 0 : index
    %get3A_4 = vector.load %arg2[%get3A_2, %get3A_3] : memref<1000x128xf32, #tpu.memory_space<vmem>>, vector<1000x128xf32>
    %add3A = arith.addf %get3A_1, %get3A_4 : vector<1000x128xf32>
    %get3A_5 = arith.constant 0 : index
    %get3A_6 = arith.constant 0 : index
    %get3A_7 = vector.load %arg3[%get3A_5, %get3A_6] : memref<1000x128xf32, #tpu.memory_space<vmem>>, vector<1000x128xf32>
    %add3A_8 = arith.addf %add3A, %get3A_7 : vector<1000x128xf32>
    %get3A_9 = arith.constant 0 : index
    %get3A_10 = arith.constant 0 : index
    %get3A_11 = vector.load %arg4[%get3A_9, %get3A_10] : memref<1000x1xf32, #tpu.memory_space<vmem>>, vector<1000x1xf32>
    %mul3A = vector.broadcast %get3A_11 : vector<1000x1xf32> to vector<1000x128xf32>
    %mul3A_12 = arith.mulf %add3A_8, %mul3A : vector<1000x128xf32>
    %get3A_13 = arith.constant 0 : index
    %get3A_14 = arith.constant 0 : index
    %get3A_15 = vector.load %arg5[%get3A_13, %get3A_14] : memref<1x128xf32, #tpu.memory_space<vmem>>, vector<1x128xf32>
    %add3A_16 = vector.broadcast %get3A_15 : vector<1x128xf32> to vector<1000x128xf32>
    %add3A_17 = arith.addf %mul3A_12, %add3A_16 : vector<1000x128xf32>
    %max3A = arith.constant 0.000000e+00 : f32
    %max3A_18 = vector.broadcast %max3A : f32 to vector<1000x128xf32>
    %max3A_19 = arith.maximumf %add3A_17, %max3A_18 : vector<1000x128xf32>
    %get3A_20 = arith.constant 0 : index
    %get3A_21 = arith.constant 0 : index
    %get3A_22 = vector.load %arg6[%get3A_20, %get3A_21] : memref<128x128xf32, #tpu.memory_space<vmem>>, vector<128x128xf32>
    %dot_general3A = arith.constant dense<0.000000e+00> : vector<1000x128xf32>
    %dot_general3A_23 = tpu.matmul %max3A_19, %get3A_22, %dot_general3A {dimension_numbers = #tpu.dot_dimension_numbers<[1], [0], [0], [1], [0, 0, 1, 1], [], []>, transpose_lhs_hint = false} : vector<1000x128xf32>, vector<128x128xf32>, vector<1000x128xf32> -> vector<1000x128xf32>
    %get3A_24 = arith.constant 0 : index
    %get3A_25 = arith.constant 0 : index
    %get3A_26 = vector.load %arg4[%get3A_24, %get3A_25] : memref<1000x1xf32, #tpu.memory_space<vmem>>, vector<1000x1xf32>
    %mul3A_27 = vector.broadcast %get3A_26 : vector<1000x1xf32> to vector<1000x128xf32>
    %mul3A_28 = arith.mulf %dot_general3A_23, %mul3A_27 : vector<1000x128xf32>
    %swap3A = arith.constant 0 : index
    %swap3A_29 = arith.constant 0 : index
    %swap3A_30 = vector.load %arg7[%swap3A, %swap3A_29] : memref<1000x128xf32, #tpu.memory_space<vmem>>, vector<1000x128xf32>
    tpu.vector_store %arg7[%swap3A, %swap3A_29], %mul3A_28 {strides = array<i32>} : memref<1000x128xf32, #tpu.memory_space<vmem>>, vector<1000x128xf32>,
    return
  }
  func.func @transform_0(%arg0: i32) -> (i32, i32) {
    %c0_i32 = arith.constant 0 : i32
    %c0_i32_0 = arith.constant 0 : i32
    return %arg0, %c0_i32 : i32, i32
  }
  func.func @transform_1(%arg0: i32) -> (i32, i32) {
    %c0_i32 = arith.constant 0 : i32
    %c0_i32_0 = arith.constant 0 : i32
    return %arg0, %c0_i32 : i32, i32
  }
  func.func @transform_2(%arg0: i32) -> (i32, i32) {
    %c0_i32 = arith.constant 0 : i32
    %c0_i32_0 = arith.constant 0 : i32
    return %arg0, %c0_i32 : i32, i32
  }
  func.func @transform_3(%arg0: i32) -> (i32, i32) {
    %c0_i32 = arith.constant 0 : i32
    %c0_i32_0 = arith.constant 0 : i32
    return %arg0, %c0_i32 : i32, i32
  }
  func.func @transform_4(%arg0: i32) -> (i32, i32) {
    %c0_i32 = arith.constant 0 : i32
    %c0_i32_0 = arith.constant 0 : i32
    %c0_i32_1 = arith.constant 0 : i32
    return %c0_i32, %c0_i32_0 : i32, i32
  }
  func.func @transform_5(%arg0: i32) -> (i32, i32) {
    %c0_i32 = arith.constant 0 : i32
    %c0_i32_0 = arith.constant 0 : i32
    %c0_i32_1 = arith.constant 0 : i32
    return %c0_i32, %c0_i32_0 : i32, i32
  }
  func.func @transform_6(%arg0: i32) -> (i32, i32) {
    %c0_i32 = arith.constant 0 : i32
    %c0_i32_0 = arith.constant 0 : i32
    return %arg0, %c0_i32 : i32, i32
  }
}

module attributes {stable_mosaic.version = 14 : i64} {
  func.func @_final_body(%arg0: i32, %arg1: memref<1000x128xf32, #tpu.memory_space<vmem>>, %arg2: memref<1000x128xf32, #tpu.memory_space<vmem>>, %arg3: memref<1000x128xf32, #tpu.memory_space<vmem>>, %arg4: memref<1000x1xf32, #tpu.memory_space<vmem>>, %arg5: memref<1x128xf32, #tpu.memory_space<vmem>>, %arg6: memref<1000x128xf32, #tpu.memory_space<vmem>>) attributes {dimension_semantics = [#tpu.dimension_semantics<arbitrary>], iteration_bounds = array<i64: 10>, scalar_prefetch = 0 : i64, scratch_operands = 0 : i64, tpu.core_type = #tpu.core_type<tc>, window_params = [{transform_indices = @transform_0, window_bounds = array<i64: 1000, 128>}, {transform_indices = @transform_1, window_bounds = array<i64: 1000, 128>}, {transform_indices = @transform_2, window_bounds = array<i64: 1000, 128>}, {transform_indices = @transform_3, window_bounds = array<i64: 1000, 1>}, {pipeline_mode = #tpu.pipeline_mode<synchronous>, transform_indices = @transform_4, window_bounds = array<i64: 1, 128>}, {transform_indices = @transform_5, window_bounds = array<i64: 1000, 128>}]} {
    %get3A = arith.constant 0 : index
    %get3A_0 = arith.constant 0 : index
    %get3A_1 = vector.load %arg1[%get3A, %get3A_0] : memref<1000x128xf32, #tpu.memory_space<vmem>>, vector<1000x128xf32>
    %get3A_2 = arith.constant 0 : index
    %get3A_3 = arith.constant 0 : index
    %get3A_4 = vector.load %arg2[%get3A_2, %get3A_3] : memref<1000x128xf32, #tpu.memory_space<vmem>>, vector<1000x128xf32>
    %add3A = arith.addf %get3A_1, %get3A_4 : vector<1000x128xf32>
    %get3A_5 = arith.constant 0 : index
    %get3A_6 = arith.constant 0 : index
    %get3A_7 = vector.load %arg3[%get3A_5, %get3A_6] : memref<1000x128xf32, #tpu.memory_space<vmem>>, vector<1000x128xf32>
    %add3A_8 = arith.addf %add3A, %get3A_7 : vector<1000x128xf32>
    %get3A_9 = arith.constant 0 : index
    %get3A_10 = arith.constant 0 : index
    %get3A_11 = vector.load %arg4[%get3A_9, %get3A_10] : memref<1000x1xf32, #tpu.memory_space<vmem>>, vector<1000x1xf32>
    %mul3A = vector.broadcast %get3A_11 : vector<1000x1xf32> to vector<1000x128xf32>
    %mul3A_12 = arith.mulf %add3A_8, %mul3A : vector<1000x128xf32>
    %get3A_13 = arith.constant 0 : index
    %get3A_14 = arith.constant 0 : index
    %get3A_15 = vector.load %arg5[%get3A_13, %get3A_14] : memref<1x128xf32, #tpu.memory_space<vmem>>, vector<1x128xf32>
    %add3A_16 = vector.broadcast %get3A_15 : vector<1x128xf32> to vector<1000x128xf32>
    %add3A_17 = arith.addf %mul3A_12, %add3A_16 : vector<1000x128xf32>
    %reduce_max3A = arith.constant dense<0xFF800000> : vector<1000xf32>
    %reduce_max3A_18 = vector.multi_reduction <maximumf>, %add3A_17, %reduce_max3A [1] : vector<1000x128xf32> to vector<1000xf32>
    %broadcast_in_dim3A = vector.shape_cast %reduce_max3A_18 : vector<1000xf32> to vector<1000x1xf32>
    %sub3A = vector.broadcast %broadcast_in_dim3A : vector<1000x1xf32> to vector<1000x128xf32>
    %sub3A_19 = arith.subf %add3A_17, %sub3A : vector<1000x128xf32>
    %exp3A = math.exp %sub3A_19 : vector<1000x128xf32>
    %reduce_sum3A = arith.constant dense<0.000000e+00> : vector<1000xf32>
    %reduce_sum3A_20 = vector.multi_reduction <add>, %exp3A, %reduce_sum3A [1] : vector<1000x128xf32> to vector<1000xf32>
    %broadcast_in_dim3A_21 = vector.shape_cast %reduce_sum3A_20 : vector<1000xf32> to vector<1000x1xf32>
    %log3A = math.log %broadcast_in_dim3A_21 : vector<1000x1xf32>
    %add3A_22 = arith.addf %broadcast_in_dim3A, %log3A : vector<1000x1xf32>
    %sub3A_23 = vector.broadcast %add3A_22 : vector<1000x1xf32> to vector<1000x128xf32>
    %sub3A_24 = arith.subf %add3A_17, %sub3A_23 : vector<1000x128xf32>
    %swap3A = arith.constant 0 : index
    %swap3A_25 = arith.constant 0 : index
    %swap3A_26 = vector.load %arg6[%swap3A, %swap3A_25] : memref<1000x128xf32, #tpu.memory_space<vmem>>, vector<1000x128xf32>
    tpu.vector_store %arg6[%swap3A, %swap3A_25], %sub3A_24 {strides = array<i32>} : memref<1000x128xf32, #tpu.memory_space<vmem>>, vector<1000x128xf32>,
    return
  }
  func.func @transform_0(%arg0: i32) -> (i32, i32) {
    %c0_i32 = arith.constant 0 : i32
    %c0_i32_0 = arith.constant 0 : i32
    return %arg0, %c0_i32 : i32, i32
  }
  func.func @transform_1(%arg0: i32) -> (i32, i32) {
    %c0_i32 = arith.constant 0 : i32
    %c0_i32_0 = arith.constant 0 : i32
    return %arg0, %c0_i32 : i32, i32
  }
  func.func @transform_2(%arg0: i32) -> (i32, i32) {
    %c0_i32 = arith.constant 0 : i32
    %c0_i32_0 = arith.constant 0 : i32
    return %arg0, %c0_i32 : i32, i32
  }
  func.func @transform_3(%arg0: i32) -> (i32, i32) {
    %c0_i32 = arith.constant 0 : i32
    %c0_i32_0 = arith.constant 0 : i32
    return %arg0, %c0_i32 : i32, i32
  }
  func.func @transform_4(%arg0: i32) -> (i32, i32) {
    %c0_i32 = arith.constant 0 : i32
    %c0_i32_0 = arith.constant 0 : i32
    %c0_i32_1 = arith.constant 0 : i32
    return %c0_i32, %c0_i32_0 : i32, i32
  }
  func.func @transform_5(%arg0: i32) -> (i32, i32) {
    %c0_i32 = arith.constant 0 : i32
    %c0_i32_0 = arith.constant 0 : i32
    return %arg0, %c0_i32 : i32, i32
  }
}

</mosaic_0001>

<sc_bundles>
// kernel: kernel.11.cloned.1.call-start
scs
__scs_entry_jumppad:
0x0: {  	(pc) =	sbr.rel $0x88, $3  }
0x1: {  	(tag) =	ssettag $0x0;
	lr =	simm.s32 $0x1  }
0x2: {  	[smem:$0x3F9B] =	sst lr;
	_ =	strace $0xD0000000  }
0x3: {  	_ = 	snop  }
0x4: {  	_ = 	snop  }
0x5: {  	_ = 	snop  }
0x6: {  	_ = 	snop  }
0x7: {  	_ = 	snop  }
__scs_overlays_trampoline_lowered:
0x8: {  	[smem:$0x3FAA] =	sst s0  }
0x9: {  	[smem:$0x3FAB] =	sst s1  }
0xa: {  	[smem:$0x3FAC] =	sst s2  }
0xb: {  	[smem:$0x3FAD] =	sst s3  }
0xc: {  	[smem:$0x3FAE] =	sst s4  }
0xd: {  	[smem:$0x3FAF] =	sst s5  }
0xe: {  	[smem:$0x3FB0] =	sst s6  }
0xf: {  	[smem:$0x3FB1] =	sst s7  }
0x10: {  	[smem:$0x3FB2] =	sst s8  }
0x11: {  	[smem:$0x3FB3] =	sst s9;
	s0 =	simm.s32 @!p0 $0x0  }
0x12: {  	s1 =	sld [smem:$0x3F99];
	s0 =	simm.s32 @p0 $0x1  }
0x13: {  	[smem:$0x3FB4] =	sst s0;
	s0 =	simm.s32 @!p1 $0x0  }
0x14: {  	s2 =	sld [smem:$0x3F98];
	s0 =	simm.s32 @p1 $0x1  }
0x15: {  	[smem:$0x3FB5] =	sst s0;
	s0 =	simm.s32 @!p2 $0x0  }
0x16: {  	s3 =	sld [smem:$0x3FDB];
	s0 =	simm.s32 @p2 $0x1  }
0x17: {  	s4 =	simm.s32 $0x1BF5;
	[smem:$0x3FB7] =	sst s0  }
0x18: {  	s0 =	sld [smem:$0x3F9A];
	_ =	swait.ge [sflag:s4], $0x0  }
0x19: {  	s7 =	sld [smem:$0x3F9B]  }
0x1a: {  	s8 =	sadd.s32 $0xFFFFE003, lr  }
0x1b: {  	s9 =	sadd.s32 $0xFFFFFEF7, lr;
	s5 =	simm.s32 $0xFFFFFFFF;
	p2 =	slt.u32 s8, $0xFFFFF086  }
0x1c: {  	p1 =	slt.u32 s9, $0xF7A;
	s5 =	simm.s32 @!p2 $0x0  }
0x1d: {  	s5 =	simm.s32 @p1 $0x1;
	p0 =	seq.s32 s7, s2  }
0x1e: {  	s7 =	smul.u32 @!p0 $0xF7A, s2;
	p2 =	seq.s32 @!p0 s5, $0x0  }
0x1f: {  	s9 =	smul.u32 $0xF7A, s1;
	s8 =	simm.s32 @!p0 $0x1BF5;
	p2 =	por !p2, p0  }
0x20: {  	[sflag:s8] =	ssyncset.s32 @!p0 $0xFFFFF086;
	s6 =	sadd.s32 @!p0 s3, s7;
	s7 =	simm.s32 @!p0 $0x108  }
0x21: {  	s3 =	sadd.s32 s3, s9;
	s6 =	sadd.s32 @!p0 $0x88, s6;
	s7 =	simm.s32 @p2 $0x1082  }
0x22: {  	[simem:s7], [sflag:s8] =	dma.local @!p0 [hbm:s6], $0xF7A  }
0x23: {  	s9 =	sor.u32 $0xD0000000, s2;
	s6 =	simm.s32 $0x108;
	_ =	swait.ge @!p0 [sflag:s8], $0x0  }
0x24: {  	s3 =	sadd.s32 $0x88, s3;
	s6 =	simm.s32 @!p1 $0x1082;
	[sflag:s4] =	ssyncset.s32 $0xFFFFF086  }
0x25: {  	[simem:s6], [sflag:s4] =	dma.local [hbm:s3], $0xF7A  }
0x26: {  	[smem:$0x3F9B] =	sst s1;
	(tag) =	ssettag s2;
	_ =	strace s9  }
0x27: {  	s1 =	sld [smem:$0x3FAB]  }
0x28: {  	s2 =	sld [smem:$0x3FAC]  }
0x29: {  	s4 =	sld [smem:$0x3FAE]  }
0x2a: {  	p0 =	seq.s32 s5, $0x0;
	s5 =	sld [smem:$0x3FAF]  }
0x2b: {  	s6 =	sld [smem:$0x3FB0]  }
0x2c: {  	s7 =	sld [smem:$0x3FB1]  }
0x2d: {  	s3 =	simm.s32 $0x108;
	s8 =	sld [smem:$0x3FB2]  }
0x2e: {  	s3 =	simm.s32 @!p0 $0x1082;
	s9 =	sld [smem:$0x3FB3]  }
0x2f: {  	lr =	sadd.s32 s0, s3;
	s0 =	sld [smem:$0x3FAA]  }
0x30: {  	s3 =	sld [smem:$0x3FAD]  }
0x31: {  	[smem:$0x3FB6] =	sst s10  }
0x32: {  	s10 =	sld [smem:$0x3FB4];
	_ =	sdelay $0x3  }
0x33: {  	p0 =	seq.s32 s10, $0x1;
	s10 =	sld [smem:$0x3FB6];
	_ =	sdelay $0x3  }
0x34: {  	[smem:$0x3FB6] =	sst s10  }
0x35: {  	s10 =	sld [smem:$0x3FB5];
	_ =	sdelay $0x3  }
0x36: {  	p1 =	seq.s32 s10, $0x1;
	s10 =	sld [smem:$0x3FB6];
	_ =	sdelay $0x3  }
0x37: {  	[smem:$0x3FB6] =	sst s10  }
0x38: {  	s10 =	sld [smem:$0x3FB7]  }
0x39: {  	_ = 	snop;
	(pc) =	sbr.ind lr, $3  }
0x3a: {  	_ = 	snop  }
0x3b: {  	_ = 	snop  }
0x3c: {  	p2 =	seq.s32 s10, $0x1;
	s10 =	sld [smem:$0x3FB6]  }
0x3d: {  	_ =	shalt  }
0x3e: {  	_ =	shalt  }
0x3f: {  	_ =	shalt  }
0x40: {  	_ =	shalt  }
0x41: {  	_ =	shalt  }
0x42: {  	_ =	shalt  }
0x43: {  	_ =	shalt  }
0x44: {  	_ =	shalt  }
0x45: {  	_ =	shalt  }
0x46: {  	_ =	shalt  }
0x47: {  	_ =	shalt  }
0x48: {  	_ =	shalt  }
0x49: {  	_ =	shalt  }
0x4a: {  	_ =	shalt  }
0x4b: {  	_ =	shalt  }
0x4c: {  	_ =	shalt  }
0x4d: {  	_ =	shalt  }
0x4e: {  	_ =	shalt  }
0x4f: {  	_ =	shalt  }
0x50: {  	_ =	shalt  }
0x51: {  	_ =	shalt  }
0x52: {  	_ =	shalt  }
0x53: {  	_ =	shalt  }
0x54: {  	_ =	shalt  }
0x55: {  	_ =	shalt  }
0x56: {  	_ =	shalt  }
0x57: {  	_ =	shalt  }
0x58: {  	_ =	shalt  }
0x59: {  	_ =	shalt  }
0x5a: {  	_ =	shalt  }
0x5b: {  	_ =	shalt  }
0x5c: {  	_ =	shalt  }
0x5d: {  	_ =	shalt  }
0x5e: {  	_ =	shalt  }
0x5f: {  	_ =	shalt  }
0x60: {  	_ =	shalt  }
0x61: {  	_ =	shalt  }
0x62: {  	_ =	shalt  }
0x63: {  	_ =	shalt  }
0x64: {  	_ =	shalt  }
0x65: {  	_ =	shalt  }
0x66: {  	_ =	shalt  }
0x67: {  	_ =	shalt  }
0x68: {  	_ =	shalt  }
0x69: {  	_ =	shalt  }
0x6a: {  	_ =	shalt  }
0x6b: {  	_ =	shalt  }
0x6c: {  	_ =	shalt  }
0x6d: {  	_ =	shalt  }
0x6e: {  	_ =	shalt  }
0x6f: {  	_ =	shalt  }
0x70: {  	_ =	shalt  }
0x71: {  	_ =	shalt  }
0x72: {  	_ =	shalt  }
0x73: {  	_ =	shalt  }
0x74: {  	_ =	shalt  }
0x75: {  	_ =	shalt  }
0x76: {  	_ =	shalt  }
0x77: {  	_ =	shalt  }
0x78: {  	_ =	shalt  }
0x79: {  	_ =	shalt  }
0x7a: {  	_ =	shalt  }
0x7b: {  	_ =	shalt  }
0x7c: {  	_ =	shalt  }
0x7d: {  	_ =	shalt  }
0x7e: {  	_ =	shalt  }
0x7f: {  	_ =	shalt  }
0x80: {  	_ =	shalt  }
0x81: {  	_ =	shalt  }
0x82: {  	_ =	shalt  }
0x83: {  	_ =	shalt  }
0x84: {  	_ =	shalt  }
0x85: {  	_ =	shalt  }
0x86: {  	_ =	shalt  }
0x87: {  	_ =	shalt  }
.Lfunc_end0:
.L_simem_size_0:
called_computation.1_lowered:
.L_overlay_start_0:
0x88: {  	s2 =	sld [smem:$0x3FD9]  }
0x89: {  	s3 =	sld [smem:$0x3FFE];
	_ =	sdelay $0x1  }
0x8a: {  	s1 =	srdreg.scid  }
0x8b: {  	s0 =	sand.u32 $0x1, s1  }
0x8c: {  	s17 =	sshll.u32 s0, $0xA;
	s2 =	sadd.s32 s3, s2  }
0x8d: {  	s2 =	sadd.s32 s2, s17  }
0x8e: {  	[smem:$0x3FC2] =	sst s2  }
0x8f: {  	_ = 	snop  }
0x90: {  	s2 =	sld [smem:$0x3FD0];
	(tm) =	ssettm $0x1  }
0x91: {  	s18 =	sld [smem:$0x3FFB];
	_ =	sdelay $0x3  }
0x92: {  	_ =	strace s18  }
0x93: {  	s3 =	sld [smem:$0x3FFC];
	_ =	sdelay $0x3  }
0x94: {  	_ =	strace s3  }
0x95: {  	s3 =	sld [smem:$0x3FFD];
	_ =	sdelay $0x3  }
0x96: {  	_ =	strace s3  }
0x97: {  	_ =	strace $0x8FFFFFFF  }
0x98: {  	s19 =	sld [smem:$0x3FDB];
	_ =	sdelay $0x1  }
0x99: {  	s4 =	simm.s32 $_scs_section_size  }
0x9a: {  	s5 =	simm.s32 $_size__tile_overlayer_lowered;
	s6 =	simm.s32 $_tile_overlayer_lowered  }
0x9b: {  	s22 =	simm.s32 $0x1BFF;
	s21 =	sshll.u32 s6, $0x1;
	s3 =	sadd.s32 s4, s19  }
0x9c: {  	s7 =	simm.s32 $0x0;
	s20 =	sshll.u32 s5, $0x1;
	s5 =	sadd.s32 s21, s3  }
0x9d: {  	[timem:s7], [sflag:s22] =	dma.local [hbm:s5], s20  }
0x9e: {  	_ =	swait.ge [sflag:s22], s20  }
0x9f: {  	s4 =	ssub.s32 $0x0, s20;
	[sflag:s22] =	ssyncset.done $0x0  }
0xa0: {  	[sflag:s22] =	ssyncadd.s32 s4;
	_ =	sdelay $0x1  }
0xa1: {  	s23 =	simm.s32 $0x1B8B  }
0xa2: {  	_ =	swait.ge [sflag:s23], $0x1  }
0xa3: {  	[sflag:s23] =	ssyncset.done $0x0  }
0xa4: {  	s25 =	simm.s32 $0x1B8E;
	s24 =	sld [smem:$0x3FFE];
	[sflag:s23] =	ssyncadd.s32 $0xFFFFFFFF  }
0xa5: {  	s26 =	simm.s32 $execute0_lowered;
	[smem:$0x3FD2] =	sst s25  }
0xa6: {  	s5 =	sshll.u32 s26, $0x1;
	_ =	strace $0x80000049;
	[dreg:$0x1] =	wrdreg $0xFFFFFFFF  }
0xa7: {  	s28 =	simm.s32 $_size_execute0_lowered;
	s3 =	sadd.s32 s3, s5;
	[dreg:$0x0] =	wrdreg $0x0  }
0xa8: {  	s5 =	sshll.u32 s28, $0x1;
	[dreg:$0x2] =	wrdreg s3  }
0xa9: {  	[dreg:$0x3] =	wrdreg s5  }
0xaa: {  	[dreg:$0x4] =	wrdreg $0xC0  }
0xab: {  	_ =	task [dreg:s7], $0x5FFFF  }
0xac: {  	[dreg:$0x1] =	wrdreg $0xFFFFFFFF  }
0xad: {  	[dreg:$0x0] =	wrdreg $0x60  }
0xae: {  	[dreg:$0x2] =	wrdreg s2  }
0xaf: {  	[dreg:$0x3] =	wrdreg s24  }
0xb0: {  	[dreg:$0x4] =	wrdreg $0xA8000  }
0xb1: {  	[dreg:$0x5] =	wrdreg $0x9  }
0xb2: {  	_ =	task.clear_ibuf [dreg:s7], $0x6FFFF;
	_ =	strace $0x90000049  }
0xb3: {  	s29 =	simm.s32 $0x9;
	_ =	strace $0x8000004B  }
0xb4: {  	_ =	swait.ge [sflag:s29], $0x1  }
0xb5: {  	[sflag:s29] =	ssyncadd.s32 $0xFFFFFFFF  }
0xb6: {  	_ =	strace $0x9000004B  }
0xb7: {  	_ =	sfence  }
0xb8: {  	s30 =	sld [smem:$0x0];
	_ =	sdelay $0x2  }
0xb9: {  	s31 =	sshll.u32 s1, $0xD;
	s1 =	sshrl.u32 s1, $0x2  }
0xba: {  	s3 =	sand.u32 $0x4000, s31;
	s1 =	sadd.s32 s1, s30  }
0xbb: {  	s0 =	sor.u32 s3, s0;
	s1 =	sshll.u32 s1, $0x11  }
0xbc: {  	s0 =	sor.u32 s1, s0  }
0xbd: {  	s0 =	sadd.s32 $0x8F2B, s0  }
0xbe: {  	[sflag:s0] =	ssyncadd.remote.s32 $0x1  }
0xbf: {  	_ =	sfence.sel $0xFFFF  }
0xc0: {  	[dreg:$0x0] =	wrdreg $0xFFFFFFFF;
	(pc) =	sbr.abs _section_cstart, $3  }
0xc1: {  	[dreg:$0x1] =	wrdreg $0xFFFFFFFF  }
0xc2: {  	_ =	task.clear_ibuf [dreg:s7], $0x2FFFF;
	_ =	strace $0x9FFFFFFF  }
0xc3: {  	(tm) =	ssettm $0x7FFFFFFF  }
tec
execute0_lowered:
.L_overlay_start_1:
0x0: {  	(tag) =	ssettag $0x1  }
0x1: {  	s1 =	rddreg [dreg:$0x0]  }
0x2: {  	s0 =	srdreg.scid;
	s5 =	rddreg [dreg:$0x1]  }
0x3: {  	s8 =	stileid.u32;
	s3 =	rddreg [dreg:$0x2]  }
0x4: {  	s9 =	simm.s32 $0x0;
	s16 =	simm.s32 $0x2800;
	s17 =	simm.s32 $0x5  }
0x5: {  	s29 =	simm.s32 $0x0;
	s10 =	simm.s32 $0x1700;
	s11 =	simm.s32 $0x1680  }
0x6: {  	s12 =	simm.s32 $0x1800;
	s13 =	simm.s32 $0x1780;
	s14 =	simm.s32 $0x1900  }
0x7: {  	s15 =	simm.s32 $0x1880;
	s19 =	simm.s32 $0x1A00;
	s7 =	smul.u32 $0x14000, s8  }
0x8: {  	s28 =	simm.s32 $0x1A80;
	s0 =	sand.u32 $0x1, s0;
	s20 =	smul.u32 $0x50000, s8  }
0x9: {  	[smem:$0x7FF] =	sst s9;
	s2 =	sshll.u32 s0, $0x4;
	s6 =	smul.u32 $0x140000, s0  }
0xa: {  	_ =	strace $0x8000004A;
	s0 =	ssub.s32 $0x2, s0;
	s2 =	sor.u32 s8, s2  }
0xb: {  	s21 =	sshrl.u32 s0, $0x1;
	s6 =	sadd.s32 s7, s6;
	s7 =	sshrl.u32 s20, $0x2  }
0xc: {  	s8 =	simm.s32 $0x1580;
	s0 =	ssub.s32 s0, s21;
	s4 =	sadd.s32 s7, s3  }
0xd: {  	s2 =	smul.u32 $0x5000, s2;
	s0 =	smax.u32 s0, $0x1;
	[dreg:$0xe] =	wrdreg s4  }
0xe: {  	s20 =	simm.s32 $0x80;
	s7 =	sadd.s32 $0x4000, s4;
	[dreg:$0xd] =	wrdreg s0  }
0xf: {  	s21 =	simm.s32 $0x1;
	s23 =	sadd.s32 $0x8000, s4;
	[dreg:$0x5] =	wrdreg s7  }
0x10: {  	s6 =	sshrl.u32 s6, $0x3;
	s24 =	sadd.s32 $0xC000, s4;
	[dreg:$0x6] =	wrdreg s23  }
0x11: {  	s2 =	sshrl.u32 s2, $0x3;
	s25 =	sadd.s32 $0x10000, s4;
	[dreg:$0x7] =	wrdreg s24  }
0x12: {  	s2 =	sadd.s32 s2, s5;
	s5 =	sadd.s32 s6, s5;
	[dreg:$0x8] =	wrdreg s25  }
0x13: {  	s23 =	simm.s32 $0x6800;
	s24 =	simm.s32 $0x2;
	s22 =	sadd.s32 $0x3800, s2  }
0x14: {  	s6 =	simm.s32 $0x1400;
	s26 =	sadd.s32 $0x3A80, s2;
	[dreg:$0x4] =	wrdreg s22  }
0x15: {  	s7 =	simm.s32 $0x1600;
	s30 =	sadd.s32 $0x3D00, s2;
	[dreg:$0x9] =	wrdreg s26  }
0x16: {  	s25 =	simm.s32 $0x1B00;
	s2 =	sadd.s32 $0x3F80, s2;
	[dreg:$0xa] =	wrdreg s30  }
0x17: {  	s31 =	sadd.s32 $0x17800, s5;
	s5 =	simm.s32 $0x1480;
	[dreg:$0xb] =	wrdreg s2  }
0x18: {  	v0 =	vimm.f32 $0.0e+00;
	[dreg:$0xc] =	wrdreg s31;
	s26 =	simm.s32 $0x3;
	s22 =	simm.s32 $0x1980  }
.LBB2_1:
0x19: {  	s30 =	rddreg [dreg:$0x4]  }
0x1a: {  	[tilespmem:s9], [sflag:$0x3] =	stream.linear.gather [hbm4b:s30+s9], $0x1400, $0x38;
	[tilespmem:$0x1E800] =	vst v63  }
0x1b: {  	s31 =	simm.s32 $0x200;
	s30 =	simm.s32 $0x0  }
.LBB2_2:
0x1c: {  	p0 =	sne.s32 s31, $0xFE00;
	[tilespmem:s30+$0x2870] =	vst v0  }
0x1d: {  	[tilespmem:s30+$0x2800] =	vst v0  }
0x1e: {  	[tilespmem:s30+$0x2810] =	vst v0  }
.Ltmp0:
0x1f: {  	[tilespmem:s30+$0x2820] =	vst v0;
	(pc) =	sbr.rel @p0 .LBB2_2-.Ltmp0, $4  }
0x20: {  	[tilespmem:s30+$0x2830] =	vst v0  }
0x21: {  	[tilespmem:s30+$0x2840] =	vst v0  }
0x22: {  	[tilespmem:s30+$0x2850] =	vst v0  }
0x23: {  	[tilespmem:s30+$0x2860] =	vst v0;
	s30 =	sshra.s32 s31, $0x2;
	s31 =	sadd.s32 $0x200, s31  }
0x24: {  	[tilespmem:s30+$0x2870] =	vst v0  }
0x25: {  	[tilespmem:s30+$0x2800] =	vst v0  }
0x26: {  	[tilespmem:s30+$0x2810] =	vst v0  }
0x27: {  	[tilespmem:s30+$0x2820] =	vst v0  }
0x28: {  	[tilespmem:s30+$0x2830] =	vst v0  }
0x29: {  	[tilespmem:s30+$0x2840] =	vst v0  }
0x2a: {  	[tilespmem:s30+$0x2850] =	vst v0  }
0x2b: {  	[tilespmem:s30+$0x2860] =	vst v0;
	s4 =	rddreg [dreg:$0xe]  }
0x2c: {  	[spmem:s4] =	stream.linear.scatter [tilespmem:s16], [sflag:$0x5], $0x4000, $0x38;
	[tilespmem:$0x1E800] =	vst v63  }
0x2d: {  	_ =	swait.ge [sflag:s17], $0x4000  }
0x2e: {  	[sflag:s17] =	ssyncset.done $0x0  }
0x2f: {  	s18 =	rddreg [dreg:$0x5];
	[sflag:s17] =	ssyncadd.s32 $0xFFFFC000  }
0x30: {  	[spmem:s18] =	stream.linear.scatter [tilespmem:s16], [sflag:$0x5], $0x4000, $0x38;
	[tilespmem:$0x1E800] =	vst v63  }
0x31: {  	_ =	swait.ge [sflag:s17], $0x4000  }
0x32: {  	[sflag:s17] =	ssyncset.done $0x0  }
0x33: {  	s31 =	rddreg [dreg:$0x6];
	[sflag:s17] =	ssyncadd.s32 $0xFFFFC000  }
0x34: {  	[spmem:s31] =	stream.linear.scatter [tilespmem:s16], [sflag:$0x5], $0x4000, $0x38;
	[tilespmem:$0x1E800] =	vst v63  }
0x35: {  	_ =	swait.ge [sflag:s17], $0x4000  }
0x36: {  	[sflag:s17] =	ssyncset.done $0x0  }
0x37: {  	s0 =	rddreg [dreg:$0x7];
	[sflag:s17] =	ssyncadd.s32 $0xFFFFC000  }
0x38: {  	[spmem:s0] =	stream.linear.scatter [tilespmem:s16], [sflag:$0x5], $0x4000, $0x38;
	[tilespmem:$0x1E800] =	vst v63  }
0x39: {  	_ =	swait.ge [sflag:s17], $0x4000  }
0x3a: {  	[sflag:s17] =	ssyncset.done $0x0  }
0x3b: {  	s2 =	rddreg [dreg:$0x8];
	[sflag:s17] =	ssyncadd.s32 $0xFFFFC000  }
0x3c: {  	[spmem:s2] =	stream.linear.scatter [tilespmem:s16], [sflag:$0x5], $0x4000, $0x38;
	[tilespmem:$0x1E800] =	vst v63  }
0x3d: {  	_ =	swait.ge [sflag:s17], $0x4000  }
0x3e: {  	[sflag:s17] =	ssyncset.done $0x0  }
0x3f: {  	[sflag:s17] =	ssyncadd.s32 $0xFFFFC000  }
0x40: {  	[bflag:$0x0] =	sbarrier.arrive $0xFFFF  }
0x41: {  	_ =	swait.ge [sflag:s26], $0x1400  }
0x42: {  	[sflag:s26] =	ssyncset.done $0x0  }
0x43: {  	s18 =	rddreg [dreg:$0x9];
	[sflag:s26] =	ssyncadd.s32 $0xFFFFEC00  }
0x44: {  	[tilespmem:s6], [sflag:$0x4] =	stream.linear.gather [hbm4b:s18+s9], $0x1400, $0x38;
	[tilespmem:$0x1E800] =	vst v63  }
0x45: {  	_ = 	snop  }
0x46: {  	[tilespmem:s16], [sflag:$0x1] =	stream.indirect.gather [hbm4b:s1+s20], $0x80, s9, s20, $0xb8;
	[tilespmem:$0x1E800] =	vst v63  }
0x47: {  	_ =	swait.ge [sflag:s21], $0x4000  }
0x48: {  	[sflag:s21] =	ssyncset.done $0x0  }
0x49: {  	s0 =	simm.s32 $0x100;
	[sflag:s21] =	ssyncadd.s32 $0xFFFFC000  }
0x4a: {  	[tilespmem:s23], [sflag:$0x2] =	stream.indirect.gather [hbm4b:s1+s20], $0x80, s0, s20, $0xb8;
	[tilespmem:$0x1E800] =	vst v63  }
0x4b: {  	_ = 	snop  }
0x4c: {  	[spmem:s3] =	stream.indirect.scatter.add.f32 [tilespmem:s16], [sflag:$0x5], $0x80, s20, s20, $0xb8;
	[tilespmem:$0x1E800] =	vst v63  }
0x4d: {  	_ =	swait.ge [sflag:s17], $0x4000  }
0x4e: {  	[sflag:s17] =	ssyncset.done $0x0  }
0x4f: {  	[sflag:s17] =	ssyncadd.s32 $0xFFFFC000  }
0x50: {  	_ =	swait.ge [sflag:s24], $0x4000  }
0x51: {  	[sflag:s24] =	ssyncset.done $0x0  }
0x52: {  	s31 =	simm.s32 $0x200;
	[sflag:s24] =	ssyncadd.s32 $0xFFFFC000  }
0x53: {  	[tilespmem:s16], [sflag:$0x1] =	stream.indirect.gather [hbm4b:s1+s20], $0x80, s31, s20, $0xb8;
	[tilespmem:$0x1E800] =	vst v63  }
0x54: {  	s2 =	simm.s32 $0x180  }
0x55: {  	[spmem:s3] =	stream.indirect.scatter.add.f32 [tilespmem:s23], [sflag:$0x5], $0x80, s2, s20, $0xb8;
	[tilespmem:$0x1E800] =	vst v63  }
0x56: {  	_ =	swait.ge [sflag:s17], $0x4000  }
0x57: {  	[sflag:s17] =	ssyncset.done $0x0  }
0x58: {  	[sflag:s17] =	ssyncadd.s32 $0xFFFFC000  }
0x59: {  	_ =	swait.ge [sflag:s21], $0x4000  }
0x5a: {  	[sflag:s21] =	ssyncset.done $0x0  }
0x5b: {  	s9 =	simm.s32 $0x300;
	[sflag:s21] =	ssyncadd.s32 $0xFFFFC000  }
0x5c: {  	[tilespmem:s23], [sflag:$0x2] =	stream.indirect.gather [hbm4b:s1+s20], $0x80, s9, s20, $0xb8;
	[tilespmem:$0x1E800] =	vst v63  }
0x5d: {  	s18 =	simm.s32 $0x280  }
0x5e: {  	[spmem:s3] =	stream.indirect.scatter.add.f32 [tilespmem:s16], [sflag:$0x5], $0x80, s18, s20, $0xb8;
	[tilespmem:$0x1E800] =	vst v63  }
0x5f: {  	_ =	swait.ge [sflag:s17], $0x4000  }
0x60: {  	[sflag:s17] =	ssyncset.done $0x0  }
0x61: {  	[sflag:s17] =	ssyncadd.s32 $0xFFFFC000  }
0x62: {  	_ =	swait.ge [sflag:s24], $0x4000  }
0x63: {  	[sflag:s24] =	ssyncset.done $0x0  }
0x64: {  	s30 =	simm.s32 $0x400;
	[sflag:s24] =	ssyncadd.s32 $0xFFFFC000  }
0x65: {  	[tilespmem:s16], [sflag:$0x1] =	stream.indirect.gather [hbm4b:s1+s20], $0x80, s30, s20, $0xb8;
	[tilespmem:$0x1E800] =	vst v63  }
0x66: {  	s9 =	simm.s32 $0x380  }
0x67: {  	[spmem:s3] =	stream.indirect.scatter.add.f32 [tilespmem:s23], [sflag:$0x5], $0x80, s9, s20, $0xb8;
	[tilespmem:$0x1E800] =	vst v63  }
0x68: {  	_ =	swait.ge [sflag:s17], $0x4000  }
0x69: {  	[sflag:s17] =	ssyncset.done $0x0  }
0x6a: {  	[sflag:s17] =	ssyncadd.s32 $0xFFFFC000  }
0x6b: {  	_ =	swait.ge [sflag:s21], $0x4000  }
0x6c: {  	[sflag:s21] =	ssyncset.done $0x0  }
0x6d: {  	s31 =	simm.s32 $0x500;
	[sflag:s21] =	ssyncadd.s32 $0xFFFFC000  }
0x6e: {  	[tilespmem:s23], [sflag:$0x2] =	stream.indirect.gather [hbm4b:s1+s20], $0x80, s31, s20, $0xb8;
	[tilespmem:$0x1E800] =	vst v63  }
0x6f: {  	s2 =	simm.s32 $0x480  }
0x70: {  	[spmem:s3] =	stream.indirect.scatter.add.f32 [tilespmem:s16], [sflag:$0x5], $0x80, s2, s20, $0xb8;
	[tilespmem:$0x1E800] =	vst v63  }
0x71: {  	_ =	swait.ge [sflag:s17], $0x4000  }
0x72: {  	[sflag:s17] =	ssyncset.done $0x0  }
0x73: {  	[sflag:s17] =	ssyncadd.s32 $0xFFFFC000  }
0x74: {  	_ =	swait.ge [sflag:s24], $0x4000  }
0x75: {  	[sflag:s24] =	ssyncset.done $0x0  }
0x76: {  	s30 =	simm.s32 $0x600;
	[sflag:s24] =	ssyncadd.s32 $0xFFFFC000  }
0x77: {  	[tilespmem:s16], [sflag:$0x1] =	stream.indirect.gather [hbm4b:s1+s20], $0x80, s30, s20, $0xb8;
	[tilespmem:$0x1E800] =	vst v63  }
0x78: {  	s31 =	simm.s32 $0x580  }
0x79: {  	[spmem:s3] =	stream.indirect.scatter.add.f32 [tilespmem:s23], [sflag:$0x5], $0x80, s31, s20, $0xb8;
	[tilespmem:$0x1E800] =	vst v63  }
0x7a: {  	_ =	swait.ge [sflag:s17], $0x4000  }
0x7b: {  	[sflag:s17] =	ssyncset.done $0x0  }
0x7c: {  	[sflag:s17] =	ssyncadd.s32 $0xFFFFC000  }
0x7d: {  	_ =	swait.ge [sflag:s21], $0x4000  }
0x7e: {  	[sflag:s21] =	ssyncset.done $0x0  }
0x7f: {  	s2 =	simm.s32 $0x700;
	[sflag:s21] =	ssyncadd.s32 $0xFFFFC000  }
0x80: {  	[tilespmem:s23], [sflag:$0x2] =	stream.indirect.gather [hbm4b:s1+s20], $0x80, s2, s20, $0xb8;
	[tilespmem:$0x1E800] =	vst v63  }
0x81: {  	s30 =	simm.s32 $0x680  }
0x82: {  	[spmem:s3] =	stream.indirect.scatter.add.f32 [tilespmem:s16], [sflag:$0x5], $0x80, s30, s20, $0xb8;
	[tilespmem:$0x1E800] =	vst v63  }
0x83: {  	_ =	swait.ge [sflag:s17], $0x4000  }
0x84: {  	[sflag:s17] =	ssyncset.done $0x0  }
0x85: {  	[sflag:s17] =	ssyncadd.s32 $0xFFFFC000  }
0x86: {  	_ =	swait.ge [sflag:s24], $0x4000  }
0x87: {  	[sflag:s24] =	ssyncset.done $0x0  }
0x88: {  	s31 =	simm.s32 $0x800;
	[sflag:s24] =	ssyncadd.s32 $0xFFFFC000  }
0x89: {  	[tilespmem:s16], [sflag:$0x1] =	stream.indirect.gather [hbm4b:s1+s20], $0x80, s31, s20, $0xb8;
	[tilespmem:$0x1E800] =	vst v63  }
0x8a: {  	s2 =	simm.s32 $0x780  }
0x8b: {  	[spmem:s3] =	stream.indirect.scatter.add.f32 [tilespmem:s23], [sflag:$0x5], $0x80, s2, s20, $0xb8;
	[tilespmem:$0x1E800] =	vst v63  }
0x8c: {  	_ =	swait.ge [sflag:s17], $0x4000  }
0x8d: {  	[sflag:s17] =	ssyncset.done $0x0  }
0x8e: {  	[sflag:s17] =	ssyncadd.s32 $0xFFFFC000  }
0x8f: {  	_ =	swait.ge [sflag:s21], $0x4000  }
0x90: {  	[sflag:s21] =	ssyncset.done $0x0  }
0x91: {  	s30 =	simm.s32 $0x900;
	[sflag:s21] =	ssyncadd.s32 $0xFFFFC000  }
0x92: {  	[tilespmem:s23], [sflag:$0x2] =	stream.indirect.gather [hbm4b:s1+s20], $0x80, s30, s20, $0xb8;
	[tilespmem:$0x1E800] =	vst v63  }
0x93: {  	s31 =	simm.s32 $0x880  }
0x94: {  	[spmem:s3] =	stream.indirect.scatter.add.f32 [tilespmem:s16], [sflag:$0x5], $0x80, s31, s20, $0xb8;
	[tilespmem:$0x1E800] =	vst v63  }
0x95: {  	_ =	swait.ge [sflag:s17], $0x4000  }
0x96: {  	[sflag:s17] =	ssyncset.done $0x0  }
0x97: {  	[sflag:s17] =	ssyncadd.s32 $0xFFFFC000  }
0x98: {  	_ =	swait.ge [sflag:s24], $0x4000  }
0x99: {  	[sflag:s24] =	ssyncset.done $0x0  }
0x9a: {  	s2 =	simm.s32 $0xA00;
	[sflag:s24] =	ssyncadd.s32 $0xFFFFC000  }
0x9b: {  	[tilespmem:s16], [sflag:$0x1] =	stream.indirect.gather [hbm4b:s1+s20], $0x80, s2, s20, $0xb8;
	[tilespmem:$0x1E800] =	vst v63  }
0x9c: {  	s30 =	simm.s32 $0x980  }
0x9d: {  	[spmem:s3] =	stream.indirect.scatter.add.f32 [tilespmem:s23], [sflag:$0x5], $0x80, s30, s20, $0xb8;
	[tilespmem:$0x1E800] =	vst v63  }
0x9e: {  	_ =	swait.ge [sflag:s17], $0x4000  }
0x9f: {  	[sflag:s17] =	ssyncset.done $0x0  }
0xa0: {  	[sflag:s17] =	ssyncadd.s32 $0xFFFFC000  }
0xa1: {  	_ =	swait.ge [sflag:s21], $0x4000  }
0xa2: {  	[sflag:s21] =	ssyncset.done $0x0  }
0xa3: {  	s31 =	simm.s32 $0xB00;
	[sflag:s21] =	ssyncadd.s32 $0xFFFFC000  }
0xa4: {  	[tilespmem:s23], [sflag:$0x2] =	stream.indirect.gather [hbm4b:s1+s20], $0x80, s31, s20, $0xb8;
	[tilespmem:$0x1E800] =	vst v63  }
0xa5: {  	s2 =	simm.s32 $0xA80  }
0xa6: {  	[spmem:s3] =	stream.indirect.scatter.add.f32 [tilespmem:s16], [sflag:$0x5], $0x80, s2, s20, $0xb8;
	[tilespmem:$0x1E800] =	vst v63  }
0xa7: {  	_ =	swait.ge [sflag:s17], $0x4000  }
0xa8: {  	[sflag:s17] =	ssyncset.done $0x0  }
0xa9: {  	[sflag:s17] =	ssyncadd.s32 $0xFFFFC000  }
0xaa: {  	_ =	swait.ge [sflag:s24], $0x4000  }
0xab: {  	[sflag:s24] =	ssyncset.done $0x0  }
0xac: {  	s30 =	simm.s32 $0xC00;
	[sflag:s24] =	ssyncadd.s32 $0xFFFFC000  }
0xad: {  	[tilespmem:s16], [sflag:$0x1] =	stream.indirect.gather [hbm4b:s1+s20], $0x80, s30, s20, $0xb8;
	[tilespmem:$0x1E800] =	vst v63  }
0xae: {  	s31 =	simm.s32 $0xB80  }
0xaf: {  	[spmem:s3] =	stream.indirect.scatter.add.f32 [tilespmem:s23], [sflag:$0x5], $0x80, s31, s20, $0xb8;
	[tilespmem:$0x1E800] =	vst v63  }
0xb0: {  	_ =	swait.ge [sflag:s17], $0x4000  }
0xb1: {  	[sflag:s17] =	ssyncset.done $0x0  }
0xb2: {  	[sflag:s17] =	ssyncadd.s32 $0xFFFFC000  }
0xb3: {  	_ =	swait.ge [sflag:s21], $0x4000  }
0xb4: {  	[sflag:s21] =	ssyncset.done $0x0  }
0xb5: {  	s2 =	simm.s32 $0xD00;
	[sflag:s21] =	ssyncadd.s32 $0xFFFFC000  }
0xb6: {  	[tilespmem:s23], [sflag:$0x2] =	stream.indirect.gather [hbm4b:s1+s20], $0x80, s2, s20, $0xb8;
	[tilespmem:$0x1E800] =	vst v63  }
0xb7: {  	s30 =	simm.s32 $0xC80  }
0xb8: {  	[spmem:s3] =	stream.indirect.scatter.add.f32 [tilespmem:s16], [sflag:$0x5], $0x80, s30, s20, $0xb8;
	[tilespmem:$0x1E800] =	vst v63  }
0xb9: {  	_ =	swait.ge [sflag:s17], $0x4000  }
0xba: {  	[sflag:s17] =	ssyncset.done $0x0  }
0xbb: {  	[sflag:s17] =	ssyncadd.s32 $0xFFFFC000  }
0xbc: {  	_ =	swait.ge [sflag:s24], $0x4000  }
0xbd: {  	[sflag:s24] =	ssyncset.done $0x0  }
0xbe: {  	s31 =	simm.s32 $0xE00;
	[sflag:s24] =	ssyncadd.s32 $0xFFFFC000  }
0xbf: {  	[tilespmem:s16], [sflag:$0x1] =	stream.indirect.gather [hbm4b:s1+s20], $0x80, s31, s20, $0xb8;
	[tilespmem:$0x1E800] =	vst v63  }
0xc0: {  	s2 =	simm.s32 $0xD80  }
0xc1: {  	[spmem:s3] =	stream.indirect.scatter.add.f32 [tilespmem:s23], [sflag:$0x5], $0x80, s2, s20, $0xb8;
	[tilespmem:$0x1E800] =	vst v63  }
0xc2: {  	_ =	swait.ge [sflag:s17], $0x4000  }
0xc3: {  	[sflag:s17] =	ssyncset.done $0x0  }
0xc4: {  	[sflag:s17] =	ssyncadd.s32 $0xFFFFC000  }
0xc5: {  	_ =	swait.ge [sflag:s21], $0x4000  }
0xc6: {  	[sflag:s21] =	ssyncset.done $0x0  }
0xc7: {  	s30 =	simm.s32 $0xF00;
	[sflag:s21] =	ssyncadd.s32 $0xFFFFC000  }
0xc8: {  	[tilespmem:s23], [sflag:$0x2] =	stream.indirect.gather [hbm4b:s1+s20], $0x80, s30, s20, $0xb8;
	[tilespmem:$0x1E800] =	vst v63  }
0xc9: {  	s31 =	simm.s32 $0xE80  }
0xca: {  	[spmem:s3] =	stream.indirect.scatter.add.f32 [tilespmem:s16], [sflag:$0x5], $0x80, s31, s20, $0xb8;
	[tilespmem:$0x1E800] =	vst v63  }
0xcb: {  	_ =	swait.ge [sflag:s17], $0x4000  }
0xcc: {  	[sflag:s17] =	ssyncset.done $0x0  }
0xcd: {  	[sflag:s17] =	ssyncadd.s32 $0xFFFFC000  }
0xce: {  	_ =	swait.ge [sflag:s24], $0x4000  }
0xcf: {  	[sflag:s24] =	ssyncset.done $0x0  }
0xd0: {  	s2 =	simm.s32 $0x1000;
	[sflag:s24] =	ssyncadd.s32 $0xFFFFC000  }
0xd1: {  	[tilespmem:s16], [sflag:$0x1] =	stream.indirect.gather [hbm4b:s1+s20], $0x80, s2, s20, $0xb8;
	[tilespmem:$0x1E800] =	vst v63  }
0xd2: {  	s30 =	simm.s32 $0xF80  }
0xd3: {  	[spmem:s3] =	stream.indirect.scatter.add.f32 [tilespmem:s23], [sflag:$0x5], $0x80, s30, s20, $0xb8;
	[tilespmem:$0x1E800] =	vst v63  }
0xd4: {  	_ =	swait.ge [sflag:s17], $0x4000  }
0xd5: {  	[sflag:s17] =	ssyncset.done $0x0  }
0xd6: {  	[sflag:s17] =	ssyncadd.s32 $0xFFFFC000  }
0xd7: {  	_ =	swait.ge [sflag:s21], $0x4000  }
0xd8: {  	[sflag:s21] =	ssyncset.done $0x0  }
0xd9: {  	s31 =	simm.s32 $0x1100;
	[sflag:s21] =	ssyncadd.s32 $0xFFFFC000  }
0xda: {  	[tilespmem:s23], [sflag:$0x2] =	stream.indirect.gather [hbm4b:s1+s20], $0x80, s31, s20, $0xb8;
	[tilespmem:$0x1E800] =	vst v63  }
0xdb: {  	s2 =	simm.s32 $0x1080  }
0xdc: {  	[spmem:s3] =	stream.indirect.scatter.add.f32 [tilespmem:s16], [sflag:$0x5], $0x80, s2, s20, $0xb8;
	[tilespmem:$0x1E800] =	vst v63  }
0xdd: {  	_ =	swait.ge [sflag:s17], $0x4000  }
0xde: {  	[sflag:s17] =	ssyncset.done $0x0  }
0xdf: {  	[sflag:s17] =	ssyncadd.s32 $0xFFFFC000  }
0xe0: {  	_ =	swait.ge [sflag:s24], $0x4000  }
0xe1: {  	[sflag:s24] =	ssyncset.done $0x0  }
0xe2: {  	s30 =	simm.s32 $0x1200;
	[sflag:s24] =	ssyncadd.s32 $0xFFFFC000  }
0xe3: {  	[tilespmem:s16], [sflag:$0x1] =	stream.indirect.gather [hbm4b:s1+s20], $0x80, s30, s20, $0xb8;
	[tilespmem:$0x1E800] =	vst v63  }
0xe4: {  	s31 =	simm.s32 $0x1180  }
0xe5: {  	[spmem:s3] =	stream.indirect.scatter.add.f32 [tilespmem:s23], [sflag:$0x5], $0x80, s31, s20, $0xb8;
	[tilespmem:$0x1E800] =	vst v63  }
0xe6: {  	_ =	swait.ge [sflag:s17], $0x4000  }
0xe7: {  	[sflag:s17] =	ssyncset.done $0x0  }
0xe8: {  	[sflag:s17] =	ssyncadd.s32 $0xFFFFC000  }
0xe9: {  	_ =	swait.ge [sflag:s21], $0x4000  }
0xea: {  	[sflag:s21] =	ssyncset.done $0x0  }
0xeb: {  	s2 =	simm.s32 $0x1300;
	[sflag:s21] =	ssyncadd.s32 $0xFFFFC000  }
0xec: {  	[tilespmem:s23], [sflag:$0x2] =	stream.indirect.gather [hbm4b:s1+s20], $0x80, s2, s20, $0xb8;
	[tilespmem:$0x1E800] =	vst v63  }
0xed: {  	s30 =	simm.s32 $0x1280  }
0xee: {  	[spmem:s3] =	stream.indirect.scatter.add.f32 [tilespmem:s16], [sflag:$0x5], $0x80, s30, s20, $0xb8;
	[tilespmem:$0x1E800] =	vst v63  }
0xef: {  	_ =	swait.ge [sflag:s17], $0x4000  }
0xf0: {  	[sflag:s17] =	ssyncset.done $0x0  }
0xf1: {  	[sflag:s17] =	ssyncadd.s32 $0xFFFFC000  }
0xf2: {  	_ =	swait.ge [sflag:s24], $0x4000  }
0xf3: {  	[sflag:s24] =	ssyncset.done $0x0  }
0xf4: {  	s31 =	simm.s32 $0x1380;
	[sflag:s24] =	ssyncadd.s32 $0xFFFFC000  }
0xf5: {  	[spmem:s3] =	stream.indirect.scatter.add.f32 [tilespmem:s23], [sflag:$0x5], $0x80, s31, s20, $0xb8;
	[tilespmem:$0x1E800] =	vst v63  }
0xf6: {  	_ =	swait.ge [sflag:s17], $0x4000  }
0xf7: {  	[sflag:s17] =	ssyncset.done $0x0  }
0xf8: {  	s0 =	simm.s32 $0x4;
	[sflag:s17] =	ssyncadd.s32 $0xFFFFC000  }
0xf9: {  	_ =	swait.ge [sflag:s0], $0x1400  }
0xfa: {  	[sflag:s0] =	ssyncset.done $0x0  }
0xfb: {  	s18 =	simm.s32 $0x0;
	s2 =	rddreg [dreg:$0xa];
	[sflag:s0] =	ssyncadd.s32 $0xFFFFEC00  }
0xfc: {  	[tilespmem:s18], [sflag:$0x3] =	stream.linear.gather [hbm4b:s2+s18], $0x1400, $0x38;
	[tilespmem:$0x1E800] =	vst v63  }
0xfd: {  	_ = 	snop  }
0xfe: {  	[tilespmem:s16], [sflag:$0x1] =	stream.indirect.gather [hbm4b:s1+s20], $0x80, s6, s20, $0xb8;
	[tilespmem:$0x1E800] =	vst v63  }
0xff: {  	_ =	swait.ge [sflag:s21], $0x4000  }
0x100: {  	[sflag:s21] =	ssyncset.done $0x0  }
0x101: {  	s2 =	simm.s32 $0x1500;
	[sflag:s21] =	ssyncadd.s32 $0xFFFFC000  }
0x102: {  	[tilespmem:s23], [sflag:$0x2] =	stream.indirect.gather [hbm4b:s1+s20], $0x80, s2, s20, $0xb8;
	[tilespmem:$0x1E800] =	vst v63  }
0x103: {  	_ = 	snop  }
0x104: {  	[spmem:s3] =	stream.indirect.scatter.add.f32 [tilespmem:s16], [sflag:$0x5], $0x80, s5, s20, $0xb8;
	[tilespmem:$0x1E800] =	vst v63  }
0x105: {  	_ =	swait.ge [sflag:s17], $0x4000  }
0x106: {  	[sflag:s17] =	ssyncset.done $0x0  }
0x107: {  	[sflag:s17] =	ssyncadd.s32 $0xFFFFC000  }
0x108: {  	_ =	swait.ge [sflag:s24], $0x4000  }
0x109: {  	[sflag:s24] =	ssyncset.done $0x0  }
0x10a: {  	[sflag:s24] =	ssyncadd.s32 $0xFFFFC000  }
0x10b: {  	[tilespmem:s16], [sflag:$0x1] =	stream.indirect.gather [hbm4b:s1+s20], $0x80, s7, s20, $0xb8;
	[tilespmem:$0x1E800] =	vst v63  }
0x10c: {  	_ = 	snop  }
0x10d: {  	[spmem:s3] =	stream.indirect.scatter.add.f32 [tilespmem:s23], [sflag:$0x5], $0x80, s8, s20, $0xb8;
	[tilespmem:$0x1E800] =	vst v63  }
0x10e: {  	_ =	swait.ge [sflag:s17], $0x4000  }
0x10f: {  	[sflag:s17] =	ssyncset.done $0x0  }
0x110: {  	[sflag:s17] =	ssyncadd.s32 $0xFFFFC000  }
0x111: {  	_ =	swait.ge [sflag:s21], $0x4000  }
0x112: {  	[sflag:s21] =	ssyncset.done $0x0  }
0x113: {  	[sflag:s21] =	ssyncadd.s32 $0xFFFFC000  }
0x114: {  	[tilespmem:s23], [sflag:$0x2] =	stream.indirect.gather [hbm4b:s1+s20], $0x80, s10, s20, $0xb8;
	[tilespmem:$0x1E800] =	vst v63  }
0x115: {  	_ = 	snop  }
0x116: {  	[spmem:s3] =	stream.indirect.scatter.add.f32 [tilespmem:s16], [sflag:$0x5], $0x80, s11, s20, $0xb8;
	[tilespmem:$0x1E800] =	vst v63  }
0x117: {  	_ =	swait.ge [sflag:s17], $0x4000  }
0x118: {  	[sflag:s17] =	ssyncset.done $0x0  }
0x119: {  	[sflag:s17] =	ssyncadd.s32 $0xFFFFC000  }
0x11a: {  	_ =	swait.ge [sflag:s24], $0x4000  }
0x11b: {  	[sflag:s24] =	ssyncset.done $0x0  }
0x11c: {  	[sflag:s24] =	ssyncadd.s32 $0xFFFFC000  }
0x11d: {  	[tilespmem:s16], [sflag:$0x1] =	stream.indirect.gather [hbm4b:s1+s20], $0x80, s12, s20, $0xb8;
	[tilespmem:$0x1E800] =	vst v63  }
0x11e: {  	_ = 	snop  }
0x11f: {  	[spmem:s3] =	stream.indirect.scatter.add.f32 [tilespmem:s23], [sflag:$0x5], $0x80, s13, s20, $0xb8;
	[tilespmem:$0x1E800] =	vst v63  }
0x120: {  	_ =	swait.ge [sflag:s17], $0x4000  }
0x121: {  	[sflag:s17] =	ssyncset.done $0x0  }
0x122: {  	[sflag:s17] =	ssyncadd.s32 $0xFFFFC000  }
0x123: {  	_ =	swait.ge [sflag:s21], $0x4000  }
0x124: {  	[sflag:s21] =	ssyncset.done $0x0  }
0x125: {  	[sflag:s21] =	ssyncadd.s32 $0xFFFFC000  }
0x126: {  	[tilespmem:s23], [sflag:$0x2] =	stream.indirect.gather [hbm4b:s1+s20], $0x80, s14, s20, $0xb8;
	[tilespmem:$0x1E800] =	vst v63  }
0x127: {  	_ = 	snop  }
0x128: {  	[spmem:s3] =	stream.indirect.scatter.add.f32 [tilespmem:s16], [sflag:$0x5], $0x80, s15, s20, $0xb8;
	[tilespmem:$0x1E800] =	vst v63  }
0x129: {  	_ =	swait.ge [sflag:s17], $0x4000  }
0x12a: {  	[sflag:s17] =	ssyncset.done $0x0  }
0x12b: {  	[sflag:s17] =	ssyncadd.s32 $0xFFFFC000  }
0x12c: {  	_ =	swait.ge [sflag:s24], $0x4000  }
0x12d: {  	[sflag:s24] =	ssyncset.done $0x0  }
0x12e: {  	[sflag:s24] =	ssyncadd.s32 $0xFFFFC000  }
0x12f: {  	[tilespmem:s16], [sflag:$0x1] =	stream.indirect.gather [hbm4b:s1+s20], $0x80, s19, s20, $0xb8;
	[tilespmem:$0x1E800] =	vst v63  }
0x130: {  	_ = 	snop  }
0x131: {  	[spmem:s3] =	stream.indirect.scatter.add.f32 [tilespmem:s23], [sflag:$0x5], $0x80, s22, s20, $0xb8;
	[tilespmem:$0x1E800] =	vst v63  }
0x132: {  	_ =	swait.ge [sflag:s17], $0x4000  }
0x133: {  	[sflag:s17] =	ssyncset.done $0x0  }
0x134: {  	[sflag:s17] =	ssyncadd.s32 $0xFFFFC000  }
0x135: {  	_ =	swait.ge [sflag:s21], $0x4000  }
0x136: {  	[sflag:s21] =	ssyncset.done $0x0  }
0x137: {  	[sflag:s21] =	ssyncadd.s32 $0xFFFFC000  }
0x138: {  	[tilespmem:s23], [sflag:$0x2] =	stream.indirect.gather [hbm4b:s1+s20], $0x80, s25, s20, $0xb8;
	[tilespmem:$0x1E800] =	vst v63  }
0x139: {  	_ = 	snop  }
0x13a: {  	[spmem:s3] =	stream.indirect.scatter.add.f32 [tilespmem:s16], [sflag:$0x5], $0x80, s28, s20, $0xb8;
	[tilespmem:$0x1E800] =	vst v63  }
0x13b: {  	_ =	swait.ge [sflag:s17], $0x4000  }
0x13c: {  	[sflag:s17] =	ssyncset.done $0x0  }
0x13d: {  	[sflag:s17] =	ssyncadd.s32 $0xFFFFC000  }
0x13e: {  	_ =	swait.ge [sflag:s24], $0x4000  }
0x13f: {  	[sflag:s24] =	ssyncset.done $0x0  }
0x140: {  	s31 =	simm.s32 $0x1C00;
	[sflag:s24] =	ssyncadd.s32 $0xFFFFC000  }
0x141: {  	[tilespmem:s16], [sflag:$0x1] =	stream.indirect.gather [hbm4b:s1+s20], $0x80, s31, s20, $0xb8;
	[tilespmem:$0x1E800] =	vst v63  }
0x142: {  	s30 =	simm.s32 $0x1B80  }
0x143: {  	[spmem:s3] =	stream.indirect.scatter.add.f32 [tilespmem:s23], [sflag:$0x5], $0x80, s30, s20, $0xb8;
	[tilespmem:$0x1E800] =	vst v63  }
0x144: {  	_ =	swait.ge [sflag:s17], $0x4000  }
0x145: {  	[sflag:s17] =	ssyncset.done $0x0  }
0x146: {  	[sflag:s17] =	ssyncadd.s32 $0xFFFFC000  }
0x147: {  	_ =	swait.ge [sflag:s21], $0x4000  }
0x148: {  	[sflag:s21] =	ssyncset.done $0x0  }
0x149: {  	s30 =	simm.s32 $0x1D00;
	[sflag:s21] =	ssyncadd.s32 $0xFFFFC000  }
0x14a: {  	[tilespmem:s23], [sflag:$0x2] =	stream.indirect.gather [hbm4b:s1+s20], $0x80, s30, s20, $0xb8;
	[tilespmem:$0x1E800] =	vst v63  }
0x14b: {  	s30 =	simm.s32 $0x1C80  }
0x14c: {  	[spmem:s3] =	stream.indirect.scatter.add.f32 [tilespmem:s16], [sflag:$0x5], $0x80, s30, s20, $0xb8;
	[tilespmem:$0x1E800] =	vst v63  }
0x14d: {  	_ =	swait.ge [sflag:s17], $0x4000  }
0x14e: {  	[sflag:s17] =	ssyncset.done $0x0  }
0x14f: {  	[sflag:s17] =	ssyncadd.s32 $0xFFFFC000  }
0x150: {  	_ =	swait.ge [sflag:s24], $0x4000  }
0x151: {  	[sflag:s24] =	ssyncset.done $0x0  }
0x152: {  	s30 =	simm.s32 $0x1E00;
	[sflag:s24] =	ssyncadd.s32 $0xFFFFC000  }
0x153: {  	[tilespmem:s16], [sflag:$0x1] =	stream.indirect.gather [hbm4b:s1+s20], $0x80, s30, s20, $0xb8;
	[tilespmem:$0x1E800] =	vst v63  }
0x154: {  	s30 =	simm.s32 $0x1D80  }
0x155: {  	[spmem:s3] =	stream.indirect.scatter.add.f32 [tilespmem:s23], [sflag:$0x5], $0x80, s30, s20, $0xb8;
	[tilespmem:$0x1E800] =	vst v63  }
0x156: {  	_ =	swait.ge [sflag:s17], $0x4000  }
0x157: {  	[sflag:s17] =	ssyncset.done $0x0  }
0x158: {  	[sflag:s17] =	ssyncadd.s32 $0xFFFFC000  }
0x159: {  	_ =	swait.ge [sflag:s21], $0x4000  }
0x15a: {  	[sflag:s21] =	ssyncset.done $0x0  }
0x15b: {  	s30 =	simm.s32 $0x1F00;
	[sflag:s21] =	ssyncadd.s32 $0xFFFFC000  }
0x15c: {  	[tilespmem:s23], [sflag:$0x2] =	stream.indirect.gather [hbm4b:s1+s20], $0x80, s30, s20, $0xb8;
	[tilespmem:$0x1E800] =	vst v63  }
0x15d: {  	s30 =	simm.s32 $0x1E80  }
0x15e: {  	[spmem:s3] =	stream.indirect.scatter.add.f32 [tilespmem:s16], [sflag:$0x5], $0x80, s30, s20, $0xb8;
	[tilespmem:$0x1E800] =	vst v63  }
0x15f: {  	_ =	swait.ge [sflag:s17], $0x4000  }
0x160: {  	[sflag:s17] =	ssyncset.done $0x0  }
0x161: {  	[sflag:s17] =	ssyncadd.s32 $0xFFFFC000  }
0x162: {  	_ =	swait.ge [sflag:s24], $0x4000  }
0x163: {  	[sflag:s24] =	ssyncset.done $0x0  }
0x164: {  	s30 =	simm.s32 $0x2000;
	[sflag:s24] =	ssyncadd.s32 $0xFFFFC000  }
0x165: {  	[tilespmem:s16], [sflag:$0x1] =	stream.indirect.gather [hbm4b:s1+s20], $0x80, s30, s20, $0xb8;
	[tilespmem:$0x1E800] =	vst v63  }
0x166: {  	s30 =	simm.s32 $0x1F80  }
0x167: {  	[spmem:s3] =	stream.indirect.scatter.add.f32 [tilespmem:s23], [sflag:$0x5], $0x80, s30, s20, $0xb8;
	[tilespmem:$0x1E800] =	vst v63  }
0x168: {  	_ =	swait.ge [sflag:s17], $0x4000  }
0x169: {  	[sflag:s17] =	ssyncset.done $0x0  }
0x16a: {  	[sflag:s17] =	ssyncadd.s32 $0xFFFFC000  }
0x16b: {  	_ =	swait.ge [sflag:s21], $0x4000  }
0x16c: {  	[sflag:s21] =	ssyncset.done $0x0  }
0x16d: {  	s30 =	simm.s32 $0x2100;
	[sflag:s21] =	ssyncadd.s32 $0xFFFFC000  }
0x16e: {  	[tilespmem:s23], [sflag:$0x2] =	stream.indirect.gather [hbm4b:s1+s20], $0x80, s30, s20, $0xb8;
	[tilespmem:$0x1E800] =	vst v63  }
0x16f: {  	s30 =	simm.s32 $0x2080  }
0x170: {  	[spmem:s3] =	stream.indirect.scatter.add.f32 [tilespmem:s16], [sflag:$0x5], $0x80, s30, s20, $0xb8;
	[tilespmem:$0x1E800] =	vst v63  }
0x171: {  	_ =	swait.ge [sflag:s17], $0x4000  }
0x172: {  	[sflag:s17] =	ssyncset.done $0x0  }
0x173: {  	[sflag:s17] =	ssyncadd.s32 $0xFFFFC000  }
0x174: {  	_ =	swait.ge [sflag:s24], $0x4000  }
0x175: {  	[sflag:s24] =	ssyncset.done $0x0  }
0x176: {  	s30 =	simm.s32 $0x2200;
	[sflag:s24] =	ssyncadd.s32 $0xFFFFC000  }
0x177: {  	[tilespmem:s16], [sflag:$0x1] =	stream.indirect.gather [hbm4b:s1+s20], $0x80, s30, s20, $0xb8;
	[tilespmem:$0x1E800] =	vst v63  }
0x178: {  	s30 =	simm.s32 $0x2180  }
0x179: {  	[spmem:s3] =	stream.indirect.scatter.add.f32 [tilespmem:s23], [sflag:$0x5], $0x80, s30, s20, $0xb8;
	[tilespmem:$0x1E800] =	vst v63  }
0x17a: {  	_ =	swait.ge [sflag:s17], $0x4000  }
0x17b: {  	[sflag:s17] =	ssyncset.done $0x0  }
0x17c: {  	[sflag:s17] =	ssyncadd.s32 $0xFFFFC000  }
0x17d: {  	_ =	swait.ge [sflag:s21], $0x4000  }
0x17e: {  	[sflag:s21] =	ssyncset.done $0x0  }
0x17f: {  	s30 =	simm.s32 $0x2300;
	[sflag:s21] =	ssyncadd.s32 $0xFFFFC000  }
0x180: {  	[tilespmem:s23], [sflag:$0x2] =	stream.indirect.gather [hbm4b:s1+s20], $0x80, s30, s20, $0xb8;
	[tilespmem:$0x1E800] =	vst v63  }
0x181: {  	s30 =	simm.s32 $0x2280  }
0x182: {  	[spmem:s3] =	stream.indirect.scatter.add.f32 [tilespmem:s16], [sflag:$0x5], $0x80, s30, s20, $0xb8;
	[tilespmem:$0x1E800] =	vst v63  }
0x183: {  	_ =	swait.ge [sflag:s17], $0x4000  }
0x184: {  	[sflag:s17] =	ssyncset.done $0x0  }
0x185: {  	[sflag:s17] =	ssyncadd.s32 $0xFFFFC000  }
0x186: {  	_ =	swait.ge [sflag:s24], $0x4000  }
0x187: {  	[sflag:s24] =	ssyncset.done $0x0  }
0x188: {  	s30 =	simm.s32 $0x2400;
	[sflag:s24] =	ssyncadd.s32 $0xFFFFC000  }
0x189: {  	[tilespmem:s16], [sflag:$0x1] =	stream.indirect.gather [hbm4b:s1+s20], $0x80, s30, s20, $0xb8;
	[tilespmem:$0x1E800] =	vst v63  }
0x18a: {  	s30 =	simm.s32 $0x2380  }
0x18b: {  	[spmem:s3] =	stream.indirect.scatter.add.f32 [tilespmem:s23], [sflag:$0x5], $0x80, s30, s20, $0xb8;
	[tilespmem:$0x1E800] =	vst v63  }
0x18c: {  	_ =	swait.ge [sflag:s17], $0x4000  }
0x18d: {  	[sflag:s17] =	ssyncset.done $0x0  }
0x18e: {  	[sflag:s17] =	ssyncadd.s32 $0xFFFFC000  }
0x18f: {  	_ =	swait.ge [sflag:s21], $0x4000  }
0x190: {  	[sflag:s21] =	ssyncset.done $0x0  }
0x191: {  	s30 =	simm.s32 $0x2500;
	[sflag:s21] =	ssyncadd.s32 $0xFFFFC000  }
0x192: {  	[tilespmem:s23], [sflag:$0x2] =	stream.indirect.gather [hbm4b:s1+s20], $0x80, s30, s20, $0xb8;
	[tilespmem:$0x1E800] =	vst v63  }
0x193: {  	s30 =	simm.s32 $0x2480  }
0x194: {  	[spmem:s3] =	stream.indirect.scatter.add.f32 [tilespmem:s16], [sflag:$0x5], $0x80, s30, s20, $0xb8;
	[tilespmem:$0x1E800] =	vst v63  }
0x195: {  	_ =	swait.ge [sflag:s17], $0x4000  }
0x196: {  	[sflag:s17] =	ssyncset.done $0x0  }
0x197: {  	[sflag:s17] =	ssyncadd.s32 $0xFFFFC000  }
0x198: {  	_ =	swait.ge [sflag:s24], $0x4000  }
0x199: {  	[sflag:s24] =	ssyncset.done $0x0  }
0x19a: {  	s30 =	simm.s32 $0x2600;
	[sflag:s24] =	ssyncadd.s32 $0xFFFFC000  }
0x19b: {  	[tilespmem:s16], [sflag:$0x1] =	stream.indirect.gather [hbm4b:s1+s20], $0x80, s30, s20, $0xb8;
	[tilespmem:$0x1E800] =	vst v63  }
0x19c: {  	s30 =	simm.s32 $0x2580  }
0x19d: {  	[spmem:s3] =	stream.indirect.scatter.add.f32 [tilespmem:s23], [sflag:$0x5], $0x80, s30, s20, $0xb8;
	[tilespmem:$0x1E800] =	vst v63  }
0x19e: {  	_ =	swait.ge [sflag:s17], $0x4000  }
0x19f: {  	[sflag:s17] =	ssyncset.done $0x0  }
0x1a0: {  	[sflag:s17] =	ssyncadd.s32 $0xFFFFC000  }
0x1a1: {  	_ =	swait.ge [sflag:s21], $0x4000  }
0x1a2: {  	[sflag:s21] =	ssyncset.done $0x0  }
0x1a3: {  	s30 =	simm.s32 $0x2700;
	[sflag:s21] =	ssyncadd.s32 $0xFFFFC000  }
0x1a4: {  	[tilespmem:s23], [sflag:$0x2] =	stream.indirect.gather [hbm4b:s1+s20], $0x80, s30, s20, $0xb8;
	[tilespmem:$0x1E800] =	vst v63  }
0x1a5: {  	s30 =	simm.s32 $0x2680  }
0x1a6: {  	[spmem:s3] =	stream.indirect.scatter.add.f32 [tilespmem:s16], [sflag:$0x5], $0x80, s30, s20, $0xb8;
	[tilespmem:$0x1E800] =	vst v63  }
0x1a7: {  	_ =	swait.ge [sflag:s17], $0x4000  }
0x1a8: {  	[sflag:s17] =	ssyncset.done $0x0  }
0x1a9: {  	[sflag:s17] =	ssyncadd.s32 $0xFFFFC000  }
0x1aa: {  	_ =	swait.ge [sflag:s24], $0x4000  }
0x1ab: {  	[sflag:s24] =	ssyncset.done $0x0  }
0x1ac: {  	s30 =	simm.s32 $0x2780;
	[sflag:s24] =	ssyncadd.s32 $0xFFFFC000  }
0x1ad: {  	[spmem:s3] =	stream.indirect.scatter.add.f32 [tilespmem:s23], [sflag:$0x5], $0x80, s30, s20, $0xb8;
	[tilespmem:$0x1E800] =	vst v63  }
0x1ae: {  	_ =	swait.ge [sflag:s17], $0x4000  }
0x1af: {  	[sflag:s17] =	ssyncset.done $0x0  }
0x1b0: {  	[sflag:s17] =	ssyncadd.s32 $0xFFFFC000  }
0x1b1: {  	_ =	swait.ge [sflag:s26], $0x1400  }
0x1b2: {  	[sflag:s26] =	ssyncset.done $0x0  }
0x1b3: {  	s30 =	rddreg [dreg:$0xb];
	[sflag:s26] =	ssyncadd.s32 $0xFFFFEC00  }
0x1b4: {  	[tilespmem:s6], [sflag:$0x4] =	stream.linear.gather [hbm4b:s30+s18], $0x1400, $0x38;
	[tilespmem:$0x1E800] =	vst v63  }
0x1b5: {  	_ = 	snop  }
0x1b6: {  	[tilespmem:s16], [sflag:$0x1] =	stream.indirect.gather [hbm4b:s1+s20], $0x80, s18, s20, $0xb8;
	[tilespmem:$0x1E800] =	vst v63  }
0x1b7: {  	_ =	swait.ge [sflag:s21], $0x4000  }
0x1b8: {  	[sflag:s21] =	ssyncset.done $0x0  }
0x1b9: {  	s30 =	simm.s32 $0x100;
	[sflag:s21] =	ssyncadd.s32 $0xFFFFC000  }
0x1ba: {  	[tilespmem:s23], [sflag:$0x2] =	stream.indirect.gather [hbm4b:s1+s20], $0x80, s30, s20, $0xb8;
	[tilespmem:$0x1E800] =	vst v63  }
0x1bb: {  	_ = 	snop  }
0x1bc: {  	[spmem:s3] =	stream.indirect.scatter.add.f32 [tilespmem:s16], [sflag:$0x5], $0x80, s20, s20, $0xb8;
	[tilespmem:$0x1E800] =	vst v63  }
0x1bd: {  	_ =	swait.ge [sflag:s17], $0x4000  }
0x1be: {  	[sflag:s17] =	ssyncset.done $0x0  }
0x1bf: {  	[sflag:s17] =	ssyncadd.s32 $0xFFFFC000  }
0x1c0: {  	_ =	swait.ge [sflag:s24], $0x4000  }
0x1c1: {  	[sflag:s24] =	ssyncset.done $0x0  }
0x1c2: {  	s30 =	simm.s32 $0x200;
	[sflag:s24] =	ssyncadd.s32 $0xFFFFC000  }
0x1c3: {  	[tilespmem:s16], [sflag:$0x1] =	stream.indirect.gather [hbm4b:s1+s20], $0x80, s30, s20, $0xb8;
	[tilespmem:$0x1E800] =	vst v63  }
0x1c4: {  	s30 =	simm.s32 $0x180  }
0x1c5: {  	[spmem:s3] =	stream.indirect.scatter.add.f32 [tilespmem:s23], [sflag:$0x5], $0x80, s30, s20, $0xb8;
	[tilespmem:$0x1E800] =	vst v63  }
0x1c6: {  	_ =	swait.ge [sflag:s17], $0x4000  }
0x1c7: {  	[sflag:s17] =	ssyncset.done $0x0  }
0x1c8: {  	[sflag:s17] =	ssyncadd.s32 $0xFFFFC000  }
0x1c9: {  	_ =	swait.ge [sflag:s21], $0x4000  }
0x1ca: {  	[sflag:s21] =	ssyncset.done $0x0  }
0x1cb: {  	s30 =	simm.s32 $0x300;
	[sflag:s21] =	ssyncadd.s32 $0xFFFFC000  }
0x1cc: {  	[tilespmem:s23], [sflag:$0x2] =	stream.indirect.gather [hbm4b:s1+s20], $0x80, s30, s20, $0xb8;
	[tilespmem:$0x1E800] =	vst v63  }
0x1cd: {  	s30 =	simm.s32 $0x280  }
0x1ce: {  	[spmem:s3] =	stream.indirect.scatter.add.f32 [tilespmem:s16], [sflag:$0x5], $0x80, s30, s20, $0xb8;
	[tilespmem:$0x1E800] =	vst v63  }
0x1cf: {  	_ =	swait.ge [sflag:s17], $0x4000  }
0x1d0: {  	[sflag:s17] =	ssyncset.done $0x0  }
0x1d1: {  	[sflag:s17] =	ssyncadd.s32 $0xFFFFC000  }
0x1d2: {  	_ =	swait.ge [sflag:s24], $0x4000  }
0x1d3: {  	[sflag:s24] =	ssyncset.done $0x0  }
0x1d4: {  	s30 =	simm.s32 $0x400;
	[sflag:s24] =	ssyncadd.s32 $0xFFFFC000  }
0x1d5: {  	[tilespmem:s16], [sflag:$0x1] =	stream.indirect.gather [hbm4b:s1+s20], $0x80, s30, s20, $0xb8;
	[tilespmem:$0x1E800] =	vst v63  }
0x1d6: {  	_ = 	snop  }
0x1d7: {  	[spmem:s3] =	stream.indirect.scatter.add.f32 [tilespmem:s23], [sflag:$0x5], $0x80, s9, s20, $0xb8;
	[tilespmem:$0x1E800] =	vst v63  }
0x1d8: {  	_ =	swait.ge [sflag:s17], $0x4000  }
0x1d9: {  	[sflag:s17] =	ssyncset.done $0x0  }
0x1da: {  	[sflag:s17] =	ssyncadd.s32 $0xFFFFC000  }
0x1db: {  	_ =	swait.ge [sflag:s21], $0x4000  }
0x1dc: {  	[sflag:s21] =	ssyncset.done $0x0  }
0x1dd: {  	s30 =	simm.s32 $0x500;
	[sflag:s21] =	ssyncadd.s32 $0xFFFFC000  }
0x1de: {  	[tilespmem:s23], [sflag:$0x2] =	stream.indirect.gather [hbm4b:s1+s20], $0x80, s30, s20, $0xb8;
	[tilespmem:$0x1E800] =	vst v63  }
0x1df: {  	s30 =	simm.s32 $0x480  }
0x1e0: {  	[spmem:s3] =	stream.indirect.scatter.add.f32 [tilespmem:s16], [sflag:$0x5], $0x80, s30, s20, $0xb8;
	[tilespmem:$0x1E800] =	vst v63  }
0x1e1: {  	_ =	swait.ge [sflag:s17], $0x4000  }
0x1e2: {  	[sflag:s17] =	ssyncset.done $0x0  }
0x1e3: {  	[sflag:s17] =	ssyncadd.s32 $0xFFFFC000  }
0x1e4: {  	_ =	swait.ge [sflag:s24], $0x4000  }
0x1e5: {  	[sflag:s24] =	ssyncset.done $0x0  }
0x1e6: {  	s30 =	simm.s32 $0x600;
	[sflag:s24] =	ssyncadd.s32 $0xFFFFC000  }
0x1e7: {  	[tilespmem:s16], [sflag:$0x1] =	stream.indirect.gather [hbm4b:s1+s20], $0x80, s30, s20, $0xb8;
	[tilespmem:$0x1E800] =	vst v63  }
0x1e8: {  	s30 =	simm.s32 $0x580  }
0x1e9: {  	[spmem:s3] =	stream.indirect.scatter.add.f32 [tilespmem:s23], [sflag:$0x5], $0x80, s30, s20, $0xb8;
	[tilespmem:$0x1E800] =	vst v63  }
0x1ea: {  	_ =	swait.ge [sflag:s17], $0x4000  }
0x1eb: {  	[sflag:s17] =	ssyncset.done $0x0  }
0x1ec: {  	[sflag:s17] =	ssyncadd.s32 $0xFFFFC000  }
0x1ed: {  	_ =	swait.ge [sflag:s21], $0x4000  }
0x1ee: {  	[sflag:s21] =	ssyncset.done $0x0  }
0x1ef: {  	s30 =	simm.s32 $0x700;
	[sflag:s21] =	ssyncadd.s32 $0xFFFFC000  }
0x1f0: {  	[tilespmem:s23], [sflag:$0x2] =	stream.indirect.gather [hbm4b:s1+s20], $0x80, s30, s20, $0xb8;
	[tilespmem:$0x1E800] =	vst v63  }
0x1f1: {  	s30 =	simm.s32 $0x680  }
0x1f2: {  	[spmem:s3] =	stream.indirect.scatter.add.f32 [tilespmem:s16], [sflag:$0x5], $0x80, s30, s20, $0xb8;
	[tilespmem:$0x1E800] =	vst v63  }
0x1f3: {  	_ =	swait.ge [sflag:s17], $0x4000  }
0x1f4: {  	[sflag:s17] =	ssyncset.done $0x0  }
0x1f5: {  	[sflag:s17] =	ssyncadd.s32 $0xFFFFC000  }
0x1f6: {  	_ =	swait.ge [sflag:s24], $0x4000  }
0x1f7: {  	[sflag:s24] =	ssyncset.done $0x0  }
0x1f8: {  	s30 =	simm.s32 $0x800;
	[sflag:s24] =	ssyncadd.s32 $0xFFFFC000  }
0x1f9: {  	[tilespmem:s16], [sflag:$0x1] =	stream.indirect.gather [hbm4b:s1+s20], $0x80, s30, s20, $0xb8;
	[tilespmem:$0x1E800] =	vst v63  }
0x1fa: {  	s30 =	simm.s32 $0x780  }
0x1fb: {  	[spmem:s3] =	stream.indirect.scatter.add.f32 [tilespmem:s23], [sflag:$0x5], $0x80, s30, s20, $0xb8;
	[tilespmem:$0x1E800] =	vst v63  }
0x1fc: {  	_ =	swait.ge [sflag:s17], $0x4000  }
0x1fd: {  	[sflag:s17] =	ssyncset.done $0x0  }
0x1fe: {  	[sflag:s17] =	ssyncadd.s32 $0xFFFFC000  }
0x1ff: {  	_ =	swait.ge [sflag:s21], $0x4000  }
0x200: {  	[sflag:s21] =	ssyncset.done $0x0  }
0x201: {  	s30 =	simm.s32 $0x900;
	[sflag:s21] =	ssyncadd.s32 $0xFFFFC000  }
0x202: {  	[tilespmem:s23], [sflag:$0x2] =	stream.indirect.gather [hbm4b:s1+s20], $0x80, s30, s20, $0xb8;
	[tilespmem:$0x1E800] =	vst v63  }
0x203: {  	s30 =	simm.s32 $0x880  }
0x204: {  	[spmem:s3] =	stream.indirect.scatter.add.f32 [tilespmem:s16], [sflag:$0x5], $0x80, s30, s20, $0xb8;
	[tilespmem:$0x1E800] =	vst v63  }
0x205: {  	_ =	swait.ge [sflag:s17], $0x4000  }
0x206: {  	[sflag:s17] =	ssyncset.done $0x0  }
0x207: {  	[sflag:s17] =	ssyncadd.s32 $0xFFFFC000  }
0x208: {  	_ =	swait.ge [sflag:s24], $0x4000  }
0x209: {  	[sflag:s24] =	ssyncset.done $0x0  }
0x20a: {  	s30 =	simm.s32 $0xA00;
	[sflag:s24] =	ssyncadd.s32 $0xFFFFC000  }
0x20b: {  	[tilespmem:s16], [sflag:$0x1] =	stream.indirect.gather [hbm4b:s1+s20], $0x80, s30, s20, $0xb8;
	[tilespmem:$0x1E800] =	vst v63  }
0x20c: {  	s30 =	simm.s32 $0x980  }
0x20d: {  	[spmem:s3] =	stream.indirect.scatter.add.f32 [tilespmem:s23], [sflag:$0x5], $0x80, s30, s20, $0xb8;
	[tilespmem:$0x1E800] =	vst v63  }
0x20e: {  	_ =	swait.ge [sflag:s17], $0x4000  }
0x20f: {  	[sflag:s17] =	ssyncset.done $0x0  }
0x210: {  	[sflag:s17] =	ssyncadd.s32 $0xFFFFC000  }
0x211: {  	_ =	swait.ge [sflag:s21], $0x4000  }
0x212: {  	[sflag:s21] =	ssyncset.done $0x0  }
0x213: {  	s30 =	simm.s32 $0xB00;
	[sflag:s21] =	ssyncadd.s32 $0xFFFFC000  }
0x214: {  	[tilespmem:s23], [sflag:$0x2] =	stream.indirect.gather [hbm4b:s1+s20], $0x80, s30, s20, $0xb8;
	[tilespmem:$0x1E800] =	vst v63  }
0x215: {  	s30 =	simm.s32 $0xA80  }
0x216: {  	[spmem:s3] =	stream.indirect.scatter.add.f32 [tilespmem:s16], [sflag:$0x5], $0x80, s30, s20, $0xb8;
	[tilespmem:$0x1E800] =	vst v63  }
0x217: {  	_ =	swait.ge [sflag:s17], $0x4000  }
0x218: {  	[sflag:s17] =	ssyncset.done $0x0  }
0x219: {  	[sflag:s17] =	ssyncadd.s32 $0xFFFFC000  }
0x21a: {  	_ =	swait.ge [sflag:s24], $0x4000  }
0x21b: {  	[sflag:s24] =	ssyncset.done $0x0  }
0x21c: {  	s30 =	simm.s32 $0xC00;
	[sflag:s24] =	ssyncadd.s32 $0xFFFFC000  }
0x21d: {  	[tilespmem:s16], [sflag:$0x1] =	stream.indirect.gather [hbm4b:s1+s20], $0x80, s30, s20, $0xb8;
	[tilespmem:$0x1E800] =	vst v63  }
0x21e: {  	s30 =	simm.s32 $0xB80  }
0x21f: {  	[spmem:s3] =	stream.indirect.scatter.add.f32 [tilespmem:s23], [sflag:$0x5], $0x80, s30, s20, $0xb8;
	[tilespmem:$0x1E800] =	vst v63  }
0x220: {  	_ =	swait.ge [sflag:s17], $0x4000  }
0x221: {  	[sflag:s17] =	ssyncset.done $0x0  }
0x222: {  	[sflag:s17] =	ssyncadd.s32 $0xFFFFC000  }
0x223: {  	_ =	swait.ge [sflag:s21], $0x4000  }
0x224: {  	[sflag:s21] =	ssyncset.done $0x0  }
0x225: {  	s30 =	simm.s32 $0xD00;
	[sflag:s21] =	ssyncadd.s32 $0xFFFFC000  }
0x226: {  	[tilespmem:s23], [sflag:$0x2] =	stream.indirect.gather [hbm4b:s1+s20], $0x80, s30, s20, $0xb8;
	[tilespmem:$0x1E800] =	vst v63  }
0x227: {  	s30 =	simm.s32 $0xC80  }
0x228: {  	[spmem:s3] =	stream.indirect.scatter.add.f32 [tilespmem:s16], [sflag:$0x5], $0x80, s30, s20, $0xb8;
	[tilespmem:$0x1E800] =	vst v63  }
0x229: {  	_ =	swait.ge [sflag:s17], $0x4000  }
0x22a: {  	[sflag:s17] =	ssyncset.done $0x0  }
0x22b: {  	[sflag:s17] =	ssyncadd.s32 $0xFFFFC000  }
0x22c: {  	_ =	swait.ge [sflag:s24], $0x4000  }
0x22d: {  	[sflag:s24] =	ssyncset.done $0x0  }
0x22e: {  	s30 =	simm.s32 $0xE00;
	[sflag:s24] =	ssyncadd.s32 $0xFFFFC000  }
0x22f: {  	[tilespmem:s16], [sflag:$0x1] =	stream.indirect.gather [hbm4b:s1+s20], $0x80, s30, s20, $0xb8;
	[tilespmem:$0x1E800] =	vst v63  }
0x230: {  	s30 =	simm.s32 $0xD80  }
0x231: {  	[spmem:s3] =	stream.indirect.scatter.add.f32 [tilespmem:s23], [sflag:$0x5], $0x80, s30, s20, $0xb8;
	[tilespmem:$0x1E800] =	vst v63  }
0x232: {  	_ =	swait.ge [sflag:s17], $0x4000  }
0x233: {  	[sflag:s17] =	ssyncset.done $0x0  }
0x234: {  	[sflag:s17] =	ssyncadd.s32 $0xFFFFC000  }
0x235: {  	_ =	swait.ge [sflag:s21], $0x4000  }
0x236: {  	[sflag:s21] =	ssyncset.done $0x0  }
0x237: {  	s30 =	simm.s32 $0xF00;
	[sflag:s21] =	ssyncadd.s32 $0xFFFFC000  }
0x238: {  	[tilespmem:s23], [sflag:$0x2] =	stream.indirect.gather [hbm4b:s1+s20], $0x80, s30, s20, $0xb8;
	[tilespmem:$0x1E800] =	vst v63  }
0x239: {  	s30 =	simm.s32 $0xE80  }
0x23a: {  	[spmem:s3] =	stream.indirect.scatter.add.f32 [tilespmem:s16], [sflag:$0x5], $0x80, s30, s20, $0xb8;
	[tilespmem:$0x1E800] =	vst v63  }
0x23b: {  	_ =	swait.ge [sflag:s17], $0x4000  }
0x23c: {  	[sflag:s17] =	ssyncset.done $0x0  }
0x23d: {  	[sflag:s17] =	ssyncadd.s32 $0xFFFFC000  }
0x23e: {  	_ =	swait.ge [sflag:s24], $0x4000  }
0x23f: {  	[sflag:s24] =	ssyncset.done $0x0  }
0x240: {  	s30 =	simm.s32 $0x1000;
	[sflag:s24] =	ssyncadd.s32 $0xFFFFC000  }
0x241: {  	[tilespmem:s16], [sflag:$0x1] =	stream.indirect.gather [hbm4b:s1+s20], $0x80, s30, s20, $0xb8;
	[tilespmem:$0x1E800] =	vst v63  }
0x242: {  	s30 =	simm.s32 $0xF80  }
0x243: {  	[spmem:s3] =	stream.indirect.scatter.add.f32 [tilespmem:s23], [sflag:$0x5], $0x80, s30, s20, $0xb8;
	[tilespmem:$0x1E800] =	vst v63  }
0x244: {  	_ =	swait.ge [sflag:s17], $0x4000  }
0x245: {  	[sflag:s17] =	ssyncset.done $0x0  }
0x246: {  	[sflag:s17] =	ssyncadd.s32 $0xFFFFC000  }
0x247: {  	_ =	swait.ge [sflag:s21], $0x4000  }
0x248: {  	[sflag:s21] =	ssyncset.done $0x0  }
0x249: {  	s30 =	simm.s32 $0x1100;
	[sflag:s21] =	ssyncadd.s32 $0xFFFFC000  }
0x24a: {  	[tilespmem:s23], [sflag:$0x2] =	stream.indirect.gather [hbm4b:s1+s20], $0x80, s30, s20, $0xb8;
	[tilespmem:$0x1E800] =	vst v63  }
0x24b: {  	s30 =	simm.s32 $0x1080  }
0x24c: {  	[spmem:s3] =	stream.indirect.scatter.add.f32 [tilespmem:s16], [sflag:$0x5], $0x80, s30, s20, $0xb8;
	[tilespmem:$0x1E800] =	vst v63  }
0x24d: {  	_ =	swait.ge [sflag:s17], $0x4000  }
0x24e: {  	[sflag:s17] =	ssyncset.done $0x0  }
0x24f: {  	[sflag:s17] =	ssyncadd.s32 $0xFFFFC000  }
0x250: {  	_ =	swait.ge [sflag:s24], $0x4000  }
0x251: {  	[sflag:s24] =	ssyncset.done $0x0  }
0x252: {  	s30 =	simm.s32 $0x1200;
	[sflag:s24] =	ssyncadd.s32 $0xFFFFC000  }
0x253: {  	[tilespmem:s16], [sflag:$0x1] =	stream.indirect.gather [hbm4b:s1+s20], $0x80, s30, s20, $0xb8;
	[tilespmem:$0x1E800] =	vst v63  }
0x254: {  	s30 =	simm.s32 $0x1180  }
0x255: {  	[spmem:s3] =	stream.indirect.scatter.add.f32 [tilespmem:s23], [sflag:$0x5], $0x80, s30, s20, $0xb8;
	[tilespmem:$0x1E800] =	vst v63  }
0x256: {  	_ =	swait.ge [sflag:s17], $0x4000  }
0x257: {  	[sflag:s17] =	ssyncset.done $0x0  }
0x258: {  	[sflag:s17] =	ssyncadd.s32 $0xFFFFC000  }
0x259: {  	_ =	swait.ge [sflag:s21], $0x4000  }
0x25a: {  	[sflag:s21] =	ssyncset.done $0x0  }
0x25b: {  	s30 =	simm.s32 $0x1300;
	[sflag:s21] =	ssyncadd.s32 $0xFFFFC000  }
0x25c: {  	[tilespmem:s23], [sflag:$0x2] =	stream.indirect.gather [hbm4b:s1+s20], $0x80, s30, s20, $0xb8;
	[tilespmem:$0x1E800] =	vst v63  }
0x25d: {  	s30 =	simm.s32 $0x1280  }
0x25e: {  	[spmem:s3] =	stream.indirect.scatter.add.f32 [tilespmem:s16], [sflag:$0x5], $0x80, s30, s20, $0xb8;
	[tilespmem:$0x1E800] =	vst v63  }
0x25f: {  	_ =	swait.ge [sflag:s17], $0x4000  }
0x260: {  	[sflag:s17] =	ssyncset.done $0x0  }
0x261: {  	[sflag:s17] =	ssyncadd.s32 $0xFFFFC000  }
0x262: {  	_ =	swait.ge [sflag:s24], $0x4000  }
0x263: {  	[sflag:s24] =	ssyncset.done $0x0  }
0x264: {  	s30 =	simm.s32 $0x1380;
	[sflag:s24] =	ssyncadd.s32 $0xFFFFC000  }
0x265: {  	[spmem:s3] =	stream.indirect.scatter.add.f32 [tilespmem:s23], [sflag:$0x5], $0x80, s30, s20, $0xb8;
	[tilespmem:$0x1E800] =	vst v63  }
0x266: {  	_ =	swait.ge [sflag:s17], $0x4000  }
0x267: {  	[sflag:s17] =	ssyncset.done $0x0  }
0x268: {  	[sflag:s17] =	ssyncadd.s32 $0xFFFFC000  }
0x269: {  	_ =	swait.ge [sflag:s0], $0x1400  }
0x26a: {  	[sflag:s0] =	ssyncset.done $0x0  }
0x26b: {  	[sflag:s0] =	ssyncadd.s32 $0xFFFFEC00  }
0x26c: {  	[tilespmem:s16], [sflag:$0x1] =	stream.indirect.gather [hbm4b:s1+s20], $0x80, s6, s20, $0xb8;
	[tilespmem:$0x1E800] =	vst v63  }
0x26d: {  	_ =	swait.ge [sflag:s21], $0x4000  }
0x26e: {  	[sflag:s21] =	ssyncset.done $0x0  }
0x26f: {  	[sflag:s21] =	ssyncadd.s32 $0xFFFFC000  }
0x270: {  	[tilespmem:s23], [sflag:$0x2] =	stream.indirect.gather [hbm4b:s1+s20], $0x80, s2, s20, $0xb8;
	[tilespmem:$0x1E800] =	vst v63  }
0x271: {  	_ = 	snop  }
0x272: {  	[spmem:s3] =	stream.indirect.scatter.add.f32 [tilespmem:s16], [sflag:$0x5], $0x80, s5, s20, $0xb8;
	[tilespmem:$0x1E800] =	vst v63  }
0x273: {  	_ =	swait.ge [sflag:s17], $0x4000  }
0x274: {  	[sflag:s17] =	ssyncset.done $0x0  }
0x275: {  	[sflag:s17] =	ssyncadd.s32 $0xFFFFC000  }
0x276: {  	_ =	swait.ge [sflag:s24], $0x4000  }
0x277: {  	[sflag:s24] =	ssyncset.done $0x0  }
0x278: {  	[sflag:s24] =	ssyncadd.s32 $0xFFFFC000  }
0x279: {  	[tilespmem:s16], [sflag:$0x1] =	stream.indirect.gather [hbm4b:s1+s20], $0x80, s7, s20, $0xb8;
	[tilespmem:$0x1E800] =	vst v63  }
0x27a: {  	_ = 	snop  }
0x27b: {  	[spmem:s3] =	stream.indirect.scatter.add.f32 [tilespmem:s23], [sflag:$0x5], $0x80, s8, s20, $0xb8;
	[tilespmem:$0x1E800] =	vst v63  }
0x27c: {  	_ =	swait.ge [sflag:s17], $0x4000  }
0x27d: {  	[sflag:s17] =	ssyncset.done $0x0  }
0x27e: {  	[sflag:s17] =	ssyncadd.s32 $0xFFFFC000  }
0x27f: {  	_ =	swait.ge [sflag:s21], $0x4000  }
0x280: {  	[sflag:s21] =	ssyncset.done $0x0  }
0x281: {  	[sflag:s21] =	ssyncadd.s32 $0xFFFFC000  }
0x282: {  	[tilespmem:s23], [sflag:$0x2] =	stream.indirect.gather [hbm4b:s1+s20], $0x80, s10, s20, $0xb8;
	[tilespmem:$0x1E800] =	vst v63  }
0x283: {  	_ = 	snop  }
0x284: {  	[spmem:s3] =	stream.indirect.scatter.add.f32 [tilespmem:s16], [sflag:$0x5], $0x80, s11, s20, $0xb8;
	[tilespmem:$0x1E800] =	vst v63  }
0x285: {  	_ =	swait.ge [sflag:s17], $0x4000  }
0x286: {  	[sflag:s17] =	ssyncset.done $0x0  }
0x287: {  	[sflag:s17] =	ssyncadd.s32 $0xFFFFC000  }
0x288: {  	_ =	swait.ge [sflag:s24], $0x4000  }
0x289: {  	[sflag:s24] =	ssyncset.done $0x0  }
0x28a: {  	[sflag:s24] =	ssyncadd.s32 $0xFFFFC000  }
0x28b: {  	[tilespmem:s16], [sflag:$0x1] =	stream.indirect.gather [hbm4b:s1+s20], $0x80, s12, s20, $0xb8;
	[tilespmem:$0x1E800] =	vst v63  }
0x28c: {  	_ = 	snop  }
0x28d: {  	[spmem:s3] =	stream.indirect.scatter.add.f32 [tilespmem:s23], [sflag:$0x5], $0x80, s13, s20, $0xb8;
	[tilespmem:$0x1E800] =	vst v63  }
0x28e: {  	_ =	swait.ge [sflag:s17], $0x4000  }
0x28f: {  	[sflag:s17] =	ssyncset.done $0x0  }
0x290: {  	[sflag:s17] =	ssyncadd.s32 $0xFFFFC000  }
0x291: {  	_ =	swait.ge [sflag:s21], $0x4000  }
0x292: {  	[sflag:s21] =	ssyncset.done $0x0  }
0x293: {  	[sflag:s21] =	ssyncadd.s32 $0xFFFFC000  }
0x294: {  	[tilespmem:s23], [sflag:$0x2] =	stream.indirect.gather [hbm4b:s1+s20], $0x80, s14, s20, $0xb8;
	[tilespmem:$0x1E800] =	vst v63  }
0x295: {  	_ = 	snop  }
0x296: {  	[spmem:s3] =	stream.indirect.scatter.add.f32 [tilespmem:s16], [sflag:$0x5], $0x80, s15, s20, $0xb8;
	[tilespmem:$0x1E800] =	vst v63  }
0x297: {  	_ =	swait.ge [sflag:s17], $0x4000  }
0x298: {  	[sflag:s17] =	ssyncset.done $0x0  }
0x299: {  	[sflag:s17] =	ssyncadd.s32 $0xFFFFC000  }
0x29a: {  	_ =	swait.ge [sflag:s24], $0x4000  }
0x29b: {  	[sflag:s24] =	ssyncset.done $0x0  }
0x29c: {  	[sflag:s24] =	ssyncadd.s32 $0xFFFFC000  }
0x29d: {  	[tilespmem:s16], [sflag:$0x1] =	stream.indirect.gather [hbm4b:s1+s20], $0x80, s19, s20, $0xb8;
	[tilespmem:$0x1E800] =	vst v63  }
0x29e: {  	_ = 	snop  }
0x29f: {  	[spmem:s3] =	stream.indirect.scatter.add.f32 [tilespmem:s23], [sflag:$0x5], $0x80, s22, s20, $0xb8;
	[tilespmem:$0x1E800] =	vst v63  }
0x2a0: {  	_ =	swait.ge [sflag:s17], $0x4000  }
0x2a1: {  	[sflag:s17] =	ssyncset.done $0x0  }
0x2a2: {  	[sflag:s17] =	ssyncadd.s32 $0xFFFFC000  }
0x2a3: {  	_ =	swait.ge [sflag:s21], $0x4000  }
0x2a4: {  	[sflag:s21] =	ssyncset.done $0x0  }
0x2a5: {  	[sflag:s21] =	ssyncadd.s32 $0xFFFFC000  }
0x2a6: {  	[tilespmem:s23], [sflag:$0x2] =	stream.indirect.gather [hbm4b:s1+s20], $0x80, s25, s20, $0xb8;
	[tilespmem:$0x1E800] =	vst v63  }
0x2a7: {  	_ = 	snop  }
0x2a8: {  	[spmem:s3] =	stream.indirect.scatter.add.f32 [tilespmem:s16], [sflag:$0x5], $0x80, s28, s20, $0xb8;
	[tilespmem:$0x1E800] =	vst v63  }
0x2a9: {  	_ =	swait.ge [sflag:s17], $0x4000  }
0x2aa: {  	[sflag:s17] =	ssyncset.done $0x0  }
0x2ab: {  	[sflag:s17] =	ssyncadd.s32 $0xFFFFC000  }
0x2ac: {  	_ =	swait.ge [sflag:s24], $0x4000  }
0x2ad: {  	[sflag:s24] =	ssyncset.done $0x0  }
0x2ae: {  	[sflag:s24] =	ssyncadd.s32 $0xFFFFC000  }
0x2af: {  	[tilespmem:s16], [sflag:$0x1] =	stream.indirect.gather [hbm4b:s1+s20], $0x80, s31, s20, $0xb8;
	[tilespmem:$0x1E800] =	vst v63  }
0x2b0: {  	s2 =	simm.s32 $0x1B80  }
0x2b1: {  	[spmem:s3] =	stream.indirect.scatter.add.f32 [tilespmem:s23], [sflag:$0x5], $0x80, s2, s20, $0xb8;
	[tilespmem:$0x1E800] =	vst v63  }
0x2b2: {  	_ =	swait.ge [sflag:s17], $0x4000  }
0x2b3: {  	[sflag:s17] =	ssyncset.done $0x0  }
0x2b4: {  	[sflag:s17] =	ssyncadd.s32 $0xFFFFC000  }
0x2b5: {  	_ =	swait.ge [sflag:s21], $0x4000  }
0x2b6: {  	[sflag:s21] =	ssyncset.done $0x0  }
0x2b7: {  	s18 =	simm.s32 $0x1D00;
	[sflag:s21] =	ssyncadd.s32 $0xFFFFC000  }
0x2b8: {  	[tilespmem:s23], [sflag:$0x2] =	stream.indirect.gather [hbm4b:s1+s20], $0x80, s18, s20, $0xb8;
	[tilespmem:$0x1E800] =	vst v63  }
0x2b9: {  	s30 =	simm.s32 $0x1C80  }
0x2ba: {  	[spmem:s3] =	stream.indirect.scatter.add.f32 [tilespmem:s16], [sflag:$0x5], $0x80, s30, s20, $0xb8;
	[tilespmem:$0x1E800] =	vst v63  }
0x2bb: {  	_ =	swait.ge [sflag:s17], $0x4000  }
0x2bc: {  	[sflag:s17] =	ssyncset.done $0x0  }
0x2bd: {  	[sflag:s17] =	ssyncadd.s32 $0xFFFFC000  }
0x2be: {  	_ =	swait.ge [sflag:s24], $0x4000  }
0x2bf: {  	[sflag:s24] =	ssyncset.done $0x0  }
0x2c0: {  	s31 =	simm.s32 $0x1E00;
	[sflag:s24] =	ssyncadd.s32 $0xFFFFC000  }
0x2c1: {  	[tilespmem:s16], [sflag:$0x1] =	stream.indirect.gather [hbm4b:s1+s20], $0x80, s31, s20, $0xb8;
	[tilespmem:$0x1E800] =	vst v63  }
0x2c2: {  	s2 =	simm.s32 $0x1D80  }
0x2c3: {  	[spmem:s3] =	stream.indirect.scatter.add.f32 [tilespmem:s23], [sflag:$0x5], $0x80, s2, s20, $0xb8;
	[tilespmem:$0x1E800] =	vst v63  }
0x2c4: {  	_ =	swait.ge [sflag:s17], $0x4000  }
0x2c5: {  	[sflag:s17] =	ssyncset.done $0x0  }
0x2c6: {  	[sflag:s17] =	ssyncadd.s32 $0xFFFFC000  }
0x2c7: {  	_ =	swait.ge [sflag:s21], $0x4000  }
0x2c8: {  	[sflag:s21] =	ssyncset.done $0x0  }
0x2c9: {  	s18 =	simm.s32 $0x1F00;
	[sflag:s21] =	ssyncadd.s32 $0xFFFFC000  }
0x2ca: {  	[tilespmem:s23], [sflag:$0x2] =	stream.indirect.gather [hbm4b:s1+s20], $0x80, s18, s20, $0xb8;
	[tilespmem:$0x1E800] =	vst v63  }
0x2cb: {  	s30 =	simm.s32 $0x1E80  }
0x2cc: {  	[spmem:s3] =	stream.indirect.scatter.add.f32 [tilespmem:s16], [sflag:$0x5], $0x80, s30, s20, $0xb8;
	[tilespmem:$0x1E800] =	vst v63  }
0x2cd: {  	_ =	swait.ge [sflag:s17], $0x4000  }
0x2ce: {  	[sflag:s17] =	ssyncset.done $0x0  }
0x2cf: {  	[sflag:s17] =	ssyncadd.s32 $0xFFFFC000  }
0x2d0: {  	_ =	swait.ge [sflag:s24], $0x4000  }
0x2d1: {  	[sflag:s24] =	ssyncset.done $0x0  }
0x2d2: {  	s31 =	simm.s32 $0x2000;
	[sflag:s24] =	ssyncadd.s32 $0xFFFFC000  }
0x2d3: {  	[tilespmem:s16], [sflag:$0x1] =	stream.indirect.gather [hbm4b:s1+s20], $0x80, s31, s20, $0xb8;
	[tilespmem:$0x1E800] =	vst v63  }
0x2d4: {  	s2 =	simm.s32 $0x1F80  }
0x2d5: {  	[spmem:s3] =	stream.indirect.scatter.add.f32 [tilespmem:s23], [sflag:$0x5], $0x80, s2, s20, $0xb8;
	[tilespmem:$0x1E800] =	vst v63  }
0x2d6: {  	_ =	swait.ge [sflag:s17], $0x4000  }
0x2d7: {  	[sflag:s17] =	ssyncset.done $0x0  }
0x2d8: {  	[sflag:s17] =	ssyncadd.s32 $0xFFFFC000  }
0x2d9: {  	_ =	swait.ge [sflag:s21], $0x4000  }
0x2da: {  	[sflag:s21] =	ssyncset.done $0x0  }
0x2db: {  	s18 =	simm.s32 $0x2100;
	[sflag:s21] =	ssyncadd.s32 $0xFFFFC000  }
0x2dc: {  	[tilespmem:s23], [sflag:$0x2] =	stream.indirect.gather [hbm4b:s1+s20], $0x80, s18, s20, $0xb8;
	[tilespmem:$0x1E800] =	vst v63  }
0x2dd: {  	s30 =	simm.s32 $0x2080  }
0x2de: {  	[spmem:s3] =	stream.indirect.scatter.add.f32 [tilespmem:s16], [sflag:$0x5], $0x80, s30, s20, $0xb8;
	[tilespmem:$0x1E800] =	vst v63  }
0x2df: {  	_ =	swait.ge [sflag:s17], $0x4000  }
0x2e0: {  	[sflag:s17] =	ssyncset.done $0x0  }
0x2e1: {  	[sflag:s17] =	ssyncadd.s32 $0xFFFFC000  }
0x2e2: {  	_ =	swait.ge [sflag:s24], $0x4000  }
0x2e3: {  	[sflag:s24] =	ssyncset.done $0x0  }
0x2e4: {  	s31 =	simm.s32 $0x2200;
	[sflag:s24] =	ssyncadd.s32 $0xFFFFC000  }
0x2e5: {  	[tilespmem:s16], [sflag:$0x1] =	stream.indirect.gather [hbm4b:s1+s20], $0x80, s31, s20, $0xb8;
	[tilespmem:$0x1E800] =	vst v63  }
0x2e6: {  	s2 =	simm.s32 $0x2180  }
0x2e7: {  	[spmem:s3] =	stream.indirect.scatter.add.f32 [tilespmem:s23], [sflag:$0x5], $0x80, s2, s20, $0xb8;
	[tilespmem:$0x1E800] =	vst v63  }
0x2e8: {  	_ =	swait.ge [sflag:s17], $0x4000  }
0x2e9: {  	[sflag:s17] =	ssyncset.done $0x0  }
0x2ea: {  	[sflag:s17] =	ssyncadd.s32 $0xFFFFC000  }
0x2eb: {  	_ =	swait.ge [sflag:s21], $0x4000  }
0x2ec: {  	[sflag:s21] =	ssyncset.done $0x0  }
0x2ed: {  	s18 =	simm.s32 $0x2300;
	[sflag:s21] =	ssyncadd.s32 $0xFFFFC000  }
0x2ee: {  	[tilespmem:s23], [sflag:$0x2] =	stream.indirect.gather [hbm4b:s1+s20], $0x80, s18, s20, $0xb8;
	[tilespmem:$0x1E800] =	vst v63  }
0x2ef: {  	s30 =	simm.s32 $0x2280  }
0x2f0: {  	[spmem:s3] =	stream.indirect.scatter.add.f32 [tilespmem:s16], [sflag:$0x5], $0x80, s30, s20, $0xb8;
	[tilespmem:$0x1E800] =	vst v63  }
0x2f1: {  	_ =	swait.ge [sflag:s17], $0x4000  }
0x2f2: {  	[sflag:s17] =	ssyncset.done $0x0  }
0x2f3: {  	[sflag:s17] =	ssyncadd.s32 $0xFFFFC000  }
0x2f4: {  	_ =	swait.ge [sflag:s24], $0x4000  }
0x2f5: {  	[sflag:s24] =	ssyncset.done $0x0  }
0x2f6: {  	s31 =	simm.s32 $0x2400;
	[sflag:s24] =	ssyncadd.s32 $0xFFFFC000  }
0x2f7: {  	[tilespmem:s16], [sflag:$0x1] =	stream.indirect.gather [hbm4b:s1+s20], $0x80, s31, s20, $0xb8;
	[tilespmem:$0x1E800] =	vst v63  }
0x2f8: {  	s2 =	simm.s32 $0x2380  }
0x2f9: {  	[spmem:s3] =	stream.indirect.scatter.add.f32 [tilespmem:s23], [sflag:$0x5], $0x80, s2, s20, $0xb8;
	[tilespmem:$0x1E800] =	vst v63  }
0x2fa: {  	_ =	swait.ge [sflag:s17], $0x4000  }
0x2fb: {  	[sflag:s17] =	ssyncset.done $0x0  }
0x2fc: {  	[sflag:s17] =	ssyncadd.s32 $0xFFFFC000  }
0x2fd: {  	_ =	swait.ge [sflag:s21], $0x4000  }
0x2fe: {  	[sflag:s21] =	ssyncset.done $0x0  }
0x2ff: {  	s18 =	simm.s32 $0x2500;
	[sflag:s21] =	ssyncadd.s32 $0xFFFFC000  }
0x300: {  	[tilespmem:s23], [sflag:$0x2] =	stream.indirect.gather [hbm4b:s1+s20], $0x80, s18, s20, $0xb8;
	[tilespmem:$0x1E800] =	vst v63  }
0x301: {  	s30 =	simm.s32 $0x2480  }
0x302: {  	[spmem:s3] =	stream.indirect.scatter.add.f32 [tilespmem:s16], [sflag:$0x5], $0x80, s30, s20, $0xb8;
	[tilespmem:$0x1E800] =	vst v63  }
0x303: {  	_ =	swait.ge [sflag:s17], $0x4000  }
0x304: {  	[sflag:s17] =	ssyncset.done $0x0  }
0x305: {  	[sflag:s17] =	ssyncadd.s32 $0xFFFFC000  }
0x306: {  	_ =	swait.ge [sflag:s24], $0x4000  }
0x307: {  	[sflag:s24] =	ssyncset.done $0x0  }
0x308: {  	s31 =	simm.s32 $0x2600;
	[sflag:s24] =	ssyncadd.s32 $0xFFFFC000  }
0x309: {  	[tilespmem:s16], [sflag:$0x1] =	stream.indirect.gather [hbm4b:s1+s20], $0x80, s31, s20, $0xb8;
	[tilespmem:$0x1E800] =	vst v63  }
0x30a: {  	s2 =	simm.s32 $0x2580  }
0x30b: {  	[spmem:s3] =	stream.indirect.scatter.add.f32 [tilespmem:s23], [sflag:$0x5], $0x80, s2, s20, $0xb8;
	[tilespmem:$0x1E800] =	vst v63  }
0x30c: {  	_ =	swait.ge [sflag:s17], $0x4000  }
0x30d: {  	[sflag:s17] =	ssyncset.done $0x0  }
0x30e: {  	[sflag:s17] =	ssyncadd.s32 $0xFFFFC000  }
0x30f: {  	_ =	swait.ge [sflag:s21], $0x4000  }
0x310: {  	[sflag:s21] =	ssyncset.done $0x0  }
0x311: {  	s18 =	simm.s32 $0x2700;
	[sflag:s21] =	ssyncadd.s32 $0xFFFFC000  }
0x312: {  	[tilespmem:s23], [sflag:$0x2] =	stream.indirect.gather [hbm4b:s1+s20], $0x80, s18, s20, $0xb8;
	[tilespmem:$0x1E800] =	vst v63  }
0x313: {  	s30 =	simm.s32 $0x2680  }
0x314: {  	[spmem:s3] =	stream.indirect.scatter.add.f32 [tilespmem:s16], [sflag:$0x5], $0x80, s30, s20, $0xb8;
	[tilespmem:$0x1E800] =	vst v63  }
0x315: {  	_ =	swait.ge [sflag:s17], $0x4000  }
0x316: {  	[sflag:s17] =	ssyncset.done $0x0  }
0x317: {  	[sflag:s17] =	ssyncadd.s32 $0xFFFFC000  }
0x318: {  	_ =	swait.ge [sflag:s24], $0x4000  }
0x319: {  	[sflag:s24] =	ssyncset.done $0x0  }
0x31a: {  	s31 =	simm.s32 $0x2780;
	[sflag:s24] =	ssyncadd.s32 $0xFFFFC000  }
0x31b: {  	[spmem:s3] =	stream.indirect.scatter.add.f32 [tilespmem:s23], [sflag:$0x5], $0x80, s31, s20, $0xb8;
	[tilespmem:$0x1E800] =	vst v63  }
0x31c: {  	_ =	swait.ge [sflag:s17], $0x4000  }
0x31d: {  	[sflag:s17] =	ssyncset.done $0x0  }
0x31e: {  	s2 =	stileid.u32;
	[sflag:s17] =	ssyncadd.s32 $0xFFFFC000  }
0x31f: {  	s30 =	sshll.u32 s2, $0x6;
	[bflag:$0x0] =	sbarrier.arrive $0xFFFF  }
0x320: {  	s4 =	sshrl.u32 s4, $0x3;
	s30 =	sor.u32 $0x1C05, s30;
	s18 =	rddreg [dreg:$0xc]  }
0x321: {  	[hbm:s18], [sflag:s30] =	dma.local [spmem:s4], $0x2800  }
0x322: {  	_ =	swait.ge [sflag:s17], $0x2800  }
0x323: {  	s29 =	sadd.s32 $0x1, s29;
	s31 =	rddreg [dreg:$0xd]  }
0x324: {  	p0 =	sne.s32 s29, s31  }
.Ltmp1:
0x325: {  	_ = 	snop;
	(pc) =	sbr.rel @p0 .LBB2_1-.Ltmp1, $3  }
0x326: {  	_ =	sdelay $0x1  }
0x327: {  	[sflag:s17] =	ssyncset.done $0x0  }
0x328: {  	s9 =	simm.s32 $0x0;
	[sflag:s17] =	ssyncadd.s32 $0xFFFFD800  }
0x329: {  	_ =	sfence.sel $0x180000  }
0x32a: {  	[bflag:$0x0] =	sbarrier.arrive $0xFFFF  }
0x32b: {  	_ =	strace $0x9000004A  }
0x32c: {  	s0 =	stileid.u32;
	[bflag:$0x2] =	sbarrier.arrive $0xFFFF  }
0x32d: {  	p0 =	sne.s32 s0, $0x0;
	s0 =	rddreg [dreg:$0x3]  }
0x32e: {  	s0 =	sadd.s32 @!p0 $0x100000, s0  }
0x32f: {  	[sflag:s0] =	ssyncadd.tile.s32 @!p0 $0x1;
	_ =	shalt  }
.Lfunc_end2:
_tile_overlayer_lowered:
.L_overlay_start_2:
0x330: {  	(tag) =	ssettag $0x2  }
0x331: {  	s0 =	rddreg [dreg:$0x0];
	s2 =	stileid.u32  }
0x332: {  	s1 =	rddreg [dreg:$0x1];
	p0 =	sne.s32 s2, $0x0  }
0x333: {  	s3 =	rddreg [dreg:$0x2];
	[bflag:$0x3] =	sbarrier.arrive $0xFFFF;
	s2 =	simm.s32 @!p0 $0x1C05  }
0x334: {  	[timem:s3], [sflag:s2] =	dma.local @!p0 [hbm:s0], s1  }
0x335: {  	s0 =	simm.s32 @!p0 $0x5  }
0x336: {  	_ =	swait.ge @!p0 [sflag:s0], s1  }
0x337: {  	s1 =	ssub.s32 @!p0 $0x0, s1;
	[sflag:s0] =	ssyncset.done @!p0 $0x0  }
0x338: {  	[sflag:s0] =	ssyncadd.s32 @!p0 s1  }
0x339: {  	[bflag:$0x3] =	sbarrier.arrive $0xFFFF  }
0x33a: {  	_ =	shalt  }

// kernel: kernel.14.cloned.1.call-start
scs
__scs_entry_jumppad:
0x0: {  	(pc) =	sbr.rel $0x88, $3  }
0x1: {  	(tag) =	ssettag $0x0;
	lr =	simm.s32 $0x1  }
0x2: {  	[smem:$0x3F9B] =	sst lr;
	_ =	strace $0xD0000000  }
0x3: {  	_ = 	snop  }
0x4: {  	_ = 	snop  }
0x5: {  	_ = 	snop  }
0x6: {  	_ = 	snop  }
0x7: {  	_ = 	snop  }
__scs_overlays_trampoline_lowered:
0x8: {  	[smem:$0x3FAA] =	sst s0  }
0x9: {  	[smem:$0x3FAB] =	sst s1  }
0xa: {  	[smem:$0x3FAC] =	sst s2  }
0xb: {  	[smem:$0x3FAD] =	sst s3  }
0xc: {  	[smem:$0x3FAE] =	sst s4  }
0xd: {  	[smem:$0x3FAF] =	sst s5  }
0xe: {  	[smem:$0x3FB0] =	sst s6  }
0xf: {  	[smem:$0x3FB1] =	sst s7  }
0x10: {  	[smem:$0x3FB2] =	sst s8  }
0x11: {  	[smem:$0x3FB3] =	sst s9;
	s0 =	simm.s32 @!p0 $0x0  }
0x12: {  	s1 =	sld [smem:$0x3F99];
	s0 =	simm.s32 @p0 $0x1  }
0x13: {  	[smem:$0x3FB4] =	sst s0;
	s0 =	simm.s32 @!p1 $0x0  }
0x14: {  	s2 =	sld [smem:$0x3F98];
	s0 =	simm.s32 @p1 $0x1  }
0x15: {  	[smem:$0x3FB5] =	sst s0;
	s0 =	simm.s32 @!p2 $0x0  }
0x16: {  	s3 =	sld [smem:$0x3FDB];
	s0 =	simm.s32 @p2 $0x1  }
0x17: {  	s4 =	simm.s32 $0x1BF5;
	[smem:$0x3FB7] =	sst s0  }
0x18: {  	s0 =	sld [smem:$0x3F9A];
	_ =	swait.ge [sflag:s4], $0x0  }
0x19: {  	s7 =	sld [smem:$0x3F9B]  }
0x1a: {  	s8 =	sadd.s32 $0xFFFFE003, lr  }
0x1b: {  	s9 =	sadd.s32 $0xFFFFFEF7, lr;
	s5 =	simm.s32 $0xFFFFFFFF;
	p2 =	slt.u32 s8, $0xFFFFF086  }
0x1c: {  	p1 =	slt.u32 s9, $0xF7A;
	s5 =	simm.s32 @!p2 $0x0  }
0x1d: {  	s5 =	simm.s32 @p1 $0x1;
	p0 =	seq.s32 s7, s2  }
0x1e: {  	s7 =	smul.u32 @!p0 $0xF7A, s2;
	p2 =	seq.s32 @!p0 s5, $0x0  }
0x1f: {  	s9 =	smul.u32 $0xF7A, s1;
	s8 =	simm.s32 @!p0 $0x1BF5;
	p2 =	por !p2, p0  }
0x20: {  	[sflag:s8] =	ssyncset.s32 @!p0 $0xFFFFF086;
	s6 =	sadd.s32 @!p0 s3, s7;
	s7 =	simm.s32 @!p0 $0x108  }
0x21: {  	s3 =	sadd.s32 s3, s9;
	s6 =	sadd.s32 @!p0 $0x88, s6;
	s7 =	simm.s32 @p2 $0x1082  }
0x22: {  	[simem:s7], [sflag:s8] =	dma.local @!p0 [hbm:s6], $0xF7A  }
0x23: {  	s9 =	sor.u32 $0xD0000000, s2;
	s6 =	simm.s32 $0x108;
	_ =	swait.ge @!p0 [sflag:s8], $0x0  }
0x24: {  	s3 =	sadd.s32 $0x88, s3;
	s6 =	simm.s32 @!p1 $0x1082;
	[sflag:s4] =	ssyncset.s32 $0xFFFFF086  }
0x25: {  	[simem:s6], [sflag:s4] =	dma.local [hbm:s3], $0xF7A  }
0x26: {  	[smem:$0x3F9B] =	sst s1;
	(tag) =	ssettag s2;
	_ =	strace s9  }
0x27: {  	s1 =	sld [smem:$0x3FAB]  }
0x28: {  	s2 =	sld [smem:$0x3FAC]  }
0x29: {  	s4 =	sld [smem:$0x3FAE]  }
0x2a: {  	p0 =	seq.s32 s5, $0x0;
	s5 =	sld [smem:$0x3FAF]  }
0x2b: {  	s6 =	sld [smem:$0x3FB0]  }
0x2c: {  	s7 =	sld [smem:$0x3FB1]  }
0x2d: {  	s3 =	simm.s32 $0x108;
	s8 =	sld [smem:$0x3FB2]  }
0x2e: {  	s3 =	simm.s32 @!p0 $0x1082;
	s9 =	sld [smem:$0x3FB3]  }
0x2f: {  	lr =	sadd.s32 s0, s3;
	s0 =	sld [smem:$0x3FAA]  }
0x30: {  	s3 =	sld [smem:$0x3FAD]  }
0x31: {  	[smem:$0x3FB6] =	sst s10  }
0x32: {  	s10 =	sld [smem:$0x3FB4];
	_ =	sdelay $0x3  }
0x33: {  	p0 =	seq.s32 s10, $0x1;
	s10 =	sld [smem:$0x3FB6];
	_ =	sdelay $0x3  }
0x34: {  	[smem:$0x3FB6] =	sst s10  }
0x35: {  	s10 =	sld [smem:$0x3FB5];
	_ =	sdelay $0x3  }
0x36: {  	p1 =	seq.s32 s10, $0x1;
	s10 =	sld [smem:$0x3FB6];
	_ =	sdelay $0x3  }
0x37: {  	[smem:$0x3FB6] =	sst s10  }
0x38: {  	s10 =	sld [smem:$0x3FB7]  }
0x39: {  	_ = 	snop;
	(pc) =	sbr.ind lr, $3  }
0x3a: {  	_ = 	snop  }
0x3b: {  	_ = 	snop  }
0x3c: {  	p2 =	seq.s32 s10, $0x1;
	s10 =	sld [smem:$0x3FB6]  }
0x3d: {  	_ =	shalt  }
0x3e: {  	_ =	shalt  }
0x3f: {  	_ =	shalt  }
0x40: {  	_ =	shalt  }
0x41: {  	_ =	shalt  }
0x42: {  	_ =	shalt  }
0x43: {  	_ =	shalt  }
0x44: {  	_ =	shalt  }
0x45: {  	_ =	shalt  }
0x46: {  	_ =	shalt  }
0x47: {  	_ =	shalt  }
0x48: {  	_ =	shalt  }
0x49: {  	_ =	shalt  }
0x4a: {  	_ =	shalt  }
0x4b: {  	_ =	shalt  }
0x4c: {  	_ =	shalt  }
0x4d: {  	_ =	shalt  }
0x4e: {  	_ =	shalt  }
0x4f: {  	_ =	shalt  }
0x50: {  	_ =	shalt  }
0x51: {  	_ =	shalt  }
0x52: {  	_ =	shalt  }
0x53: {  	_ =	shalt  }
0x54: {  	_ =	shalt  }
0x55: {  	_ =	shalt  }
0x56: {  	_ =	shalt  }
0x57: {  	_ =	shalt  }
0x58: {  	_ =	shalt  }
0x59: {  	_ =	shalt  }
0x5a: {  	_ =	shalt  }
0x5b: {  	_ =	shalt  }
0x5c: {  	_ =	shalt  }
0x5d: {  	_ =	shalt  }
0x5e: {  	_ =	shalt  }
0x5f: {  	_ =	shalt  }
0x60: {  	_ =	shalt  }
0x61: {  	_ =	shalt  }
0x62: {  	_ =	shalt  }
0x63: {  	_ =	shalt  }
0x64: {  	_ =	shalt  }
0x65: {  	_ =	shalt  }
0x66: {  	_ =	shalt  }
0x67: {  	_ =	shalt  }
0x68: {  	_ =	shalt  }
0x69: {  	_ =	shalt  }
0x6a: {  	_ =	shalt  }
0x6b: {  	_ =	shalt  }
0x6c: {  	_ =	shalt  }
0x6d: {  	_ =	shalt  }
0x6e: {  	_ =	shalt  }
0x6f: {  	_ =	shalt  }
0x70: {  	_ =	shalt  }
0x71: {  	_ =	shalt  }
0x72: {  	_ =	shalt  }
0x73: {  	_ =	shalt  }
0x74: {  	_ =	shalt  }
0x75: {  	_ =	shalt  }
0x76: {  	_ =	shalt  }
0x77: {  	_ =	shalt  }
0x78: {  	_ =	shalt  }
0x79: {  	_ =	shalt  }
0x7a: {  	_ =	shalt  }
0x7b: {  	_ =	shalt  }
0x7c: {  	_ =	shalt  }
0x7d: {  	_ =	shalt  }
0x7e: {  	_ =	shalt  }
0x7f: {  	_ =	shalt  }
0x80: {  	_ =	shalt  }
0x81: {  	_ =	shalt  }
0x82: {  	_ =	shalt  }
0x83: {  	_ =	shalt  }
0x84: {  	_ =	shalt  }
0x85: {  	_ =	shalt  }
0x86: {  	_ =	shalt  }
0x87: {  	_ =	shalt  }
.Lfunc_end0:
.L_simem_size_0:
called_computation.2_lowered:
.L_overlay_start_0:
0x88: {  	s2 =	sld [smem:$0x3FD9]  }
0x89: {  	s3 =	sld [smem:$0x3FFE];
	_ =	sdelay $0x1  }
0x8a: {  	s1 =	srdreg.scid  }
0x8b: {  	s0 =	sand.u32 $0x1, s1  }
0x8c: {  	s17 =	sshll.u32 s0, $0xA;
	s2 =	sadd.s32 s3, s2  }
0x8d: {  	s2 =	sadd.s32 s2, s17  }
0x8e: {  	[smem:$0x3FC2] =	sst s2  }
0x8f: {  	_ = 	snop  }
0x90: {  	s2 =	sld [smem:$0x3FD0];
	(tm) =	ssettm $0x1  }
0x91: {  	s18 =	sld [smem:$0x3FFB];
	_ =	sdelay $0x3  }
0x92: {  	_ =	strace s18  }
0x93: {  	s3 =	sld [smem:$0x3FFC];
	_ =	sdelay $0x3  }
0x94: {  	_ =	strace s3  }
0x95: {  	s3 =	sld [smem:$0x3FFD];
	_ =	sdelay $0x3  }
0x96: {  	_ =	strace s3  }
0x97: {  	_ =	strace $0x8FFFFFFF  }
0x98: {  	s19 =	sld [smem:$0x3FDB];
	_ =	sdelay $0x1  }
0x99: {  	s4 =	simm.s32 $_scs_section_size  }
0x9a: {  	s5 =	simm.s32 $_size__tile_overlayer_lowered;
	s6 =	simm.s32 $_tile_overlayer_lowered  }
0x9b: {  	s22 =	simm.s32 $0x1BFF;
	s21 =	sshll.u32 s6, $0x1;
	s3 =	sadd.s32 s4, s19  }
0x9c: {  	s7 =	simm.s32 $0x0;
	s20 =	sshll.u32 s5, $0x1;
	s5 =	sadd.s32 s21, s3  }
0x9d: {  	[timem:s7], [sflag:s22] =	dma.local [hbm:s5], s20  }
0x9e: {  	_ =	swait.ge [sflag:s22], s20  }
0x9f: {  	s4 =	ssub.s32 $0x0, s20;
	[sflag:s22] =	ssyncset.done $0x0  }
0xa0: {  	[sflag:s22] =	ssyncadd.s32 s4;
	_ =	sdelay $0x1  }
0xa1: {  	s23 =	simm.s32 $0x1B8B  }
0xa2: {  	_ =	swait.ge [sflag:s23], $0x1  }
0xa3: {  	[sflag:s23] =	ssyncset.done $0x0  }
0xa4: {  	s25 =	simm.s32 $0x1B8E;
	s24 =	sld [smem:$0x3FFE];
	[sflag:s23] =	ssyncadd.s32 $0xFFFFFFFF  }
0xa5: {  	s26 =	simm.s32 $execute0_lowered;
	[smem:$0x3FD2] =	sst s25  }
0xa6: {  	s5 =	sshll.u32 s26, $0x1;
	_ =	strace $0x8000004C;
	[dreg:$0x1] =	wrdreg $0xFFFFFFFF  }
0xa7: {  	s28 =	simm.s32 $_size_execute0_lowered;
	s3 =	sadd.s32 s3, s5;
	[dreg:$0x0] =	wrdreg $0x0  }
0xa8: {  	s5 =	sshll.u32 s28, $0x1;
	[dreg:$0x2] =	wrdreg s3  }
0xa9: {  	[dreg:$0x3] =	wrdreg s5  }
0xaa: {  	[dreg:$0x4] =	wrdreg $0xC0  }
0xab: {  	_ =	task [dreg:s7], $0x5FFFF  }
0xac: {  	[dreg:$0x1] =	wrdreg $0xFFFFFFFF  }
0xad: {  	[dreg:$0x0] =	wrdreg $0x60  }
0xae: {  	[dreg:$0x2] =	wrdreg s2  }
0xaf: {  	[dreg:$0x3] =	wrdreg s24  }
0xb0: {  	[dreg:$0x4] =	wrdreg $0xA8000  }
0xb1: {  	[dreg:$0x5] =	wrdreg $0x9  }
0xb2: {  	_ =	task.clear_ibuf [dreg:s7], $0x6FFFF;
	_ =	strace $0x9000004C  }
0xb3: {  	s29 =	simm.s32 $0x9;
	_ =	strace $0x8000004E  }
0xb4: {  	_ =	swait.ge [sflag:s29], $0x1  }
0xb5: {  	[sflag:s29] =	ssyncadd.s32 $0xFFFFFFFF  }
0xb6: {  	_ =	strace $0x9000004E  }
0xb7: {  	_ =	sfence  }
0xb8: {  	s30 =	sld [smem:$0x0];
	_ =	sdelay $0x2  }
0xb9: {  	s31 =	sshll.u32 s1, $0xD;
	s1 =	sshrl.u32 s1, $0x2  }
0xba: {  	s3 =	sand.u32 $0x4000, s31;
	s1 =	sadd.s32 s1, s30  }
0xbb: {  	s0 =	sor.u32 s3, s0;
	s1 =	sshll.u32 s1, $0x11  }
0xbc: {  	s0 =	sor.u32 s1, s0  }
0xbd: {  	s0 =	sadd.s32 $0x8F2B, s0  }
0xbe: {  	[sflag:s0] =	ssyncadd.remote.s32 $0x1  }
0xbf: {  	_ =	sfence.sel $0xFFFF  }
0xc0: {  	[dreg:$0x0] =	wrdreg $0xFFFFFFFF;
	(pc) =	sbr.abs _section_cstart, $3  }
0xc1: {  	[dreg:$0x1] =	wrdreg $0xFFFFFFFF  }
0xc2: {  	_ =	task.clear_ibuf [dreg:s7], $0x2FFFF;
	_ =	strace $0x9FFFFFFF  }
0xc3: {  	(tm) =	ssettm $0x7FFFFFFF  }
tec
execute0_lowered:
.L_overlay_start_1:
0x0: {  	(tag) =	ssettag $0x1  }
0x1: {  	s1 =	rddreg [dreg:$0x0]  }
0x2: {  	s0 =	srdreg.scid;
	s5 =	rddreg [dreg:$0x1]  }
0x3: {  	s8 =	stileid.u32;
	s3 =	rddreg [dreg:$0x2]  }
0x4: {  	s9 =	simm.s32 $0x0;
	s16 =	simm.s32 $0x2800;
	s17 =	simm.s32 $0x5  }
0x5: {  	s29 =	simm.s32 $0x0;
	s10 =	simm.s32 $0x1700;
	s11 =	simm.s32 $0x1680  }
0x6: {  	s12 =	simm.s32 $0x1800;
	s13 =	simm.s32 $0x1780;
	s14 =	simm.s32 $0x1900  }
0x7: {  	s15 =	simm.s32 $0x1880;
	s19 =	simm.s32 $0x1A00;
	s7 =	smul.u32 $0x14000, s8  }
0x8: {  	s28 =	simm.s32 $0x1A80;
	s0 =	sand.u32 $0x1, s0;
	s20 =	smul.u32 $0x50000, s8  }
0x9: {  	[smem:$0x7FF] =	sst s9;
	s2 =	sshll.u32 s0, $0x4;
	s6 =	smul.u32 $0x140000, s0  }
0xa: {  	_ =	strace $0x8000004D;
	s0 =	ssub.s32 $0x2, s0;
	s2 =	sor.u32 s8, s2  }
0xb: {  	s21 =	sshrl.u32 s0, $0x1;
	s6 =	sadd.s32 s7, s6;
	s7 =	sshrl.u32 s20, $0x2  }
0xc: {  	s8 =	simm.s32 $0x1580;
	s0 =	ssub.s32 s0, s21;
	s4 =	sadd.s32 s7, s3  }
0xd: {  	s2 =	smul.u32 $0x5000, s2;
	s0 =	smax.u32 s0, $0x1;
	[dreg:$0xe] =	wrdreg s4  }
0xe: {  	s20 =	simm.s32 $0x80;
	s7 =	sadd.s32 $0x4000, s4;
	[dreg:$0xd] =	wrdreg s0  }
0xf: {  	s21 =	simm.s32 $0x1;
	s23 =	sadd.s32 $0x8000, s4;
	[dreg:$0x5] =	wrdreg s7  }
0x10: {  	s6 =	sshrl.u32 s6, $0x3;
	s24 =	sadd.s32 $0xC000, s4;
	[dreg:$0x6] =	wrdreg s23  }
0x11: {  	s2 =	sshrl.u32 s2, $0x3;
	s25 =	sadd.s32 $0x10000, s4;
	[dreg:$0x7] =	wrdreg s24  }
0x12: {  	s2 =	sadd.s32 s2, s5;
	s5 =	sadd.s32 s6, s5;
	[dreg:$0x8] =	wrdreg s25  }
0x13: {  	s23 =	simm.s32 $0x6800;
	s24 =	simm.s32 $0x2;
	s22 =	sadd.s32 $0x3800, s2  }
0x14: {  	s6 =	simm.s32 $0x1400;
	s26 =	sadd.s32 $0x3A80, s2;
	[dreg:$0x4] =	wrdreg s22  }
0x15: {  	s7 =	simm.s32 $0x1600;
	s30 =	sadd.s32 $0x3D00, s2;
	[dreg:$0x9] =	wrdreg s26  }
0x16: {  	s25 =	simm.s32 $0x1B00;
	s2 =	sadd.s32 $0x3F80, s2;
	[dreg:$0xa] =	wrdreg s30  }
0x17: {  	s31 =	sadd.s32 $0x17800, s5;
	s5 =	simm.s32 $0x1480;
	[dreg:$0xb] =	wrdreg s2  }
0x18: {  	v0 =	vimm.f32 $0.0e+00;
	[dreg:$0xc] =	wrdreg s31;
	s26 =	simm.s32 $0x3;
	s22 =	simm.s32 $0x1980  }
.LBB2_1:
0x19: {  	s30 =	rddreg [dreg:$0x4]  }
0x1a: {  	[tilespmem:s9], [sflag:$0x3] =	stream.linear.gather [hbm4b:s30+s9], $0x1400, $0x38;
	[tilespmem:$0x1E800] =	vst v63  }
0x1b: {  	s31 =	simm.s32 $0x200;
	s30 =	simm.s32 $0x0  }
.LBB2_2:
0x1c: {  	p0 =	sne.s32 s31, $0xFE00;
	[tilespmem:s30+$0x2870] =	vst v0  }
0x1d: {  	[tilespmem:s30+$0x2800] =	vst v0  }
0x1e: {  	[tilespmem:s30+$0x2810] =	vst v0  }
.Ltmp0:
0x1f: {  	[tilespmem:s30+$0x2820] =	vst v0;
	(pc) =	sbr.rel @p0 .LBB2_2-.Ltmp0, $4  }
0x20: {  	[tilespmem:s30+$0x2830] =	vst v0  }
0x21: {  	[tilespmem:s30+$0x2840] =	vst v0  }
0x22: {  	[tilespmem:s30+$0x2850] =	vst v0  }
0x23: {  	[tilespmem:s30+$0x2860] =	vst v0;
	s30 =	sshra.s32 s31, $0x2;
	s31 =	sadd.s32 $0x200, s31  }
0x24: {  	[tilespmem:s30+$0x2870] =	vst v0  }
0x25: {  	[tilespmem:s30+$0x2800] =	vst v0  }
0x26: {  	[tilespmem:s30+$0x2810] =	vst v0  }
0x27: {  	[tilespmem:s30+$0x2820] =	vst v0  }
0x28: {  	[tilespmem:s30+$0x2830] =	vst v0  }
0x29: {  	[tilespmem:s30+$0x2840] =	vst v0  }
0x2a: {  	[tilespmem:s30+$0x2850] =	vst v0  }
0x2b: {  	[tilespmem:s30+$0x2860] =	vst v0;
	s4 =	rddreg [dreg:$0xe]  }
0x2c: {  	[spmem:s4] =	stream.linear.scatter [tilespmem:s16], [sflag:$0x5], $0x4000, $0x38;
	[tilespmem:$0x1E800] =	vst v63  }
0x2d: {  	_ =	swait.ge [sflag:s17], $0x4000  }
0x2e: {  	[sflag:s17] =	ssyncset.done $0x0  }
0x2f: {  	s18 =	rddreg [dreg:$0x5];
	[sflag:s17] =	ssyncadd.s32 $0xFFFFC000  }
0x30: {  	[spmem:s18] =	stream.linear.scatter [tilespmem:s16], [sflag:$0x5], $0x4000, $0x38;
	[tilespmem:$0x1E800] =	vst v63  }
0x31: {  	_ =	swait.ge [sflag:s17], $0x4000  }
0x32: {  	[sflag:s17] =	ssyncset.done $0x0  }
0x33: {  	s31 =	rddreg [dreg:$0x6];
	[sflag:s17] =	ssyncadd.s32 $0xFFFFC000  }
0x34: {  	[spmem:s31] =	stream.linear.scatter [tilespmem:s16], [sflag:$0x5], $0x4000, $0x38;
	[tilespmem:$0x1E800] =	vst v63  }
0x35: {  	_ =	swait.ge [sflag:s17], $0x4000  }
0x36: {  	[sflag:s17] =	ssyncset.done $0x0  }
0x37: {  	s0 =	rddreg [dreg:$0x7];
	[sflag:s17] =	ssyncadd.s32 $0xFFFFC000  }
0x38: {  	[spmem:s0] =	stream.linear.scatter [tilespmem:s16], [sflag:$0x5], $0x4000, $0x38;
	[tilespmem:$0x1E800] =	vst v63  }
0x39: {  	_ =	swait.ge [sflag:s17], $0x4000  }
0x3a: {  	[sflag:s17] =	ssyncset.done $0x0  }
0x3b: {  	s2 =	rddreg [dreg:$0x8];
	[sflag:s17] =	ssyncadd.s32 $0xFFFFC000  }
0x3c: {  	[spmem:s2] =	stream.linear.scatter [tilespmem:s16], [sflag:$0x5], $0x4000, $0x38;
	[tilespmem:$0x1E800] =	vst v63  }
0x3d: {  	_ =	swait.ge [sflag:s17], $0x4000  }
0x3e: {  	[sflag:s17] =	ssyncset.done $0x0  }
0x3f: {  	[sflag:s17] =	ssyncadd.s32 $0xFFFFC000  }
0x40: {  	[bflag:$0x0] =	sbarrier.arrive $0xFFFF  }
0x41: {  	_ =	swait.ge [sflag:s26], $0x1400  }
0x42: {  	[sflag:s26] =	ssyncset.done $0x0  }
0x43: {  	s18 =	rddreg [dreg:$0x9];
	[sflag:s26] =	ssyncadd.s32 $0xFFFFEC00  }
0x44: {  	[tilespmem:s6], [sflag:$0x4] =	stream.linear.gather [hbm4b:s18+s9], $0x1400, $0x38;
	[tilespmem:$0x1E800] =	vst v63  }
0x45: {  	_ = 	snop  }
0x46: {  	[tilespmem:s16], [sflag:$0x1] =	stream.indirect.gather [hbm4b:s1+s20], $0x80, s9, s20, $0xb8;
	[tilespmem:$0x1E800] =	vst v63  }
0x47: {  	_ =	swait.ge [sflag:s21], $0x4000  }
0x48: {  	[sflag:s21] =	ssyncset.done $0x0  }
0x49: {  	s0 =	simm.s32 $0x100;
	[sflag:s21] =	ssyncadd.s32 $0xFFFFC000  }
0x4a: {  	[tilespmem:s23], [sflag:$0x2] =	stream.indirect.gather [hbm4b:s1+s20], $0x80, s0, s20, $0xb8;
	[tilespmem:$0x1E800] =	vst v63  }
0x4b: {  	_ = 	snop  }
0x4c: {  	[spmem:s3] =	stream.indirect.scatter.add.f32 [tilespmem:s16], [sflag:$0x5], $0x80, s20, s20, $0xb8;
	[tilespmem:$0x1E800] =	vst v63  }
0x4d: {  	_ =	swait.ge [sflag:s17], $0x4000  }
0x4e: {  	[sflag:s17] =	ssyncset.done $0x0  }
0x4f: {  	[sflag:s17] =	ssyncadd.s32 $0xFFFFC000  }
0x50: {  	_ =	swait.ge [sflag:s24], $0x4000  }
0x51: {  	[sflag:s24] =	ssyncset.done $0x0  }
0x52: {  	s31 =	simm.s32 $0x200;
	[sflag:s24] =	ssyncadd.s32 $0xFFFFC000  }
0x53: {  	[tilespmem:s16], [sflag:$0x1] =	stream.indirect.gather [hbm4b:s1+s20], $0x80, s31, s20, $0xb8;
	[tilespmem:$0x1E800] =	vst v63  }
0x54: {  	s2 =	simm.s32 $0x180  }
0x55: {  	[spmem:s3] =	stream.indirect.scatter.add.f32 [tilespmem:s23], [sflag:$0x5], $0x80, s2, s20, $0xb8;
	[tilespmem:$0x1E800] =	vst v63  }
0x56: {  	_ =	swait.ge [sflag:s17], $0x4000  }
0x57: {  	[sflag:s17] =	ssyncset.done $0x0  }
0x58: {  	[sflag:s17] =	ssyncadd.s32 $0xFFFFC000  }
0x59: {  	_ =	swait.ge [sflag:s21], $0x4000  }
0x5a: {  	[sflag:s21] =	ssyncset.done $0x0  }
0x5b: {  	s9 =	simm.s32 $0x300;
	[sflag:s21] =	ssyncadd.s32 $0xFFFFC000  }
0x5c: {  	[tilespmem:s23], [sflag:$0x2] =	stream.indirect.gather [hbm4b:s1+s20], $0x80, s9, s20, $0xb8;
	[tilespmem:$0x1E800] =	vst v63  }
0x5d: {  	s18 =	simm.s32 $0x280  }
0x5e: {  	[spmem:s3] =	stream.indirect.scatter.add.f32 [tilespmem:s16], [sflag:$0x5], $0x80, s18, s20, $0xb8;
	[tilespmem:$0x1E800] =	vst v63  }
0x5f: {  	_ =	swait.ge [sflag:s17], $0x4000  }
0x60: {  	[sflag:s17] =	ssyncset.done $0x0  }
0x61: {  	[sflag:s17] =	ssyncadd.s32 $0xFFFFC000  }
0x62: {  	_ =	swait.ge [sflag:s24], $0x4000  }
0x63: {  	[sflag:s24] =	ssyncset.done $0x0  }
0x64: {  	s30 =	simm.s32 $0x400;
	[sflag:s24] =	ssyncadd.s32 $0xFFFFC000  }
0x65: {  	[tilespmem:s16], [sflag:$0x1] =	stream.indirect.gather [hbm4b:s1+s20], $0x80, s30, s20, $0xb8;
	[tilespmem:$0x1E800] =	vst v63  }
0x66: {  	s9 =	simm.s32 $0x380  }
0x67: {  	[spmem:s3] =	stream.indirect.scatter.add.f32 [tilespmem:s23], [sflag:$0x5], $0x80, s9, s20, $0xb8;
	[tilespmem:$0x1E800] =	vst v63  }
0x68: {  	_ =	swait.ge [sflag:s17], $0x4000  }
0x69: {  	[sflag:s17] =	ssyncset.done $0x0  }
0x6a: {  	[sflag:s17] =	ssyncadd.s32 $0xFFFFC000  }
0x6b: {  	_ =	swait.ge [sflag:s21], $0x4000  }
0x6c: {  	[sflag:s21] =	ssyncset.done $0x0  }
0x6d: {  	s31 =	simm.s32 $0x500;
	[sflag:s21] =	ssyncadd.s32 $0xFFFFC000  }
0x6e: {  	[tilespmem:s23], [sflag:$0x2] =	stream.indirect.gather [hbm4b:s1+s20], $0x80, s31, s20, $0xb8;
	[tilespmem:$0x1E800] =	vst v63  }
0x6f: {  	s2 =	simm.s32 $0x480  }
0x70: {  	[spmem:s3] =	stream.indirect.scatter.add.f32 [tilespmem:s16], [sflag:$0x5], $0x80, s2, s20, $0xb8;
	[tilespmem:$0x1E800] =	vst v63  }
0x71: {  	_ =	swait.ge [sflag:s17], $0x4000  }
0x72: {  	[sflag:s17] =	ssyncset.done $0x0  }
0x73: {  	[sflag:s17] =	ssyncadd.s32 $0xFFFFC000  }
0x74: {  	_ =	swait.ge [sflag:s24], $0x4000  }
0x75: {  	[sflag:s24] =	ssyncset.done $0x0  }
0x76: {  	s30 =	simm.s32 $0x600;
	[sflag:s24] =	ssyncadd.s32 $0xFFFFC000  }
0x77: {  	[tilespmem:s16], [sflag:$0x1] =	stream.indirect.gather [hbm4b:s1+s20], $0x80, s30, s20, $0xb8;
	[tilespmem:$0x1E800] =	vst v63  }
0x78: {  	s31 =	simm.s32 $0x580  }
0x79: {  	[spmem:s3] =	stream.indirect.scatter.add.f32 [tilespmem:s23], [sflag:$0x5], $0x80, s31, s20, $0xb8;
	[tilespmem:$0x1E800] =	vst v63  }
0x7a: {  	_ =	swait.ge [sflag:s17], $0x4000  }
0x7b: {  	[sflag:s17] =	ssyncset.done $0x0  }
0x7c: {  	[sflag:s17] =	ssyncadd.s32 $0xFFFFC000  }
0x7d: {  	_ =	swait.ge [sflag:s21], $0x4000  }
0x7e: {  	[sflag:s21] =	ssyncset.done $0x0  }
0x7f: {  	s2 =	simm.s32 $0x700;
	[sflag:s21] =	ssyncadd.s32 $0xFFFFC000  }
0x80: {  	[tilespmem:s23], [sflag:$0x2] =	stream.indirect.gather [hbm4b:s1+s20], $0x80, s2, s20, $0xb8;
	[tilespmem:$0x1E800] =	vst v63  }
0x81: {  	s30 =	simm.s32 $0x680  }
0x82: {  	[spmem:s3] =	stream.indirect.scatter.add.f32 [tilespmem:s16], [sflag:$0x5], $0x80, s30, s20, $0xb8;
	[tilespmem:$0x1E800] =	vst v63  }
0x83: {  	_ =	swait.ge [sflag:s17], $0x4000  }
0x84: {  	[sflag:s17] =	ssyncset.done $0x0  }
0x85: {  	[sflag:s17] =	ssyncadd.s32 $0xFFFFC000  }
0x86: {  	_ =	swait.ge [sflag:s24], $0x4000  }
0x87: {  	[sflag:s24] =	ssyncset.done $0x0  }
0x88: {  	s31 =	simm.s32 $0x800;
	[sflag:s24] =	ssyncadd.s32 $0xFFFFC000  }
0x89: {  	[tilespmem:s16], [sflag:$0x1] =	stream.indirect.gather [hbm4b:s1+s20], $0x80, s31, s20, $0xb8;
	[tilespmem:$0x1E800] =	vst v63  }
0x8a: {  	s2 =	simm.s32 $0x780  }
0x8b: {  	[spmem:s3] =	stream.indirect.scatter.add.f32 [tilespmem:s23], [sflag:$0x5], $0x80, s2, s20, $0xb8;
	[tilespmem:$0x1E800] =	vst v63  }
0x8c: {  	_ =	swait.ge [sflag:s17], $0x4000  }
0x8d: {  	[sflag:s17] =	ssyncset.done $0x0  }
0x8e: {  	[sflag:s17] =	ssyncadd.s32 $0xFFFFC000  }
0x8f: {  	_ =	swait.ge [sflag:s21], $0x4000  }
0x90: {  	[sflag:s21] =	ssyncset.done $0x0  }
0x91: {  	s30 =	simm.s32 $0x900;
	[sflag:s21] =	ssyncadd.s32 $0xFFFFC000  }
0x92: {  	[tilespmem:s23], [sflag:$0x2] =	stream.indirect.gather [hbm4b:s1+s20], $0x80, s30, s20, $0xb8;
	[tilespmem:$0x1E800] =	vst v63  }
0x93: {  	s31 =	simm.s32 $0x880  }
0x94: {  	[spmem:s3] =	stream.indirect.scatter.add.f32 [tilespmem:s16], [sflag:$0x5], $0x80, s31, s20, $0xb8;
	[tilespmem:$0x1E800] =	vst v63  }
0x95: {  	_ =	swait.ge [sflag:s17], $0x4000  }
0x96: {  	[sflag:s17] =	ssyncset.done $0x0  }
0x97: {  	[sflag:s17] =	ssyncadd.s32 $0xFFFFC000  }
0x98: {  	_ =	swait.ge [sflag:s24], $0x4000  }
0x99: {  	[sflag:s24] =	ssyncset.done $0x0  }
0x9a: {  	s2 =	simm.s32 $0xA00;
	[sflag:s24] =	ssyncadd.s32 $0xFFFFC000  }
0x9b: {  	[tilespmem:s16], [sflag:$0x1] =	stream.indirect.gather [hbm4b:s1+s20], $0x80, s2, s20, $0xb8;
	[tilespmem:$0x1E800] =	vst v63  }
0x9c: {  	s30 =	simm.s32 $0x980  }
0x9d: {  	[spmem:s3] =	stream.indirect.scatter.add.f32 [tilespmem:s23], [sflag:$0x5], $0x80, s30, s20, $0xb8;
	[tilespmem:$0x1E800] =	vst v63  }
0x9e: {  	_ =	swait.ge [sflag:s17], $0x4000  }
0x9f: {  	[sflag:s17] =	ssyncset.done $0x0  }
0xa0: {  	[sflag:s17] =	ssyncadd.s32 $0xFFFFC000  }
0xa1: {  	_ =	swait.ge [sflag:s21], $0x4000  }
0xa2: {  	[sflag:s21] =	ssyncset.done $0x0  }
0xa3: {  	s31 =	simm.s32 $0xB00;
	[sflag:s21] =	ssyncadd.s32 $0xFFFFC000  }
0xa4: {  	[tilespmem:s23], [sflag:$0x2] =	stream.indirect.gather [hbm4b:s1+s20], $0x80, s31, s20, $0xb8;
	[tilespmem:$0x1E800] =	vst v63  }
0xa5: {  	s2 =	simm.s32 $0xA80  }
0xa6: {  	[spmem:s3] =	stream.indirect.scatter.add.f32 [tilespmem:s16], [sflag:$0x5], $0x80, s2, s20, $0xb8;
	[tilespmem:$0x1E800] =	vst v63  }
0xa7: {  	_ =	swait.ge [sflag:s17], $0x4000  }
0xa8: {  	[sflag:s17] =	ssyncset.done $0x0  }
0xa9: {  	[sflag:s17] =	ssyncadd.s32 $0xFFFFC000  }
0xaa: {  	_ =	swait.ge [sflag:s24], $0x4000  }
0xab: {  	[sflag:s24] =	ssyncset.done $0x0  }
0xac: {  	s30 =	simm.s32 $0xC00;
	[sflag:s24] =	ssyncadd.s32 $0xFFFFC000  }
0xad: {  	[tilespmem:s16], [sflag:$0x1] =	stream.indirect.gather [hbm4b:s1+s20], $0x80, s30, s20, $0xb8;
	[tilespmem:$0x1E800] =	vst v63  }
0xae: {  	s31 =	simm.s32 $0xB80  }
0xaf: {  	[spmem:s3] =	stream.indirect.scatter.add.f32 [tilespmem:s23], [sflag:$0x5], $0x80, s31, s20, $0xb8;
	[tilespmem:$0x1E800] =	vst v63  }
0xb0: {  	_ =	swait.ge [sflag:s17], $0x4000  }
0xb1: {  	[sflag:s17] =	ssyncset.done $0x0  }
0xb2: {  	[sflag:s17] =	ssyncadd.s32 $0xFFFFC000  }
0xb3: {  	_ =	swait.ge [sflag:s21], $0x4000  }
0xb4: {  	[sflag:s21] =	ssyncset.done $0x0  }
0xb5: {  	s2 =	simm.s32 $0xD00;
	[sflag:s21] =	ssyncadd.s32 $0xFFFFC000  }
0xb6: {  	[tilespmem:s23], [sflag:$0x2] =	stream.indirect.gather [hbm4b:s1+s20], $0x80, s2, s20, $0xb8;
	[tilespmem:$0x1E800] =	vst v63  }
0xb7: {  	s30 =	simm.s32 $0xC80  }
0xb8: {  	[spmem:s3] =	stream.indirect.scatter.add.f32 [tilespmem:s16], [sflag:$0x5], $0x80, s30, s20, $0xb8;
	[tilespmem:$0x1E800] =	vst v63  }
0xb9: {  	_ =	swait.ge [sflag:s17], $0x4000  }
0xba: {  	[sflag:s17] =	ssyncset.done $0x0  }
0xbb: {  	[sflag:s17] =	ssyncadd.s32 $0xFFFFC000  }
0xbc: {  	_ =	swait.ge [sflag:s24], $0x4000  }
0xbd: {  	[sflag:s24] =	ssyncset.done $0x0  }
0xbe: {  	s31 =	simm.s32 $0xE00;
	[sflag:s24] =	ssyncadd.s32 $0xFFFFC000  }
0xbf: {  	[tilespmem:s16], [sflag:$0x1] =	stream.indirect.gather [hbm4b:s1+s20], $0x80, s31, s20, $0xb8;
	[tilespmem:$0x1E800] =	vst v63  }
0xc0: {  	s2 =	simm.s32 $0xD80  }
0xc1: {  	[spmem:s3] =	stream.indirect.scatter.add.f32 [tilespmem:s23], [sflag:$0x5], $0x80, s2, s20, $0xb8;
	[tilespmem:$0x1E800] =	vst v63  }
0xc2: {  	_ =	swait.ge [sflag:s17], $0x4000  }
0xc3: {  	[sflag:s17] =	ssyncset.done $0x0  }
0xc4: {  	[sflag:s17] =	ssyncadd.s32 $0xFFFFC000  }
0xc5: {  	_ =	swait.ge [sflag:s21], $0x4000  }
0xc6: {  	[sflag:s21] =	ssyncset.done $0x0  }
0xc7: {  	s30 =	simm.s32 $0xF00;
	[sflag:s21] =	ssyncadd.s32 $0xFFFFC000  }
0xc8: {  	[tilespmem:s23], [sflag:$0x2] =	stream.indirect.gather [hbm4b:s1+s20], $0x80, s30, s20, $0xb8;
	[tilespmem:$0x1E800] =	vst v63  }
0xc9: {  	s31 =	simm.s32 $0xE80  }
0xca: {  	[spmem:s3] =	stream.indirect.scatter.add.f32 [tilespmem:s16], [sflag:$0x5], $0x80, s31, s20, $0xb8;
	[tilespmem:$0x1E800] =	vst v63  }
0xcb: {  	_ =	swait.ge [sflag:s17], $0x4000  }
0xcc: {  	[sflag:s17] =	ssyncset.done $0x0  }
0xcd: {  	[sflag:s17] =	ssyncadd.s32 $0xFFFFC000  }
0xce: {  	_ =	swait.ge [sflag:s24], $0x4000  }
0xcf: {  	[sflag:s24] =	ssyncset.done $0x0  }
0xd0: {  	s2 =	simm.s32 $0x1000;
	[sflag:s24] =	ssyncadd.s32 $0xFFFFC000  }
0xd1: {  	[tilespmem:s16], [sflag:$0x1] =	stream.indirect.gather [hbm4b:s1+s20], $0x80, s2, s20, $0xb8;
	[tilespmem:$0x1E800] =	vst v63  }
0xd2: {  	s30 =	simm.s32 $0xF80  }
0xd3: {  	[spmem:s3] =	stream.indirect.scatter.add.f32 [tilespmem:s23], [sflag:$0x5], $0x80, s30, s20, $0xb8;
	[tilespmem:$0x1E800] =	vst v63  }
0xd4: {  	_ =	swait.ge [sflag:s17], $0x4000  }
0xd5: {  	[sflag:s17] =	ssyncset.done $0x0  }
0xd6: {  	[sflag:s17] =	ssyncadd.s32 $0xFFFFC000  }
0xd7: {  	_ =	swait.ge [sflag:s21], $0x4000  }
0xd8: {  	[sflag:s21] =	ssyncset.done $0x0  }
0xd9: {  	s31 =	simm.s32 $0x1100;
	[sflag:s21] =	ssyncadd.s32 $0xFFFFC000  }
0xda: {  	[tilespmem:s23], [sflag:$0x2] =	stream.indirect.gather [hbm4b:s1+s20], $0x80, s31, s20, $0xb8;
	[tilespmem:$0x1E800] =	vst v63  }
0xdb: {  	s2 =	simm.s32 $0x1080  }
0xdc: {  	[spmem:s3] =	stream.indirect.scatter.add.f32 [tilespmem:s16], [sflag:$0x5], $0x80, s2, s20, $0xb8;
	[tilespmem:$0x1E800] =	vst v63  }
0xdd: {  	_ =	swait.ge [sflag:s17], $0x4000  }
0xde: {  	[sflag:s17] =	ssyncset.done $0x0  }
0xdf: {  	[sflag:s17] =	ssyncadd.s32 $0xFFFFC000  }
0xe0: {  	_ =	swait.ge [sflag:s24], $0x4000  }
0xe1: {  	[sflag:s24] =	ssyncset.done $0x0  }
0xe2: {  	s30 =	simm.s32 $0x1200;
	[sflag:s24] =	ssyncadd.s32 $0xFFFFC000  }
0xe3: {  	[tilespmem:s16], [sflag:$0x1] =	stream.indirect.gather [hbm4b:s1+s20], $0x80, s30, s20, $0xb8;
	[tilespmem:$0x1E800] =	vst v63  }
0xe4: {  	s31 =	simm.s32 $0x1180  }
0xe5: {  	[spmem:s3] =	stream.indirect.scatter.add.f32 [tilespmem:s23], [sflag:$0x5], $0x80, s31, s20, $0xb8;
	[tilespmem:$0x1E800] =	vst v63  }
0xe6: {  	_ =	swait.ge [sflag:s17], $0x4000  }
0xe7: {  	[sflag:s17] =	ssyncset.done $0x0  }
0xe8: {  	[sflag:s17] =	ssyncadd.s32 $0xFFFFC000  }
0xe9: {  	_ =	swait.ge [sflag:s21], $0x4000  }
0xea: {  	[sflag:s21] =	ssyncset.done $0x0  }
0xeb: {  	s2 =	simm.s32 $0x1300;
	[sflag:s21] =	ssyncadd.s32 $0xFFFFC000  }
0xec: {  	[tilespmem:s23], [sflag:$0x2] =	stream.indirect.gather [hbm4b:s1+s20], $0x80, s2, s20, $0xb8;
	[tilespmem:$0x1E800] =	vst v63  }
0xed: {  	s30 =	simm.s32 $0x1280  }
0xee: {  	[spmem:s3] =	stream.indirect.scatter.add.f32 [tilespmem:s16], [sflag:$0x5], $0x80, s30, s20, $0xb8;
	[tilespmem:$0x1E800] =	vst v63  }
0xef: {  	_ =	swait.ge [sflag:s17], $0x4000  }
0xf0: {  	[sflag:s17] =	ssyncset.done $0x0  }
0xf1: {  	[sflag:s17] =	ssyncadd.s32 $0xFFFFC000  }
0xf2: {  	_ =	swait.ge [sflag:s24], $0x4000  }
0xf3: {  	[sflag:s24] =	ssyncset.done $0x0  }
0xf4: {  	s31 =	simm.s32 $0x1380;
	[sflag:s24] =	ssyncadd.s32 $0xFFFFC000  }
0xf5: {  	[spmem:s3] =	stream.indirect.scatter.add.f32 [tilespmem:s23], [sflag:$0x5], $0x80, s31, s20, $0xb8;
	[tilespmem:$0x1E800] =	vst v63  }
0xf6: {  	_ =	swait.ge [sflag:s17], $0x4000  }
0xf7: {  	[sflag:s17] =	ssyncset.done $0x0  }
0xf8: {  	s0 =	simm.s32 $0x4;
	[sflag:s17] =	ssyncadd.s32 $0xFFFFC000  }
0xf9: {  	_ =	swait.ge [sflag:s0], $0x1400  }
0xfa: {  	[sflag:s0] =	ssyncset.done $0x0  }
0xfb: {  	s18 =	simm.s32 $0x0;
	s2 =	rddreg [dreg:$0xa];
	[sflag:s0] =	ssyncadd.s32 $0xFFFFEC00  }
0xfc: {  	[tilespmem:s18], [sflag:$0x3] =	stream.linear.gather [hbm4b:s2+s18], $0x1400, $0x38;
	[tilespmem:$0x1E800] =	vst v63  }
0xfd: {  	_ = 	snop  }
0xfe: {  	[tilespmem:s16], [sflag:$0x1] =	stream.indirect.gather [hbm4b:s1+s20], $0x80, s6, s20, $0xb8;
	[tilespmem:$0x1E800] =	vst v63  }
0xff: {  	_ =	swait.ge [sflag:s21], $0x4000  }
0x100: {  	[sflag:s21] =	ssyncset.done $0x0  }
0x101: {  	s2 =	simm.s32 $0x1500;
	[sflag:s21] =	ssyncadd.s32 $0xFFFFC000  }
0x102: {  	[tilespmem:s23], [sflag:$0x2] =	stream.indirect.gather [hbm4b:s1+s20], $0x80, s2, s20, $0xb8;
	[tilespmem:$0x1E800] =	vst v63  }
0x103: {  	_ = 	snop  }
0x104: {  	[spmem:s3] =	stream.indirect.scatter.add.f32 [tilespmem:s16], [sflag:$0x5], $0x80, s5, s20, $0xb8;
	[tilespmem:$0x1E800] =	vst v63  }
0x105: {  	_ =	swait.ge [sflag:s17], $0x4000  }
0x106: {  	[sflag:s17] =	ssyncset.done $0x0  }
0x107: {  	[sflag:s17] =	ssyncadd.s32 $0xFFFFC000  }
0x108: {  	_ =	swait.ge [sflag:s24], $0x4000  }
0x109: {  	[sflag:s24] =	ssyncset.done $0x0  }
0x10a: {  	[sflag:s24] =	ssyncadd.s32 $0xFFFFC000  }
0x10b: {  	[tilespmem:s16], [sflag:$0x1] =	stream.indirect.gather [hbm4b:s1+s20], $0x80, s7, s20, $0xb8;
	[tilespmem:$0x1E800] =	vst v63  }
0x10c: {  	_ = 	snop  }
0x10d: {  	[spmem:s3] =	stream.indirect.scatter.add.f32 [tilespmem:s23], [sflag:$0x5], $0x80, s8, s20, $0xb8;
	[tilespmem:$0x1E800] =	vst v63  }
0x10e: {  	_ =	swait.ge [sflag:s17], $0x4000  }
0x10f: {  	[sflag:s17] =	ssyncset.done $0x0  }
0x110: {  	[sflag:s17] =	ssyncadd.s32 $0xFFFFC000  }
0x111: {  	_ =	swait.ge [sflag:s21], $0x4000  }
0x112: {  	[sflag:s21] =	ssyncset.done $0x0  }
0x113: {  	[sflag:s21] =	ssyncadd.s32 $0xFFFFC000  }
0x114: {  	[tilespmem:s23], [sflag:$0x2] =	stream.indirect.gather [hbm4b:s1+s20], $0x80, s10, s20, $0xb8;
	[tilespmem:$0x1E800] =	vst v63  }
0x115: {  	_ = 	snop  }
0x116: {  	[spmem:s3] =	stream.indirect.scatter.add.f32 [tilespmem:s16], [sflag:$0x5], $0x80, s11, s20, $0xb8;
	[tilespmem:$0x1E800] =	vst v63  }
0x117: {  	_ =	swait.ge [sflag:s17], $0x4000  }
0x118: {  	[sflag:s17] =	ssyncset.done $0x0  }
0x119: {  	[sflag:s17] =	ssyncadd.s32 $0xFFFFC000  }
0x11a: {  	_ =	swait.ge [sflag:s24], $0x4000  }
0x11b: {  	[sflag:s24] =	ssyncset.done $0x0  }
0x11c: {  	[sflag:s24] =	ssyncadd.s32 $0xFFFFC000  }
0x11d: {  	[tilespmem:s16], [sflag:$0x1] =	stream.indirect.gather [hbm4b:s1+s20], $0x80, s12, s20, $0xb8;
	[tilespmem:$0x1E800] =	vst v63  }
0x11e: {  	_ = 	snop  }
0x11f: {  	[spmem:s3] =	stream.indirect.scatter.add.f32 [tilespmem:s23], [sflag:$0x5], $0x80, s13, s20, $0xb8;
	[tilespmem:$0x1E800] =	vst v63  }
0x120: {  	_ =	swait.ge [sflag:s17], $0x4000  }
0x121: {  	[sflag:s17] =	ssyncset.done $0x0  }
0x122: {  	[sflag:s17] =	ssyncadd.s32 $0xFFFFC000  }
0x123: {  	_ =	swait.ge [sflag:s21], $0x4000  }
0x124: {  	[sflag:s21] =	ssyncset.done $0x0  }
0x125: {  	[sflag:s21] =	ssyncadd.s32 $0xFFFFC000  }
0x126: {  	[tilespmem:s23], [sflag:$0x2] =	stream.indirect.gather [hbm4b:s1+s20], $0x80, s14, s20, $0xb8;
	[tilespmem:$0x1E800] =	vst v63  }
0x127: {  	_ = 	snop  }
0x128: {  	[spmem:s3] =	stream.indirect.scatter.add.f32 [tilespmem:s16], [sflag:$0x5], $0x80, s15, s20, $0xb8;
	[tilespmem:$0x1E800] =	vst v63  }
0x129: {  	_ =	swait.ge [sflag:s17], $0x4000  }
0x12a: {  	[sflag:s17] =	ssyncset.done $0x0  }
0x12b: {  	[sflag:s17] =	ssyncadd.s32 $0xFFFFC000  }
0x12c: {  	_ =	swait.ge [sflag:s24], $0x4000  }
0x12d: {  	[sflag:s24] =	ssyncset.done $0x0  }
0x12e: {  	[sflag:s24] =	ssyncadd.s32 $0xFFFFC000  }
0x12f: {  	[tilespmem:s16], [sflag:$0x1] =	stream.indirect.gather [hbm4b:s1+s20], $0x80, s19, s20, $0xb8;
	[tilespmem:$0x1E800] =	vst v63  }
0x130: {  	_ = 	snop  }
0x131: {  	[spmem:s3] =	stream.indirect.scatter.add.f32 [tilespmem:s23], [sflag:$0x5], $0x80, s22, s20, $0xb8;
	[tilespmem:$0x1E800] =	vst v63  }
0x132: {  	_ =	swait.ge [sflag:s17], $0x4000  }
0x133: {  	[sflag:s17] =	ssyncset.done $0x0  }
0x134: {  	[sflag:s17] =	ssyncadd.s32 $0xFFFFC000  }
0x135: {  	_ =	swait.ge [sflag:s21], $0x4000  }
0x136: {  	[sflag:s21] =	ssyncset.done $0x0  }
0x137: {  	[sflag:s21] =	ssyncadd.s32 $0xFFFFC000  }
0x138: {  	[tilespmem:s23], [sflag:$0x2] =	stream.indirect.gather [hbm4b:s1+s20], $0x80, s25, s20, $0xb8;
	[tilespmem:$0x1E800] =	vst v63  }
0x139: {  	_ = 	snop  }
0x13a: {  	[spmem:s3] =	stream.indirect.scatter.add.f32 [tilespmem:s16], [sflag:$0x5], $0x80, s28, s20, $0xb8;
	[tilespmem:$0x1E800] =	vst v63  }
0x13b: {  	_ =	swait.ge [sflag:s17], $0x4000  }
0x13c: {  	[sflag:s17] =	ssyncset.done $0x0  }
0x13d: {  	[sflag:s17] =	ssyncadd.s32 $0xFFFFC000  }
0x13e: {  	_ =	swait.ge [sflag:s24], $0x4000  }
0x13f: {  	[sflag:s24] =	ssyncset.done $0x0  }
0x140: {  	s31 =	simm.s32 $0x1C00;
	[sflag:s24] =	ssyncadd.s32 $0xFFFFC000  }
0x141: {  	[tilespmem:s16], [sflag:$0x1] =	stream.indirect.gather [hbm4b:s1+s20], $0x80, s31, s20, $0xb8;
	[tilespmem:$0x1E800] =	vst v63  }
0x142: {  	s30 =	simm.s32 $0x1B80  }
0x143: {  	[spmem:s3] =	stream.indirect.scatter.add.f32 [tilespmem:s23], [sflag:$0x5], $0x80, s30, s20, $0xb8;
	[tilespmem:$0x1E800] =	vst v63  }
0x144: {  	_ =	swait.ge [sflag:s17], $0x4000  }
0x145: {  	[sflag:s17] =	ssyncset.done $0x0  }
0x146: {  	[sflag:s17] =	ssyncadd.s32 $0xFFFFC000  }
0x147: {  	_ =	swait.ge [sflag:s21], $0x4000  }
0x148: {  	[sflag:s21] =	ssyncset.done $0x0  }
0x149: {  	s30 =	simm.s32 $0x1D00;
	[sflag:s21] =	ssyncadd.s32 $0xFFFFC000  }
0x14a: {  	[tilespmem:s23], [sflag:$0x2] =	stream.indirect.gather [hbm4b:s1+s20], $0x80, s30, s20, $0xb8;
	[tilespmem:$0x1E800] =	vst v63  }
0x14b: {  	s30 =	simm.s32 $0x1C80  }
0x14c: {  	[spmem:s3] =	stream.indirect.scatter.add.f32 [tilespmem:s16], [sflag:$0x5], $0x80, s30, s20, $0xb8;
	[tilespmem:$0x1E800] =	vst v63  }
0x14d: {  	_ =	swait.ge [sflag:s17], $0x4000  }
0x14e: {  	[sflag:s17] =	ssyncset.done $0x0  }
0x14f: {  	[sflag:s17] =	ssyncadd.s32 $0xFFFFC000  }
0x150: {  	_ =	swait.ge [sflag:s24], $0x4000  }
0x151: {  	[sflag:s24] =	ssyncset.done $0x0  }
0x152: {  	s30 =	simm.s32 $0x1E00;
	[sflag:s24] =	ssyncadd.s32 $0xFFFFC000  }
0x153: {  	[tilespmem:s16], [sflag:$0x1] =	stream.indirect.gather [hbm4b:s1+s20], $0x80, s30, s20, $0xb8;
	[tilespmem:$0x1E800] =	vst v63  }
0x154: {  	s30 =	simm.s32 $0x1D80  }
0x155: {  	[spmem:s3] =	stream.indirect.scatter.add.f32 [tilespmem:s23], [sflag:$0x5], $0x80, s30, s20, $0xb8;
	[tilespmem:$0x1E800] =	vst v63  }
0x156: {  	_ =	swait.ge [sflag:s17], $0x4000  }
0x157: {  	[sflag:s17] =	ssyncset.done $0x0  }
0x158: {  	[sflag:s17] =	ssyncadd.s32 $0xFFFFC000  }
0x159: {  	_ =	swait.ge [sflag:s21], $0x4000  }
0x15a: {  	[sflag:s21] =	ssyncset.done $0x0  }
0x15b: {  	s30 =	simm.s32 $0x1F00;
	[sflag:s21] =	ssyncadd.s32 $0xFFFFC000  }
0x15c: {  	[tilespmem:s23], [sflag:$0x2] =	stream.indirect.gather [hbm4b:s1+s20], $0x80, s30, s20, $0xb8;
	[tilespmem:$0x1E800] =	vst v63  }
0x15d: {  	s30 =	simm.s32 $0x1E80  }
0x15e: {  	[spmem:s3] =	stream.indirect.scatter.add.f32 [tilespmem:s16], [sflag:$0x5], $0x80, s30, s20, $0xb8;
	[tilespmem:$0x1E800] =	vst v63  }
0x15f: {  	_ =	swait.ge [sflag:s17], $0x4000  }
0x160: {  	[sflag:s17] =	ssyncset.done $0x0  }
0x161: {  	[sflag:s17] =	ssyncadd.s32 $0xFFFFC000  }
0x162: {  	_ =	swait.ge [sflag:s24], $0x4000  }
0x163: {  	[sflag:s24] =	ssyncset.done $0x0  }
0x164: {  	s30 =	simm.s32 $0x2000;
	[sflag:s24] =	ssyncadd.s32 $0xFFFFC000  }
0x165: {  	[tilespmem:s16], [sflag:$0x1] =	stream.indirect.gather [hbm4b:s1+s20], $0x80, s30, s20, $0xb8;
	[tilespmem:$0x1E800] =	vst v63  }
0x166: {  	s30 =	simm.s32 $0x1F80  }
0x167: {  	[spmem:s3] =	stream.indirect.scatter.add.f32 [tilespmem:s23], [sflag:$0x5], $0x80, s30, s20, $0xb8;
	[tilespmem:$0x1E800] =	vst v63  }
0x168: {  	_ =	swait.ge [sflag:s17], $0x4000  }
0x169: {  	[sflag:s17] =	ssyncset.done $0x0  }
0x16a: {  	[sflag:s17] =	ssyncadd.s32 $0xFFFFC000  }
0x16b: {  	_ =	swait.ge [sflag:s21], $0x4000  }
0x16c: {  	[sflag:s21] =	ssyncset.done $0x0  }
0x16d: {  	s30 =	simm.s32 $0x2100;
	[sflag:s21] =	ssyncadd.s32 $0xFFFFC000  }
0x16e: {  	[tilespmem:s23], [sflag:$0x2] =	stream.indirect.gather [hbm4b:s1+s20], $0x80, s30, s20, $0xb8;
	[tilespmem:$0x1E800] =	vst v63  }
0x16f: {  	s30 =	simm.s32 $0x2080  }
0x170: {  	[spmem:s3] =	stream.indirect.scatter.add.f32 [tilespmem:s16], [sflag:$0x5], $0x80, s30, s20, $0xb8;
	[tilespmem:$0x1E800] =	vst v63  }
0x171: {  	_ =	swait.ge [sflag:s17], $0x4000  }
0x172: {  	[sflag:s17] =	ssyncset.done $0x0  }
0x173: {  	[sflag:s17] =	ssyncadd.s32 $0xFFFFC000  }
0x174: {  	_ =	swait.ge [sflag:s24], $0x4000  }
0x175: {  	[sflag:s24] =	ssyncset.done $0x0  }
0x176: {  	s30 =	simm.s32 $0x2200;
	[sflag:s24] =	ssyncadd.s32 $0xFFFFC000  }
0x177: {  	[tilespmem:s16], [sflag:$0x1] =	stream.indirect.gather [hbm4b:s1+s20], $0x80, s30, s20, $0xb8;
	[tilespmem:$0x1E800] =	vst v63  }
0x178: {  	s30 =	simm.s32 $0x2180  }
0x179: {  	[spmem:s3] =	stream.indirect.scatter.add.f32 [tilespmem:s23], [sflag:$0x5], $0x80, s30, s20, $0xb8;
	[tilespmem:$0x1E800] =	vst v63  }
0x17a: {  	_ =	swait.ge [sflag:s17], $0x4000  }
0x17b: {  	[sflag:s17] =	ssyncset.done $0x0  }
0x17c: {  	[sflag:s17] =	ssyncadd.s32 $0xFFFFC000  }
0x17d: {  	_ =	swait.ge [sflag:s21], $0x4000  }
0x17e: {  	[sflag:s21] =	ssyncset.done $0x0  }
0x17f: {  	s30 =	simm.s32 $0x2300;
	[sflag:s21] =	ssyncadd.s32 $0xFFFFC000  }
0x180: {  	[tilespmem:s23], [sflag:$0x2] =	stream.indirect.gather [hbm4b:s1+s20], $0x80, s30, s20, $0xb8;
	[tilespmem:$0x1E800] =	vst v63  }
0x181: {  	s30 =	simm.s32 $0x2280  }
0x182: {  	[spmem:s3] =	stream.indirect.scatter.add.f32 [tilespmem:s16], [sflag:$0x5], $0x80, s30, s20, $0xb8;
	[tilespmem:$0x1E800] =	vst v63  }
0x183: {  	_ =	swait.ge [sflag:s17], $0x4000  }
0x184: {  	[sflag:s17] =	ssyncset.done $0x0  }
0x185: {  	[sflag:s17] =	ssyncadd.s32 $0xFFFFC000  }
0x186: {  	_ =	swait.ge [sflag:s24], $0x4000  }
0x187: {  	[sflag:s24] =	ssyncset.done $0x0  }
0x188: {  	s30 =	simm.s32 $0x2400;
	[sflag:s24] =	ssyncadd.s32 $0xFFFFC000  }
0x189: {  	[tilespmem:s16], [sflag:$0x1] =	stream.indirect.gather [hbm4b:s1+s20], $0x80, s30, s20, $0xb8;
	[tilespmem:$0x1E800] =	vst v63  }
0x18a: {  	s30 =	simm.s32 $0x2380  }
0x18b: {  	[spmem:s3] =	stream.indirect.scatter.add.f32 [tilespmem:s23], [sflag:$0x5], $0x80, s30, s20, $0xb8;
	[tilespmem:$0x1E800] =	vst v63  }
0x18c: {  	_ =	swait.ge [sflag:s17], $0x4000  }
0x18d: {  	[sflag:s17] =	ssyncset.done $0x0  }
0x18e: {  	[sflag:s17] =	ssyncadd.s32 $0xFFFFC000  }
0x18f: {  	_ =	swait.ge [sflag:s21], $0x4000  }
0x190: {  	[sflag:s21] =	ssyncset.done $0x0  }
0x191: {  	s30 =	simm.s32 $0x2500;
	[sflag:s21] =	ssyncadd.s32 $0xFFFFC000  }
0x192: {  	[tilespmem:s23], [sflag:$0x2] =	stream.indirect.gather [hbm4b:s1+s20], $0x80, s30, s20, $0xb8;
	[tilespmem:$0x1E800] =	vst v63  }
0x193: {  	s30 =	simm.s32 $0x2480  }
0x194: {  	[spmem:s3] =	stream.indirect.scatter.add.f32 [tilespmem:s16], [sflag:$0x5], $0x80, s30, s20, $0xb8;
	[tilespmem:$0x1E800] =	vst v63  }
0x195: {  	_ =	swait.ge [sflag:s17], $0x4000  }
0x196: {  	[sflag:s17] =	ssyncset.done $0x0  }
0x197: {  	[sflag:s17] =	ssyncadd.s32 $0xFFFFC000  }
0x198: {  	_ =	swait.ge [sflag:s24], $0x4000  }
0x199: {  	[sflag:s24] =	ssyncset.done $0x0  }
0x19a: {  	s30 =	simm.s32 $0x2600;
	[sflag:s24] =	ssyncadd.s32 $0xFFFFC000  }
0x19b: {  	[tilespmem:s16], [sflag:$0x1] =	stream.indirect.gather [hbm4b:s1+s20], $0x80, s30, s20, $0xb8;
	[tilespmem:$0x1E800] =	vst v63  }
0x19c: {  	s30 =	simm.s32 $0x2580  }
0x19d: {  	[spmem:s3] =	stream.indirect.scatter.add.f32 [tilespmem:s23], [sflag:$0x5], $0x80, s30, s20, $0xb8;
	[tilespmem:$0x1E800] =	vst v63  }
0x19e: {  	_ =	swait.ge [sflag:s17], $0x4000  }
0x19f: {  	[sflag:s17] =	ssyncset.done $0x0  }
0x1a0: {  	[sflag:s17] =	ssyncadd.s32 $0xFFFFC000  }
0x1a1: {  	_ =	swait.ge [sflag:s21], $0x4000  }
0x1a2: {  	[sflag:s21] =	ssyncset.done $0x0  }
0x1a3: {  	s30 =	simm.s32 $0x2700;
	[sflag:s21] =	ssyncadd.s32 $0xFFFFC000  }
0x1a4: {  	[tilespmem:s23], [sflag:$0x2] =	stream.indirect.gather [hbm4b:s1+s20], $0x80, s30, s20, $0xb8;
	[tilespmem:$0x1E800] =	vst v63  }
0x1a5: {  	s30 =	simm.s32 $0x2680  }
0x1a6: {  	[spmem:s3] =	stream.indirect.scatter.add.f32 [tilespmem:s16], [sflag:$0x5], $0x80, s30, s20, $0xb8;
	[tilespmem:$0x1E800] =	vst v63  }
0x1a7: {  	_ =	swait.ge [sflag:s17], $0x4000  }
0x1a8: {  	[sflag:s17] =	ssyncset.done $0x0  }
0x1a9: {  	[sflag:s17] =	ssyncadd.s32 $0xFFFFC000  }
0x1aa: {  	_ =	swait.ge [sflag:s24], $0x4000  }
0x1ab: {  	[sflag:s24] =	ssyncset.done $0x0  }
0x1ac: {  	s30 =	simm.s32 $0x2780;
	[sflag:s24] =	ssyncadd.s32 $0xFFFFC000  }
0x1ad: {  	[spmem:s3] =	stream.indirect.scatter.add.f32 [tilespmem:s23], [sflag:$0x5], $0x80, s30, s20, $0xb8;
	[tilespmem:$0x1E800] =	vst v63  }
0x1ae: {  	_ =	swait.ge [sflag:s17], $0x4000  }
0x1af: {  	[sflag:s17] =	ssyncset.done $0x0  }
0x1b0: {  	[sflag:s17] =	ssyncadd.s32 $0xFFFFC000  }
0x1b1: {  	_ =	swait.ge [sflag:s26], $0x1400  }
0x1b2: {  	[sflag:s26] =	ssyncset.done $0x0  }
0x1b3: {  	s30 =	rddreg [dreg:$0xb];
	[sflag:s26] =	ssyncadd.s32 $0xFFFFEC00  }
0x1b4: {  	[tilespmem:s6], [sflag:$0x4] =	stream.linear.gather [hbm4b:s30+s18], $0x1400, $0x38;
	[tilespmem:$0x1E800] =	vst v63  }
0x1b5: {  	_ = 	snop  }
0x1b6: {  	[tilespmem:s16], [sflag:$0x1] =	stream.indirect.gather [hbm4b:s1+s20], $0x80, s18, s20, $0xb8;
	[tilespmem:$0x1E800] =	vst v63  }
0x1b7: {  	_ =	swait.ge [sflag:s21], $0x4000  }
0x1b8: {  	[sflag:s21] =	ssyncset.done $0x0  }
0x1b9: {  	s30 =	simm.s32 $0x100;
	[sflag:s21] =	ssyncadd.s32 $0xFFFFC000  }
0x1ba: {  	[tilespmem:s23], [sflag:$0x2] =	stream.indirect.gather [hbm4b:s1+s20], $0x80, s30, s20, $0xb8;
	[tilespmem:$0x1E800] =	vst v63  }
0x1bb: {  	_ = 	snop  }
0x1bc: {  	[spmem:s3] =	stream.indirect.scatter.add.f32 [tilespmem:s16], [sflag:$0x5], $0x80, s20, s20, $0xb8;
	[tilespmem:$0x1E800] =	vst v63  }
0x1bd: {  	_ =	swait.ge [sflag:s17], $0x4000  }
0x1be: {  	[sflag:s17] =	ssyncset.done $0x0  }
0x1bf: {  	[sflag:s17] =	ssyncadd.s32 $0xFFFFC000  }
0x1c0: {  	_ =	swait.ge [sflag:s24], $0x4000  }
0x1c1: {  	[sflag:s24] =	ssyncset.done $0x0  }
0x1c2: {  	s30 =	simm.s32 $0x200;
	[sflag:s24] =	ssyncadd.s32 $0xFFFFC000  }
0x1c3: {  	[tilespmem:s16], [sflag:$0x1] =	stream.indirect.gather [hbm4b:s1+s20], $0x80, s30, s20, $0xb8;
	[tilespmem:$0x1E800] =	vst v63  }
0x1c4: {  	s30 =	simm.s32 $0x180  }
0x1c5: {  	[spmem:s3] =	stream.indirect.scatter.add.f32 [tilespmem:s23], [sflag:$0x5], $0x80, s30, s20, $0xb8;
	[tilespmem:$0x1E800] =	vst v63  }
0x1c6: {  	_ =	swait.ge [sflag:s17], $0x4000  }
0x1c7: {  	[sflag:s17] =	ssyncset.done $0x0  }
0x1c8: {  	[sflag:s17] =	ssyncadd.s32 $0xFFFFC000  }
0x1c9: {  	_ =	swait.ge [sflag:s21], $0x4000  }
0x1ca: {  	[sflag:s21] =	ssyncset.done $0x0  }
0x1cb: {  	s30 =	simm.s32 $0x300;
	[sflag:s21] =	ssyncadd.s32 $0xFFFFC000  }
0x1cc: {  	[tilespmem:s23], [sflag:$0x2] =	stream.indirect.gather [hbm4b:s1+s20], $0x80, s30, s20, $0xb8;
	[tilespmem:$0x1E800] =	vst v63  }
0x1cd: {  	s30 =	simm.s32 $0x280  }
0x1ce: {  	[spmem:s3] =	stream.indirect.scatter.add.f32 [tilespmem:s16], [sflag:$0x5], $0x80, s30, s20, $0xb8;
	[tilespmem:$0x1E800] =	vst v63  }
0x1cf: {  	_ =	swait.ge [sflag:s17], $0x4000  }
0x1d0: {  	[sflag:s17] =	ssyncset.done $0x0  }
0x1d1: {  	[sflag:s17] =	ssyncadd.s32 $0xFFFFC000  }
0x1d2: {  	_ =	swait.ge [sflag:s24], $0x4000  }
0x1d3: {  	[sflag:s24] =	ssyncset.done $0x0  }
0x1d4: {  	s30 =	simm.s32 $0x400;
	[sflag:s24] =	ssyncadd.s32 $0xFFFFC000  }
0x1d5: {  	[tilespmem:s16], [sflag:$0x1] =	stream.indirect.gather [hbm4b:s1+s20], $0x80, s30, s20, $0xb8;
	[tilespmem:$0x1E800] =	vst v63  }
0x1d6: {  	_ = 	snop  }
0x1d7: {  	[spmem:s3] =	stream.indirect.scatter.add.f32 [tilespmem:s23], [sflag:$0x5], $0x80, s9, s20, $0xb8;
	[tilespmem:$0x1E800] =	vst v63  }
0x1d8: {  	_ =	swait.ge [sflag:s17], $0x4000  }
0x1d9: {  	[sflag:s17] =	ssyncset.done $0x0  }
0x1da: {  	[sflag:s17] =	ssyncadd.s32 $0xFFFFC000  }
0x1db: {  	_ =	swait.ge [sflag:s21], $0x4000  }
0x1dc: {  	[sflag:s21] =	ssyncset.done $0x0  }
0x1dd: {  	s30 =	simm.s32 $0x500;
	[sflag:s21] =	ssyncadd.s32 $0xFFFFC000  }
0x1de: {  	[tilespmem:s23], [sflag:$0x2] =	stream.indirect.gather [hbm4b:s1+s20], $0x80, s30, s20, $0xb8;
	[tilespmem:$0x1E800] =	vst v63  }
0x1df: {  	s30 =	simm.s32 $0x480  }
0x1e0: {  	[spmem:s3] =	stream.indirect.scatter.add.f32 [tilespmem:s16], [sflag:$0x5], $0x80, s30, s20, $0xb8;
	[tilespmem:$0x1E800] =	vst v63  }
0x1e1: {  	_ =	swait.ge [sflag:s17], $0x4000  }
0x1e2: {  	[sflag:s17] =	ssyncset.done $0x0  }
0x1e3: {  	[sflag:s17] =	ssyncadd.s32 $0xFFFFC000  }
0x1e4: {  	_ =	swait.ge [sflag:s24], $0x4000  }
0x1e5: {  	[sflag:s24] =	ssyncset.done $0x0  }
0x1e6: {  	s30 =	simm.s32 $0x600;
	[sflag:s24] =	ssyncadd.s32 $0xFFFFC000  }
0x1e7: {  	[tilespmem:s16], [sflag:$0x1] =	stream.indirect.gather [hbm4b:s1+s20], $0x80, s30, s20, $0xb8;
	[tilespmem:$0x1E800] =	vst v63  }
0x1e8: {  	s30 =	simm.s32 $0x580  }
0x1e9: {  	[spmem:s3] =	stream.indirect.scatter.add.f32 [tilespmem:s23], [sflag:$0x5], $0x80, s30, s20, $0xb8;
	[tilespmem:$0x1E800] =	vst v63  }
0x1ea: {  	_ =	swait.ge [sflag:s17], $0x4000  }
0x1eb: {  	[sflag:s17] =	ssyncset.done $0x0  }
0x1ec: {  	[sflag:s17] =	ssyncadd.s32 $0xFFFFC000  }
0x1ed: {  	_ =	swait.ge [sflag:s21], $0x4000  }
0x1ee: {  	[sflag:s21] =	ssyncset.done $0x0  }
0x1ef: {  	s30 =	simm.s32 $0x700;
	[sflag:s21] =	ssyncadd.s32 $0xFFFFC000  }
0x1f0: {  	[tilespmem:s23], [sflag:$0x2] =	stream.indirect.gather [hbm4b:s1+s20], $0x80, s30, s20, $0xb8;
	[tilespmem:$0x1E800] =	vst v63  }
0x1f1: {  	s30 =	simm.s32 $0x680  }
0x1f2: {  	[spmem:s3] =	stream.indirect.scatter.add.f32 [tilespmem:s16], [sflag:$0x5], $0x80, s30, s20, $0xb8;
	[tilespmem:$0x1E800] =	vst v63  }
0x1f3: {  	_ =	swait.ge [sflag:s17], $0x4000  }
0x1f4: {  	[sflag:s17] =	ssyncset.done $0x0  }
0x1f5: {  	[sflag:s17] =	ssyncadd.s32 $0xFFFFC000  }
0x1f6: {  	_ =	swait.ge [sflag:s24], $0x4000  }
0x1f7: {  	[sflag:s24] =	ssyncset.done $0x0  }
0x1f8: {  	s30 =	simm.s32 $0x800;
	[sflag:s24] =	ssyncadd.s32 $0xFFFFC000  }
0x1f9: {  	[tilespmem:s16], [sflag:$0x1] =	stream.indirect.gather [hbm4b:s1+s20], $0x80, s30, s20, $0xb8;
	[tilespmem:$0x1E800] =	vst v63  }
0x1fa: {  	s30 =	simm.s32 $0x780  }
0x1fb: {  	[spmem:s3] =	stream.indirect.scatter.add.f32 [tilespmem:s23], [sflag:$0x5], $0x80, s30, s20, $0xb8;
	[tilespmem:$0x1E800] =	vst v63  }
0x1fc: {  	_ =	swait.ge [sflag:s17], $0x4000  }
0x1fd: {  	[sflag:s17] =	ssyncset.done $0x0  }
0x1fe: {  	[sflag:s17] =	ssyncadd.s32 $0xFFFFC000  }
0x1ff: {  	_ =	swait.ge [sflag:s21], $0x4000  }
0x200: {  	[sflag:s21] =	ssyncset.done $0x0  }
0x201: {  	s30 =	simm.s32 $0x900;
	[sflag:s21] =	ssyncadd.s32 $0xFFFFC000  }
0x202: {  	[tilespmem:s23], [sflag:$0x2] =	stream.indirect.gather [hbm4b:s1+s20], $0x80, s30, s20, $0xb8;
	[tilespmem:$0x1E800] =	vst v63  }
0x203: {  	s30 =	simm.s32 $0x880  }
0x204: {  	[spmem:s3] =	stream.indirect.scatter.add.f32 [tilespmem:s16], [sflag:$0x5], $0x80, s30, s20, $0xb8;
	[tilespmem:$0x1E800] =	vst v63  }
0x205: {  	_ =	swait.ge [sflag:s17], $0x4000  }
0x206: {  	[sflag:s17] =	ssyncset.done $0x0  }
0x207: {  	[sflag:s17] =	ssyncadd.s32 $0xFFFFC000  }
0x208: {  	_ =	swait.ge [sflag:s24], $0x4000  }
0x209: {  	[sflag:s24] =	ssyncset.done $0x0  }
0x20a: {  	s30 =	simm.s32 $0xA00;
	[sflag:s24] =	ssyncadd.s32 $0xFFFFC000  }
0x20b: {  	[tilespmem:s16], [sflag:$0x1] =	stream.indirect.gather [hbm4b:s1+s20], $0x80, s30, s20, $0xb8;
	[tilespmem:$0x1E800] =	vst v63  }
0x20c: {  	s30 =	simm.s32 $0x980  }
0x20d: {  	[spmem:s3] =	stream.indirect.scatter.add.f32 [tilespmem:s23], [sflag:$0x5], $0x80, s30, s20, $0xb8;
	[tilespmem:$0x1E800] =	vst v63  }
0x20e: {  	_ =	swait.ge [sflag:s17], $0x4000  }
0x20f: {  	[sflag:s17] =	ssyncset.done $0x0  }
0x210: {  	[sflag:s17] =	ssyncadd.s32 $0xFFFFC000  }
0x211: {  	_ =	swait.ge [sflag:s21], $0x4000  }
0x212: {  	[sflag:s21] =	ssyncset.done $0x0  }
0x213: {  	s30 =	simm.s32 $0xB00;
	[sflag:s21] =	ssyncadd.s32 $0xFFFFC000  }
0x214: {  	[tilespmem:s23], [sflag:$0x2] =	stream.indirect.gather [hbm4b:s1+s20], $0x80, s30, s20, $0xb8;
	[tilespmem:$0x1E800] =	vst v63  }
0x215: {  	s30 =	simm.s32 $0xA80  }
0x216: {  	[spmem:s3] =	stream.indirect.scatter.add.f32 [tilespmem:s16], [sflag:$0x5], $0x80, s30, s20, $0xb8;
	[tilespmem:$0x1E800] =	vst v63  }
0x217: {  	_ =	swait.ge [sflag:s17], $0x4000  }
0x218: {  	[sflag:s17] =	ssyncset.done $0x0  }
0x219: {  	[sflag:s17] =	ssyncadd.s32 $0xFFFFC000  }
0x21a: {  	_ =	swait.ge [sflag:s24], $0x4000  }
0x21b: {  	[sflag:s24] =	ssyncset.done $0x0  }
0x21c: {  	s30 =	simm.s32 $0xC00;
	[sflag:s24] =	ssyncadd.s32 $0xFFFFC000  }
0x21d: {  	[tilespmem:s16], [sflag:$0x1] =	stream.indirect.gather [hbm4b:s1+s20], $0x80, s30, s20, $0xb8;
	[tilespmem:$0x1E800] =	vst v63  }
0x21e: {  	s30 =	simm.s32 $0xB80  }
0x21f: {  	[spmem:s3] =	stream.indirect.scatter.add.f32 [tilespmem:s23], [sflag:$0x5], $0x80, s30, s20, $0xb8;
	[tilespmem:$0x1E800] =	vst v63  }
0x220: {  	_ =	swait.ge [sflag:s17], $0x4000  }
0x221: {  	[sflag:s17] =	ssyncset.done $0x0  }
0x222: {  	[sflag:s17] =	ssyncadd.s32 $0xFFFFC000  }
0x223: {  	_ =	swait.ge [sflag:s21], $0x4000  }
0x224: {  	[sflag:s21] =	ssyncset.done $0x0  }
0x225: {  	s30 =	simm.s32 $0xD00;
	[sflag:s21] =	ssyncadd.s32 $0xFFFFC000  }
0x226: {  	[tilespmem:s23], [sflag:$0x2] =	stream.indirect.gather [hbm4b:s1+s20], $0x80, s30, s20, $0xb8;
	[tilespmem:$0x1E800] =	vst v63  }
0x227: {  	s30 =	simm.s32 $0xC80  }
0x228: {  	[spmem:s3] =	stream.indirect.scatter.add.f32 [tilespmem:s16], [sflag:$0x5], $0x80, s30, s20, $0xb8;
	[tilespmem:$0x1E800] =	vst v63  }
0x229: {  	_ =	swait.ge [sflag:s17], $0x4000  }
0x22a: {  	[sflag:s17] =	ssyncset.done $0x0  }
0x22b: {  	[sflag:s17] =	ssyncadd.s32 $0xFFFFC000  }
0x22c: {  	_ =	swait.ge [sflag:s24], $0x4000  }
0x22d: {  	[sflag:s24] =	ssyncset.done $0x0  }
0x22e: {  	s30 =	simm.s32 $0xE00;
	[sflag:s24] =	ssyncadd.s32 $0xFFFFC000  }
0x22f: {  	[tilespmem:s16], [sflag:$0x1] =	stream.indirect.gather [hbm4b:s1+s20], $0x80, s30, s20, $0xb8;
	[tilespmem:$0x1E800] =	vst v63  }
0x230: {  	s30 =	simm.s32 $0xD80  }
0x231: {  	[spmem:s3] =	stream.indirect.scatter.add.f32 [tilespmem:s23], [sflag:$0x5], $0x80, s30, s20, $0xb8;
	[tilespmem:$0x1E800] =	vst v63  }
0x232: {  	_ =	swait.ge [sflag:s17], $0x4000  }
0x233: {  	[sflag:s17] =	ssyncset.done $0x0  }
0x234: {  	[sflag:s17] =	ssyncadd.s32 $0xFFFFC000  }
0x235: {  	_ =	swait.ge [sflag:s21], $0x4000  }
0x236: {  	[sflag:s21] =	ssyncset.done $0x0  }
0x237: {  	s30 =	simm.s32 $0xF00;
	[sflag:s21] =	ssyncadd.s32 $0xFFFFC000  }
0x238: {  	[tilespmem:s23], [sflag:$0x2] =	stream.indirect.gather [hbm4b:s1+s20], $0x80, s30, s20, $0xb8;
	[tilespmem:$0x1E800] =	vst v63  }
0x239: {  	s30 =	simm.s32 $0xE80  }
0x23a: {  	[spmem:s3] =	stream.indirect.scatter.add.f32 [tilespmem:s16], [sflag:$0x5], $0x80, s30, s20, $0xb8;
	[tilespmem:$0x1E800] =	vst v63  }
0x23b: {  	_ =	swait.ge [sflag:s17], $0x4000  }
0x23c: {  	[sflag:s17] =	ssyncset.done $0x0  }
0x23d: {  	[sflag:s17] =	ssyncadd.s32 $0xFFFFC000  }
0x23e: {  	_ =	swait.ge [sflag:s24], $0x4000  }
0x23f: {  	[sflag:s24] =	ssyncset.done $0x0  }
0x240: {  	s30 =	simm.s32 $0x1000;
	[sflag:s24] =	ssyncadd.s32 $0xFFFFC000  }
0x241: {  	[tilespmem:s16], [sflag:$0x1] =	stream.indirect.gather [hbm4b:s1+s20], $0x80, s30, s20, $0xb8;
	[tilespmem:$0x1E800] =	vst v63  }
0x242: {  	s30 =	simm.s32 $0xF80  }
0x243: {  	[spmem:s3] =	stream.indirect.scatter.add.f32 [tilespmem:s23], [sflag:$0x5], $0x80, s30, s20, $0xb8;
	[tilespmem:$0x1E800] =	vst v63  }
0x244: {  	_ =	swait.ge [sflag:s17], $0x4000  }
0x245: {  	[sflag:s17] =	ssyncset.done $0x0  }
0x246: {  	[sflag:s17] =	ssyncadd.s32 $0xFFFFC000  }
0x247: {  	_ =	swait.ge [sflag:s21], $0x4000  }
0x248: {  	[sflag:s21] =	ssyncset.done $0x0  }
0x249: {  	s30 =	simm.s32 $0x1100;
	[sflag:s21] =	ssyncadd.s32 $0xFFFFC000  }
0x24a: {  	[tilespmem:s23], [sflag:$0x2] =	stream.indirect.gather [hbm4b:s1+s20], $0x80, s30, s20, $0xb8;
	[tilespmem:$0x1E800] =	vst v63  }
0x24b: {  	s30 =	simm.s32 $0x1080  }
0x24c: {  	[spmem:s3] =	stream.indirect.scatter.add.f32 [tilespmem:s16], [sflag:$0x5], $0x80, s30, s20, $0xb8;
	[tilespmem:$0x1E800] =	vst v63  }
0x24d: {  	_ =	swait.ge [sflag:s17], $0x4000  }
0x24e: {  	[sflag:s17] =	ssyncset.done $0x0  }
0x24f: {  	[sflag:s17] =	ssyncadd.s32 $0xFFFFC000  }
0x250: {  	_ =	swait.ge [sflag:s24], $0x4000  }
0x251: {  	[sflag:s24] =	ssyncset.done $0x0  }
0x252: {  	s30 =	simm.s32 $0x1200;
	[sflag:s24] =	ssyncadd.s32 $0xFFFFC000  }
0x253: {  	[tilespmem:s16], [sflag:$0x1] =	stream.indirect.gather [hbm4b:s1+s20], $0x80, s30, s20, $0xb8;
	[tilespmem:$0x1E800] =	vst v63  }
0x254: {  	s30 =	simm.s32 $0x1180  }
0x255: {  	[spmem:s3] =	stream.indirect.scatter.add.f32 [tilespmem:s23], [sflag:$0x5], $0x80, s30, s20, $0xb8;
	[tilespmem:$0x1E800] =	vst v63  }
0x256: {  	_ =	swait.ge [sflag:s17], $0x4000  }
0x257: {  	[sflag:s17] =	ssyncset.done $0x0  }
0x258: {  	[sflag:s17] =	ssyncadd.s32 $0xFFFFC000  }
0x259: {  	_ =	swait.ge [sflag:s21], $0x4000  }
0x25a: {  	[sflag:s21] =	ssyncset.done $0x0  }
0x25b: {  	s30 =	simm.s32 $0x1300;
	[sflag:s21] =	ssyncadd.s32 $0xFFFFC000  }
0x25c: {  	[tilespmem:s23], [sflag:$0x2] =	stream.indirect.gather [hbm4b:s1+s20], $0x80, s30, s20, $0xb8;
	[tilespmem:$0x1E800] =	vst v63  }
0x25d: {  	s30 =	simm.s32 $0x1280  }
0x25e: {  	[spmem:s3] =	stream.indirect.scatter.add.f32 [tilespmem:s16], [sflag:$0x5], $0x80, s30, s20, $0xb8;
	[tilespmem:$0x1E800] =	vst v63  }
0x25f: {  	_ =	swait.ge [sflag:s17], $0x4000  }
0x260: {  	[sflag:s17] =	ssyncset.done $0x0  }
0x261: {  	[sflag:s17] =	ssyncadd.s32 $0xFFFFC000  }
0x262: {  	_ =	swait.ge [sflag:s24], $0x4000  }
0x263: {  	[sflag:s24] =	ssyncset.done $0x0  }
0x264: {  	s30 =	simm.s32 $0x1380;
	[sflag:s24] =	ssyncadd.s32 $0xFFFFC000  }
0x265: {  	[spmem:s3] =	stream.indirect.scatter.add.f32 [tilespmem:s23], [sflag:$0x5], $0x80, s30, s20, $0xb8;
	[tilespmem:$0x1E800] =	vst v63  }
0x266: {  	_ =	swait.ge [sflag:s17], $0x4000  }
0x267: {  	[sflag:s17] =	ssyncset.done $0x0  }
0x268: {  	[sflag:s17] =	ssyncadd.s32 $0xFFFFC000  }
0x269: {  	_ =	swait.ge [sflag:s0], $0x1400  }
0x26a: {  	[sflag:s0] =	ssyncset.done $0x0  }
0x26b: {  	[sflag:s0] =	ssyncadd.s32 $0xFFFFEC00  }
0x26c: {  	[tilespmem:s16], [sflag:$0x1] =	stream.indirect.gather [hbm4b:s1+s20], $0x80, s6, s20, $0xb8;
	[tilespmem:$0x1E800] =	vst v63  }
0x26d: {  	_ =	swait.ge [sflag:s21], $0x4000  }
0x26e: {  	[sflag:s21] =	ssyncset.done $0x0  }
0x26f: {  	[sflag:s21] =	ssyncadd.s32 $0xFFFFC000  }
0x270: {  	[tilespmem:s23], [sflag:$0x2] =	stream.indirect.gather [hbm4b:s1+s20], $0x80, s2, s20, $0xb8;
	[tilespmem:$0x1E800] =	vst v63  }
0x271: {  	_ = 	snop  }
0x272: {  	[spmem:s3] =	stream.indirect.scatter.add.f32 [tilespmem:s16], [sflag:$0x5], $0x80, s5, s20, $0xb8;
	[tilespmem:$0x1E800] =	vst v63  }
0x273: {  	_ =	swait.ge [sflag:s17], $0x4000  }
0x274: {  	[sflag:s17] =	ssyncset.done $0x0  }
0x275: {  	[sflag:s17] =	ssyncadd.s32 $0xFFFFC000  }
0x276: {  	_ =	swait.ge [sflag:s24], $0x4000  }
0x277: {  	[sflag:s24] =	ssyncset.done $0x0  }
0x278: {  	[sflag:s24] =	ssyncadd.s32 $0xFFFFC000  }
0x279: {  	[tilespmem:s16], [sflag:$0x1] =	stream.indirect.gather [hbm4b:s1+s20], $0x80, s7, s20, $0xb8;
	[tilespmem:$0x1E800] =	vst v63  }
0x27a: {  	_ = 	snop  }
0x27b: {  	[spmem:s3] =	stream.indirect.scatter.add.f32 [tilespmem:s23], [sflag:$0x5], $0x80, s8, s20, $0xb8;
	[tilespmem:$0x1E800] =	vst v63  }
0x27c: {  	_ =	swait.ge [sflag:s17], $0x4000  }
0x27d: {  	[sflag:s17] =	ssyncset.done $0x0  }
0x27e: {  	[sflag:s17] =	ssyncadd.s32 $0xFFFFC000  }
0x27f: {  	_ =	swait.ge [sflag:s21], $0x4000  }
0x280: {  	[sflag:s21] =	ssyncset.done $0x0  }
0x281: {  	[sflag:s21] =	ssyncadd.s32 $0xFFFFC000  }
0x282: {  	[tilespmem:s23], [sflag:$0x2] =	stream.indirect.gather [hbm4b:s1+s20], $0x80, s10, s20, $0xb8;
	[tilespmem:$0x1E800] =	vst v63  }
0x283: {  	_ = 	snop  }
0x284: {  	[spmem:s3] =	stream.indirect.scatter.add.f32 [tilespmem:s16], [sflag:$0x5], $0x80, s11, s20, $0xb8;
	[tilespmem:$0x1E800] =	vst v63  }
0x285: {  	_ =	swait.ge [sflag:s17], $0x4000  }
0x286: {  	[sflag:s17] =	ssyncset.done $0x0  }
0x287: {  	[sflag:s17] =	ssyncadd.s32 $0xFFFFC000  }
0x288: {  	_ =	swait.ge [sflag:s24], $0x4000  }
0x289: {  	[sflag:s24] =	ssyncset.done $0x0  }
0x28a: {  	[sflag:s24] =	ssyncadd.s32 $0xFFFFC000  }
0x28b: {  	[tilespmem:s16], [sflag:$0x1] =	stream.indirect.gather [hbm4b:s1+s20], $0x80, s12, s20, $0xb8;
	[tilespmem:$0x1E800] =	vst v63  }
0x28c: {  	_ = 	snop  }
0x28d: {  	[spmem:s3] =	stream.indirect.scatter.add.f32 [tilespmem:s23], [sflag:$0x5], $0x80, s13, s20, $0xb8;
	[tilespmem:$0x1E800] =	vst v63  }
0x28e: {  	_ =	swait.ge [sflag:s17], $0x4000  }
0x28f: {  	[sflag:s17] =	ssyncset.done $0x0  }
0x290: {  	[sflag:s17] =	ssyncadd.s32 $0xFFFFC000  }
0x291: {  	_ =	swait.ge [sflag:s21], $0x4000  }
0x292: {  	[sflag:s21] =	ssyncset.done $0x0  }
0x293: {  	[sflag:s21] =	ssyncadd.s32 $0xFFFFC000  }
0x294: {  	[tilespmem:s23], [sflag:$0x2] =	stream.indirect.gather [hbm4b:s1+s20], $0x80, s14, s20, $0xb8;
	[tilespmem:$0x1E800] =	vst v63  }
0x295: {  	_ = 	snop  }
0x296: {  	[spmem:s3] =	stream.indirect.scatter.add.f32 [tilespmem:s16], [sflag:$0x5], $0x80, s15, s20, $0xb8;
	[tilespmem:$0x1E800] =	vst v63  }
0x297: {  	_ =	swait.ge [sflag:s17], $0x4000  }
0x298: {  	[sflag:s17] =	ssyncset.done $0x0  }
0x299: {  	[sflag:s17] =	ssyncadd.s32 $0xFFFFC000  }
0x29a: {  	_ =	swait.ge [sflag:s24], $0x4000  }
0x29b: {  	[sflag:s24] =	ssyncset.done $0x0  }
0x29c: {  	[sflag:s24] =	ssyncadd.s32 $0xFFFFC000  }
0x29d: {  	[tilespmem:s16], [sflag:$0x1] =	stream.indirect.gather [hbm4b:s1+s20], $0x80, s19, s20, $0xb8;
	[tilespmem:$0x1E800] =	vst v63  }
0x29e: {  	_ = 	snop  }
0x29f: {  	[spmem:s3] =	stream.indirect.scatter.add.f32 [tilespmem:s23], [sflag:$0x5], $0x80, s22, s20, $0xb8;
	[tilespmem:$0x1E800] =	vst v63  }
0x2a0: {  	_ =	swait.ge [sflag:s17], $0x4000  }
0x2a1: {  	[sflag:s17] =	ssyncset.done $0x0  }
0x2a2: {  	[sflag:s17] =	ssyncadd.s32 $0xFFFFC000  }
0x2a3: {  	_ =	swait.ge [sflag:s21], $0x4000  }
0x2a4: {  	[sflag:s21] =	ssyncset.done $0x0  }
0x2a5: {  	[sflag:s21] =	ssyncadd.s32 $0xFFFFC000  }
0x2a6: {  	[tilespmem:s23], [sflag:$0x2] =	stream.indirect.gather [hbm4b:s1+s20], $0x80, s25, s20, $0xb8;
	[tilespmem:$0x1E800] =	vst v63  }
0x2a7: {  	_ = 	snop  }
0x2a8: {  	[spmem:s3] =	stream.indirect.scatter.add.f32 [tilespmem:s16], [sflag:$0x5], $0x80, s28, s20, $0xb8;
	[tilespmem:$0x1E800] =	vst v63  }
0x2a9: {  	_ =	swait.ge [sflag:s17], $0x4000  }
0x2aa: {  	[sflag:s17] =	ssyncset.done $0x0  }
0x2ab: {  	[sflag:s17] =	ssyncadd.s32 $0xFFFFC000  }
0x2ac: {  	_ =	swait.ge [sflag:s24], $0x4000  }
0x2ad: {  	[sflag:s24] =	ssyncset.done $0x0  }
0x2ae: {  	[sflag:s24] =	ssyncadd.s32 $0xFFFFC000  }
0x2af: {  	[tilespmem:s16], [sflag:$0x1] =	stream.indirect.gather [hbm4b:s1+s20], $0x80, s31, s20, $0xb8;
	[tilespmem:$0x1E800] =	vst v63  }
0x2b0: {  	s2 =	simm.s32 $0x1B80  }
0x2b1: {  	[spmem:s3] =	stream.indirect.scatter.add.f32 [tilespmem:s23], [sflag:$0x5], $0x80, s2, s20, $0xb8;
	[tilespmem:$0x1E800] =	vst v63  }
0x2b2: {  	_ =	swait.ge [sflag:s17], $0x4000  }
0x2b3: {  	[sflag:s17] =	ssyncset.done $0x0  }
0x2b4: {  	[sflag:s17] =	ssyncadd.s32 $0xFFFFC000  }
0x2b5: {  	_ =	swait.ge [sflag:s21], $0x4000  }
0x2b6: {  	[sflag:s21] =	ssyncset.done $0x0  }
0x2b7: {  	s18 =	simm.s32 $0x1D00;
	[sflag:s21] =	ssyncadd.s32 $0xFFFFC000  }
0x2b8: {  	[tilespmem:s23], [sflag:$0x2] =	stream.indirect.gather [hbm4b:s1+s20], $0x80, s18, s20, $0xb8;
	[tilespmem:$0x1E800] =	vst v63  }
0x2b9: {  	s30 =	simm.s32 $0x1C80  }
0x2ba: {  	[spmem:s3] =	stream.indirect.scatter.add.f32 [tilespmem:s16], [sflag:$0x5], $0x80, s30, s20, $0xb8;
	[tilespmem:$0x1E800] =	vst v63  }
0x2bb: {  	_ =	swait.ge [sflag:s17], $0x4000  }
0x2bc: {  	[sflag:s17] =	ssyncset.done $0x0  }
0x2bd: {  	[sflag:s17] =	ssyncadd.s32 $0xFFFFC000  }
0x2be: {  	_ =	swait.ge [sflag:s24], $0x4000  }
0x2bf: {  	[sflag:s24] =	ssyncset.done $0x0  }
0x2c0: {  	s31 =	simm.s32 $0x1E00;
	[sflag:s24] =	ssyncadd.s32 $0xFFFFC000  }
0x2c1: {  	[tilespmem:s16], [sflag:$0x1] =	stream.indirect.gather [hbm4b:s1+s20], $0x80, s31, s20, $0xb8;
	[tilespmem:$0x1E800] =	vst v63  }
0x2c2: {  	s2 =	simm.s32 $0x1D80  }
0x2c3: {  	[spmem:s3] =	stream.indirect.scatter.add.f32 [tilespmem:s23], [sflag:$0x5], $0x80, s2, s20, $0xb8;
	[tilespmem:$0x1E800] =	vst v63  }
0x2c4: {  	_ =	swait.ge [sflag:s17], $0x4000  }
0x2c5: {  	[sflag:s17] =	ssyncset.done $0x0  }
0x2c6: {  	[sflag:s17] =	ssyncadd.s32 $0xFFFFC000  }
0x2c7: {  	_ =	swait.ge [sflag:s21], $0x4000  }
0x2c8: {  	[sflag:s21] =	ssyncset.done $0x0  }
0x2c9: {  	s18 =	simm.s32 $0x1F00;
	[sflag:s21] =	ssyncadd.s32 $0xFFFFC000  }
0x2ca: {  	[tilespmem:s23], [sflag:$0x2] =	stream.indirect.gather [hbm4b:s1+s20], $0x80, s18, s20, $0xb8;
	[tilespmem:$0x1E800] =	vst v63  }
0x2cb: {  	s30 =	simm.s32 $0x1E80  }
0x2cc: {  	[spmem:s3] =	stream.indirect.scatter.add.f32 [tilespmem:s16], [sflag:$0x5], $0x80, s30, s20, $0xb8;
	[tilespmem:$0x1E800] =	vst v63  }
0x2cd: {  	_ =	swait.ge [sflag:s17], $0x4000  }
0x2ce: {  	[sflag:s17] =	ssyncset.done $0x0  }
0x2cf: {  	[sflag:s17] =	ssyncadd.s32 $0xFFFFC000  }
0x2d0: {  	_ =	swait.ge [sflag:s24], $0x4000  }
0x2d1: {  	[sflag:s24] =	ssyncset.done $0x0  }
0x2d2: {  	s31 =	simm.s32 $0x2000;
	[sflag:s24] =	ssyncadd.s32 $0xFFFFC000  }
0x2d3: {  	[tilespmem:s16], [sflag:$0x1] =	stream.indirect.gather [hbm4b:s1+s20], $0x80, s31, s20, $0xb8;
	[tilespmem:$0x1E800] =	vst v63  }
0x2d4: {  	s2 =	simm.s32 $0x1F80  }
0x2d5: {  	[spmem:s3] =	stream.indirect.scatter.add.f32 [tilespmem:s23], [sflag:$0x5], $0x80, s2, s20, $0xb8;
	[tilespmem:$0x1E800] =	vst v63  }
0x2d6: {  	_ =	swait.ge [sflag:s17], $0x4000  }
0x2d7: {  	[sflag:s17] =	ssyncset.done $0x0  }
0x2d8: {  	[sflag:s17] =	ssyncadd.s32 $0xFFFFC000  }
0x2d9: {  	_ =	swait.ge [sflag:s21], $0x4000  }
0x2da: {  	[sflag:s21] =	ssyncset.done $0x0  }
0x2db: {  	s18 =	simm.s32 $0x2100;
	[sflag:s21] =	ssyncadd.s32 $0xFFFFC000  }
0x2dc: {  	[tilespmem:s23], [sflag:$0x2] =	stream.indirect.gather [hbm4b:s1+s20], $0x80, s18, s20, $0xb8;
	[tilespmem:$0x1E800] =	vst v63  }
0x2dd: {  	s30 =	simm.s32 $0x2080  }
0x2de: {  	[spmem:s3] =	stream.indirect.scatter.add.f32 [tilespmem:s16], [sflag:$0x5], $0x80, s30, s20, $0xb8;
	[tilespmem:$0x1E800] =	vst v63  }
0x2df: {  	_ =	swait.ge [sflag:s17], $0x4000  }
0x2e0: {  	[sflag:s17] =	ssyncset.done $0x0  }
0x2e1: {  	[sflag:s17] =	ssyncadd.s32 $0xFFFFC000  }
0x2e2: {  	_ =	swait.ge [sflag:s24], $0x4000  }
0x2e3: {  	[sflag:s24] =	ssyncset.done $0x0  }
0x2e4: {  	s31 =	simm.s32 $0x2200;
	[sflag:s24] =	ssyncadd.s32 $0xFFFFC000  }
0x2e5: {  	[tilespmem:s16], [sflag:$0x1] =	stream.indirect.gather [hbm4b:s1+s20], $0x80, s31, s20, $0xb8;
	[tilespmem:$0x1E800] =	vst v63  }
0x2e6: {  	s2 =	simm.s32 $0x2180  }
0x2e7: {  	[spmem:s3] =	stream.indirect.scatter.add.f32 [tilespmem:s23], [sflag:$0x5], $0x80, s2, s20, $0xb8;
	[tilespmem:$0x1E800] =	vst v63  }
0x2e8: {  	_ =	swait.ge [sflag:s17], $0x4000  }
0x2e9: {  	[sflag:s17] =	ssyncset.done $0x0  }
0x2ea: {  	[sflag:s17] =	ssyncadd.s32 $0xFFFFC000  }
0x2eb: {  	_ =	swait.ge [sflag:s21], $0x4000  }
0x2ec: {  	[sflag:s21] =	ssyncset.done $0x0  }
0x2ed: {  	s18 =	simm.s32 $0x2300;
	[sflag:s21] =	ssyncadd.s32 $0xFFFFC000  }
0x2ee: {  	[tilespmem:s23], [sflag:$0x2] =	stream.indirect.gather [hbm4b:s1+s20], $0x80, s18, s20, $0xb8;
	[tilespmem:$0x1E800] =	vst v63  }
0x2ef: {  	s30 =	simm.s32 $0x2280  }
0x2f0: {  	[spmem:s3] =	stream.indirect.scatter.add.f32 [tilespmem:s16], [sflag:$0x5], $0x80, s30, s20, $0xb8;
	[tilespmem:$0x1E800] =	vst v63  }
0x2f1: {  	_ =	swait.ge [sflag:s17], $0x4000  }
0x2f2: {  	[sflag:s17] =	ssyncset.done $0x0  }
0x2f3: {  	[sflag:s17] =	ssyncadd.s32 $0xFFFFC000  }
0x2f4: {  	_ =	swait.ge [sflag:s24], $0x4000  }
0x2f5: {  	[sflag:s24] =	ssyncset.done $0x0  }
0x2f6: {  	s31 =	simm.s32 $0x2400;
	[sflag:s24] =	ssyncadd.s32 $0xFFFFC000  }
0x2f7: {  	[tilespmem:s16], [sflag:$0x1] =	stream.indirect.gather [hbm4b:s1+s20], $0x80, s31, s20, $0xb8;
	[tilespmem:$0x1E800] =	vst v63  }
0x2f8: {  	s2 =	simm.s32 $0x2380  }
0x2f9: {  	[spmem:s3] =	stream.indirect.scatter.add.f32 [tilespmem:s23], [sflag:$0x5], $0x80, s2, s20, $0xb8;
	[tilespmem:$0x1E800] =	vst v63  }
0x2fa: {  	_ =	swait.ge [sflag:s17], $0x4000  }
0x2fb: {  	[sflag:s17] =	ssyncset.done $0x0  }
0x2fc: {  	[sflag:s17] =	ssyncadd.s32 $0xFFFFC000  }
0x2fd: {  	_ =	swait.ge [sflag:s21], $0x4000  }
0x2fe: {  	[sflag:s21] =	ssyncset.done $0x0  }
0x2ff: {  	s18 =	simm.s32 $0x2500;
	[sflag:s21] =	ssyncadd.s32 $0xFFFFC000  }
0x300: {  	[tilespmem:s23], [sflag:$0x2] =	stream.indirect.gather [hbm4b:s1+s20], $0x80, s18, s20, $0xb8;
	[tilespmem:$0x1E800] =	vst v63  }
0x301: {  	s30 =	simm.s32 $0x2480  }
0x302: {  	[spmem:s3] =	stream.indirect.scatter.add.f32 [tilespmem:s16], [sflag:$0x5], $0x80, s30, s20, $0xb8;
	[tilespmem:$0x1E800] =	vst v63  }
0x303: {  	_ =	swait.ge [sflag:s17], $0x4000  }
0x304: {  	[sflag:s17] =	ssyncset.done $0x0  }
0x305: {  	[sflag:s17] =	ssyncadd.s32 $0xFFFFC000  }
0x306: {  	_ =	swait.ge [sflag:s24], $0x4000  }
0x307: {  	[sflag:s24] =	ssyncset.done $0x0  }
0x308: {  	s31 =	simm.s32 $0x2600;
	[sflag:s24] =	ssyncadd.s32 $0xFFFFC000  }
0x309: {  	[tilespmem:s16], [sflag:$0x1] =	stream.indirect.gather [hbm4b:s1+s20], $0x80, s31, s20, $0xb8;
	[tilespmem:$0x1E800] =	vst v63  }
0x30a: {  	s2 =	simm.s32 $0x2580  }
0x30b: {  	[spmem:s3] =	stream.indirect.scatter.add.f32 [tilespmem:s23], [sflag:$0x5], $0x80, s2, s20, $0xb8;
	[tilespmem:$0x1E800] =	vst v63  }
0x30c: {  	_ =	swait.ge [sflag:s17], $0x4000  }
0x30d: {  	[sflag:s17] =	ssyncset.done $0x0  }
0x30e: {  	[sflag:s17] =	ssyncadd.s32 $0xFFFFC000  }
0x30f: {  	_ =	swait.ge [sflag:s21], $0x4000  }
0x310: {  	[sflag:s21] =	ssyncset.done $0x0  }
0x311: {  	s18 =	simm.s32 $0x2700;
	[sflag:s21] =	ssyncadd.s32 $0xFFFFC000  }
0x312: {  	[tilespmem:s23], [sflag:$0x2] =	stream.indirect.gather [hbm4b:s1+s20], $0x80, s18, s20, $0xb8;
	[tilespmem:$0x1E800] =	vst v63  }
0x313: {  	s30 =	simm.s32 $0x2680  }
0x314: {  	[spmem:s3] =	stream.indirect.scatter.add.f32 [tilespmem:s16], [sflag:$0x5], $0x80, s30, s20, $0xb8;
	[tilespmem:$0x1E800] =	vst v63  }
0x315: {  	_ =	swait.ge [sflag:s17], $0x4000  }
0x316: {  	[sflag:s17] =	ssyncset.done $0x0  }
0x317: {  	[sflag:s17] =	ssyncadd.s32 $0xFFFFC000  }
0x318: {  	_ =	swait.ge [sflag:s24], $0x4000  }
0x319: {  	[sflag:s24] =	ssyncset.done $0x0  }
0x31a: {  	s31 =	simm.s32 $0x2780;
	[sflag:s24] =	ssyncadd.s32 $0xFFFFC000  }
0x31b: {  	[spmem:s3] =	stream.indirect.scatter.add.f32 [tilespmem:s23], [sflag:$0x5], $0x80, s31, s20, $0xb8;
	[tilespmem:$0x1E800] =	vst v63  }
0x31c: {  	_ =	swait.ge [sflag:s17], $0x4000  }
0x31d: {  	[sflag:s17] =	ssyncset.done $0x0  }
0x31e: {  	s2 =	stileid.u32;
	[sflag:s17] =	ssyncadd.s32 $0xFFFFC000  }
0x31f: {  	s30 =	sshll.u32 s2, $0x6;
	[bflag:$0x0] =	sbarrier.arrive $0xFFFF  }
0x320: {  	s4 =	sshrl.u32 s4, $0x3;
	s30 =	sor.u32 $0x1C05, s30;
	s18 =	rddreg [dreg:$0xc]  }
0x321: {  	[hbm:s18], [sflag:s30] =	dma.local [spmem:s4], $0x2800  }
0x322: {  	_ =	swait.ge [sflag:s17], $0x2800  }
0x323: {  	s29 =	sadd.s32 $0x1, s29;
	s31 =	rddreg [dreg:$0xd]  }
0x324: {  	p0 =	sne.s32 s29, s31  }
.Ltmp1:
0x325: {  	_ = 	snop;
	(pc) =	sbr.rel @p0 .LBB2_1-.Ltmp1, $3  }
0x326: {  	_ =	sdelay $0x1  }
0x327: {  	[sflag:s17] =	ssyncset.done $0x0  }
0x328: {  	s9 =	simm.s32 $0x0;
	[sflag:s17] =	ssyncadd.s32 $0xFFFFD800  }
0x329: {  	_ =	sfence.sel $0x180000  }
0x32a: {  	[bflag:$0x0] =	sbarrier.arrive $0xFFFF  }
0x32b: {  	_ =	strace $0x9000004D  }
0x32c: {  	s0 =	stileid.u32;
	[bflag:$0x2] =	sbarrier.arrive $0xFFFF  }
0x32d: {  	p0 =	sne.s32 s0, $0x0;
	s0 =	rddreg [dreg:$0x3]  }
0x32e: {  	s0 =	sadd.s32 @!p0 $0x100000, s0  }
0x32f: {  	[sflag:s0] =	ssyncadd.tile.s32 @!p0 $0x1;
	_ =	shalt  }
.Lfunc_end2:
_tile_overlayer_lowered:
.L_overlay_start_2:
0x330: {  	(tag) =	ssettag $0x2  }
0x331: {  	s0 =	rddreg [dreg:$0x0];
	s2 =	stileid.u32  }
0x332: {  	s1 =	rddreg [dreg:$0x1];
	p0 =	sne.s32 s2, $0x0  }
0x333: {  	s3 =	rddreg [dreg:$0x2];
	[bflag:$0x3] =	sbarrier.arrive $0xFFFF;
	s2 =	simm.s32 @!p0 $0x1C05  }
0x334: {  	[timem:s3], [sflag:s2] =	dma.local @!p0 [hbm:s0], s1  }
0x335: {  	s0 =	simm.s32 @!p0 $0x5  }
0x336: {  	_ =	swait.ge @!p0 [sflag:s0], s1  }
0x337: {  	s1 =	ssub.s32 @!p0 $0x0, s1;
	[sflag:s0] =	ssyncset.done @!p0 $0x0  }
0x338: {  	[sflag:s0] =	ssyncadd.s32 @!p0 s1  }
0x339: {  	[bflag:$0x3] =	sbarrier.arrive $0xFFFF  }
0x33a: {  	_ =	shalt  }

// kernel: kernel.8.cloned.1.call-start
scs
__scs_entry_jumppad:
0x0: {  	(pc) =	sbr.rel $0x88, $3  }
0x1: {  	(tag) =	ssettag $0x0;
	lr =	simm.s32 $0x1  }
0x2: {  	[smem:$0x3F9B] =	sst lr;
	_ =	strace $0xD0000000  }
0x3: {  	_ = 	snop  }
0x4: {  	_ = 	snop  }
0x5: {  	_ = 	snop  }
0x6: {  	_ = 	snop  }
0x7: {  	_ = 	snop  }
__scs_overlays_trampoline_lowered:
0x8: {  	[smem:$0x3FAA] =	sst s0  }
0x9: {  	[smem:$0x3FAB] =	sst s1  }
0xa: {  	[smem:$0x3FAC] =	sst s2  }
0xb: {  	[smem:$0x3FAD] =	sst s3  }
0xc: {  	[smem:$0x3FAE] =	sst s4  }
0xd: {  	[smem:$0x3FAF] =	sst s5  }
0xe: {  	[smem:$0x3FB0] =	sst s6  }
0xf: {  	[smem:$0x3FB1] =	sst s7  }
0x10: {  	[smem:$0x3FB2] =	sst s8  }
0x11: {  	[smem:$0x3FB3] =	sst s9;
	s0 =	simm.s32 @!p0 $0x0  }
0x12: {  	s1 =	sld [smem:$0x3F99];
	s0 =	simm.s32 @p0 $0x1  }
0x13: {  	[smem:$0x3FB4] =	sst s0;
	s0 =	simm.s32 @!p1 $0x0  }
0x14: {  	s2 =	sld [smem:$0x3F98];
	s0 =	simm.s32 @p1 $0x1  }
0x15: {  	[smem:$0x3FB5] =	sst s0;
	s0 =	simm.s32 @!p2 $0x0  }
0x16: {  	s3 =	sld [smem:$0x3FDB];
	s0 =	simm.s32 @p2 $0x1  }
0x17: {  	s4 =	simm.s32 $0x1BF5;
	[smem:$0x3FB7] =	sst s0  }
0x18: {  	s0 =	sld [smem:$0x3F9A];
	_ =	swait.ge [sflag:s4], $0x0  }
0x19: {  	s7 =	sld [smem:$0x3F9B]  }
0x1a: {  	s8 =	sadd.s32 $0xFFFFE003, lr  }
0x1b: {  	s9 =	sadd.s32 $0xFFFFFEF7, lr;
	s5 =	simm.s32 $0xFFFFFFFF;
	p2 =	slt.u32 s8, $0xFFFFF086  }
0x1c: {  	p1 =	slt.u32 s9, $0xF7A;
	s5 =	simm.s32 @!p2 $0x0  }
0x1d: {  	s5 =	simm.s32 @p1 $0x1;
	p0 =	seq.s32 s7, s2  }
0x1e: {  	s7 =	smul.u32 @!p0 $0xF7A, s2;
	p2 =	seq.s32 @!p0 s5, $0x0  }
0x1f: {  	s9 =	smul.u32 $0xF7A, s1;
	s8 =	simm.s32 @!p0 $0x1BF5;
	p2 =	por !p2, p0  }
0x20: {  	[sflag:s8] =	ssyncset.s32 @!p0 $0xFFFFF086;
	s6 =	sadd.s32 @!p0 s3, s7;
	s7 =	simm.s32 @!p0 $0x108  }
0x21: {  	s3 =	sadd.s32 s3, s9;
	s6 =	sadd.s32 @!p0 $0x88, s6;
	s7 =	simm.s32 @p2 $0x1082  }
0x22: {  	[simem:s7], [sflag:s8] =	dma.local @!p0 [hbm:s6], $0xF7A  }
0x23: {  	s9 =	sor.u32 $0xD0000000, s2;
	s6 =	simm.s32 $0x108;
	_ =	swait.ge @!p0 [sflag:s8], $0x0  }
0x24: {  	s3 =	sadd.s32 $0x88, s3;
	s6 =	simm.s32 @!p1 $0x1082;
	[sflag:s4] =	ssyncset.s32 $0xFFFFF086  }
0x25: {  	[simem:s6], [sflag:s4] =	dma.local [hbm:s3], $0xF7A  }
0x26: {  	[smem:$0x3F9B] =	sst s1;
	(tag) =	ssettag s2;
	_ =	strace s9  }
0x27: {  	s1 =	sld [smem:$0x3FAB]  }
0x28: {  	s2 =	sld [smem:$0x3FAC]  }
0x29: {  	s4 =	sld [smem:$0x3FAE]  }
0x2a: {  	p0 =	seq.s32 s5, $0x0;
	s5 =	sld [smem:$0x3FAF]  }
0x2b: {  	s6 =	sld [smem:$0x3FB0]  }
0x2c: {  	s7 =	sld [smem:$0x3FB1]  }
0x2d: {  	s3 =	simm.s32 $0x108;
	s8 =	sld [smem:$0x3FB2]  }
0x2e: {  	s3 =	simm.s32 @!p0 $0x1082;
	s9 =	sld [smem:$0x3FB3]  }
0x2f: {  	lr =	sadd.s32 s0, s3;
	s0 =	sld [smem:$0x3FAA]  }
0x30: {  	s3 =	sld [smem:$0x3FAD]  }
0x31: {  	[smem:$0x3FB6] =	sst s10  }
0x32: {  	s10 =	sld [smem:$0x3FB4];
	_ =	sdelay $0x3  }
0x33: {  	p0 =	seq.s32 s10, $0x1;
	s10 =	sld [smem:$0x3FB6];
	_ =	sdelay $0x3  }
0x34: {  	[smem:$0x3FB6] =	sst s10  }
0x35: {  	s10 =	sld [smem:$0x3FB5];
	_ =	sdelay $0x3  }
0x36: {  	p1 =	seq.s32 s10, $0x1;
	s10 =	sld [smem:$0x3FB6];
	_ =	sdelay $0x3  }
0x37: {  	[smem:$0x3FB6] =	sst s10  }
0x38: {  	s10 =	sld [smem:$0x3FB7]  }
0x39: {  	_ = 	snop;
	(pc) =	sbr.ind lr, $3  }
0x3a: {  	_ = 	snop  }
0x3b: {  	_ = 	snop  }
0x3c: {  	p2 =	seq.s32 s10, $0x1;
	s10 =	sld [smem:$0x3FB6]  }
0x3d: {  	_ =	shalt  }
0x3e: {  	_ =	shalt  }
0x3f: {  	_ =	shalt  }
0x40: {  	_ =	shalt  }
0x41: {  	_ =	shalt  }
0x42: {  	_ =	shalt  }
0x43: {  	_ =	shalt  }
0x44: {  	_ =	shalt  }
0x45: {  	_ =	shalt  }
0x46: {  	_ =	shalt  }
0x47: {  	_ =	shalt  }
0x48: {  	_ =	shalt  }
0x49: {  	_ =	shalt  }
0x4a: {  	_ =	shalt  }
0x4b: {  	_ =	shalt  }
0x4c: {  	_ =	shalt  }
0x4d: {  	_ =	shalt  }
0x4e: {  	_ =	shalt  }
0x4f: {  	_ =	shalt  }
0x50: {  	_ =	shalt  }
0x51: {  	_ =	shalt  }
0x52: {  	_ =	shalt  }
0x53: {  	_ =	shalt  }
0x54: {  	_ =	shalt  }
0x55: {  	_ =	shalt  }
0x56: {  	_ =	shalt  }
0x57: {  	_ =	shalt  }
0x58: {  	_ =	shalt  }
0x59: {  	_ =	shalt  }
0x5a: {  	_ =	shalt  }
0x5b: {  	_ =	shalt  }
0x5c: {  	_ =	shalt  }
0x5d: {  	_ =	shalt  }
0x5e: {  	_ =	shalt  }
0x5f: {  	_ =	shalt  }
0x60: {  	_ =	shalt  }
0x61: {  	_ =	shalt  }
0x62: {  	_ =	shalt  }
0x63: {  	_ =	shalt  }
0x64: {  	_ =	shalt  }
0x65: {  	_ =	shalt  }
0x66: {  	_ =	shalt  }
0x67: {  	_ =	shalt  }
0x68: {  	_ =	shalt  }
0x69: {  	_ =	shalt  }
0x6a: {  	_ =	shalt  }
0x6b: {  	_ =	shalt  }
0x6c: {  	_ =	shalt  }
0x6d: {  	_ =	shalt  }
0x6e: {  	_ =	shalt  }
0x6f: {  	_ =	shalt  }
0x70: {  	_ =	shalt  }
0x71: {  	_ =	shalt  }
0x72: {  	_ =	shalt  }
0x73: {  	_ =	shalt  }
0x74: {  	_ =	shalt  }
0x75: {  	_ =	shalt  }
0x76: {  	_ =	shalt  }
0x77: {  	_ =	shalt  }
0x78: {  	_ =	shalt  }
0x79: {  	_ =	shalt  }
0x7a: {  	_ =	shalt  }
0x7b: {  	_ =	shalt  }
0x7c: {  	_ =	shalt  }
0x7d: {  	_ =	shalt  }
0x7e: {  	_ =	shalt  }
0x7f: {  	_ =	shalt  }
0x80: {  	_ =	shalt  }
0x81: {  	_ =	shalt  }
0x82: {  	_ =	shalt  }
0x83: {  	_ =	shalt  }
0x84: {  	_ =	shalt  }
0x85: {  	_ =	shalt  }
0x86: {  	_ =	shalt  }
0x87: {  	_ =	shalt  }
.Lfunc_end0:
.L_simem_size_0:
called_computation_lowered:
.L_overlay_start_0:
0x88: {  	s2 =	sld [smem:$0x3FD9]  }
0x89: {  	s3 =	sld [smem:$0x3FFE];
	_ =	sdelay $0x1  }
0x8a: {  	s1 =	srdreg.scid  }
0x8b: {  	s0 =	sand.u32 $0x1, s1  }
0x8c: {  	s17 =	sshll.u32 s0, $0xA;
	s2 =	sadd.s32 s3, s2  }
0x8d: {  	s2 =	sadd.s32 s2, s17  }
0x8e: {  	[smem:$0x3FC2] =	sst s2  }
0x8f: {  	_ = 	snop  }
0x90: {  	s2 =	sld [smem:$0x3FD0];
	(tm) =	ssettm $0x1  }
0x91: {  	s18 =	sld [smem:$0x3FFB];
	_ =	sdelay $0x3  }
0x92: {  	_ =	strace s18  }
0x93: {  	s3 =	sld [smem:$0x3FFC];
	_ =	sdelay $0x3  }
0x94: {  	_ =	strace s3  }
0x95: {  	s3 =	sld [smem:$0x3FFD];
	_ =	sdelay $0x3  }
0x96: {  	_ =	strace s3  }
0x97: {  	_ =	strace $0x8FFFFFFF  }
0x98: {  	s19 =	sld [smem:$0x3FDB];
	_ =	sdelay $0x1  }
0x99: {  	s4 =	simm.s32 $_scs_section_size  }
0x9a: {  	s5 =	simm.s32 $_size__tile_overlayer_lowered;
	s6 =	simm.s32 $_tile_overlayer_lowered  }
0x9b: {  	s22 =	simm.s32 $0x1BFF;
	s21 =	sshll.u32 s6, $0x1;
	s3 =	sadd.s32 s4, s19  }
0x9c: {  	s7 =	simm.s32 $0x0;
	s20 =	sshll.u32 s5, $0x1;
	s5 =	sadd.s32 s21, s3  }
0x9d: {  	[timem:s7], [sflag:s22] =	dma.local [hbm:s5], s20  }
0x9e: {  	_ =	swait.ge [sflag:s22], s20  }
0x9f: {  	s4 =	ssub.s32 $0x0, s20;
	[sflag:s22] =	ssyncset.done $0x0  }
0xa0: {  	[sflag:s22] =	ssyncadd.s32 s4;
	_ =	sdelay $0x1  }
0xa1: {  	s23 =	simm.s32 $0x1B8B  }
0xa2: {  	_ =	swait.ge [sflag:s23], $0x1  }
0xa3: {  	[sflag:s23] =	ssyncset.done $0x0  }
0xa4: {  	s25 =	simm.s32 $0x1B8E;
	s24 =	sld [smem:$0x3FFE];
	[sflag:s23] =	ssyncadd.s32 $0xFFFFFFFF  }
0xa5: {  	s26 =	simm.s32 $execute0_lowered;
	[smem:$0x3FD2] =	sst s25  }
0xa6: {  	s5 =	sshll.u32 s26, $0x1;
	_ =	strace $0x80000046;
	[dreg:$0x1] =	wrdreg $0xFFFFFFFF  }
0xa7: {  	s28 =	simm.s32 $_size_execute0_lowered;
	s3 =	sadd.s32 s3, s5;
	[dreg:$0x0] =	wrdreg $0x0  }
0xa8: {  	s5 =	sshll.u32 s28, $0x1;
	[dreg:$0x2] =	wrdreg s3  }
0xa9: {  	[dreg:$0x3] =	wrdreg s5  }
0xaa: {  	[dreg:$0x4] =	wrdreg $0xC0  }
0xab: {  	_ =	task [dreg:s7], $0x5FFFF  }
0xac: {  	[dreg:$0x1] =	wrdreg $0xFFFFFFFF  }
0xad: {  	[dreg:$0x0] =	wrdreg $0x60  }
0xae: {  	[dreg:$0x2] =	wrdreg s2  }
0xaf: {  	[dreg:$0x3] =	wrdreg s24  }
0xb0: {  	[dreg:$0x4] =	wrdreg $0x2B000  }
0xb1: {  	[dreg:$0x5] =	wrdreg $0x9  }
0xb2: {  	_ =	task.clear_ibuf [dreg:s7], $0x6FFFF;
	_ =	strace $0x90000046  }
0xb3: {  	s29 =	simm.s32 $0x9;
	_ =	strace $0x80000048  }
0xb4: {  	_ =	swait.ge [sflag:s29], $0x1  }
0xb5: {  	[sflag:s29] =	ssyncadd.s32 $0xFFFFFFFF  }
0xb6: {  	_ =	strace $0x90000048  }
0xb7: {  	_ =	sfence  }
0xb8: {  	s30 =	sld [smem:$0x0];
	_ =	sdelay $0x2  }
0xb9: {  	s31 =	sshll.u32 s1, $0xD;
	s1 =	sshrl.u32 s1, $0x2  }
0xba: {  	s3 =	sand.u32 $0x4000, s31;
	s1 =	sadd.s32 s1, s30  }
0xbb: {  	s0 =	sor.u32 s3, s0;
	s1 =	sshll.u32 s1, $0x11  }
0xbc: {  	s0 =	sor.u32 s1, s0  }
0xbd: {  	s0 =	sadd.s32 $0x8F2B, s0  }
0xbe: {  	[sflag:s0] =	ssyncadd.remote.s32 $0x1  }
0xbf: {  	_ =	sfence.sel $0xFFFF  }
0xc0: {  	[dreg:$0x0] =	wrdreg $0xFFFFFFFF;
	(pc) =	sbr.abs _section_cstart, $3  }
0xc1: {  	[dreg:$0x1] =	wrdreg $0xFFFFFFFF  }
0xc2: {  	_ =	task.clear_ibuf [dreg:s7], $0x2FFFF;
	_ =	strace $0x9FFFFFFF  }
0xc3: {  	(tm) =	ssettm $0x7FFFFFFF  }
tec
execute0_lowered:
.L_overlay_start_1:
0x0: {  	(tag) =	ssettag $0x1  }
0x1: {  	s4 =	rddreg [dreg:$0x0]  }
0x2: {  	s5 =	rddreg [dreg:$0x1]  }
0x3: {  	s2 =	rddreg [dreg:$0x2]  }
0x4: {  	s0 =	rddreg [dreg:$0x3]  }
0x5: {  	s3 =	simm.s32 $0x0;
	s6 =	srdreg.scid;
	s1 =	stileid.u32  }
0x6: {  	s11 =	simm.s32 $0x2800;
	s14 =	simm.s32 $0x20;
	s15 =	simm.s32 $0x10  }
0x7: {  	s16 =	simm.s32 $0x0;
	[smem:$0x7FF] =	sst s3;
	s7 =	smul.u32 $0x500, s1  }
0x8: {  	s6 =	sand.u32 $0x1, s6;
	s30 =	smul.u32 $0xA00, s1;
	s12 =	sshll.u32 s1, $0x6  }
0x9: {  	_ =	strace $0x80000047;
	s8 =	sshll.u32 s6, $0x7;
	s9 =	sshll.u32 s6, $0x4  }
0xa: {  	s6 =	ssub.s32 $0x2, s6;
	s12 =	sor.u32 $0x1C01, s12;
	s7 =	sor.u32 s8, s7  }
0xb: {  	s29 =	sor.u32 s1, s9;
	s31 =	sshrl.u32 s6, $0x1;
	s9 =	sshrl.u32 s30, $0x2  }
0xc: {  	s7 =	sshrl.u32 s7, $0x3;
	s8 =	smul.u32 $0x500, s29;
	s10 =	ssub.s32 s6, s31  }
0xd: {  	s7 =	sadd.s32 s7, s5;
	s5 =	sadd.s32 s9, s2;
	s9 =	simm.s32 $0x2880  }
0xe: {  	s4 =	sadd.s32 s4, s8;
	s6 =	sadd.s32 $0x2E00, s7;
	s7 =	smax.u32 s10, $0x1  }
0xf: {  	v0 =	vimm.f32 $1.000000000e+00;
	v1 =	vimm.f32 $0.0e+00;
	s8 =	simm.s32 $0x1;
	s10 =	simm.s32 $0x80;
	s13 =	sshrl.u32 s5, $0x3  }
.LBB2_1:
0x10: {  	[tilespmem:s3], [sflag:$0x1] =	stream.linear.gather [hbm4b:s4+s3], $0x2800, $0x38;
	[tilespmem:$0x2D80] =	vst v63  }
0x11: {  	_ =	swait.ge [sflag:s8], $0x2800  }
0x12: {  	[sflag:s8] =	ssyncset.done $0x0  }
0x13: {  	[sflag:s8] =	ssyncadd.s32 $0xFFFFD800  }
0x14: {  	[tilespmem:$0x2800] =	vst v0  }
0x15: {  	[tilespmem:$0x2810] =	vst v0  }
0x16: {  	[tilespmem:$0x2820] =	vst v0  }
0x17: {  	[tilespmem:$0x2830] =	vst v0  }
0x18: {  	[tilespmem:$0x2840] =	vst v0  }
0x19: {  	[tilespmem:$0x2850] =	vst v0  }
0x1a: {  	[tilespmem:$0x2860] =	vst v0  }
0x1b: {  	[tilespmem:$0x2870] =	vst v0  }
0x1c: {  	[tilespmem:$0x2880] =	vst v1  }
0x1d: {  	[tilespmem:$0x2890] =	vst v1  }
0x1e: {  	[tilespmem:$0x28A0] =	vst v1  }
0x1f: {  	[tilespmem:$0x28B0] =	vst v1  }
0x20: {  	[tilespmem:$0x28C0] =	vst v1  }
0x21: {  	[tilespmem:$0x28D0] =	vst v1  }
0x22: {  	[tilespmem:$0x28E0] =	vst v1  }
0x23: {  	[tilespmem:$0x28F0] =	vst v1  }
0x24: {  	[tilespmem:$0x2900] =	vst v1  }
0x25: {  	[tilespmem:$0x2910] =	vst v1  }
0x26: {  	[tilespmem:$0x2920] =	vst v1  }
0x27: {  	[tilespmem:$0x2930] =	vst v1  }
0x28: {  	[tilespmem:$0x2940] =	vst v1  }
0x29: {  	[tilespmem:$0x2950] =	vst v1  }
0x2a: {  	[tilespmem:$0x2960] =	vst v1  }
0x2b: {  	[tilespmem:$0x2970] =	vst v1  }
0x2c: {  	[tilespmem:$0x2980] =	vst v1  }
0x2d: {  	[tilespmem:$0x2990] =	vst v1  }
0x2e: {  	[tilespmem:$0x29A0] =	vst v1  }
0x2f: {  	[tilespmem:$0x29B0] =	vst v1  }
0x30: {  	[tilespmem:$0x29C0] =	vst v1  }
0x31: {  	[tilespmem:$0x29D0] =	vst v1  }
0x32: {  	[tilespmem:$0x29E0] =	vst v1  }
0x33: {  	[tilespmem:$0x29F0] =	vst v1  }
0x34: {  	[tilespmem:$0x2A00] =	vst v1  }
0x35: {  	[tilespmem:$0x2A10] =	vst v1  }
0x36: {  	[tilespmem:$0x2A20] =	vst v1  }
0x37: {  	[tilespmem:$0x2A30] =	vst v1  }
0x38: {  	[tilespmem:$0x2A40] =	vst v1  }
0x39: {  	[tilespmem:$0x2A50] =	vst v1  }
0x3a: {  	[tilespmem:$0x2A60] =	vst v1  }
0x3b: {  	[tilespmem:$0x2A70] =	vst v1  }
0x3c: {  	[tilespmem:$0x2A80] =	vst v1  }
0x3d: {  	[tilespmem:$0x2A90] =	vst v1  }
0x3e: {  	[tilespmem:$0x2AA0] =	vst v1  }
0x3f: {  	[tilespmem:$0x2AB0] =	vst v1  }
0x40: {  	[tilespmem:$0x2AC0] =	vst v1  }
0x41: {  	[tilespmem:$0x2AD0] =	vst v1  }
0x42: {  	[tilespmem:$0x2AE0] =	vst v1  }
0x43: {  	[tilespmem:$0x2AF0] =	vst v1  }
0x44: {  	[spmem:s5] =	stream.linear.scatter [tilespmem:s9], [sflag:$0x1], $0x280, $0x38;
	[tilespmem:$0x2D80] =	vst v63  }
0x45: {  	_ =	swait.ge [sflag:s8], $0x280  }
0x46: {  	[sflag:s8] =	ssyncset.done $0x0  }
0x47: {  	[sflag:s8] =	ssyncadd.s32 $0xFFFFFD80  }
0x48: {  	s17 =	simm.s32 $0x0;
	[bflag:$0x0] =	sbarrier.arrive $0xFFFF  }
0x49: {  	[spmem:s2] =	stream.indirect.scatter.add.f32 [tilespmem:s11], [sflag:$0x1], $0x1, s17, s10, $0xb8;
	[tilespmem:$0x2D80] =	vst v63  }
0x4a: {  	_ =	swait.ge [sflag:s8], $0x80  }
0x4b: {  	s17 =	simm.s32 $0x200;
	[sflag:s8] =	ssyncset.done $0x0  }
.LBB2_2:
0x4c: {  	s18 =	sshra.s32 s17, $0x2;
	[sflag:s8] =	ssyncadd.s32 $0xFFFFFF80;
	p0 =	sne.s32 s17, $0x9E00  }
0x4d: {  	[spmem:s2] =	stream.indirect.scatter.add.f32 [tilespmem:s11], [sflag:$0x1], $0x1, s18, s10, $0xb8;
	[tilespmem:$0x2D80] =	vst v63  }
.Ltmp0:
0x4e: {  	_ = 	snop;
	(pc) =	sbr.rel @p0 .LBB2_2-.Ltmp0, $4  }
0x4f: {  	_ = 	snop  }
0x50: {  	s17 =	sadd.s32 $0x200, s17  }
0x51: {  	_ =	swait.ge [sflag:s8], $0x80  }
0x52: {  	[sflag:s8] =	ssyncset.done $0x0  }
0x53: {  	s16 =	sadd.s32 $0x1, s16  }
0x54: {  	[sflag:s8] =	ssyncadd.s32 $0xFFFFFF80;
	p0 =	sne.s32 s16, s7  }
.Ltmp1:
0x55: {  	[bflag:$0x0] =	sbarrier.arrive $0xFFFF;
	(pc) =	sbr.rel @p0 .LBB2_1-.Ltmp1, $4  }
0x56: {  	[hbm:s6@s14], [sflag:s12] =	dma.strided [spmem:s13@s15], $0x50, s8, $0x10   }
0x57: {  	_ =	swait.ge [sflag:s8], $0x50  }
0x58: {  	[sflag:s8] =	ssyncset.done $0x0  }
0x59: {  	[sflag:s8] =	ssyncadd.s32 $0xFFFFFFB0  }
0x5a: {  	_ =	sfence.sel $0x180000  }
0x5b: {  	[bflag:$0x0] =	sbarrier.arrive $0xFFFF  }
0x5c: {  	p0 =	sne.s32 s1, $0x0;
	_ =	strace $0x90000047  }
0x5d: {  	s0 =	sadd.s32 @!p0 $0x100000, s0;
	[bflag:$0x2] =	sbarrier.arrive $0xFFFF  }
0x5e: {  	[sflag:s0] =	ssyncadd.tile.s32 @!p0 $0x1;
	_ =	shalt  }
.Lfunc_end2:
_tile_overlayer_lowered:
.L_overlay_start_2:
0x5f: {  	(tag) =	ssettag $0x2  }
0x60: {  	s0 =	rddreg [dreg:$0x0];
	s2 =	stileid.u32  }
0x61: {  	s1 =	rddreg [dreg:$0x1];
	p0 =	sne.s32 s2, $0x0  }
0x62: {  	s3 =	rddreg [dreg:$0x2];
	[bflag:$0x3] =	sbarrier.arrive $0xFFFF;
	s2 =	simm.s32 @!p0 $0x1C01  }
0x63: {  	[timem:s3], [sflag:s2] =	dma.local @!p0 [hbm:s0], s1  }
0x64: {  	s0 =	simm.s32 @!p0 $0x1  }
0x65: {  	_ =	swait.ge @!p0 [sflag:s0], s1  }
0x66: {  	s1 =	ssub.s32 @!p0 $0x0, s1;
	[sflag:s0] =	ssyncset.done @!p0 $0x0  }
0x67: {  	[sflag:s0] =	ssyncadd.s32 @!p0 s1  }
0x68: {  	[bflag:$0x3] =	sbarrier.arrive $0xFFFF  }
0x69: {  	_ =	shalt  }

</sc_bundles>
